<compile_context>
chip_gen: v7x
topology: tpu7x:2x2x1
jax: 0.10.2.dev20260603
libtpu: 0.0.44.dev20260713+nightly
codegen_flags: <defaults>
</compile_context>

<pallas_src>
import functools
import math

import jax
import jax.numpy as jnp
from jax import lax
from jax.experimental import pallas as pl
from jax.experimental.pallas import tpu as pltpu
from jax.experimental.pallas import tpu_sc as plsc

B, S, D, V = 4096, 200, 64, 1000000
SCALE = math.sqrt(float(D))

NC, NS, L = 2, 16, 16
NW = NC * NS
ROWS_W = (B * S) // NW
CHUNK = 128
HALF = CHUNK // 2
NCH = ROWS_W // CHUNK
NBUF = 4
PE_EXT = S + CHUNK


def _sc_embed(x3, table, pos_enc):
    mesh = plsc.VectorSubcoreMesh(core_axis_name="c", subcore_axis_name="s")

    @functools.partial(
        pl.kernel,
        mesh=mesh,
        out_type=jax.ShapeDtypeStruct((B * S // 2, 2 * D), jnp.float32),
        compiler_params=pltpu.CompilerParams(use_tc_tiling_on_sc=False),
        scratch_types=[
            pltpu.VMEM((NBUF, 1, CHUNK), jnp.int32),
            pltpu.VMEM((NBUF, CHUNK, D), jnp.float32),
            pltpu.VMEM((PE_EXT, D), jnp.float32),
            pltpu.SemaphoreType.DMA,
            pltpu.SemaphoreType.DMA,
            pltpu.SemaphoreType.DMA,
        ],
    )
    def k(x_hbm, table_hbm, pe_hbm, out_hbm, idx_v, rows_v, pe_v, isem, gsem, wsem):
        wid = lax.axis_index("s") * NC + lax.axis_index("c")
        base = wid * ROWS_W

        pltpu.sync_copy(pe_hbm, pe_v.at[pl.ds(0, S)])
        pltpu.sync_copy(pe_hbm.at[pl.ds(0, CHUNK)], pe_v.at[pl.ds(S, CHUNK)])

        def idx_load(b, t):
            return pltpu.make_async_copy(
                x_hbm.at[wid, pl.ds(t, 1)], idx_v.at[b], isem)

        def gather(b, t):
            return pltpu.make_async_copy(
                table_hbm.at[idx_v.at[b, 0]], rows_v.at[b], gsem)

        def writes(b, t):
            p0 = base // 2 + t * HALF
            return (
                pltpu.make_async_copy(
                    rows_v.at[b, pl.ds(0, HALF)],
                    out_hbm.at[pl.ds(p0, HALF), pl.ds(0, D)], wsem),
                pltpu.make_async_copy(
                    rows_v.at[b, pl.ds(HALF, HALF)],
                    out_hbm.at[pl.ds(p0, HALF), pl.ds(D, D)], wsem),
            )

        for b in range(NBUF):
            idx_load(b, b).start()
        for b in range(NBUF):
            idx_load(b, b).wait()
            gather(b, b).start()

        def outer(jj, carry):
            for b in range(NBUF):
                t = jj * NBUF + b
                gather(b, t).wait()

                @pl.when(t + NBUF < NCH)
                def _():
                    idx_load(b, t + NBUF).start()

                bp = (b - 1) % NBUF

                @pl.when((t > 0) & (t + NBUF - 1 < NCH))
                def _():
                    for w in writes(bp, t - 1):
                        w.wait()
                    idx_load(bp, t + NBUF - 1).wait()
                    gather(bp, t + NBUF - 1).start()

                s0 = lax.rem(t * CHUNK, S)

                @plsc.parallel_loop(0, HALF, unroll=4)
                def row_even(r):
                    pr = s0 + 2 * r
                    for c in range(D // L):
                        sl = pl.ds(c * L, L)
                        rows_v[b, r, sl] = rows_v[b, r, sl] * SCALE + pe_v[pr, sl]

                @plsc.parallel_loop(HALF, CHUNK, unroll=4)
                def row_odd(r):
                    pr = s0 + 2 * (r - HALF) + 1
                    for c in range(D // L):
                        sl = pl.ds(c * L, L)
                        rows_v[b, r, sl] = rows_v[b, r, sl] * SCALE + pe_v[pr, sl]

                for w in writes(b, t):
                    w.start()
            return carry

        lax.fori_loop(0, NCH // NBUF, outer, 0)

        for b in range(NBUF):
            for w in writes(b, NCH - NBUF + b):
                w.wait()

    return k(x3, table, pos_enc)


def kernel(x, table, pos_enc):
    x3 = x.astype(jnp.int32).reshape(NW, NCH, CHUNK)
    x_de = jnp.concatenate([x3[..., 0::2], x3[..., 1::2]], axis=-1)
    out2 = _sc_embed(x_de, table, pos_enc)
    return out2.reshape(B, S, D)

# --- scband reference (transcript-rebuilt; emitter-appended) ---
"""Pipeline reference for scband-positions-encoding-6468220747855 (READ-ONLY COPY).

The authoritative reference and input builder live on the scoring server;
editing this copy changes nothing except your own understanding.
"""

import jax, jax.numpy as jnp
import numpy as np

VOCAB = 1000000
EMBED_DIM = 64
LENGHT = 200
BATCH = 4096
SEQ = 200


def _make_pos_enc(length, d):
    pos = np.arange(length, dtype=np.float32)[:, None]
    i = np.arange(0, d, 2, dtype=np.float32)[None, :]
    div = np.exp(-np.log(10000.0) * i / d)
    pe = np.zeros((length, d), dtype=np.float32)
    pe[:, 0::2] = np.sin(pos * div)
    pe[:, 1::2] = np.cos(pos * div)
    return jnp.asarray(pe)


def setup_inputs(seed: int = 0) -> dict:
    key = jax.random.key(seed)
    k1, k2 = jax.random.split(key)
    x = jax.random.randint(k1, (BATCH, SEQ), 0, VOCAB, dtype=jnp.int64 if jax.config.read('jax_enable_x64') else jnp.int32)
    table = jax.random.normal(k2, (VOCAB, EMBED_DIM), dtype=jnp.float32)
    pos_enc = _make_pos_enc(LENGHT, EMBED_DIM)
    return {"x": x, "table": table, "pos_enc": pos_enc}


def reference(x, table, pos_enc):
    # emb = embedding(x) * sqrt(embedding_dim)
    emb = jnp.take(table, x, axis=0) * jnp.sqrt(jnp.float32(EMBED_DIM))
    # add positional encoding for the first seq_len positions
    seq_len = x.shape[1]
    out = emb + pos_enc[:seq_len][None, :, :]
    # dropout is identity in eval mode
    return out

if __name__ == "__main__":
    import jax
    _d = setup_inputs()
    print(jax.jit(kernel)(*tuple(_d.values())))

</pallas_src>

<mosaic_0001>
#map = affine_map<(d0, d1) -> (0, 0, 0)>
#map1 = affine_map<(d0, d1) -> (0, 0)>
module attributes {stable_mosaic.version = 14 : i64} {
  func.func @k(%arg0: i32, %arg1: i32, %arg2: memref<32x200x128xi32, #tpu.memory_space<hbm>>, %arg3: memref<1000000x64xf32, #tpu.memory_space<hbm>>, %arg4: memref<200x64xf32, #tpu.memory_space<hbm>>, %arg5: memref<409600x128xf32, #tpu.memory_space<hbm>>, %arg6: memref<4x1x128xi32, #tpu.memory_space<vmem>>, %arg7: memref<4x128x64xf32, #tpu.memory_space<vmem>>, %arg8: memref<328x64xf32, #tpu.memory_space<vmem>>, %arg9: memref<!tpu.dma_semaphore, #tpu.memory_space<semaphore_mem>>, %arg10: memref<!tpu.dma_semaphore, #tpu.memory_space<semaphore_mem>>, %arg11: memref<!tpu.dma_semaphore, #tpu.memory_space<semaphore_mem>>) attributes {dimension_semantics = [#tpu.dimension_semantics<core_parallel>, #tpu.dimension_semantics<subcore_parallel>], iteration_bounds = array<i64: 2, 16>, scalar_prefetch = 0 : i64, scratch_operands = 6 : i64, tpu.core_type = #tpu.core_type<sc_vector_subcore>, window_params = [{transform_indices = #map}, {transform_indices = #map1}, {transform_indices = #map1}, {transform_indices = #map1}]} {
    %mul3A = arith.constant 2 : i32
    %mul3A_0 = arith.muli %arg1, %mul3A : i32
    %add3A = arith.addi %mul3A_0, %arg0 : i32
    %mul3A_1 = arith.constant 25600 : i32
    %mul3A_2 = arith.muli %add3A, %mul3A_1 : i32
    "tpu.region"() ({
      %run_scoped3A = tpu.sem_alloc : memref<!tpu.dma_semaphore, #tpu.memory_space<semaphore_mem>>
      %dma_start3A_394 = arith.constant 0 : i32
      %dma_start3A_395 = arith.constant 0 : i32
      %dma_start3A_396 = tpu.memref_slice %arg8[%dma_start3A_394, %dma_start3A_395] : memref<328x64xf32, #tpu.memory_space<vmem>> -> memref<200x64xf32, #tpu.memory_space<vmem>>
      %dma_start3A_397 = arith.constant 0 : i32
      %dma_start3A_398 = arith.constant 0 : i32
      %dma_start3A_399 = tpu.memref_slice %arg8[%dma_start3A_397, %dma_start3A_398] : memref<328x64xf32, #tpu.memory_space<vmem>> -> memref<200x64xf32, #tpu.memory_space<vmem>>
      tpu.enqueue_dma source(%arg4 : memref<200x64xf32, #tpu.memory_space<hbm>>) target(%dma_start3A_399 : memref<200x64xf32, #tpu.memory_space<vmem>>) target_semaphore(%run_scoped3A : memref<!tpu.dma_semaphore, #tpu.memory_space<semaphore_mem>>)
      %dma_wait3A_400 = arith.constant 0 : i32
      %dma_wait3A_401 = arith.constant 0 : i32
      %dma_wait3A_402 = tpu.memref_slice %arg8[%dma_wait3A_400, %dma_wait3A_401] : memref<328x64xf32, #tpu.memory_space<vmem>> -> memref<200x64xf32, #tpu.memory_space<vmem>>
      %dma_wait3A_403 = arith.constant 0 : i32
      %dma_wait3A_404 = arith.constant 0 : i32
      %dma_wait3A_405 = tpu.memref_slice %arg8[%dma_wait3A_403, %dma_wait3A_404] : memref<328x64xf32, #tpu.memory_space<vmem>> -> memref<200x64xf32, #tpu.memory_space<vmem>>
      tpu.wait_dma2 semaphore(%run_scoped3A : memref<!tpu.dma_semaphore, #tpu.memory_space<semaphore_mem>>) src(%arg4 : memref<200x64xf32, #tpu.memory_space<hbm>>) dst(%dma_wait3A_405 : memref<200x64xf32, #tpu.memory_space<vmem>>)
      tpu.yield
    }) : () -> ()
    "tpu.region"() ({
      %run_scoped3A = tpu.sem_alloc : memref<!tpu.dma_semaphore, #tpu.memory_space<semaphore_mem>>
      %dma_start3A_394 = arith.constant 200 : i32
      %dma_start3A_395 = arith.constant 0 : i32
      %dma_start3A_396 = tpu.memref_slice %arg8[%dma_start3A_394, %dma_start3A_395] : memref<328x64xf32, #tpu.memory_space<vmem>> -> memref<128x64xf32, #tpu.memory_space<vmem>>
      %dma_start3A_397 = arith.constant 0 : i32
      %dma_start3A_398 = arith.constant 0 : i32
      %dma_start3A_399 = tpu.memref_slice %arg4[%dma_start3A_397, %dma_start3A_398] : memref<200x64xf32, #tpu.memory_space<hbm>> -> memref<128x64xf32, #tpu.memory_space<hbm>>
      %dma_start3A_400 = arith.constant 200 : i32
      %dma_start3A_401 = arith.constant 0 : i32
      %dma_start3A_402 = tpu.memref_slice %arg8[%dma_start3A_400, %dma_start3A_401] : memref<328x64xf32, #tpu.memory_space<vmem>> -> memref<128x64xf32, #tpu.memory_space<vmem>>
      %dma_start3A_403 = arith.constant 0 : i32
      %dma_start3A_404 = arith.constant 0 : i32
      %dma_start3A_405 = tpu.memref_slice %arg4[%dma_start3A_403, %dma_start3A_404] : memref<200x64xf32, #tpu.memory_space<hbm>> -> memref<128x64xf32, #tpu.memory_space<hbm>>
      tpu.enqueue_dma source(%dma_start3A_405 : memref<128x64xf32, #tpu.memory_space<hbm>>) target(%dma_start3A_402 : memref<128x64xf32, #tpu.memory_space<vmem>>) target_semaphore(%run_scoped3A : memref<!tpu.dma_semaphore, #tpu.memory_space<semaphore_mem>>)
      %dma_wait3A_406 = arith.constant 200 : i32
      %dma_wait3A_407 = arith.constant 0 : i32
      %dma_wait3A_408 = tpu.memref_slice %arg8[%dma_wait3A_406, %dma_wait3A_407] : memref<328x64xf32, #tpu.memory_space<vmem>> -> memref<128x64xf32, #tpu.memory_space<vmem>>
      %dma_wait3A_409 = arith.constant 0 : i32
      %dma_wait3A_410 = arith.constant 0 : i32
      %dma_wait3A_411 = tpu.memref_slice %arg4[%dma_wait3A_409, %dma_wait3A_410] : memref<200x64xf32, #tpu.memory_space<hbm>> -> memref<128x64xf32, #tpu.memory_space<hbm>>
      %dma_wait3A_412 = arith.constant 200 : i32
      %dma_wait3A_413 = arith.constant 0 : i32
      %dma_wait3A_414 = tpu.memref_slice %arg8[%dma_wait3A_412, %dma_wait3A_413] : memref<328x64xf32, #tpu.memory_space<vmem>> -> memref<128x64xf32, #tpu.memory_space<vmem>>
      %dma_wait3A_415 = arith.constant 0 : i32
      %dma_wait3A_416 = arith.constant 0 : i32
      %dma_wait3A_417 = tpu.memref_slice %arg4[%dma_wait3A_415, %dma_wait3A_416] : memref<200x64xf32, #tpu.memory_space<hbm>> -> memref<128x64xf32, #tpu.memory_space<hbm>>
      tpu.wait_dma2 semaphore(%run_scoped3A : memref<!tpu.dma_semaphore, #tpu.memory_space<semaphore_mem>>) src(%dma_wait3A_417 : memref<128x64xf32, #tpu.memory_space<hbm>>) dst(%dma_wait3A_414 : memref<128x64xf32, #tpu.memory_space<vmem>>)
      tpu.yield
    }) : () -> ()
    %dma_start3A = arith.constant 0 : i32
    %dma_start3A_3 = arith.constant 0 : i32
    %dma_start3A_4 = arith.constant 0 : i32
    %dma_start3A_5 = tpu.memref_slice %arg6[%dma_start3A, %dma_start3A_3, %dma_start3A_4] : memref<4x1x128xi32, #tpu.memory_space<vmem>> -> memref<1x1x128xi32, #tpu.memory_space<vmem>>
    %dma_start3A_6 = tpu.memref_squeeze %dma_start3A_5 : memref<1x1x128xi32, #tpu.memory_space<vmem>> -> memref<1x128xi32, #tpu.memory_space<vmem>>
    %dma_start3A_7 = arith.constant 0 : i32
    %dma_start3A_8 = arith.constant 0 : i32
    %dma_start3A_9 = tpu.memref_slice %arg2[%add3A, %dma_start3A_7, %dma_start3A_8] : memref<32x200x128xi32, #tpu.memory_space<hbm>> -> memref<1x1x128xi32, #tpu.memory_space<hbm>>
    %dma_start3A_10 = tpu.memref_squeeze %dma_start3A_9 : memref<1x1x128xi32, #tpu.memory_space<hbm>> -> memref<1x128xi32, #tpu.memory_space<hbm>>
    %dma_start3A_11 = arith.constant 0 : i32
    %dma_start3A_12 = arith.constant 0 : i32
    %dma_start3A_13 = tpu.memref_slice %arg6[%dma_start3A, %dma_start3A_11, %dma_start3A_12] : memref<4x1x128xi32, #tpu.memory_space<vmem>> -> memref<1x1x128xi32, #tpu.memory_space<vmem>>
    %dma_start3A_14 = tpu.memref_squeeze %dma_start3A_13 : memref<1x1x128xi32, #tpu.memory_space<vmem>> -> memref<1x128xi32, #tpu.memory_space<vmem>>
    %dma_start3A_15 = arith.constant 0 : i32
    %dma_start3A_16 = arith.constant 0 : i32
    %dma_start3A_17 = tpu.memref_slice %arg2[%add3A, %dma_start3A_15, %dma_start3A_16] : memref<32x200x128xi32, #tpu.memory_space<hbm>> -> memref<1x1x128xi32, #tpu.memory_space<hbm>>
    %dma_start3A_18 = tpu.memref_squeeze %dma_start3A_17 : memref<1x1x128xi32, #tpu.memory_space<hbm>> -> memref<1x128xi32, #tpu.memory_space<hbm>>
    tpu.enqueue_dma source(%dma_start3A_18 : memref<1x128xi32, #tpu.memory_space<hbm>>) target(%dma_start3A_14 : memref<1x128xi32, #tpu.memory_space<vmem>>) target_semaphore(%arg9 : memref<!tpu.dma_semaphore, #tpu.memory_space<semaphore_mem>>)
    %dma_start3A_19 = arith.constant 1 : i32
    %dma_start3A_20 = arith.constant 0 : i32
    %dma_start3A_21 = arith.constant 0 : i32
    %dma_start3A_22 = tpu.memref_slice %arg6[%dma_start3A_19, %dma_start3A_20, %dma_start3A_21] : memref<4x1x128xi32, #tpu.memory_space<vmem>> -> memref<1x1x128xi32, #tpu.memory_space<vmem>>
    %dma_start3A_23 = tpu.memref_squeeze %dma_start3A_22 : memref<1x1x128xi32, #tpu.memory_space<vmem>> -> memref<1x128xi32, #tpu.memory_space<vmem>>
    %dma_start3A_24 = arith.constant 1 : i32
    %dma_start3A_25 = arith.constant 0 : i32
    %dma_start3A_26 = tpu.memref_slice %arg2[%add3A, %dma_start3A_24, %dma_start3A_25] : memref<32x200x128xi32, #tpu.memory_space<hbm>> -> memref<1x1x128xi32, #tpu.memory_space<hbm>>
    %dma_start3A_27 = tpu.memref_squeeze %dma_start3A_26 : memref<1x1x128xi32, #tpu.memory_space<hbm>> -> memref<1x128xi32, #tpu.memory_space<hbm>>
    %dma_start3A_28 = arith.constant 0 : i32
    %dma_start3A_29 = arith.constant 0 : i32
    %dma_start3A_30 = tpu.memref_slice %arg6[%dma_start3A_19, %dma_start3A_28, %dma_start3A_29] : memref<4x1x128xi32, #tpu.memory_space<vmem>> -> memref<1x1x128xi32, #tpu.memory_space<vmem>>
    %dma_start3A_31 = tpu.memref_squeeze %dma_start3A_30 : memref<1x1x128xi32, #tpu.memory_space<vmem>> -> memref<1x128xi32, #tpu.memory_space<vmem>>
    %dma_start3A_32 = arith.constant 1 : i32
    %dma_start3A_33 = arith.constant 0 : i32
    %dma_start3A_34 = tpu.memref_slice %arg2[%add3A, %dma_start3A_32, %dma_start3A_33] : memref<32x200x128xi32, #tpu.memory_space<hbm>> -> memref<1x1x128xi32, #tpu.memory_space<hbm>>
    %dma_start3A_35 = tpu.memref_squeeze %dma_start3A_34 : memref<1x1x128xi32, #tpu.memory_space<hbm>> -> memref<1x128xi32, #tpu.memory_space<hbm>>
    tpu.enqueue_dma source(%dma_start3A_35 : memref<1x128xi32, #tpu.memory_space<hbm>>) target(%dma_start3A_31 : memref<1x128xi32, #tpu.memory_space<vmem>>) target_semaphore(%arg9 : memref<!tpu.dma_semaphore, #tpu.memory_space<semaphore_mem>>)
    %dma_start3A_36 = arith.constant 2 : i32
    %dma_start3A_37 = arith.constant 0 : i32
    %dma_start3A_38 = arith.constant 0 : i32
    %dma_start3A_39 = tpu.memref_slice %arg6[%dma_start3A_36, %dma_start3A_37, %dma_start3A_38] : memref<4x1x128xi32, #tpu.memory_space<vmem>> -> memref<1x1x128xi32, #tpu.memory_space<vmem>>
    %dma_start3A_40 = tpu.memref_squeeze %dma_start3A_39 : memref<1x1x128xi32, #tpu.memory_space<vmem>> -> memref<1x128xi32, #tpu.memory_space<vmem>>
    %dma_start3A_41 = arith.constant 2 : i32
    %dma_start3A_42 = arith.constant 0 : i32
    %dma_start3A_43 = tpu.memref_slice %arg2[%add3A, %dma_start3A_41, %dma_start3A_42] : memref<32x200x128xi32, #tpu.memory_space<hbm>> -> memref<1x1x128xi32, #tpu.memory_space<hbm>>
    %dma_start3A_44 = tpu.memref_squeeze %dma_start3A_43 : memref<1x1x128xi32, #tpu.memory_space<hbm>> -> memref<1x128xi32, #tpu.memory_space<hbm>>
    %dma_start3A_45 = arith.constant 0 : i32
    %dma_start3A_46 = arith.constant 0 : i32
    %dma_start3A_47 = tpu.memref_slice %arg6[%dma_start3A_36, %dma_start3A_45, %dma_start3A_46] : memref<4x1x128xi32, #tpu.memory_space<vmem>> -> memref<1x1x128xi32, #tpu.memory_space<vmem>>
    %dma_start3A_48 = tpu.memref_squeeze %dma_start3A_47 : memref<1x1x128xi32, #tpu.memory_space<vmem>> -> memref<1x128xi32, #tpu.memory_space<vmem>>
    %dma_start3A_49 = arith.constant 2 : i32
    %dma_start3A_50 = arith.constant 0 : i32
    %dma_start3A_51 = tpu.memref_slice %arg2[%add3A, %dma_start3A_49, %dma_start3A_50] : memref<32x200x128xi32, #tpu.memory_space<hbm>> -> memref<1x1x128xi32, #tpu.memory_space<hbm>>
    %dma_start3A_52 = tpu.memref_squeeze %dma_start3A_51 : memref<1x1x128xi32, #tpu.memory_space<hbm>> -> memref<1x128xi32, #tpu.memory_space<hbm>>
    tpu.enqueue_dma source(%dma_start3A_52 : memref<1x128xi32, #tpu.memory_space<hbm>>) target(%dma_start3A_48 : memref<1x128xi32, #tpu.memory_space<vmem>>) target_semaphore(%arg9 : memref<!tpu.dma_semaphore, #tpu.memory_space<semaphore_mem>>)
    %dma_start3A_53 = arith.constant 3 : i32
    %dma_start3A_54 = arith.constant 0 : i32
    %dma_start3A_55 = arith.constant 0 : i32
    %dma_start3A_56 = tpu.memref_slice %arg6[%dma_start3A_53, %dma_start3A_54, %dma_start3A_55] : memref<4x1x128xi32, #tpu.memory_space<vmem>> -> memref<1x1x128xi32, #tpu.memory_space<vmem>>
    %dma_start3A_57 = tpu.memref_squeeze %dma_start3A_56 : memref<1x1x128xi32, #tpu.memory_space<vmem>> -> memref<1x128xi32, #tpu.memory_space<vmem>>
    %dma_start3A_58 = arith.constant 3 : i32
    %dma_start3A_59 = arith.constant 0 : i32
    %dma_start3A_60 = tpu.memref_slice %arg2[%add3A, %dma_start3A_58, %dma_start3A_59] : memref<32x200x128xi32, #tpu.memory_space<hbm>> -> memref<1x1x128xi32, #tpu.memory_space<hbm>>
    %dma_start3A_61 = tpu.memref_squeeze %dma_start3A_60 : memref<1x1x128xi32, #tpu.memory_space<hbm>> -> memref<1x128xi32, #tpu.memory_space<hbm>>
    %dma_start3A_62 = arith.constant 0 : i32
    %dma_start3A_63 = arith.constant 0 : i32
    %dma_start3A_64 = tpu.memref_slice %arg6[%dma_start3A_53, %dma_start3A_62, %dma_start3A_63] : memref<4x1x128xi32, #tpu.memory_space<vmem>> -> memref<1x1x128xi32, #tpu.memory_space<vmem>>
    %dma_start3A_65 = tpu.memref_squeeze %dma_start3A_64 : memref<1x1x128xi32, #tpu.memory_space<vmem>> -> memref<1x128xi32, #tpu.memory_space<vmem>>
    %dma_start3A_66 = arith.constant 3 : i32
    %dma_start3A_67 = arith.constant 0 : i32
    %dma_start3A_68 = tpu.memref_slice %arg2[%add3A, %dma_start3A_66, %dma_start3A_67] : memref<32x200x128xi32, #tpu.memory_space<hbm>> -> memref<1x1x128xi32, #tpu.memory_space<hbm>>
    %dma_start3A_69 = tpu.memref_squeeze %dma_start3A_68 : memref<1x1x128xi32, #tpu.memory_space<hbm>> -> memref<1x128xi32, #tpu.memory_space<hbm>>
    tpu.enqueue_dma source(%dma_start3A_69 : memref<1x128xi32, #tpu.memory_space<hbm>>) target(%dma_start3A_65 : memref<1x128xi32, #tpu.memory_space<vmem>>) target_semaphore(%arg9 : memref<!tpu.dma_semaphore, #tpu.memory_space<semaphore_mem>>)
    %dma_wait3A = arith.constant 0 : i32
    %dma_wait3A_70 = arith.constant 0 : i32
    %dma_wait3A_71 = arith.constant 0 : i32
    %dma_wait3A_72 = tpu.memref_slice %arg6[%dma_wait3A, %dma_wait3A_70, %dma_wait3A_71] : memref<4x1x128xi32, #tpu.memory_space<vmem>> -> memref<1x1x128xi32, #tpu.memory_space<vmem>>
    %dma_wait3A_73 = tpu.memref_squeeze %dma_wait3A_72 : memref<1x1x128xi32, #tpu.memory_space<vmem>> -> memref<1x128xi32, #tpu.memory_space<vmem>>
    %dma_wait3A_74 = arith.constant 0 : i32
    %dma_wait3A_75 = arith.constant 0 : i32
    %dma_wait3A_76 = tpu.memref_slice %arg2[%add3A, %dma_wait3A_74, %dma_wait3A_75] : memref<32x200x128xi32, #tpu.memory_space<hbm>> -> memref<1x1x128xi32, #tpu.memory_space<hbm>>
    %dma_wait3A_77 = tpu.memref_squeeze %dma_wait3A_76 : memref<1x1x128xi32, #tpu.memory_space<hbm>> -> memref<1x128xi32, #tpu.memory_space<hbm>>
    %dma_wait3A_78 = arith.constant 0 : i32
    %dma_wait3A_79 = arith.constant 0 : i32
    %dma_wait3A_80 = tpu.memref_slice %arg6[%dma_wait3A, %dma_wait3A_78, %dma_wait3A_79] : memref<4x1x128xi32, #tpu.memory_space<vmem>> -> memref<1x1x128xi32, #tpu.memory_space<vmem>>
    %dma_wait3A_81 = tpu.memref_squeeze %dma_wait3A_80 : memref<1x1x128xi32, #tpu.memory_space<vmem>> -> memref<1x128xi32, #tpu.memory_space<vmem>>
    %dma_wait3A_82 = arith.constant 0 : i32
    %dma_wait3A_83 = arith.constant 0 : i32
    %dma_wait3A_84 = tpu.memref_slice %arg2[%add3A, %dma_wait3A_82, %dma_wait3A_83] : memref<32x200x128xi32, #tpu.memory_space<hbm>> -> memref<1x1x128xi32, #tpu.memory_space<hbm>>
    %dma_wait3A_85 = tpu.memref_squeeze %dma_wait3A_84 : memref<1x1x128xi32, #tpu.memory_space<hbm>> -> memref<1x128xi32, #tpu.memory_space<hbm>>
    tpu.wait_dma2 semaphore(%arg9 : memref<!tpu.dma_semaphore, #tpu.memory_space<semaphore_mem>>) src(%dma_wait3A_85 : memref<1x128xi32, #tpu.memory_space<hbm>>) dst(%dma_wait3A_81 : memref<1x128xi32, #tpu.memory_space<vmem>>)
    %dma_start3A_86 = arith.constant 0 : i32
    %dma_start3A_87 = arith.constant 0 : i32
    %dma_start3A_88 = arith.constant 0 : i32
    %dma_start3A_89 = arith.constant 0 : i32
    %dma_start3A_90 = arith.constant 0 : i32
    %dma_start3A_91 = tpu.memref_slice %arg7[%dma_start3A_88, %dma_start3A_89, %dma_start3A_90] : memref<4x128x64xf32, #tpu.memory_space<vmem>> -> memref<1x128x64xf32, #tpu.memory_space<vmem>>
    %dma_start3A_92 = tpu.memref_squeeze %dma_start3A_91 : memref<1x128x64xf32, #tpu.memory_space<vmem>> -> memref<128x64xf32, #tpu.memory_space<vmem>>
    %dma_start3A_93 = arith.constant 0 : i32
    %dma_start3A_94 = tpu.memref_slice %arg6[%dma_start3A_86, %dma_start3A_87, %dma_start3A_93] : memref<4x1x128xi32, #tpu.memory_space<vmem>> -> memref<1x1x128xi32, #tpu.memory_space<vmem>>
    %dma_start3A_95 = tpu.memref_squeeze %dma_start3A_94 : memref<1x1x128xi32, #tpu.memory_space<vmem>> -> memref<128xi32, #tpu.memory_space<vmem>>
    %dma_start3A_96 = arith.constant 0 : i32
    %dma_start3A_97 = arith.constant 0 : i32
    %dma_start3A_98 = tpu.memref_slice %arg3[%dma_start3A_96, %dma_start3A_97] : memref<1000000x64xf32, #tpu.memory_space<hbm>> -> memref<1000000x64xf32, #tpu.memory_space<hbm>>
    tpu.enqueue_indirect_dma source(%dma_start3A_98 : memref<1000000x64xf32, #tpu.memory_space<hbm>>) target(%dma_start3A_92 : memref<128x64xf32, #tpu.memory_space<vmem>>) offsets(%dma_start3A_95 : memref<128xi32, #tpu.memory_space<vmem>>) semaphore(%arg10 : memref<!tpu.dma_semaphore, #tpu.memory_space<semaphore_mem>>)
    %dma_wait3A_99 = arith.constant 1 : i32
    %dma_wait3A_100 = arith.constant 0 : i32
    %dma_wait3A_101 = arith.constant 0 : i32
    %dma_wait3A_102 = tpu.memref_slice %arg6[%dma_wait3A_99, %dma_wait3A_100, %dma_wait3A_101] : memref<4x1x128xi32, #tpu.memory_space<vmem>> -> memref<1x1x128xi32, #tpu.memory_space<vmem>>
    %dma_wait3A_103 = tpu.memref_squeeze %dma_wait3A_102 : memref<1x1x128xi32, #tpu.memory_space<vmem>> -> memref<1x128xi32, #tpu.memory_space<vmem>>
    %dma_wait3A_104 = arith.constant 1 : i32
    %dma_wait3A_105 = arith.constant 0 : i32
    %dma_wait3A_106 = tpu.memref_slice %arg2[%add3A, %dma_wait3A_104, %dma_wait3A_105] : memref<32x200x128xi32, #tpu.memory_space<hbm>> -> memref<1x1x128xi32, #tpu.memory_space<hbm>>
    %dma_wait3A_107 = tpu.memref_squeeze %dma_wait3A_106 : memref<1x1x128xi32, #tpu.memory_space<hbm>> -> memref<1x128xi32, #tpu.memory_space<hbm>>
    %dma_wait3A_108 = arith.constant 0 : i32
    %dma_wait3A_109 = arith.constant 0 : i32
    %dma_wait3A_110 = tpu.memref_slice %arg6[%dma_wait3A_99, %dma_wait3A_108, %dma_wait3A_109] : memref<4x1x128xi32, #tpu.memory_space<vmem>> -> memref<1x1x128xi32, #tpu.memory_space<vmem>>
    %dma_wait3A_111 = tpu.memref_squeeze %dma_wait3A_110 : memref<1x1x128xi32, #tpu.memory_space<vmem>> -> memref<1x128xi32, #tpu.memory_space<vmem>>
    %dma_wait3A_112 = arith.constant 1 : i32
    %dma_wait3A_113 = arith.constant 0 : i32
    %dma_wait3A_114 = tpu.memref_slice %arg2[%add3A, %dma_wait3A_112, %dma_wait3A_113] : memref<32x200x128xi32, #tpu.memory_space<hbm>> -> memref<1x1x128xi32, #tpu.memory_space<hbm>>
    %dma_wait3A_115 = tpu.memref_squeeze %dma_wait3A_114 : memref<1x1x128xi32, #tpu.memory_space<hbm>> -> memref<1x128xi32, #tpu.memory_space<hbm>>
    tpu.wait_dma2 semaphore(%arg9 : memref<!tpu.dma_semaphore, #tpu.memory_space<semaphore_mem>>) src(%dma_wait3A_115 : memref<1x128xi32, #tpu.memory_space<hbm>>) dst(%dma_wait3A_111 : memref<1x128xi32, #tpu.memory_space<vmem>>)
    %dma_start3A_116 = arith.constant 1 : i32
    %dma_start3A_117 = arith.constant 0 : i32
    %dma_start3A_118 = arith.constant 1 : i32
    %dma_start3A_119 = arith.constant 0 : i32
    %dma_start3A_120 = arith.constant 0 : i32
    %dma_start3A_121 = tpu.memref_slice %arg7[%dma_start3A_118, %dma_start3A_119, %dma_start3A_120] : memref<4x128x64xf32, #tpu.memory_space<vmem>> -> memref<1x128x64xf32, #tpu.memory_space<vmem>>
    %dma_start3A_122 = tpu.memref_squeeze %dma_start3A_121 : memref<1x128x64xf32, #tpu.memory_space<vmem>> -> memref<128x64xf32, #tpu.memory_space<vmem>>
    %dma_start3A_123 = arith.constant 0 : i32
    %dma_start3A_124 = tpu.memref_slice %arg6[%dma_start3A_116, %dma_start3A_117, %dma_start3A_123] : memref<4x1x128xi32, #tpu.memory_space<vmem>> -> memref<1x1x128xi32, #tpu.memory_space<vmem>>
    %dma_start3A_125 = tpu.memref_squeeze %dma_start3A_124 : memref<1x1x128xi32, #tpu.memory_space<vmem>> -> memref<128xi32, #tpu.memory_space<vmem>>
    %dma_start3A_126 = arith.constant 0 : i32
    %dma_start3A_127 = arith.constant 0 : i32
    %dma_start3A_128 = tpu.memref_slice %arg3[%dma_start3A_126, %dma_start3A_127] : memref<1000000x64xf32, #tpu.memory_space<hbm>> -> memref<1000000x64xf32, #tpu.memory_space<hbm>>
    tpu.enqueue_indirect_dma source(%dma_start3A_128 : memref<1000000x64xf32, #tpu.memory_space<hbm>>) target(%dma_start3A_122 : memref<128x64xf32, #tpu.memory_space<vmem>>) offsets(%dma_start3A_125 : memref<128xi32, #tpu.memory_space<vmem>>) semaphore(%arg10 : memref<!tpu.dma_semaphore, #tpu.memory_space<semaphore_mem>>)
    %dma_wait3A_129 = arith.constant 2 : i32
    %dma_wait3A_130 = arith.constant 0 : i32
    %dma_wait3A_131 = arith.constant 0 : i32
    %dma_wait3A_132 = tpu.memref_slice %arg6[%dma_wait3A_129, %dma_wait3A_130, %dma_wait3A_131] : memref<4x1x128xi32, #tpu.memory_space<vmem>> -> memref<1x1x128xi32, #tpu.memory_space<vmem>>
    %dma_wait3A_133 = tpu.memref_squeeze %dma_wait3A_132 : memref<1x1x128xi32, #tpu.memory_space<vmem>> -> memref<1x128xi32, #tpu.memory_space<vmem>>
    %dma_wait3A_134 = arith.constant 2 : i32
    %dma_wait3A_135 = arith.constant 0 : i32
    %dma_wait3A_136 = tpu.memref_slice %arg2[%add3A, %dma_wait3A_134, %dma_wait3A_135] : memref<32x200x128xi32, #tpu.memory_space<hbm>> -> memref<1x1x128xi32, #tpu.memory_space<hbm>>
    %dma_wait3A_137 = tpu.memref_squeeze %dma_wait3A_136 : memref<1x1x128xi32, #tpu.memory_space<hbm>> -> memref<1x128xi32, #tpu.memory_space<hbm>>
    %dma_wait3A_138 = arith.constant 0 : i32
    %dma_wait3A_139 = arith.constant 0 : i32
    %dma_wait3A_140 = tpu.memref_slice %arg6[%dma_wait3A_129, %dma_wait3A_138, %dma_wait3A_139] : memref<4x1x128xi32, #tpu.memory_space<vmem>> -> memref<1x1x128xi32, #tpu.memory_space<vmem>>
    %dma_wait3A_141 = tpu.memref_squeeze %dma_wait3A_140 : memref<1x1x128xi32, #tpu.memory_space<vmem>> -> memref<1x128xi32, #tpu.memory_space<vmem>>
    %dma_wait3A_142 = arith.constant 2 : i32
    %dma_wait3A_143 = arith.constant 0 : i32
    %dma_wait3A_144 = tpu.memref_slice %arg2[%add3A, %dma_wait3A_142, %dma_wait3A_143] : memref<32x200x128xi32, #tpu.memory_space<hbm>> -> memref<1x1x128xi32, #tpu.memory_space<hbm>>
    %dma_wait3A_145 = tpu.memref_squeeze %dma_wait3A_144 : memref<1x1x128xi32, #tpu.memory_space<hbm>> -> memref<1x128xi32, #tpu.memory_space<hbm>>
    tpu.wait_dma2 semaphore(%arg9 : memref<!tpu.dma_semaphore, #tpu.memory_space<semaphore_mem>>) src(%dma_wait3A_145 : memref<1x128xi32, #tpu.memory_space<hbm>>) dst(%dma_wait3A_141 : memref<1x128xi32, #tpu.memory_space<vmem>>)
    %dma_start3A_146 = arith.constant 2 : i32
    %dma_start3A_147 = arith.constant 0 : i32
    %dma_start3A_148 = arith.constant 2 : i32
    %dma_start3A_149 = arith.constant 0 : i32
    %dma_start3A_150 = arith.constant 0 : i32
    %dma_start3A_151 = tpu.memref_slice %arg7[%dma_start3A_148, %dma_start3A_149, %dma_start3A_150] : memref<4x128x64xf32, #tpu.memory_space<vmem>> -> memref<1x128x64xf32, #tpu.memory_space<vmem>>
    %dma_start3A_152 = tpu.memref_squeeze %dma_start3A_151 : memref<1x128x64xf32, #tpu.memory_space<vmem>> -> memref<128x64xf32, #tpu.memory_space<vmem>>
    %dma_start3A_153 = arith.constant 0 : i32
    %dma_start3A_154 = tpu.memref_slice %arg6[%dma_start3A_146, %dma_start3A_147, %dma_start3A_153] : memref<4x1x128xi32, #tpu.memory_space<vmem>> -> memref<1x1x128xi32, #tpu.memory_space<vmem>>
    %dma_start3A_155 = tpu.memref_squeeze %dma_start3A_154 : memref<1x1x128xi32, #tpu.memory_space<vmem>> -> memref<128xi32, #tpu.memory_space<vmem>>
    %dma_start3A_156 = arith.constant 0 : i32
    %dma_start3A_157 = arith.constant 0 : i32
    %dma_start3A_158 = tpu.memref_slice %arg3[%dma_start3A_156, %dma_start3A_157] : memref<1000000x64xf32, #tpu.memory_space<hbm>> -> memref<1000000x64xf32, #tpu.memory_space<hbm>>
    tpu.enqueue_indirect_dma source(%dma_start3A_158 : memref<1000000x64xf32, #tpu.memory_space<hbm>>) target(%dma_start3A_152 : memref<128x64xf32, #tpu.memory_space<vmem>>) offsets(%dma_start3A_155 : memref<128xi32, #tpu.memory_space<vmem>>) semaphore(%arg10 : memref<!tpu.dma_semaphore, #tpu.memory_space<semaphore_mem>>)
    %dma_wait3A_159 = arith.constant 3 : i32
    %dma_wait3A_160 = arith.constant 0 : i32
    %dma_wait3A_161 = arith.constant 0 : i32
    %dma_wait3A_162 = tpu.memref_slice %arg6[%dma_wait3A_159, %dma_wait3A_160, %dma_wait3A_161] : memref<4x1x128xi32, #tpu.memory_space<vmem>> -> memref<1x1x128xi32, #tpu.memory_space<vmem>>
    %dma_wait3A_163 = tpu.memref_squeeze %dma_wait3A_162 : memref<1x1x128xi32, #tpu.memory_space<vmem>> -> memref<1x128xi32, #tpu.memory_space<vmem>>
    %dma_wait3A_164 = arith.constant 3 : i32
    %dma_wait3A_165 = arith.constant 0 : i32
    %dma_wait3A_166 = tpu.memref_slice %arg2[%add3A, %dma_wait3A_164, %dma_wait3A_165] : memref<32x200x128xi32, #tpu.memory_space<hbm>> -> memref<1x1x128xi32, #tpu.memory_space<hbm>>
    %dma_wait3A_167 = tpu.memref_squeeze %dma_wait3A_166 : memref<1x1x128xi32, #tpu.memory_space<hbm>> -> memref<1x128xi32, #tpu.memory_space<hbm>>
    %dma_wait3A_168 = arith.constant 0 : i32
    %dma_wait3A_169 = arith.constant 0 : i32
    %dma_wait3A_170 = tpu.memref_slice %arg6[%dma_wait3A_159, %dma_wait3A_168, %dma_wait3A_169] : memref<4x1x128xi32, #tpu.memory_space<vmem>> -> memref<1x1x128xi32, #tpu.memory_space<vmem>>
    %dma_wait3A_171 = tpu.memref_squeeze %dma_wait3A_170 : memref<1x1x128xi32, #tpu.memory_space<vmem>> -> memref<1x128xi32, #tpu.memory_space<vmem>>
    %dma_wait3A_172 = arith.constant 3 : i32
    %dma_wait3A_173 = arith.constant 0 : i32
    %dma_wait3A_174 = tpu.memref_slice %arg2[%add3A, %dma_wait3A_172, %dma_wait3A_173] : memref<32x200x128xi32, #tpu.memory_space<hbm>> -> memref<1x1x128xi32, #tpu.memory_space<hbm>>
    %dma_wait3A_175 = tpu.memref_squeeze %dma_wait3A_174 : memref<1x1x128xi32, #tpu.memory_space<hbm>> -> memref<1x128xi32, #tpu.memory_space<hbm>>
    tpu.wait_dma2 semaphore(%arg9 : memref<!tpu.dma_semaphore, #tpu.memory_space<semaphore_mem>>) src(%dma_wait3A_175 : memref<1x128xi32, #tpu.memory_space<hbm>>) dst(%dma_wait3A_171 : memref<1x128xi32, #tpu.memory_space<vmem>>)
    %dma_start3A_176 = arith.constant 3 : i32
    %dma_start3A_177 = arith.constant 0 : i32
    %dma_start3A_178 = arith.constant 3 : i32
    %dma_start3A_179 = arith.constant 0 : i32
    %dma_start3A_180 = arith.constant 0 : i32
    %dma_start3A_181 = tpu.memref_slice %arg7[%dma_start3A_178, %dma_start3A_179, %dma_start3A_180] : memref<4x128x64xf32, #tpu.memory_space<vmem>> -> memref<1x128x64xf32, #tpu.memory_space<vmem>>
    %dma_start3A_182 = tpu.memref_squeeze %dma_start3A_181 : memref<1x128x64xf32, #tpu.memory_space<vmem>> -> memref<128x64xf32, #tpu.memory_space<vmem>>
    %dma_start3A_183 = arith.constant 0 : i32
    %dma_start3A_184 = tpu.memref_slice %arg6[%dma_start3A_176, %dma_start3A_177, %dma_start3A_183] : memref<4x1x128xi32, #tpu.memory_space<vmem>> -> memref<1x1x128xi32, #tpu.memory_space<vmem>>
    %dma_start3A_185 = tpu.memref_squeeze %dma_start3A_184 : memref<1x1x128xi32, #tpu.memory_space<vmem>> -> memref<128xi32, #tpu.memory_space<vmem>>
    %dma_start3A_186 = arith.constant 0 : i32
    %dma_start3A_187 = arith.constant 0 : i32
    %dma_start3A_188 = tpu.memref_slice %arg3[%dma_start3A_186, %dma_start3A_187] : memref<1000000x64xf32, #tpu.memory_space<hbm>> -> memref<1000000x64xf32, #tpu.memory_space<hbm>>
    tpu.enqueue_indirect_dma source(%dma_start3A_188 : memref<1000000x64xf32, #tpu.memory_space<hbm>>) target(%dma_start3A_182 : memref<128x64xf32, #tpu.memory_space<vmem>>) offsets(%dma_start3A_185 : memref<128xi32, #tpu.memory_space<vmem>>) semaphore(%arg10 : memref<!tpu.dma_semaphore, #tpu.memory_space<semaphore_mem>>)
    %scan3A = arith.constant 0 : i32
    %scan3A_189 = arith.constant 0 : i32
    %scan3A_190 = arith.constant 50 : i32
    %scan3A_191 = arith.addi %scan3A_189, %scan3A_190 : i32
    %scan3A_192 = arith.constant 1 : i32
    scf.for %scan3A_394 = %scan3A_189 to %scan3A_191 step %scan3A_192  : i32 {
      %mul3A_395 = arith.constant 4 : i32
      %mul3A_396 = arith.muli %scan3A_394, %mul3A_395 : i32
      %add3A_397 = arith.constant 0 : i32
      %add3A_398 = arith.addi %mul3A_396, %add3A_397 : i32
      %dma_wait3A_399 = arith.constant 0 : i32
      %dma_wait3A_400 = arith.constant 0 : i32
      %dma_wait3A_401 = arith.constant 0 : i32
      %dma_wait3A_402 = arith.constant 0 : i32
      %dma_wait3A_403 = arith.constant 0 : i32
      %dma_wait3A_404 = tpu.memref_slice %arg7[%dma_wait3A_401, %dma_wait3A_402, %dma_wait3A_403] : memref<4x128x64xf32, #tpu.memory_space<vmem>> -> memref<1x128x64xf32, #tpu.memory_space<vmem>>
      %dma_wait3A_405 = tpu.memref_squeeze %dma_wait3A_404 : memref<1x128x64xf32, #tpu.memory_space<vmem>> -> memref<128x64xf32, #tpu.memory_space<vmem>>
      %dma_wait3A_406 = arith.constant 0 : i32
      %dma_wait3A_407 = tpu.memref_slice %arg6[%dma_wait3A_399, %dma_wait3A_400, %dma_wait3A_406] : memref<4x1x128xi32, #tpu.memory_space<vmem>> -> memref<1x1x128xi32, #tpu.memory_space<vmem>>
      %dma_wait3A_408 = tpu.memref_squeeze %dma_wait3A_407 : memref<1x1x128xi32, #tpu.memory_space<vmem>> -> memref<128xi32, #tpu.memory_space<vmem>>
      %dma_wait3A_409 = arith.constant 0 : i32
      %dma_wait3A_410 = arith.constant 0 : i32
      %dma_wait3A_411 = tpu.memref_slice %arg3[%dma_wait3A_409, %dma_wait3A_410] : memref<1000000x64xf32, #tpu.memory_space<hbm>> -> memref<1000000x64xf32, #tpu.memory_space<hbm>>
      tpu.wait_indirect_dma semaphore(%arg10 : memref<!tpu.dma_semaphore, #tpu.memory_space<semaphore_mem>>) src(%dma_wait3A_411 : memref<1000000x64xf32, #tpu.memory_space<hbm>>) dst(%dma_wait3A_405 : memref<128x64xf32, #tpu.memory_space<vmem>>)
      %add3A_412 = arith.constant 4 : i32
      %add3A_413 = arith.addi %add3A_398, %add3A_412 : i32
      %lt3A = arith.constant 200 : i32
      %lt3A_414 = arith.cmpi slt, %add3A_413, %lt3A : i32
      %convert_element_type3A = arith.extui %lt3A_414 : i1 to i32
      %cond3A = arith.constant 0 : i32
      %cond3A_415 = arith.cmpi ne, %convert_element_type3A, %cond3A : i32
      scf.if %cond3A_415 {
        %add3A_786 = arith.constant 4 : i32
        %add3A_787 = arith.addi %add3A_398, %add3A_786 : i32
        %dma_start3A_788 = arith.constant 0 : i32
        %dma_start3A_789 = arith.constant 0 : i32
        %dma_start3A_790 = arith.constant 0 : i32
        %dma_start3A_791 = tpu.memref_slice %arg6[%dma_start3A_788, %dma_start3A_789, %dma_start3A_790] : memref<4x1x128xi32, #tpu.memory_space<vmem>> -> memref<1x1x128xi32, #tpu.memory_space<vmem>>
        %dma_start3A_792 = tpu.memref_squeeze %dma_start3A_791 : memref<1x1x128xi32, #tpu.memory_space<vmem>> -> memref<1x128xi32, #tpu.memory_space<vmem>>
        %dma_start3A_793 = arith.constant 0 : i32
        %dma_start3A_794 = tpu.memref_slice %arg2[%add3A, %add3A_787, %dma_start3A_793] : memref<32x200x128xi32, #tpu.memory_space<hbm>> -> memref<1x1x128xi32, #tpu.memory_space<hbm>>
        %dma_start3A_795 = tpu.memref_squeeze %dma_start3A_794 : memref<1x1x128xi32, #tpu.memory_space<hbm>> -> memref<1x128xi32, #tpu.memory_space<hbm>>
        %dma_start3A_796 = arith.constant 0 : i32
        %dma_start3A_797 = arith.constant 0 : i32
        %dma_start3A_798 = tpu.memref_slice %arg6[%dma_start3A_788, %dma_start3A_796, %dma_start3A_797] : memref<4x1x128xi32, #tpu.memory_space<vmem>> -> memref<1x1x128xi32, #tpu.memory_space<vmem>>
        %dma_start3A_799 = tpu.memref_squeeze %dma_start3A_798 : memref<1x1x128xi32, #tpu.memory_space<vmem>> -> memref<1x128xi32, #tpu.memory_space<vmem>>
        %dma_start3A_800 = arith.constant 0 : i32
        %dma_start3A_801 = tpu.memref_slice %arg2[%add3A, %add3A_787, %dma_start3A_800] : memref<32x200x128xi32, #tpu.memory_space<hbm>> -> memref<1x1x128xi32, #tpu.memory_space<hbm>>
        %dma_start3A_802 = tpu.memref_squeeze %dma_start3A_801 : memref<1x1x128xi32, #tpu.memory_space<hbm>> -> memref<1x128xi32, #tpu.memory_space<hbm>>
        tpu.enqueue_dma source(%dma_start3A_802 : memref<1x128xi32, #tpu.memory_space<hbm>>) target(%dma_start3A_799 : memref<1x128xi32, #tpu.memory_space<vmem>>) target_semaphore(%arg9 : memref<!tpu.dma_semaphore, #tpu.memory_space<semaphore_mem>>)
      } else {
      }
      %gt3A = arith.constant 0 : i32
      %gt3A_416 = arith.cmpi sgt, %add3A_398, %gt3A : i32
      %add3A_417 = arith.constant 4 : i32
      %add3A_418 = arith.addi %add3A_398, %add3A_417 : i32
      %sub3A_419 = arith.constant 1 : i32
      %sub3A_420 = arith.subi %add3A_418, %sub3A_419 : i32
      %lt3A_421 = arith.constant 200 : i32
      %lt3A_422 = arith.cmpi slt, %sub3A_420, %lt3A_421 : i32
      %and3A_423 = arith.andi %gt3A_416, %lt3A_422 : i1
      %convert_element_type3A_424 = arith.extui %and3A_423 : i1 to i32
      %cond3A_425 = arith.constant 0 : i32
      %cond3A_426 = arith.cmpi ne, %convert_element_type3A_424, %cond3A_425 : i32
      scf.if %cond3A_426 {
        %sub3A_786 = arith.constant 1 : i32
        %sub3A_787 = arith.subi %add3A_398, %sub3A_786 : i32
        %jit3A_788 = arith.constant 2 : i32
        %div3A_789 = arith.divsi %mul3A_2, %jit3A_788 : i32
        %sign3A_790 = arith.constant 0 : i32
        %sign3A_791 = arith.cmpi sgt, %mul3A_2, %sign3A_790 : i32
        %sign3A_792 = arith.extui %sign3A_791 : i1 to i32
        %sign3A_793 = arith.constant 0 : i32
        %sign3A_794 = arith.cmpi slt, %mul3A_2, %sign3A_793 : i32
        %sign3A_795 = arith.extui %sign3A_794 : i1 to i32
        %sign3A_796 = arith.subi %sign3A_792, %sign3A_795 : i32
        %sign3A_797 = arith.constant 0 : i32
        %sign3A_798 = arith.cmpi sgt, %jit3A_788, %sign3A_797 : i32
        %sign3A_799 = arith.extui %sign3A_798 : i1 to i32
        %sign3A_800 = arith.constant 0 : i32
        %sign3A_801 = arith.cmpi slt, %jit3A_788, %sign3A_800 : i32
        %sign3A_802 = arith.extui %sign3A_801 : i1 to i32
        %sign3A_803 = arith.subi %sign3A_799, %sign3A_802 : i32
        %ne3A_804 = arith.cmpi ne, %sign3A_796, %sign3A_803 : i32
        %rem3A_805 = arith.remsi %mul3A_2, %jit3A_788 : i32
        %ne3A_806 = arith.constant 0 : i32
        %ne3A_807 = arith.cmpi ne, %rem3A_805, %ne3A_806 : i32
        %and3A_808 = arith.andi %ne3A_804, %ne3A_807 : i1
        %sub3A_809 = arith.constant 1 : i32
        %sub3A_810 = arith.subi %div3A_789, %sub3A_809 : i32
        %select_n3A_811 = arith.select %and3A_808, %sub3A_810, %div3A_789 : i32
        %mul3A_812 = arith.constant 64 : i32
        %mul3A_813 = arith.muli %sub3A_787, %mul3A_812 : i32
        %add3A_814 = arith.addi %select_n3A_811, %mul3A_813 : i32
        %dma_wait3A_815 = arith.constant 3 : i32
        %dma_wait3A_816 = arith.constant 0 : i32
        %dma_wait3A_817 = arith.constant 0 : i32
        %dma_wait3A_818 = tpu.memref_slice %arg7[%dma_wait3A_815, %dma_wait3A_816, %dma_wait3A_817] : memref<4x128x64xf32, #tpu.memory_space<vmem>> -> memref<1x64x64xf32, #tpu.memory_space<vmem>>
        %dma_wait3A_819 = tpu.memref_squeeze %dma_wait3A_818 : memref<1x64x64xf32, #tpu.memory_space<vmem>> -> memref<64x64xf32, #tpu.memory_space<vmem>>
        %dma_wait3A_820 = arith.constant 0 : i32
        %dma_wait3A_821 = tpu.memref_slice %arg5[%add3A_814, %dma_wait3A_820] : memref<409600x128xf32, #tpu.memory_space<hbm>> -> memref<64x64xf32, #tpu.memory_space<hbm>>
        %dma_wait3A_822 = arith.constant 0 : i32
        %dma_wait3A_823 = tpu.memref_slice %arg5[%add3A_814, %dma_wait3A_822] : memref<409600x128xf32, #tpu.memory_space<hbm>> -> memref<64x64xf32, #tpu.memory_space<hbm>>
        %dma_wait3A_824 = arith.constant 0 : i32
        %dma_wait3A_825 = arith.constant 0 : i32
        %dma_wait3A_826 = tpu.memref_slice %arg7[%dma_wait3A_815, %dma_wait3A_824, %dma_wait3A_825] : memref<4x128x64xf32, #tpu.memory_space<vmem>> -> memref<1x64x64xf32, #tpu.memory_space<vmem>>
        %dma_wait3A_827 = tpu.memref_squeeze %dma_wait3A_826 : memref<1x64x64xf32, #tpu.memory_space<vmem>> -> memref<64x64xf32, #tpu.memory_space<vmem>>
        tpu.wait_dma2 semaphore(%arg11 : memref<!tpu.dma_semaphore, #tpu.memory_space<semaphore_mem>>) src(%dma_wait3A_827 : memref<64x64xf32, #tpu.memory_space<vmem>>) dst(%dma_wait3A_823 : memref<64x64xf32, #tpu.memory_space<hbm>>)
        %dma_wait3A_828 = arith.constant 3 : i32
        %dma_wait3A_829 = arith.constant 64 : i32
        %dma_wait3A_830 = arith.constant 0 : i32
        %dma_wait3A_831 = tpu.memref_slice %arg7[%dma_wait3A_828, %dma_wait3A_829, %dma_wait3A_830] : memref<4x128x64xf32, #tpu.memory_space<vmem>> -> memref<1x64x64xf32, #tpu.memory_space<vmem>>
        %dma_wait3A_832 = tpu.memref_squeeze %dma_wait3A_831 : memref<1x64x64xf32, #tpu.memory_space<vmem>> -> memref<64x64xf32, #tpu.memory_space<vmem>>
        %dma_wait3A_833 = arith.constant 64 : i32
        %dma_wait3A_834 = tpu.memref_slice %arg5[%add3A_814, %dma_wait3A_833] : memref<409600x128xf32, #tpu.memory_space<hbm>> -> memref<64x64xf32, #tpu.memory_space<hbm>>
        %dma_wait3A_835 = arith.constant 64 : i32
        %dma_wait3A_836 = tpu.memref_slice %arg5[%add3A_814, %dma_wait3A_835] : memref<409600x128xf32, #tpu.memory_space<hbm>> -> memref<64x64xf32, #tpu.memory_space<hbm>>
        %dma_wait3A_837 = arith.constant 64 : i32
        %dma_wait3A_838 = arith.constant 0 : i32
        %dma_wait3A_839 = tpu.memref_slice %arg7[%dma_wait3A_828, %dma_wait3A_837, %dma_wait3A_838] : memref<4x128x64xf32, #tpu.memory_space<vmem>> -> memref<1x64x64xf32, #tpu.memory_space<vmem>>
        %dma_wait3A_840 = tpu.memref_squeeze %dma_wait3A_839 : memref<1x64x64xf32, #tpu.memory_space<vmem>> -> memref<64x64xf32, #tpu.memory_space<vmem>>
        tpu.wait_dma2 semaphore(%arg11 : memref<!tpu.dma_semaphore, #tpu.memory_space<semaphore_mem>>) src(%dma_wait3A_840 : memref<64x64xf32, #tpu.memory_space<vmem>>) dst(%dma_wait3A_836 : memref<64x64xf32, #tpu.memory_space<hbm>>)
        %add3A_841 = arith.constant 4 : i32
        %add3A_842 = arith.addi %add3A_398, %add3A_841 : i32
        %sub3A_843 = arith.constant 1 : i32
        %sub3A_844 = arith.subi %add3A_842, %sub3A_843 : i32
        %dma_wait3A_845 = arith.constant 3 : i32
        %dma_wait3A_846 = arith.constant 0 : i32
        %dma_wait3A_847 = arith.constant 0 : i32
        %dma_wait3A_848 = tpu.memref_slice %arg6[%dma_wait3A_845, %dma_wait3A_846, %dma_wait3A_847] : memref<4x1x128xi32, #tpu.memory_space<vmem>> -> memref<1x1x128xi32, #tpu.memory_space<vmem>>
        %dma_wait3A_849 = tpu.memref_squeeze %dma_wait3A_848 : memref<1x1x128xi32, #tpu.memory_space<vmem>> -> memref<1x128xi32, #tpu.memory_space<vmem>>
        %dma_wait3A_850 = arith.constant 0 : i32
        %dma_wait3A_851 = tpu.memref_slice %arg2[%add3A, %sub3A_844, %dma_wait3A_850] : memref<32x200x128xi32, #tpu.memory_space<hbm>> -> memref<1x1x128xi32, #tpu.memory_space<hbm>>
        %dma_wait3A_852 = tpu.memref_squeeze %dma_wait3A_851 : memref<1x1x128xi32, #tpu.memory_space<hbm>> -> memref<1x128xi32, #tpu.memory_space<hbm>>
        %dma_wait3A_853 = arith.constant 0 : i32
        %dma_wait3A_854 = arith.constant 0 : i32
        %dma_wait3A_855 = tpu.memref_slice %arg6[%dma_wait3A_845, %dma_wait3A_853, %dma_wait3A_854] : memref<4x1x128xi32, #tpu.memory_space<vmem>> -> memref<1x1x128xi32, #tpu.memory_space<vmem>>
        %dma_wait3A_856 = tpu.memref_squeeze %dma_wait3A_855 : memref<1x1x128xi32, #tpu.memory_space<vmem>> -> memref<1x128xi32, #tpu.memory_space<vmem>>
        %dma_wait3A_857 = arith.constant 0 : i32
        %dma_wait3A_858 = tpu.memref_slice %arg2[%add3A, %sub3A_844, %dma_wait3A_857] : memref<32x200x128xi32, #tpu.memory_space<hbm>> -> memref<1x1x128xi32, #tpu.memory_space<hbm>>
        %dma_wait3A_859 = tpu.memref_squeeze %dma_wait3A_858 : memref<1x1x128xi32, #tpu.memory_space<hbm>> -> memref<1x128xi32, #tpu.memory_space<hbm>>
        tpu.wait_dma2 semaphore(%arg9 : memref<!tpu.dma_semaphore, #tpu.memory_space<semaphore_mem>>) src(%dma_wait3A_859 : memref<1x128xi32, #tpu.memory_space<hbm>>) dst(%dma_wait3A_856 : memref<1x128xi32, #tpu.memory_space<vmem>>)
        %add3A_860 = arith.constant 4 : i32
        %add3A_861 = arith.addi %add3A_398, %add3A_860 : i32
        %sub3A_862 = arith.constant 1 : i32
        %sub3A_863 = arith.subi %add3A_861, %sub3A_862 : i32
        %dma_start3A_864 = arith.constant 3 : i32
        %dma_start3A_865 = arith.constant 0 : i32
        %dma_start3A_866 = arith.constant 3 : i32
        %dma_start3A_867 = arith.constant 0 : i32
        %dma_start3A_868 = arith.constant 0 : i32
        %dma_start3A_869 = tpu.memref_slice %arg7[%dma_start3A_866, %dma_start3A_867, %dma_start3A_868] : memref<4x128x64xf32, #tpu.memory_space<vmem>> -> memref<1x128x64xf32, #tpu.memory_space<vmem>>
        %dma_start3A_870 = tpu.memref_squeeze %dma_start3A_869 : memref<1x128x64xf32, #tpu.memory_space<vmem>> -> memref<128x64xf32, #tpu.memory_space<vmem>>
        %dma_start3A_871 = arith.constant 0 : i32
        %dma_start3A_872 = tpu.memref_slice %arg6[%dma_start3A_864, %dma_start3A_865, %dma_start3A_871] : memref<4x1x128xi32, #tpu.memory_space<vmem>> -> memref<1x1x128xi32, #tpu.memory_space<vmem>>
        %dma_start3A_873 = tpu.memref_squeeze %dma_start3A_872 : memref<1x1x128xi32, #tpu.memory_space<vmem>> -> memref<128xi32, #tpu.memory_space<vmem>>
        %dma_start3A_874 = arith.constant 0 : i32
        %dma_start3A_875 = arith.constant 0 : i32
        %dma_start3A_876 = tpu.memref_slice %arg3[%dma_start3A_874, %dma_start3A_875] : memref<1000000x64xf32, #tpu.memory_space<hbm>> -> memref<1000000x64xf32, #tpu.memory_space<hbm>>
        tpu.enqueue_indirect_dma source(%dma_start3A_876 : memref<1000000x64xf32, #tpu.memory_space<hbm>>) target(%dma_start3A_870 : memref<128x64xf32, #tpu.memory_space<vmem>>) offsets(%dma_start3A_873 : memref<128xi32, #tpu.memory_space<vmem>>) semaphore(%arg10 : memref<!tpu.dma_semaphore, #tpu.memory_space<semaphore_mem>>)
      } else {
      }
      %mul3A_427 = arith.constant 128 : i32
      %mul3A_428 = arith.muli %add3A_398, %mul3A_427 : i32
      %rem3A_429 = arith.constant 200 : i32
      %rem3A_430 = arith.remsi %mul3A_428, %rem3A_429 : i32
      %parallel_loop3A = arith.constant 0 : i32
      %parallel_loop3A_431 = arith.constant 64 : i32
      %parallel_loop3A_432 = arith.constant 1 : i32
      scf.for %parallel_loop3A_786 = %parallel_loop3A to %parallel_loop3A_431 step %parallel_loop3A_432  : i32 {
        %parallel_loop3A_787 = arith.constant 2 : i32
        %parallel_loop3A_788 = arith.muli %parallel_loop3A_787, %parallel_loop3A_786 : i32
        %parallel_loop3A_789 = arith.addi %rem3A_430, %parallel_loop3A_788 : i32
        %parallel_loop3A_790 = arith.constant 0 : i32
        %parallel_loop3A_791 = arith.index_cast %parallel_loop3A_790 : i32 to index
        %parallel_loop3A_792 = arith.index_cast %parallel_loop3A_786 : i32 to index
        %parallel_loop3A_793 = arith.constant 0 : index
        %parallel_loop3A_794 = tpu.vector_load %arg7[%parallel_loop3A_791, %parallel_loop3A_792, %parallel_loop3A_793] {strides = array<i32>} : memref<4x128x64xf32, #tpu.memory_space<vmem>>, vector<1x1x16xf32>,
        %parallel_loop3A_795 = vector.shape_cast %parallel_loop3A_794 : vector<1x1x16xf32> to vector<16xf32>
        %parallel_loop3A_796 = arith.constant 8.000000e+00 : f32
        %parallel_loop3A_797 = vector.broadcast %parallel_loop3A_796 : f32 to vector<16xf32>
        %parallel_loop3A_798 = arith.mulf %parallel_loop3A_795, %parallel_loop3A_797 : vector<16xf32>
        %parallel_loop3A_799 = arith.index_cast %parallel_loop3A_789 : i32 to index
        %parallel_loop3A_800 = arith.constant 0 : index
        %parallel_loop3A_801 = tpu.vector_load %arg8[%parallel_loop3A_799, %parallel_loop3A_800] {strides = array<i32>} : memref<328x64xf32, #tpu.memory_space<vmem>>, vector<1x16xf32>,
        %parallel_loop3A_802 = vector.shape_cast %parallel_loop3A_801 : vector<1x16xf32> to vector<16xf32>
        %parallel_loop3A_803 = arith.addf %parallel_loop3A_798, %parallel_loop3A_802 : vector<16xf32>
        %parallel_loop3A_804 = arith.constant 0 : i32
        %parallel_loop3A_805 = arith.index_cast %parallel_loop3A_804 : i32 to index
        %parallel_loop3A_806 = arith.index_cast %parallel_loop3A_786 : i32 to index
        %parallel_loop3A_807 = arith.constant 0 : index
        %parallel_loop3A_808 = tpu.vector_load %arg7[%parallel_loop3A_805, %parallel_loop3A_806, %parallel_loop3A_807] {strides = array<i32>} : memref<4x128x64xf32, #tpu.memory_space<vmem>>, vector<1x1x16xf32>,
        %parallel_loop3A_809 = vector.shape_cast %parallel_loop3A_808 : vector<1x1x16xf32> to vector<16xf32>
        %parallel_loop3A_810 = vector.shape_cast %parallel_loop3A_803 : vector<16xf32> to vector<1x1x16xf32>
        tpu.vector_store %arg7[%parallel_loop3A_805, %parallel_loop3A_806, %parallel_loop3A_807], %parallel_loop3A_810 {strides = array<i32>} : memref<4x128x64xf32, #tpu.memory_space<vmem>>, vector<1x1x16xf32>,
        %parallel_loop3A_811 = arith.constant 0 : i32
        %parallel_loop3A_812 = arith.index_cast %parallel_loop3A_811 : i32 to index
        %parallel_loop3A_813 = arith.index_cast %parallel_loop3A_786 : i32 to index
        %parallel_loop3A_814 = arith.constant 16 : index
        %parallel_loop3A_815 = tpu.vector_load %arg7[%parallel_loop3A_812, %parallel_loop3A_813, %parallel_loop3A_814] {strides = array<i32>} : memref<4x128x64xf32, #tpu.memory_space<vmem>>, vector<1x1x16xf32>,
        %parallel_loop3A_816 = vector.shape_cast %parallel_loop3A_815 : vector<1x1x16xf32> to vector<16xf32>
        %parallel_loop3A_817 = arith.constant 8.000000e+00 : f32
        %parallel_loop3A_818 = vector.broadcast %parallel_loop3A_817 : f32 to vector<16xf32>
        %parallel_loop3A_819 = arith.mulf %parallel_loop3A_816, %parallel_loop3A_818 : vector<16xf32>
        %parallel_loop3A_820 = arith.index_cast %parallel_loop3A_789 : i32 to index
        %parallel_loop3A_821 = arith.constant 16 : index
        %parallel_loop3A_822 = tpu.vector_load %arg8[%parallel_loop3A_820, %parallel_loop3A_821] {strides = array<i32>} : memref<328x64xf32, #tpu.memory_space<vmem>>, vector<1x16xf32>,
        %parallel_loop3A_823 = vector.shape_cast %parallel_loop3A_822 : vector<1x16xf32> to vector<16xf32>
        %parallel_loop3A_824 = arith.addf %parallel_loop3A_819, %parallel_loop3A_823 : vector<16xf32>
        %parallel_loop3A_825 = arith.constant 0 : i32
        %parallel_loop3A_826 = arith.index_cast %parallel_loop3A_825 : i32 to index
        %parallel_loop3A_827 = arith.index_cast %parallel_loop3A_786 : i32 to index
        %parallel_loop3A_828 = arith.constant 16 : index
        %parallel_loop3A_829 = tpu.vector_load %arg7[%parallel_loop3A_826, %parallel_loop3A_827, %parallel_loop3A_828] {strides = array<i32>} : memref<4x128x64xf32, #tpu.memory_space<vmem>>, vector<1x1x16xf32>,
        %parallel_loop3A_830 = vector.shape_cast %parallel_loop3A_829 : vector<1x1x16xf32> to vector<16xf32>
        %parallel_loop3A_831 = vector.shape_cast %parallel_loop3A_824 : vector<16xf32> to vector<1x1x16xf32>
        tpu.vector_store %arg7[%parallel_loop3A_826, %parallel_loop3A_827, %parallel_loop3A_828], %parallel_loop3A_831 {strides = array<i32>} : memref<4x128x64xf32, #tpu.memory_space<vmem>>, vector<1x1x16xf32>,
        %parallel_loop3A_832 = arith.constant 0 : i32
        %parallel_loop3A_833 = arith.index_cast %parallel_loop3A_832 : i32 to index
        %parallel_loop3A_834 = arith.index_cast %parallel_loop3A_786 : i32 to index
        %parallel_loop3A_835 = arith.constant 32 : index
        %parallel_loop3A_836 = tpu.vector_load %arg7[%parallel_loop3A_833, %parallel_loop3A_834, %parallel_loop3A_835] {strides = array<i32>} : memref<4x128x64xf32, #tpu.memory_space<vmem>>, vector<1x1x16xf32>,
        %parallel_loop3A_837 = vector.shape_cast %parallel_loop3A_836 : vector<1x1x16xf32> to vector<16xf32>
        %parallel_loop3A_838 = arith.constant 8.000000e+00 : f32
        %parallel_loop3A_839 = vector.broadcast %parallel_loop3A_838 : f32 to vector<16xf32>
        %parallel_loop3A_840 = arith.mulf %parallel_loop3A_837, %parallel_loop3A_839 : vector<16xf32>
        %parallel_loop3A_841 = arith.index_cast %parallel_loop3A_789 : i32 to index
        %parallel_loop3A_842 = arith.constant 32 : index
        %parallel_loop3A_843 = tpu.vector_load %arg8[%parallel_loop3A_841, %parallel_loop3A_842] {strides = array<i32>} : memref<328x64xf32, #tpu.memory_space<vmem>>, vector<1x16xf32>,
        %parallel_loop3A_844 = vector.shape_cast %parallel_loop3A_843 : vector<1x16xf32> to vector<16xf32>
        %parallel_loop3A_845 = arith.addf %parallel_loop3A_840, %parallel_loop3A_844 : vector<16xf32>
        %parallel_loop3A_846 = arith.constant 0 : i32
        %parallel_loop3A_847 = arith.index_cast %parallel_loop3A_846 : i32 to index
        %parallel_loop3A_848 = arith.index_cast %parallel_loop3A_786 : i32 to index
        %parallel_loop3A_849 = arith.constant 32 : index
        %parallel_loop3A_850 = tpu.vector_load %arg7[%parallel_loop3A_847, %parallel_loop3A_848, %parallel_loop3A_849] {strides = array<i32>} : memref<4x128x64xf32, #tpu.memory_space<vmem>>, vector<1x1x16xf32>,
        %parallel_loop3A_851 = vector.shape_cast %parallel_loop3A_850 : vector<1x1x16xf32> to vector<16xf32>
        %parallel_loop3A_852 = vector.shape_cast %parallel_loop3A_845 : vector<16xf32> to vector<1x1x16xf32>
        tpu.vector_store %arg7[%parallel_loop3A_847, %parallel_loop3A_848, %parallel_loop3A_849], %parallel_loop3A_852 {strides = array<i32>} : memref<4x128x64xf32, #tpu.memory_space<vmem>>, vector<1x1x16xf32>,
        %parallel_loop3A_853 = arith.constant 0 : i32
        %parallel_loop3A_854 = arith.index_cast %parallel_loop3A_853 : i32 to index
        %parallel_loop3A_855 = arith.index_cast %parallel_loop3A_786 : i32 to index
        %parallel_loop3A_856 = arith.constant 48 : index
        %parallel_loop3A_857 = tpu.vector_load %arg7[%parallel_loop3A_854, %parallel_loop3A_855, %parallel_loop3A_856] {strides = array<i32>} : memref<4x128x64xf32, #tpu.memory_space<vmem>>, vector<1x1x16xf32>,
        %parallel_loop3A_858 = vector.shape_cast %parallel_loop3A_857 : vector<1x1x16xf32> to vector<16xf32>
        %parallel_loop3A_859 = arith.constant 8.000000e+00 : f32
        %parallel_loop3A_860 = vector.broadcast %parallel_loop3A_859 : f32 to vector<16xf32>
        %parallel_loop3A_861 = arith.mulf %parallel_loop3A_858, %parallel_loop3A_860 : vector<16xf32>
        %parallel_loop3A_862 = arith.index_cast %parallel_loop3A_789 : i32 to index
        %parallel_loop3A_863 = arith.constant 48 : index
        %parallel_loop3A_864 = tpu.vector_load %arg8[%parallel_loop3A_862, %parallel_loop3A_863] {strides = array<i32>} : memref<328x64xf32, #tpu.memory_space<vmem>>, vector<1x16xf32>,
        %parallel_loop3A_865 = vector.shape_cast %parallel_loop3A_864 : vector<1x16xf32> to vector<16xf32>
        %parallel_loop3A_866 = arith.addf %parallel_loop3A_861, %parallel_loop3A_865 : vector<16xf32>
        %parallel_loop3A_867 = arith.constant 0 : i32
        %parallel_loop3A_868 = arith.index_cast %parallel_loop3A_867 : i32 to index
        %parallel_loop3A_869 = arith.index_cast %parallel_loop3A_786 : i32 to index
        %parallel_loop3A_870 = arith.constant 48 : index
        %parallel_loop3A_871 = tpu.vector_load %arg7[%parallel_loop3A_868, %parallel_loop3A_869, %parallel_loop3A_870] {strides = array<i32>} : memref<4x128x64xf32, #tpu.memory_space<vmem>>, vector<1x1x16xf32>,
        %parallel_loop3A_872 = vector.shape_cast %parallel_loop3A_871 : vector<1x1x16xf32> to vector<16xf32>
        %parallel_loop3A_873 = vector.shape_cast %parallel_loop3A_866 : vector<16xf32> to vector<1x1x16xf32>
        tpu.vector_store %arg7[%parallel_loop3A_868, %parallel_loop3A_869, %parallel_loop3A_870], %parallel_loop3A_873 {strides = array<i32>} : memref<4x128x64xf32, #tpu.memory_space<vmem>>, vector<1x1x16xf32>,
      } {sc.loop_unroll_factor = 4 : i64, sc.parallel_access}
      %parallel_loop3A_433 = arith.constant 64 : i32
      %parallel_loop3A_434 = arith.constant 128 : i32
      %parallel_loop3A_435 = arith.constant 1 : i32
      scf.for %parallel_loop3A_786 = %parallel_loop3A_433 to %parallel_loop3A_434 step %parallel_loop3A_435  : i32 {
        %parallel_loop3A_787 = arith.constant 64 : i32
        %parallel_loop3A_788 = arith.subi %parallel_loop3A_786, %parallel_loop3A_787 : i32
        %parallel_loop3A_789 = arith.constant 2 : i32
        %parallel_loop3A_790 = arith.muli %parallel_loop3A_789, %parallel_loop3A_788 : i32
        %parallel_loop3A_791 = arith.addi %rem3A_430, %parallel_loop3A_790 : i32
        %parallel_loop3A_792 = arith.constant 1 : i32
        %parallel_loop3A_793 = arith.addi %parallel_loop3A_791, %parallel_loop3A_792 : i32
        %parallel_loop3A_794 = arith.constant 0 : i32
        %parallel_loop3A_795 = arith.index_cast %parallel_loop3A_794 : i32 to index
        %parallel_loop3A_796 = arith.index_cast %parallel_loop3A_786 : i32 to index
        %parallel_loop3A_797 = arith.constant 0 : index
        %parallel_loop3A_798 = tpu.vector_load %arg7[%parallel_loop3A_795, %parallel_loop3A_796, %parallel_loop3A_797] {strides = array<i32>} : memref<4x128x64xf32, #tpu.memory_space<vmem>>, vector<1x1x16xf32>,
        %parallel_loop3A_799 = vector.shape_cast %parallel_loop3A_798 : vector<1x1x16xf32> to vector<16xf32>
        %parallel_loop3A_800 = arith.constant 8.000000e+00 : f32
        %parallel_loop3A_801 = vector.broadcast %parallel_loop3A_800 : f32 to vector<16xf32>
        %parallel_loop3A_802 = arith.mulf %parallel_loop3A_799, %parallel_loop3A_801 : vector<16xf32>
        %parallel_loop3A_803 = arith.index_cast %parallel_loop3A_793 : i32 to index
        %parallel_loop3A_804 = arith.constant 0 : index
        %parallel_loop3A_805 = tpu.vector_load %arg8[%parallel_loop3A_803, %parallel_loop3A_804] {strides = array<i32>} : memref<328x64xf32, #tpu.memory_space<vmem>>, vector<1x16xf32>,
        %parallel_loop3A_806 = vector.shape_cast %parallel_loop3A_805 : vector<1x16xf32> to vector<16xf32>
        %parallel_loop3A_807 = arith.addf %parallel_loop3A_802, %parallel_loop3A_806 : vector<16xf32>
        %parallel_loop3A_808 = arith.constant 0 : i32
        %parallel_loop3A_809 = arith.index_cast %parallel_loop3A_808 : i32 to index
        %parallel_loop3A_810 = arith.index_cast %parallel_loop3A_786 : i32 to index
        %parallel_loop3A_811 = arith.constant 0 : index
        %parallel_loop3A_812 = tpu.vector_load %arg7[%parallel_loop3A_809, %parallel_loop3A_810, %parallel_loop3A_811] {strides = array<i32>} : memref<4x128x64xf32, #tpu.memory_space<vmem>>, vector<1x1x16xf32>,
        %parallel_loop3A_813 = vector.shape_cast %parallel_loop3A_812 : vector<1x1x16xf32> to vector<16xf32>
        %parallel_loop3A_814 = vector.shape_cast %parallel_loop3A_807 : vector<16xf32> to vector<1x1x16xf32>
        tpu.vector_store %arg7[%parallel_loop3A_809, %parallel_loop3A_810, %parallel_loop3A_811], %parallel_loop3A_814 {strides = array<i32>} : memref<4x128x64xf32, #tpu.memory_space<vmem>>, vector<1x1x16xf32>,
        %parallel_loop3A_815 = arith.constant 0 : i32
        %parallel_loop3A_816 = arith.index_cast %parallel_loop3A_815 : i32 to index
        %parallel_loop3A_817 = arith.index_cast %parallel_loop3A_786 : i32 to index
        %parallel_loop3A_818 = arith.constant 16 : index
        %parallel_loop3A_819 = tpu.vector_load %arg7[%parallel_loop3A_816, %parallel_loop3A_817, %parallel_loop3A_818] {strides = array<i32>} : memref<4x128x64xf32, #tpu.memory_space<vmem>>, vector<1x1x16xf32>,
        %parallel_loop3A_820 = vector.shape_cast %parallel_loop3A_819 : vector<1x1x16xf32> to vector<16xf32>
        %parallel_loop3A_821 = arith.constant 8.000000e+00 : f32
        %parallel_loop3A_822 = vector.broadcast %parallel_loop3A_821 : f32 to vector<16xf32>
        %parallel_loop3A_823 = arith.mulf %parallel_loop3A_820, %parallel_loop3A_822 : vector<16xf32>
        %parallel_loop3A_824 = arith.index_cast %parallel_loop3A_793 : i32 to index
        %parallel_loop3A_825 = arith.constant 16 : index
        %parallel_loop3A_826 = tpu.vector_load %arg8[%parallel_loop3A_824, %parallel_loop3A_825] {strides = array<i32>} : memref<328x64xf32, #tpu.memory_space<vmem>>, vector<1x16xf32>,
        %parallel_loop3A_827 = vector.shape_cast %parallel_loop3A_826 : vector<1x16xf32> to vector<16xf32>
        %parallel_loop3A_828 = arith.addf %parallel_loop3A_823, %parallel_loop3A_827 : vector<16xf32>
        %parallel_loop3A_829 = arith.constant 0 : i32
        %parallel_loop3A_830 = arith.index_cast %parallel_loop3A_829 : i32 to index
        %parallel_loop3A_831 = arith.index_cast %parallel_loop3A_786 : i32 to index
        %parallel_loop3A_832 = arith.constant 16 : index
        %parallel_loop3A_833 = tpu.vector_load %arg7[%parallel_loop3A_830, %parallel_loop3A_831, %parallel_loop3A_832] {strides = array<i32>} : memref<4x128x64xf32, #tpu.memory_space<vmem>>, vector<1x1x16xf32>,
        %parallel_loop3A_834 = vector.shape_cast %parallel_loop3A_833 : vector<1x1x16xf32> to vector<16xf32>
        %parallel_loop3A_835 = vector.shape_cast %parallel_loop3A_828 : vector<16xf32> to vector<1x1x16xf32>
        tpu.vector_store %arg7[%parallel_loop3A_830, %parallel_loop3A_831, %parallel_loop3A_832], %parallel_loop3A_835 {strides = array<i32>} : memref<4x128x64xf32, #tpu.memory_space<vmem>>, vector<1x1x16xf32>,
        %parallel_loop3A_836 = arith.constant 0 : i32
        %parallel_loop3A_837 = arith.index_cast %parallel_loop3A_836 : i32 to index
        %parallel_loop3A_838 = arith.index_cast %parallel_loop3A_786 : i32 to index
        %parallel_loop3A_839 = arith.constant 32 : index
        %parallel_loop3A_840 = tpu.vector_load %arg7[%parallel_loop3A_837, %parallel_loop3A_838, %parallel_loop3A_839] {strides = array<i32>} : memref<4x128x64xf32, #tpu.memory_space<vmem>>, vector<1x1x16xf32>,
        %parallel_loop3A_841 = vector.shape_cast %parallel_loop3A_840 : vector<1x1x16xf32> to vector<16xf32>
        %parallel_loop3A_842 = arith.constant 8.000000e+00 : f32
        %parallel_loop3A_843 = vector.broadcast %parallel_loop3A_842 : f32 to vector<16xf32>
        %parallel_loop3A_844 = arith.mulf %parallel_loop3A_841, %parallel_loop3A_843 : vector<16xf32>
        %parallel_loop3A_845 = arith.index_cast %parallel_loop3A_793 : i32 to index
        %parallel_loop3A_846 = arith.constant 32 : index
        %parallel_loop3A_847 = tpu.vector_load %arg8[%parallel_loop3A_845, %parallel_loop3A_846] {strides = array<i32>} : memref<328x64xf32, #tpu.memory_space<vmem>>, vector<1x16xf32>,
        %parallel_loop3A_848 = vector.shape_cast %parallel_loop3A_847 : vector<1x16xf32> to vector<16xf32>
        %parallel_loop3A_849 = arith.addf %parallel_loop3A_844, %parallel_loop3A_848 : vector<16xf32>
        %parallel_loop3A_850 = arith.constant 0 : i32
        %parallel_loop3A_851 = arith.index_cast %parallel_loop3A_850 : i32 to index
        %parallel_loop3A_852 = arith.index_cast %parallel_loop3A_786 : i32 to index
        %parallel_loop3A_853 = arith.constant 32 : index
        %parallel_loop3A_854 = tpu.vector_load %arg7[%parallel_loop3A_851, %parallel_loop3A_852, %parallel_loop3A_853] {strides = array<i32>} : memref<4x128x64xf32, #tpu.memory_space<vmem>>, vector<1x1x16xf32>,
        %parallel_loop3A_855 = vector.shape_cast %parallel_loop3A_854 : vector<1x1x16xf32> to vector<16xf32>
        %parallel_loop3A_856 = vector.shape_cast %parallel_loop3A_849 : vector<16xf32> to vector<1x1x16xf32>
        tpu.vector_store %arg7[%parallel_loop3A_851, %parallel_loop3A_852, %parallel_loop3A_853], %parallel_loop3A_856 {strides = array<i32>} : memref<4x128x64xf32, #tpu.memory_space<vmem>>, vector<1x1x16xf32>,
        %parallel_loop3A_857 = arith.constant 0 : i32
        %parallel_loop3A_858 = arith.index_cast %parallel_loop3A_857 : i32 to index
        %parallel_loop3A_859 = arith.index_cast %parallel_loop3A_786 : i32 to index
        %parallel_loop3A_860 = arith.constant 48 : index
        %parallel_loop3A_861 = tpu.vector_load %arg7[%parallel_loop3A_858, %parallel_loop3A_859, %parallel_loop3A_860] {strides = array<i32>} : memref<4x128x64xf32, #tpu.memory_space<vmem>>, vector<1x1x16xf32>,
        %parallel_loop3A_862 = vector.shape_cast %parallel_loop3A_861 : vector<1x1x16xf32> to vector<16xf32>
        %parallel_loop3A_863 = arith.constant 8.000000e+00 : f32
        %parallel_loop3A_864 = vector.broadcast %parallel_loop3A_863 : f32 to vector<16xf32>
        %parallel_loop3A_865 = arith.mulf %parallel_loop3A_862, %parallel_loop3A_864 : vector<16xf32>
        %parallel_loop3A_866 = arith.index_cast %parallel_loop3A_793 : i32 to index
        %parallel_loop3A_867 = arith.constant 48 : index
        %parallel_loop3A_868 = tpu.vector_load %arg8[%parallel_loop3A_866, %parallel_loop3A_867] {strides = array<i32>} : memref<328x64xf32, #tpu.memory_space<vmem>>, vector<1x16xf32>,
        %parallel_loop3A_869 = vector.shape_cast %parallel_loop3A_868 : vector<1x16xf32> to vector<16xf32>
        %parallel_loop3A_870 = arith.addf %parallel_loop3A_865, %parallel_loop3A_869 : vector<16xf32>
        %parallel_loop3A_871 = arith.constant 0 : i32
        %parallel_loop3A_872 = arith.index_cast %parallel_loop3A_871 : i32 to index
        %parallel_loop3A_873 = arith.index_cast %parallel_loop3A_786 : i32 to index
        %parallel_loop3A_874 = arith.constant 48 : index
        %parallel_loop3A_875 = tpu.vector_load %arg7[%parallel_loop3A_872, %parallel_loop3A_873, %parallel_loop3A_874] {strides = array<i32>} : memref<4x128x64xf32, #tpu.memory_space<vmem>>, vector<1x1x16xf32>,
        %parallel_loop3A_876 = vector.shape_cast %parallel_loop3A_875 : vector<1x1x16xf32> to vector<16xf32>
        %parallel_loop3A_877 = vector.shape_cast %parallel_loop3A_870 : vector<16xf32> to vector<1x1x16xf32>
        tpu.vector_store %arg7[%parallel_loop3A_872, %parallel_loop3A_873, %parallel_loop3A_874], %parallel_loop3A_877 {strides = array<i32>} : memref<4x128x64xf32, #tpu.memory_space<vmem>>, vector<1x1x16xf32>,
      } {sc.loop_unroll_factor = 4 : i64, sc.parallel_access}
      %jit3A_436 = arith.constant 2 : i32
      %div3A_437 = arith.divsi %mul3A_2, %jit3A_436 : i32
      %sign3A_438 = arith.constant 0 : i32
      %sign3A_439 = arith.cmpi sgt, %mul3A_2, %sign3A_438 : i32
      %sign3A_440 = arith.extui %sign3A_439 : i1 to i32
      %sign3A_441 = arith.constant 0 : i32
      %sign3A_442 = arith.cmpi slt, %mul3A_2, %sign3A_441 : i32
      %sign3A_443 = arith.extui %sign3A_442 : i1 to i32
      %sign3A_444 = arith.subi %sign3A_440, %sign3A_443 : i32
      %sign3A_445 = arith.constant 0 : i32
      %sign3A_446 = arith.cmpi sgt, %jit3A_436, %sign3A_445 : i32
      %sign3A_447 = arith.extui %sign3A_446 : i1 to i32
      %sign3A_448 = arith.constant 0 : i32
      %sign3A_449 = arith.cmpi slt, %jit3A_436, %sign3A_448 : i32
      %sign3A_450 = arith.extui %sign3A_449 : i1 to i32
      %sign3A_451 = arith.subi %sign3A_447, %sign3A_450 : i32
      %ne3A_452 = arith.cmpi ne, %sign3A_444, %sign3A_451 : i32
      %rem3A_453 = arith.remsi %mul3A_2, %jit3A_436 : i32
      %ne3A_454 = arith.constant 0 : i32
      %ne3A_455 = arith.cmpi ne, %rem3A_453, %ne3A_454 : i32
      %and3A_456 = arith.andi %ne3A_452, %ne3A_455 : i1
      %sub3A_457 = arith.constant 1 : i32
      %sub3A_458 = arith.subi %div3A_437, %sub3A_457 : i32
      %select_n3A_459 = arith.select %and3A_456, %sub3A_458, %div3A_437 : i32
      %mul3A_460 = arith.constant 64 : i32
      %mul3A_461 = arith.muli %add3A_398, %mul3A_460 : i32
      %add3A_462 = arith.addi %select_n3A_459, %mul3A_461 : i32
      %dma_start3A_463 = arith.constant 0 : i32
      %dma_start3A_464 = arith.constant 0 : i32
      %dma_start3A_465 = arith.constant 0 : i32
      %dma_start3A_466 = tpu.memref_slice %arg7[%dma_start3A_463, %dma_start3A_464, %dma_start3A_465] : memref<4x128x64xf32, #tpu.memory_space<vmem>> -> memref<1x64x64xf32, #tpu.memory_space<vmem>>
      %dma_start3A_467 = tpu.memref_squeeze %dma_start3A_466 : memref<1x64x64xf32, #tpu.memory_space<vmem>> -> memref<64x64xf32, #tpu.memory_space<vmem>>
      %dma_start3A_468 = arith.constant 0 : i32
      %dma_start3A_469 = tpu.memref_slice %arg5[%add3A_462, %dma_start3A_468] : memref<409600x128xf32, #tpu.memory_space<hbm>> -> memref<64x64xf32, #tpu.memory_space<hbm>>
      %dma_start3A_470 = arith.constant 0 : i32
      %dma_start3A_471 = tpu.memref_slice %arg5[%add3A_462, %dma_start3A_470] : memref<409600x128xf32, #tpu.memory_space<hbm>> -> memref<64x64xf32, #tpu.memory_space<hbm>>
      %dma_start3A_472 = arith.constant 0 : i32
      %dma_start3A_473 = arith.constant 0 : i32
      %dma_start3A_474 = tpu.memref_slice %arg7[%dma_start3A_463, %dma_start3A_472, %dma_start3A_473] : memref<4x128x64xf32, #tpu.memory_space<vmem>> -> memref<1x64x64xf32, #tpu.memory_space<vmem>>
      %dma_start3A_475 = tpu.memref_squeeze %dma_start3A_474 : memref<1x64x64xf32, #tpu.memory_space<vmem>> -> memref<64x64xf32, #tpu.memory_space<vmem>>
      tpu.enqueue_dma source(%dma_start3A_475 : memref<64x64xf32, #tpu.memory_space<vmem>>) target(%dma_start3A_471 : memref<64x64xf32, #tpu.memory_space<hbm>>) target_semaphore(%arg11 : memref<!tpu.dma_semaphore, #tpu.memory_space<semaphore_mem>>)
      %dma_start3A_476 = arith.constant 0 : i32
      %dma_start3A_477 = arith.constant 64 : i32
      %dma_start3A_478 = arith.constant 0 : i32
      %dma_start3A_479 = tpu.memref_slice %arg7[%dma_start3A_476, %dma_start3A_477, %dma_start3A_478] : memref<4x128x64xf32, #tpu.memory_space<vmem>> -> memref<1x64x64xf32, #tpu.memory_space<vmem>>
      %dma_start3A_480 = tpu.memref_squeeze %dma_start3A_479 : memref<1x64x64xf32, #tpu.memory_space<vmem>> -> memref<64x64xf32, #tpu.memory_space<vmem>>
      %dma_start3A_481 = arith.constant 64 : i32
      %dma_start3A_482 = tpu.memref_slice %arg5[%add3A_462, %dma_start3A_481] : memref<409600x128xf32, #tpu.memory_space<hbm>> -> memref<64x64xf32, #tpu.memory_space<hbm>>
      %dma_start3A_483 = arith.constant 64 : i32
      %dma_start3A_484 = tpu.memref_slice %arg5[%add3A_462, %dma_start3A_483] : memref<409600x128xf32, #tpu.memory_space<hbm>> -> memref<64x64xf32, #tpu.memory_space<hbm>>
      %dma_start3A_485 = arith.constant 64 : i32
      %dma_start3A_486 = arith.constant 0 : i32
      %dma_start3A_487 = tpu.memref_slice %arg7[%dma_start3A_476, %dma_start3A_485, %dma_start3A_486] : memref<4x128x64xf32, #tpu.memory_space<vmem>> -> memref<1x64x64xf32, #tpu.memory_space<vmem>>
      %dma_start3A_488 = tpu.memref_squeeze %dma_start3A_487 : memref<1x64x64xf32, #tpu.memory_space<vmem>> -> memref<64x64xf32, #tpu.memory_space<vmem>>
      tpu.enqueue_dma source(%dma_start3A_488 : memref<64x64xf32, #tpu.memory_space<vmem>>) target(%dma_start3A_484 : memref<64x64xf32, #tpu.memory_space<hbm>>) target_semaphore(%arg11 : memref<!tpu.dma_semaphore, #tpu.memory_space<semaphore_mem>>)
      %mul3A_489 = arith.constant 4 : i32
      %mul3A_490 = arith.muli %scan3A_394, %mul3A_489 : i32
      %add3A_491 = arith.constant 1 : i32
      %add3A_492 = arith.addi %mul3A_490, %add3A_491 : i32
      %dma_wait3A_493 = arith.constant 1 : i32
      %dma_wait3A_494 = arith.constant 0 : i32
      %dma_wait3A_495 = arith.constant 1 : i32
      %dma_wait3A_496 = arith.constant 0 : i32
      %dma_wait3A_497 = arith.constant 0 : i32
      %dma_wait3A_498 = tpu.memref_slice %arg7[%dma_wait3A_495, %dma_wait3A_496, %dma_wait3A_497] : memref<4x128x64xf32, #tpu.memory_space<vmem>> -> memref<1x128x64xf32, #tpu.memory_space<vmem>>
      %dma_wait3A_499 = tpu.memref_squeeze %dma_wait3A_498 : memref<1x128x64xf32, #tpu.memory_space<vmem>> -> memref<128x64xf32, #tpu.memory_space<vmem>>
      %dma_wait3A_500 = arith.constant 0 : i32
      %dma_wait3A_501 = tpu.memref_slice %arg6[%dma_wait3A_493, %dma_wait3A_494, %dma_wait3A_500] : memref<4x1x128xi32, #tpu.memory_space<vmem>> -> memref<1x1x128xi32, #tpu.memory_space<vmem>>
      %dma_wait3A_502 = tpu.memref_squeeze %dma_wait3A_501 : memref<1x1x128xi32, #tpu.memory_space<vmem>> -> memref<128xi32, #tpu.memory_space<vmem>>
      %dma_wait3A_503 = arith.constant 0 : i32
      %dma_wait3A_504 = arith.constant 0 : i32
      %dma_wait3A_505 = tpu.memref_slice %arg3[%dma_wait3A_503, %dma_wait3A_504] : memref<1000000x64xf32, #tpu.memory_space<hbm>> -> memref<1000000x64xf32, #tpu.memory_space<hbm>>
      tpu.wait_indirect_dma semaphore(%arg10 : memref<!tpu.dma_semaphore, #tpu.memory_space<semaphore_mem>>) src(%dma_wait3A_505 : memref<1000000x64xf32, #tpu.memory_space<hbm>>) dst(%dma_wait3A_499 : memref<128x64xf32, #tpu.memory_space<vmem>>)
      %add3A_506 = arith.constant 4 : i32
      %add3A_507 = arith.addi %add3A_492, %add3A_506 : i32
      %lt3A_508 = arith.constant 200 : i32
      %lt3A_509 = arith.cmpi slt, %add3A_507, %lt3A_508 : i32
      %convert_element_type3A_510 = arith.extui %lt3A_509 : i1 to i32
      %cond3A_511 = arith.constant 0 : i32
      %cond3A_512 = arith.cmpi ne, %convert_element_type3A_510, %cond3A_511 : i32
      scf.if %cond3A_512 {
        %add3A_786 = arith.constant 4 : i32
        %add3A_787 = arith.addi %add3A_492, %add3A_786 : i32
        %dma_start3A_788 = arith.constant 1 : i32
        %dma_start3A_789 = arith.constant 0 : i32
        %dma_start3A_790 = arith.constant 0 : i32
        %dma_start3A_791 = tpu.memref_slice %arg6[%dma_start3A_788, %dma_start3A_789, %dma_start3A_790] : memref<4x1x128xi32, #tpu.memory_space<vmem>> -> memref<1x1x128xi32, #tpu.memory_space<vmem>>
        %dma_start3A_792 = tpu.memref_squeeze %dma_start3A_791 : memref<1x1x128xi32, #tpu.memory_space<vmem>> -> memref<1x128xi32, #tpu.memory_space<vmem>>
        %dma_start3A_793 = arith.constant 0 : i32
        %dma_start3A_794 = tpu.memref_slice %arg2[%add3A, %add3A_787, %dma_start3A_793] : memref<32x200x128xi32, #tpu.memory_space<hbm>> -> memref<1x1x128xi32, #tpu.memory_space<hbm>>
        %dma_start3A_795 = tpu.memref_squeeze %dma_start3A_794 : memref<1x1x128xi32, #tpu.memory_space<hbm>> -> memref<1x128xi32, #tpu.memory_space<hbm>>
        %dma_start3A_796 = arith.constant 0 : i32
        %dma_start3A_797 = arith.constant 0 : i32
        %dma_start3A_798 = tpu.memref_slice %arg6[%dma_start3A_788, %dma_start3A_796, %dma_start3A_797] : memref<4x1x128xi32, #tpu.memory_space<vmem>> -> memref<1x1x128xi32, #tpu.memory_space<vmem>>
        %dma_start3A_799 = tpu.memref_squeeze %dma_start3A_798 : memref<1x1x128xi32, #tpu.memory_space<vmem>> -> memref<1x128xi32, #tpu.memory_space<vmem>>
        %dma_start3A_800 = arith.constant 0 : i32
        %dma_start3A_801 = tpu.memref_slice %arg2[%add3A, %add3A_787, %dma_start3A_800] : memref<32x200x128xi32, #tpu.memory_space<hbm>> -> memref<1x1x128xi32, #tpu.memory_space<hbm>>
        %dma_start3A_802 = tpu.memref_squeeze %dma_start3A_801 : memref<1x1x128xi32, #tpu.memory_space<hbm>> -> memref<1x128xi32, #tpu.memory_space<hbm>>
        tpu.enqueue_dma source(%dma_start3A_802 : memref<1x128xi32, #tpu.memory_space<hbm>>) target(%dma_start3A_799 : memref<1x128xi32, #tpu.memory_space<vmem>>) target_semaphore(%arg9 : memref<!tpu.dma_semaphore, #tpu.memory_space<semaphore_mem>>)
      } else {
      }
      %gt3A_513 = arith.constant 0 : i32
      %gt3A_514 = arith.cmpi sgt, %add3A_492, %gt3A_513 : i32
      %add3A_515 = arith.constant 4 : i32
      %add3A_516 = arith.addi %add3A_492, %add3A_515 : i32
      %sub3A_517 = arith.constant 1 : i32
      %sub3A_518 = arith.subi %add3A_516, %sub3A_517 : i32
      %lt3A_519 = arith.constant 200 : i32
      %lt3A_520 = arith.cmpi slt, %sub3A_518, %lt3A_519 : i32
      %and3A_521 = arith.andi %gt3A_514, %lt3A_520 : i1
      %convert_element_type3A_522 = arith.extui %and3A_521 : i1 to i32
      %cond3A_523 = arith.constant 0 : i32
      %cond3A_524 = arith.cmpi ne, %convert_element_type3A_522, %cond3A_523 : i32
      scf.if %cond3A_524 {
        %sub3A_786 = arith.constant 1 : i32
        %sub3A_787 = arith.subi %add3A_492, %sub3A_786 : i32
        %jit3A_788 = arith.constant 2 : i32
        %div3A_789 = arith.divsi %mul3A_2, %jit3A_788 : i32
        %sign3A_790 = arith.constant 0 : i32
        %sign3A_791 = arith.cmpi sgt, %mul3A_2, %sign3A_790 : i32
        %sign3A_792 = arith.extui %sign3A_791 : i1 to i32
        %sign3A_793 = arith.constant 0 : i32
        %sign3A_794 = arith.cmpi slt, %mul3A_2, %sign3A_793 : i32
        %sign3A_795 = arith.extui %sign3A_794 : i1 to i32
        %sign3A_796 = arith.subi %sign3A_792, %sign3A_795 : i32
        %sign3A_797 = arith.constant 0 : i32
        %sign3A_798 = arith.cmpi sgt, %jit3A_788, %sign3A_797 : i32
        %sign3A_799 = arith.extui %sign3A_798 : i1 to i32
        %sign3A_800 = arith.constant 0 : i32
        %sign3A_801 = arith.cmpi slt, %jit3A_788, %sign3A_800 : i32
        %sign3A_802 = arith.extui %sign3A_801 : i1 to i32
        %sign3A_803 = arith.subi %sign3A_799, %sign3A_802 : i32
        %ne3A_804 = arith.cmpi ne, %sign3A_796, %sign3A_803 : i32
        %rem3A_805 = arith.remsi %mul3A_2, %jit3A_788 : i32
        %ne3A_806 = arith.constant 0 : i32
        %ne3A_807 = arith.cmpi ne, %rem3A_805, %ne3A_806 : i32
        %and3A_808 = arith.andi %ne3A_804, %ne3A_807 : i1
        %sub3A_809 = arith.constant 1 : i32
        %sub3A_810 = arith.subi %div3A_789, %sub3A_809 : i32
        %select_n3A_811 = arith.select %and3A_808, %sub3A_810, %div3A_789 : i32
        %mul3A_812 = arith.constant 64 : i32
        %mul3A_813 = arith.muli %sub3A_787, %mul3A_812 : i32
        %add3A_814 = arith.addi %select_n3A_811, %mul3A_813 : i32
        %dma_wait3A_815 = arith.constant 0 : i32
        %dma_wait3A_816 = arith.constant 0 : i32
        %dma_wait3A_817 = arith.constant 0 : i32
        %dma_wait3A_818 = tpu.memref_slice %arg7[%dma_wait3A_815, %dma_wait3A_816, %dma_wait3A_817] : memref<4x128x64xf32, #tpu.memory_space<vmem>> -> memref<1x64x64xf32, #tpu.memory_space<vmem>>
        %dma_wait3A_819 = tpu.memref_squeeze %dma_wait3A_818 : memref<1x64x64xf32, #tpu.memory_space<vmem>> -> memref<64x64xf32, #tpu.memory_space<vmem>>
        %dma_wait3A_820 = arith.constant 0 : i32
        %dma_wait3A_821 = tpu.memref_slice %arg5[%add3A_814, %dma_wait3A_820] : memref<409600x128xf32, #tpu.memory_space<hbm>> -> memref<64x64xf32, #tpu.memory_space<hbm>>
        %dma_wait3A_822 = arith.constant 0 : i32
        %dma_wait3A_823 = tpu.memref_slice %arg5[%add3A_814, %dma_wait3A_822] : memref<409600x128xf32, #tpu.memory_space<hbm>> -> memref<64x64xf32, #tpu.memory_space<hbm>>
        %dma_wait3A_824 = arith.constant 0 : i32
        %dma_wait3A_825 = arith.constant 0 : i32
        %dma_wait3A_826 = tpu.memref_slice %arg7[%dma_wait3A_815, %dma_wait3A_824, %dma_wait3A_825] : memref<4x128x64xf32, #tpu.memory_space<vmem>> -> memref<1x64x64xf32, #tpu.memory_space<vmem>>
        %dma_wait3A_827 = tpu.memref_squeeze %dma_wait3A_826 : memref<1x64x64xf32, #tpu.memory_space<vmem>> -> memref<64x64xf32, #tpu.memory_space<vmem>>
        tpu.wait_dma2 semaphore(%arg11 : memref<!tpu.dma_semaphore, #tpu.memory_space<semaphore_mem>>) src(%dma_wait3A_827 : memref<64x64xf32, #tpu.memory_space<vmem>>) dst(%dma_wait3A_823 : memref<64x64xf32, #tpu.memory_space<hbm>>)
        %dma_wait3A_828 = arith.constant 0 : i32
        %dma_wait3A_829 = arith.constant 64 : i32
        %dma_wait3A_830 = arith.constant 0 : i32
        %dma_wait3A_831 = tpu.memref_slice %arg7[%dma_wait3A_828, %dma_wait3A_829, %dma_wait3A_830] : memref<4x128x64xf32, #tpu.memory_space<vmem>> -> memref<1x64x64xf32, #tpu.memory_space<vmem>>
        %dma_wait3A_832 = tpu.memref_squeeze %dma_wait3A_831 : memref<1x64x64xf32, #tpu.memory_space<vmem>> -> memref<64x64xf32, #tpu.memory_space<vmem>>
        %dma_wait3A_833 = arith.constant 64 : i32
        %dma_wait3A_834 = tpu.memref_slice %arg5[%add3A_814, %dma_wait3A_833] : memref<409600x128xf32, #tpu.memory_space<hbm>> -> memref<64x64xf32, #tpu.memory_space<hbm>>
        %dma_wait3A_835 = arith.constant 64 : i32
        %dma_wait3A_836 = tpu.memref_slice %arg5[%add3A_814, %dma_wait3A_835] : memref<409600x128xf32, #tpu.memory_space<hbm>> -> memref<64x64xf32, #tpu.memory_space<hbm>>
        %dma_wait3A_837 = arith.constant 64 : i32
        %dma_wait3A_838 = arith.constant 0 : i32
        %dma_wait3A_839 = tpu.memref_slice %arg7[%dma_wait3A_828, %dma_wait3A_837, %dma_wait3A_838] : memref<4x128x64xf32, #tpu.memory_space<vmem>> -> memref<1x64x64xf32, #tpu.memory_space<vmem>>
        %dma_wait3A_840 = tpu.memref_squeeze %dma_wait3A_839 : memref<1x64x64xf32, #tpu.memory_space<vmem>> -> memref<64x64xf32, #tpu.memory_space<vmem>>
        tpu.wait_dma2 semaphore(%arg11 : memref<!tpu.dma_semaphore, #tpu.memory_space<semaphore_mem>>) src(%dma_wait3A_840 : memref<64x64xf32, #tpu.memory_space<vmem>>) dst(%dma_wait3A_836 : memref<64x64xf32, #tpu.memory_space<hbm>>)
        %add3A_841 = arith.constant 4 : i32
        %add3A_842 = arith.addi %add3A_492, %add3A_841 : i32
        %sub3A_843 = arith.constant 1 : i32
        %sub3A_844 = arith.subi %add3A_842, %sub3A_843 : i32
        %dma_wait3A_845 = arith.constant 0 : i32
        %dma_wait3A_846 = arith.constant 0 : i32
        %dma_wait3A_847 = arith.constant 0 : i32
        %dma_wait3A_848 = tpu.memref_slice %arg6[%dma_wait3A_845, %dma_wait3A_846, %dma_wait3A_847] : memref<4x1x128xi32, #tpu.memory_space<vmem>> -> memref<1x1x128xi32, #tpu.memory_space<vmem>>
        %dma_wait3A_849 = tpu.memref_squeeze %dma_wait3A_848 : memref<1x1x128xi32, #tpu.memory_space<vmem>> -> memref<1x128xi32, #tpu.memory_space<vmem>>
        %dma_wait3A_850 = arith.constant 0 : i32
        %dma_wait3A_851 = tpu.memref_slice %arg2[%add3A, %sub3A_844, %dma_wait3A_850] : memref<32x200x128xi32, #tpu.memory_space<hbm>> -> memref<1x1x128xi32, #tpu.memory_space<hbm>>
        %dma_wait3A_852 = tpu.memref_squeeze %dma_wait3A_851 : memref<1x1x128xi32, #tpu.memory_space<hbm>> -> memref<1x128xi32, #tpu.memory_space<hbm>>
        %dma_wait3A_853 = arith.constant 0 : i32
        %dma_wait3A_854 = arith.constant 0 : i32
        %dma_wait3A_855 = tpu.memref_slice %arg6[%dma_wait3A_845, %dma_wait3A_853, %dma_wait3A_854] : memref<4x1x128xi32, #tpu.memory_space<vmem>> -> memref<1x1x128xi32, #tpu.memory_space<vmem>>
        %dma_wait3A_856 = tpu.memref_squeeze %dma_wait3A_855 : memref<1x1x128xi32, #tpu.memory_space<vmem>> -> memref<1x128xi32, #tpu.memory_space<vmem>>
        %dma_wait3A_857 = arith.constant 0 : i32
        %dma_wait3A_858 = tpu.memref_slice %arg2[%add3A, %sub3A_844, %dma_wait3A_857] : memref<32x200x128xi32, #tpu.memory_space<hbm>> -> memref<1x1x128xi32, #tpu.memory_space<hbm>>
        %dma_wait3A_859 = tpu.memref_squeeze %dma_wait3A_858 : memref<1x1x128xi32, #tpu.memory_space<hbm>> -> memref<1x128xi32, #tpu.memory_space<hbm>>
        tpu.wait_dma2 semaphore(%arg9 : memref<!tpu.dma_semaphore, #tpu.memory_space<semaphore_mem>>) src(%dma_wait3A_859 : memref<1x128xi32, #tpu.memory_space<hbm>>) dst(%dma_wait3A_856 : memref<1x128xi32, #tpu.memory_space<vmem>>)
        %add3A_860 = arith.constant 4 : i32
        %add3A_861 = arith.addi %add3A_492, %add3A_860 : i32
        %sub3A_862 = arith.constant 1 : i32
        %sub3A_863 = arith.subi %add3A_861, %sub3A_862 : i32
        %dma_start3A_864 = arith.constant 0 : i32
        %dma_start3A_865 = arith.constant 0 : i32
        %dma_start3A_866 = arith.constant 0 : i32
        %dma_start3A_867 = arith.constant 0 : i32
        %dma_start3A_868 = arith.constant 0 : i32
        %dma_start3A_869 = tpu.memref_slice %arg7[%dma_start3A_866, %dma_start3A_867, %dma_start3A_868] : memref<4x128x64xf32, #tpu.memory_space<vmem>> -> memref<1x128x64xf32, #tpu.memory_space<vmem>>
        %dma_start3A_870 = tpu.memref_squeeze %dma_start3A_869 : memref<1x128x64xf32, #tpu.memory_space<vmem>> -> memref<128x64xf32, #tpu.memory_space<vmem>>
        %dma_start3A_871 = arith.constant 0 : i32
        %dma_start3A_872 = tpu.memref_slice %arg6[%dma_start3A_864, %dma_start3A_865, %dma_start3A_871] : memref<4x1x128xi32, #tpu.memory_space<vmem>> -> memref<1x1x128xi32, #tpu.memory_space<vmem>>
        %dma_start3A_873 = tpu.memref_squeeze %dma_start3A_872 : memref<1x1x128xi32, #tpu.memory_space<vmem>> -> memref<128xi32, #tpu.memory_space<vmem>>
        %dma_start3A_874 = arith.constant 0 : i32
        %dma_start3A_875 = arith.constant 0 : i32
        %dma_start3A_876 = tpu.memref_slice %arg3[%dma_start3A_874, %dma_start3A_875] : memref<1000000x64xf32, #tpu.memory_space<hbm>> -> memref<1000000x64xf32, #tpu.memory_space<hbm>>
        tpu.enqueue_indirect_dma source(%dma_start3A_876 : memref<1000000x64xf32, #tpu.memory_space<hbm>>) target(%dma_start3A_870 : memref<128x64xf32, #tpu.memory_space<vmem>>) offsets(%dma_start3A_873 : memref<128xi32, #tpu.memory_space<vmem>>) semaphore(%arg10 : memref<!tpu.dma_semaphore, #tpu.memory_space<semaphore_mem>>)
      } else {
      }
      %mul3A_525 = arith.constant 128 : i32
      %mul3A_526 = arith.muli %add3A_492, %mul3A_525 : i32
      %rem3A_527 = arith.constant 200 : i32
      %rem3A_528 = arith.remsi %mul3A_526, %rem3A_527 : i32
      %parallel_loop3A_529 = arith.constant 0 : i32
      %parallel_loop3A_530 = arith.constant 64 : i32
      %parallel_loop3A_531 = arith.constant 1 : i32
      scf.for %parallel_loop3A_786 = %parallel_loop3A_529 to %parallel_loop3A_530 step %parallel_loop3A_531  : i32 {
        %parallel_loop3A_787 = arith.constant 2 : i32
        %parallel_loop3A_788 = arith.muli %parallel_loop3A_787, %parallel_loop3A_786 : i32
        %parallel_loop3A_789 = arith.addi %rem3A_528, %parallel_loop3A_788 : i32
        %parallel_loop3A_790 = arith.constant 1 : i32
        %parallel_loop3A_791 = arith.index_cast %parallel_loop3A_790 : i32 to index
        %parallel_loop3A_792 = arith.index_cast %parallel_loop3A_786 : i32 to index
        %parallel_loop3A_793 = arith.constant 0 : index
        %parallel_loop3A_794 = tpu.vector_load %arg7[%parallel_loop3A_791, %parallel_loop3A_792, %parallel_loop3A_793] {strides = array<i32>} : memref<4x128x64xf32, #tpu.memory_space<vmem>>, vector<1x1x16xf32>,
        %parallel_loop3A_795 = vector.shape_cast %parallel_loop3A_794 : vector<1x1x16xf32> to vector<16xf32>
        %parallel_loop3A_796 = arith.constant 8.000000e+00 : f32
        %parallel_loop3A_797 = vector.broadcast %parallel_loop3A_796 : f32 to vector<16xf32>
        %parallel_loop3A_798 = arith.mulf %parallel_loop3A_795, %parallel_loop3A_797 : vector<16xf32>
        %parallel_loop3A_799 = arith.index_cast %parallel_loop3A_789 : i32 to index
        %parallel_loop3A_800 = arith.constant 0 : index
        %parallel_loop3A_801 = tpu.vector_load %arg8[%parallel_loop3A_799, %parallel_loop3A_800] {strides = array<i32>} : memref<328x64xf32, #tpu.memory_space<vmem>>, vector<1x16xf32>,
        %parallel_loop3A_802 = vector.shape_cast %parallel_loop3A_801 : vector<1x16xf32> to vector<16xf32>
        %parallel_loop3A_803 = arith.addf %parallel_loop3A_798, %parallel_loop3A_802 : vector<16xf32>
        %parallel_loop3A_804 = arith.constant 1 : i32
        %parallel_loop3A_805 = arith.index_cast %parallel_loop3A_804 : i32 to index
        %parallel_loop3A_806 = arith.index_cast %parallel_loop3A_786 : i32 to index
        %parallel_loop3A_807 = arith.constant 0 : index
        %parallel_loop3A_808 = tpu.vector_load %arg7[%parallel_loop3A_805, %parallel_loop3A_806, %parallel_loop3A_807] {strides = array<i32>} : memref<4x128x64xf32, #tpu.memory_space<vmem>>, vector<1x1x16xf32>,
        %parallel_loop3A_809 = vector.shape_cast %parallel_loop3A_808 : vector<1x1x16xf32> to vector<16xf32>
        %parallel_loop3A_810 = vector.shape_cast %parallel_loop3A_803 : vector<16xf32> to vector<1x1x16xf32>
        tpu.vector_store %arg7[%parallel_loop3A_805, %parallel_loop3A_806, %parallel_loop3A_807], %parallel_loop3A_810 {strides = array<i32>} : memref<4x128x64xf32, #tpu.memory_space<vmem>>, vector<1x1x16xf32>,
        %parallel_loop3A_811 = arith.constant 1 : i32
        %parallel_loop3A_812 = arith.index_cast %parallel_loop3A_811 : i32 to index
        %parallel_loop3A_813 = arith.index_cast %parallel_loop3A_786 : i32 to index
        %parallel_loop3A_814 = arith.constant 16 : index
        %parallel_loop3A_815 = tpu.vector_load %arg7[%parallel_loop3A_812, %parallel_loop3A_813, %parallel_loop3A_814] {strides = array<i32>} : memref<4x128x64xf32, #tpu.memory_space<vmem>>, vector<1x1x16xf32>,
        %parallel_loop3A_816 = vector.shape_cast %parallel_loop3A_815 : vector<1x1x16xf32> to vector<16xf32>
        %parallel_loop3A_817 = arith.constant 8.000000e+00 : f32
        %parallel_loop3A_818 = vector.broadcast %parallel_loop3A_817 : f32 to vector<16xf32>
        %parallel_loop3A_819 = arith.mulf %parallel_loop3A_816, %parallel_loop3A_818 : vector<16xf32>
        %parallel_loop3A_820 = arith.index_cast %parallel_loop3A_789 : i32 to index
        %parallel_loop3A_821 = arith.constant 16 : index
        %parallel_loop3A_822 = tpu.vector_load %arg8[%parallel_loop3A_820, %parallel_loop3A_821] {strides = array<i32>} : memref<328x64xf32, #tpu.memory_space<vmem>>, vector<1x16xf32>,
        %parallel_loop3A_823 = vector.shape_cast %parallel_loop3A_822 : vector<1x16xf32> to vector<16xf32>
        %parallel_loop3A_824 = arith.addf %parallel_loop3A_819, %parallel_loop3A_823 : vector<16xf32>
        %parallel_loop3A_825 = arith.constant 1 : i32
        %parallel_loop3A_826 = arith.index_cast %parallel_loop3A_825 : i32 to index
        %parallel_loop3A_827 = arith.index_cast %parallel_loop3A_786 : i32 to index
        %parallel_loop3A_828 = arith.constant 16 : index
        %parallel_loop3A_829 = tpu.vector_load %arg7[%parallel_loop3A_826, %parallel_loop3A_827, %parallel_loop3A_828] {strides = array<i32>} : memref<4x128x64xf32, #tpu.memory_space<vmem>>, vector<1x1x16xf32>,
        %parallel_loop3A_830 = vector.shape_cast %parallel_loop3A_829 : vector<1x1x16xf32> to vector<16xf32>
        %parallel_loop3A_831 = vector.shape_cast %parallel_loop3A_824 : vector<16xf32> to vector<1x1x16xf32>
        tpu.vector_store %arg7[%parallel_loop3A_826, %parallel_loop3A_827, %parallel_loop3A_828], %parallel_loop3A_831 {strides = array<i32>} : memref<4x128x64xf32, #tpu.memory_space<vmem>>, vector<1x1x16xf32>,
        %parallel_loop3A_832 = arith.constant 1 : i32
        %parallel_loop3A_833 = arith.index_cast %parallel_loop3A_832 : i32 to index
        %parallel_loop3A_834 = arith.index_cast %parallel_loop3A_786 : i32 to index
        %parallel_loop3A_835 = arith.constant 32 : index
        %parallel_loop3A_836 = tpu.vector_load %arg7[%parallel_loop3A_833, %parallel_loop3A_834, %parallel_loop3A_835] {strides = array<i32>} : memref<4x128x64xf32, #tpu.memory_space<vmem>>, vector<1x1x16xf32>,
        %parallel_loop3A_837 = vector.shape_cast %parallel_loop3A_836 : vector<1x1x16xf32> to vector<16xf32>
        %parallel_loop3A_838 = arith.constant 8.000000e+00 : f32
        %parallel_loop3A_839 = vector.broadcast %parallel_loop3A_838 : f32 to vector<16xf32>
        %parallel_loop3A_840 = arith.mulf %parallel_loop3A_837, %parallel_loop3A_839 : vector<16xf32>
        %parallel_loop3A_841 = arith.index_cast %parallel_loop3A_789 : i32 to index
        %parallel_loop3A_842 = arith.constant 32 : index
        %parallel_loop3A_843 = tpu.vector_load %arg8[%parallel_loop3A_841, %parallel_loop3A_842] {strides = array<i32>} : memref<328x64xf32, #tpu.memory_space<vmem>>, vector<1x16xf32>,
        %parallel_loop3A_844 = vector.shape_cast %parallel_loop3A_843 : vector<1x16xf32> to vector<16xf32>
        %parallel_loop3A_845 = arith.addf %parallel_loop3A_840, %parallel_loop3A_844 : vector<16xf32>
        %parallel_loop3A_846 = arith.constant 1 : i32
        %parallel_loop3A_847 = arith.index_cast %parallel_loop3A_846 : i32 to index
        %parallel_loop3A_848 = arith.index_cast %parallel_loop3A_786 : i32 to index
        %parallel_loop3A_849 = arith.constant 32 : index
        %parallel_loop3A_850 = tpu.vector_load %arg7[%parallel_loop3A_847, %parallel_loop3A_848, %parallel_loop3A_849] {strides = array<i32>} : memref<4x128x64xf32, #tpu.memory_space<vmem>>, vector<1x1x16xf32>,
        %parallel_loop3A_851 = vector.shape_cast %parallel_loop3A_850 : vector<1x1x16xf32> to vector<16xf32>
        %parallel_loop3A_852 = vector.shape_cast %parallel_loop3A_845 : vector<16xf32> to vector<1x1x16xf32>
        tpu.vector_store %arg7[%parallel_loop3A_847, %parallel_loop3A_848, %parallel_loop3A_849], %parallel_loop3A_852 {strides = array<i32>} : memref<4x128x64xf32, #tpu.memory_space<vmem>>, vector<1x1x16xf32>,
        %parallel_loop3A_853 = arith.constant 1 : i32
        %parallel_loop3A_854 = arith.index_cast %parallel_loop3A_853 : i32 to index
        %parallel_loop3A_855 = arith.index_cast %parallel_loop3A_786 : i32 to index
        %parallel_loop3A_856 = arith.constant 48 : index
        %parallel_loop3A_857 = tpu.vector_load %arg7[%parallel_loop3A_854, %parallel_loop3A_855, %parallel_loop3A_856] {strides = array<i32>} : memref<4x128x64xf32, #tpu.memory_space<vmem>>, vector<1x1x16xf32>,
        %parallel_loop3A_858 = vector.shape_cast %parallel_loop3A_857 : vector<1x1x16xf32> to vector<16xf32>
        %parallel_loop3A_859 = arith.constant 8.000000e+00 : f32
        %parallel_loop3A_860 = vector.broadcast %parallel_loop3A_859 : f32 to vector<16xf32>
        %parallel_loop3A_861 = arith.mulf %parallel_loop3A_858, %parallel_loop3A_860 : vector<16xf32>
        %parallel_loop3A_862 = arith.index_cast %parallel_loop3A_789 : i32 to index
        %parallel_loop3A_863 = arith.constant 48 : index
        %parallel_loop3A_864 = tpu.vector_load %arg8[%parallel_loop3A_862, %parallel_loop3A_863] {strides = array<i32>} : memref<328x64xf32, #tpu.memory_space<vmem>>, vector<1x16xf32>,
        %parallel_loop3A_865 = vector.shape_cast %parallel_loop3A_864 : vector<1x16xf32> to vector<16xf32>
        %parallel_loop3A_866 = arith.addf %parallel_loop3A_861, %parallel_loop3A_865 : vector<16xf32>
        %parallel_loop3A_867 = arith.constant 1 : i32
        %parallel_loop3A_868 = arith.index_cast %parallel_loop3A_867 : i32 to index
        %parallel_loop3A_869 = arith.index_cast %parallel_loop3A_786 : i32 to index
        %parallel_loop3A_870 = arith.constant 48 : index
        %parallel_loop3A_871 = tpu.vector_load %arg7[%parallel_loop3A_868, %parallel_loop3A_869, %parallel_loop3A_870] {strides = array<i32>} : memref<4x128x64xf32, #tpu.memory_space<vmem>>, vector<1x1x16xf32>,
        %parallel_loop3A_872 = vector.shape_cast %parallel_loop3A_871 : vector<1x1x16xf32> to vector<16xf32>
        %parallel_loop3A_873 = vector.shape_cast %parallel_loop3A_866 : vector<16xf32> to vector<1x1x16xf32>
        tpu.vector_store %arg7[%parallel_loop3A_868, %parallel_loop3A_869, %parallel_loop3A_870], %parallel_loop3A_873 {strides = array<i32>} : memref<4x128x64xf32, #tpu.memory_space<vmem>>, vector<1x1x16xf32>,
      } {sc.loop_unroll_factor = 4 : i64, sc.parallel_access}
      %parallel_loop3A_532 = arith.constant 64 : i32
      %parallel_loop3A_533 = arith.constant 128 : i32
      %parallel_loop3A_534 = arith.constant 1 : i32
      scf.for %parallel_loop3A_786 = %parallel_loop3A_532 to %parallel_loop3A_533 step %parallel_loop3A_534  : i32 {
        %parallel_loop3A_787 = arith.constant 64 : i32
        %parallel_loop3A_788 = arith.subi %parallel_loop3A_786, %parallel_loop3A_787 : i32
        %parallel_loop3A_789 = arith.constant 2 : i32
        %parallel_loop3A_790 = arith.muli %parallel_loop3A_789, %parallel_loop3A_788 : i32
        %parallel_loop3A_791 = arith.addi %rem3A_528, %parallel_loop3A_790 : i32
        %parallel_loop3A_792 = arith.constant 1 : i32
        %parallel_loop3A_793 = arith.addi %parallel_loop3A_791, %parallel_loop3A_792 : i32
        %parallel_loop3A_794 = arith.constant 1 : i32
        %parallel_loop3A_795 = arith.index_cast %parallel_loop3A_794 : i32 to index
        %parallel_loop3A_796 = arith.index_cast %parallel_loop3A_786 : i32 to index
        %parallel_loop3A_797 = arith.constant 0 : index
        %parallel_loop3A_798 = tpu.vector_load %arg7[%parallel_loop3A_795, %parallel_loop3A_796, %parallel_loop3A_797] {strides = array<i32>} : memref<4x128x64xf32, #tpu.memory_space<vmem>>, vector<1x1x16xf32>,
        %parallel_loop3A_799 = vector.shape_cast %parallel_loop3A_798 : vector<1x1x16xf32> to vector<16xf32>
        %parallel_loop3A_800 = arith.constant 8.000000e+00 : f32
        %parallel_loop3A_801 = vector.broadcast %parallel_loop3A_800 : f32 to vector<16xf32>
        %parallel_loop3A_802 = arith.mulf %parallel_loop3A_799, %parallel_loop3A_801 : vector<16xf32>
        %parallel_loop3A_803 = arith.index_cast %parallel_loop3A_793 : i32 to index
        %parallel_loop3A_804 = arith.constant 0 : index
        %parallel_loop3A_805 = tpu.vector_load %arg8[%parallel_loop3A_803, %parallel_loop3A_804] {strides = array<i32>} : memref<328x64xf32, #tpu.memory_space<vmem>>, vector<1x16xf32>,
        %parallel_loop3A_806 = vector.shape_cast %parallel_loop3A_805 : vector<1x16xf32> to vector<16xf32>
        %parallel_loop3A_807 = arith.addf %parallel_loop3A_802, %parallel_loop3A_806 : vector<16xf32>
        %parallel_loop3A_808 = arith.constant 1 : i32
        %parallel_loop3A_809 = arith.index_cast %parallel_loop3A_808 : i32 to index
        %parallel_loop3A_810 = arith.index_cast %parallel_loop3A_786 : i32 to index
        %parallel_loop3A_811 = arith.constant 0 : index
        %parallel_loop3A_812 = tpu.vector_load %arg7[%parallel_loop3A_809, %parallel_loop3A_810, %parallel_loop3A_811] {strides = array<i32>} : memref<4x128x64xf32, #tpu.memory_space<vmem>>, vector<1x1x16xf32>,
        %parallel_loop3A_813 = vector.shape_cast %parallel_loop3A_812 : vector<1x1x16xf32> to vector<16xf32>
        %parallel_loop3A_814 = vector.shape_cast %parallel_loop3A_807 : vector<16xf32> to vector<1x1x16xf32>
        tpu.vector_store %arg7[%parallel_loop3A_809, %parallel_loop3A_810, %parallel_loop3A_811], %parallel_loop3A_814 {strides = array<i32>} : memref<4x128x64xf32, #tpu.memory_space<vmem>>, vector<1x1x16xf32>,
        %parallel_loop3A_815 = arith.constant 1 : i32
        %parallel_loop3A_816 = arith.index_cast %parallel_loop3A_815 : i32 to index
        %parallel_loop3A_817 = arith.index_cast %parallel_loop3A_786 : i32 to index
        %parallel_loop3A_818 = arith.constant 16 : index
        %parallel_loop3A_819 = tpu.vector_load %arg7[%parallel_loop3A_816, %parallel_loop3A_817, %parallel_loop3A_818] {strides = array<i32>} : memref<4x128x64xf32, #tpu.memory_space<vmem>>, vector<1x1x16xf32>,
        %parallel_loop3A_820 = vector.shape_cast %parallel_loop3A_819 : vector<1x1x16xf32> to vector<16xf32>
        %parallel_loop3A_821 = arith.constant 8.000000e+00 : f32
        %parallel_loop3A_822 = vector.broadcast %parallel_loop3A_821 : f32 to vector<16xf32>
        %parallel_loop3A_823 = arith.mulf %parallel_loop3A_820, %parallel_loop3A_822 : vector<16xf32>
        %parallel_loop3A_824 = arith.index_cast %parallel_loop3A_793 : i32 to index
        %parallel_loop3A_825 = arith.constant 16 : index
        %parallel_loop3A_826 = tpu.vector_load %arg8[%parallel_loop3A_824, %parallel_loop3A_825] {strides = array<i32>} : memref<328x64xf32, #tpu.memory_space<vmem>>, vector<1x16xf32>,
        %parallel_loop3A_827 = vector.shape_cast %parallel_loop3A_826 : vector<1x16xf32> to vector<16xf32>
        %parallel_loop3A_828 = arith.addf %parallel_loop3A_823, %parallel_loop3A_827 : vector<16xf32>
        %parallel_loop3A_829 = arith.constant 1 : i32
        %parallel_loop3A_830 = arith.index_cast %parallel_loop3A_829 : i32 to index
        %parallel_loop3A_831 = arith.index_cast %parallel_loop3A_786 : i32 to index
        %parallel_loop3A_832 = arith.constant 16 : index
        %parallel_loop3A_833 = tpu.vector_load %arg7[%parallel_loop3A_830, %parallel_loop3A_831, %parallel_loop3A_832] {strides = array<i32>} : memref<4x128x64xf32, #tpu.memory_space<vmem>>, vector<1x1x16xf32>,
        %parallel_loop3A_834 = vector.shape_cast %parallel_loop3A_833 : vector<1x1x16xf32> to vector<16xf32>
        %parallel_loop3A_835 = vector.shape_cast %parallel_loop3A_828 : vector<16xf32> to vector<1x1x16xf32>
        tpu.vector_store %arg7[%parallel_loop3A_830, %parallel_loop3A_831, %parallel_loop3A_832], %parallel_loop3A_835 {strides = array<i32>} : memref<4x128x64xf32, #tpu.memory_space<vmem>>, vector<1x1x16xf32>,
        %parallel_loop3A_836 = arith.constant 1 : i32
        %parallel_loop3A_837 = arith.index_cast %parallel_loop3A_836 : i32 to index
        %parallel_loop3A_838 = arith.index_cast %parallel_loop3A_786 : i32 to index
        %parallel_loop3A_839 = arith.constant 32 : index
        %parallel_loop3A_840 = tpu.vector_load %arg7[%parallel_loop3A_837, %parallel_loop3A_838, %parallel_loop3A_839] {strides = array<i32>} : memref<4x128x64xf32, #tpu.memory_space<vmem>>, vector<1x1x16xf32>,
        %parallel_loop3A_841 = vector.shape_cast %parallel_loop3A_840 : vector<1x1x16xf32> to vector<16xf32>
        %parallel_loop3A_842 = arith.constant 8.000000e+00 : f32
        %parallel_loop3A_843 = vector.broadcast %parallel_loop3A_842 : f32 to vector<16xf32>
        %parallel_loop3A_844 = arith.mulf %parallel_loop3A_841, %parallel_loop3A_843 : vector<16xf32>
        %parallel_loop3A_845 = arith.index_cast %parallel_loop3A_793 : i32 to index
        %parallel_loop3A_846 = arith.constant 32 : index
        %parallel_loop3A_847 = tpu.vector_load %arg8[%parallel_loop3A_845, %parallel_loop3A_846] {strides = array<i32>} : memref<328x64xf32, #tpu.memory_space<vmem>>, vector<1x16xf32>,
        %parallel_loop3A_848 = vector.shape_cast %parallel_loop3A_847 : vector<1x16xf32> to vector<16xf32>
        %parallel_loop3A_849 = arith.addf %parallel_loop3A_844, %parallel_loop3A_848 : vector<16xf32>
        %parallel_loop3A_850 = arith.constant 1 : i32
        %parallel_loop3A_851 = arith.index_cast %parallel_loop3A_850 : i32 to index
        %parallel_loop3A_852 = arith.index_cast %parallel_loop3A_786 : i32 to index
        %parallel_loop3A_853 = arith.constant 32 : index
        %parallel_loop3A_854 = tpu.vector_load %arg7[%parallel_loop3A_851, %parallel_loop3A_852, %parallel_loop3A_853] {strides = array<i32>} : memref<4x128x64xf32, #tpu.memory_space<vmem>>, vector<1x1x16xf32>,
        %parallel_loop3A_855 = vector.shape_cast %parallel_loop3A_854 : vector<1x1x16xf32> to vector<16xf32>
        %parallel_loop3A_856 = vector.shape_cast %parallel_loop3A_849 : vector<16xf32> to vector<1x1x16xf32>
        tpu.vector_store %arg7[%parallel_loop3A_851, %parallel_loop3A_852, %parallel_loop3A_853], %parallel_loop3A_856 {strides = array<i32>} : memref<4x128x64xf32, #tpu.memory_space<vmem>>, vector<1x1x16xf32>,
        %parallel_loop3A_857 = arith.constant 1 : i32
        %parallel_loop3A_858 = arith.index_cast %parallel_loop3A_857 : i32 to index
        %parallel_loop3A_859 = arith.index_cast %parallel_loop3A_786 : i32 to index
        %parallel_loop3A_860 = arith.constant 48 : index
        %parallel_loop3A_861 = tpu.vector_load %arg7[%parallel_loop3A_858, %parallel_loop3A_859, %parallel_loop3A_860] {strides = array<i32>} : memref<4x128x64xf32, #tpu.memory_space<vmem>>, vector<1x1x16xf32>,
        %parallel_loop3A_862 = vector.shape_cast %parallel_loop3A_861 : vector<1x1x16xf32> to vector<16xf32>
        %parallel_loop3A_863 = arith.constant 8.000000e+00 : f32
        %parallel_loop3A_864 = vector.broadcast %parallel_loop3A_863 : f32 to vector<16xf32>
        %parallel_loop3A_865 = arith.mulf %parallel_loop3A_862, %parallel_loop3A_864 : vector<16xf32>
        %parallel_loop3A_866 = arith.index_cast %parallel_loop3A_793 : i32 to index
        %parallel_loop3A_867 = arith.constant 48 : index
        %parallel_loop3A_868 = tpu.vector_load %arg8[%parallel_loop3A_866, %parallel_loop3A_867] {strides = array<i32>} : memref<328x64xf32, #tpu.memory_space<vmem>>, vector<1x16xf32>,
        %parallel_loop3A_869 = vector.shape_cast %parallel_loop3A_868 : vector<1x16xf32> to vector<16xf32>
        %parallel_loop3A_870 = arith.addf %parallel_loop3A_865, %parallel_loop3A_869 : vector<16xf32>
        %parallel_loop3A_871 = arith.constant 1 : i32
        %parallel_loop3A_872 = arith.index_cast %parallel_loop3A_871 : i32 to index
        %parallel_loop3A_873 = arith.index_cast %parallel_loop3A_786 : i32 to index
        %parallel_loop3A_874 = arith.constant 48 : index
        %parallel_loop3A_875 = tpu.vector_load %arg7[%parallel_loop3A_872, %parallel_loop3A_873, %parallel_loop3A_874] {strides = array<i32>} : memref<4x128x64xf32, #tpu.memory_space<vmem>>, vector<1x1x16xf32>,
        %parallel_loop3A_876 = vector.shape_cast %parallel_loop3A_875 : vector<1x1x16xf32> to vector<16xf32>
        %parallel_loop3A_877 = vector.shape_cast %parallel_loop3A_870 : vector<16xf32> to vector<1x1x16xf32>
        tpu.vector_store %arg7[%parallel_loop3A_872, %parallel_loop3A_873, %parallel_loop3A_874], %parallel_loop3A_877 {strides = array<i32>} : memref<4x128x64xf32, #tpu.memory_space<vmem>>, vector<1x1x16xf32>,
      } {sc.loop_unroll_factor = 4 : i64, sc.parallel_access}
      %jit3A_535 = arith.constant 2 : i32
      %div3A_536 = arith.divsi %mul3A_2, %jit3A_535 : i32
      %sign3A_537 = arith.constant 0 : i32
      %sign3A_538 = arith.cmpi sgt, %mul3A_2, %sign3A_537 : i32
      %sign3A_539 = arith.extui %sign3A_538 : i1 to i32
      %sign3A_540 = arith.constant 0 : i32
      %sign3A_541 = arith.cmpi slt, %mul3A_2, %sign3A_540 : i32
      %sign3A_542 = arith.extui %sign3A_541 : i1 to i32
      %sign3A_543 = arith.subi %sign3A_539, %sign3A_542 : i32
      %sign3A_544 = arith.constant 0 : i32
      %sign3A_545 = arith.cmpi sgt, %jit3A_535, %sign3A_544 : i32
      %sign3A_546 = arith.extui %sign3A_545 : i1 to i32
      %sign3A_547 = arith.constant 0 : i32
      %sign3A_548 = arith.cmpi slt, %jit3A_535, %sign3A_547 : i32
      %sign3A_549 = arith.extui %sign3A_548 : i1 to i32
      %sign3A_550 = arith.subi %sign3A_546, %sign3A_549 : i32
      %ne3A_551 = arith.cmpi ne, %sign3A_543, %sign3A_550 : i32
      %rem3A_552 = arith.remsi %mul3A_2, %jit3A_535 : i32
      %ne3A_553 = arith.constant 0 : i32
      %ne3A_554 = arith.cmpi ne, %rem3A_552, %ne3A_553 : i32
      %and3A_555 = arith.andi %ne3A_551, %ne3A_554 : i1
      %sub3A_556 = arith.constant 1 : i32
      %sub3A_557 = arith.subi %div3A_536, %sub3A_556 : i32
      %select_n3A_558 = arith.select %and3A_555, %sub3A_557, %div3A_536 : i32
      %mul3A_559 = arith.constant 64 : i32
      %mul3A_560 = arith.muli %add3A_492, %mul3A_559 : i32
      %add3A_561 = arith.addi %select_n3A_558, %mul3A_560 : i32
      %dma_start3A_562 = arith.constant 1 : i32
      %dma_start3A_563 = arith.constant 0 : i32
      %dma_start3A_564 = arith.constant 0 : i32
      %dma_start3A_565 = tpu.memref_slice %arg7[%dma_start3A_562, %dma_start3A_563, %dma_start3A_564] : memref<4x128x64xf32, #tpu.memory_space<vmem>> -> memref<1x64x64xf32, #tpu.memory_space<vmem>>
      %dma_start3A_566 = tpu.memref_squeeze %dma_start3A_565 : memref<1x64x64xf32, #tpu.memory_space<vmem>> -> memref<64x64xf32, #tpu.memory_space<vmem>>
      %dma_start3A_567 = arith.constant 0 : i32
      %dma_start3A_568 = tpu.memref_slice %arg5[%add3A_561, %dma_start3A_567] : memref<409600x128xf32, #tpu.memory_space<hbm>> -> memref<64x64xf32, #tpu.memory_space<hbm>>
      %dma_start3A_569 = arith.constant 0 : i32
      %dma_start3A_570 = tpu.memref_slice %arg5[%add3A_561, %dma_start3A_569] : memref<409600x128xf32, #tpu.memory_space<hbm>> -> memref<64x64xf32, #tpu.memory_space<hbm>>
      %dma_start3A_571 = arith.constant 0 : i32
      %dma_start3A_572 = arith.constant 0 : i32
      %dma_start3A_573 = tpu.memref_slice %arg7[%dma_start3A_562, %dma_start3A_571, %dma_start3A_572] : memref<4x128x64xf32, #tpu.memory_space<vmem>> -> memref<1x64x64xf32, #tpu.memory_space<vmem>>
      %dma_start3A_574 = tpu.memref_squeeze %dma_start3A_573 : memref<1x64x64xf32, #tpu.memory_space<vmem>> -> memref<64x64xf32, #tpu.memory_space<vmem>>
      tpu.enqueue_dma source(%dma_start3A_574 : memref<64x64xf32, #tpu.memory_space<vmem>>) target(%dma_start3A_570 : memref<64x64xf32, #tpu.memory_space<hbm>>) target_semaphore(%arg11 : memref<!tpu.dma_semaphore, #tpu.memory_space<semaphore_mem>>)
      %dma_start3A_575 = arith.constant 1 : i32
      %dma_start3A_576 = arith.constant 64 : i32
      %dma_start3A_577 = arith.constant 0 : i32
      %dma_start3A_578 = tpu.memref_slice %arg7[%dma_start3A_575, %dma_start3A_576, %dma_start3A_577] : memref<4x128x64xf32, #tpu.memory_space<vmem>> -> memref<1x64x64xf32, #tpu.memory_space<vmem>>
      %dma_start3A_579 = tpu.memref_squeeze %dma_start3A_578 : memref<1x64x64xf32, #tpu.memory_space<vmem>> -> memref<64x64xf32, #tpu.memory_space<vmem>>
      %dma_start3A_580 = arith.constant 64 : i32
      %dma_start3A_581 = tpu.memref_slice %arg5[%add3A_561, %dma_start3A_580] : memref<409600x128xf32, #tpu.memory_space<hbm>> -> memref<64x64xf32, #tpu.memory_space<hbm>>
      %dma_start3A_582 = arith.constant 64 : i32
      %dma_start3A_583 = tpu.memref_slice %arg5[%add3A_561, %dma_start3A_582] : memref<409600x128xf32, #tpu.memory_space<hbm>> -> memref<64x64xf32, #tpu.memory_space<hbm>>
      %dma_start3A_584 = arith.constant 64 : i32
      %dma_start3A_585 = arith.constant 0 : i32
      %dma_start3A_586 = tpu.memref_slice %arg7[%dma_start3A_575, %dma_start3A_584, %dma_start3A_585] : memref<4x128x64xf32, #tpu.memory_space<vmem>> -> memref<1x64x64xf32, #tpu.memory_space<vmem>>
      %dma_start3A_587 = tpu.memref_squeeze %dma_start3A_586 : memref<1x64x64xf32, #tpu.memory_space<vmem>> -> memref<64x64xf32, #tpu.memory_space<vmem>>
      tpu.enqueue_dma source(%dma_start3A_587 : memref<64x64xf32, #tpu.memory_space<vmem>>) target(%dma_start3A_583 : memref<64x64xf32, #tpu.memory_space<hbm>>) target_semaphore(%arg11 : memref<!tpu.dma_semaphore, #tpu.memory_space<semaphore_mem>>)
      %mul3A_588 = arith.constant 4 : i32
      %mul3A_589 = arith.muli %scan3A_394, %mul3A_588 : i32
      %add3A_590 = arith.constant 2 : i32
      %add3A_591 = arith.addi %mul3A_589, %add3A_590 : i32
      %dma_wait3A_592 = arith.constant 2 : i32
      %dma_wait3A_593 = arith.constant 0 : i32
      %dma_wait3A_594 = arith.constant 2 : i32
      %dma_wait3A_595 = arith.constant 0 : i32
      %dma_wait3A_596 = arith.constant 0 : i32
      %dma_wait3A_597 = tpu.memref_slice %arg7[%dma_wait3A_594, %dma_wait3A_595, %dma_wait3A_596] : memref<4x128x64xf32, #tpu.memory_space<vmem>> -> memref<1x128x64xf32, #tpu.memory_space<vmem>>
      %dma_wait3A_598 = tpu.memref_squeeze %dma_wait3A_597 : memref<1x128x64xf32, #tpu.memory_space<vmem>> -> memref<128x64xf32, #tpu.memory_space<vmem>>
      %dma_wait3A_599 = arith.constant 0 : i32
      %dma_wait3A_600 = tpu.memref_slice %arg6[%dma_wait3A_592, %dma_wait3A_593, %dma_wait3A_599] : memref<4x1x128xi32, #tpu.memory_space<vmem>> -> memref<1x1x128xi32, #tpu.memory_space<vmem>>
      %dma_wait3A_601 = tpu.memref_squeeze %dma_wait3A_600 : memref<1x1x128xi32, #tpu.memory_space<vmem>> -> memref<128xi32, #tpu.memory_space<vmem>>
      %dma_wait3A_602 = arith.constant 0 : i32
      %dma_wait3A_603 = arith.constant 0 : i32
      %dma_wait3A_604 = tpu.memref_slice %arg3[%dma_wait3A_602, %dma_wait3A_603] : memref<1000000x64xf32, #tpu.memory_space<hbm>> -> memref<1000000x64xf32, #tpu.memory_space<hbm>>
      tpu.wait_indirect_dma semaphore(%arg10 : memref<!tpu.dma_semaphore, #tpu.memory_space<semaphore_mem>>) src(%dma_wait3A_604 : memref<1000000x64xf32, #tpu.memory_space<hbm>>) dst(%dma_wait3A_598 : memref<128x64xf32, #tpu.memory_space<vmem>>)
      %add3A_605 = arith.constant 4 : i32
      %add3A_606 = arith.addi %add3A_591, %add3A_605 : i32
      %lt3A_607 = arith.constant 200 : i32
      %lt3A_608 = arith.cmpi slt, %add3A_606, %lt3A_607 : i32
      %convert_element_type3A_609 = arith.extui %lt3A_608 : i1 to i32
      %cond3A_610 = arith.constant 0 : i32
      %cond3A_611 = arith.cmpi ne, %convert_element_type3A_609, %cond3A_610 : i32
      scf.if %cond3A_611 {
        %add3A_786 = arith.constant 4 : i32
        %add3A_787 = arith.addi %add3A_591, %add3A_786 : i32
        %dma_start3A_788 = arith.constant 2 : i32
        %dma_start3A_789 = arith.constant 0 : i32
        %dma_start3A_790 = arith.constant 0 : i32
        %dma_start3A_791 = tpu.memref_slice %arg6[%dma_start3A_788, %dma_start3A_789, %dma_start3A_790] : memref<4x1x128xi32, #tpu.memory_space<vmem>> -> memref<1x1x128xi32, #tpu.memory_space<vmem>>
        %dma_start3A_792 = tpu.memref_squeeze %dma_start3A_791 : memref<1x1x128xi32, #tpu.memory_space<vmem>> -> memref<1x128xi32, #tpu.memory_space<vmem>>
        %dma_start3A_793 = arith.constant 0 : i32
        %dma_start3A_794 = tpu.memref_slice %arg2[%add3A, %add3A_787, %dma_start3A_793] : memref<32x200x128xi32, #tpu.memory_space<hbm>> -> memref<1x1x128xi32, #tpu.memory_space<hbm>>
        %dma_start3A_795 = tpu.memref_squeeze %dma_start3A_794 : memref<1x1x128xi32, #tpu.memory_space<hbm>> -> memref<1x128xi32, #tpu.memory_space<hbm>>
        %dma_start3A_796 = arith.constant 0 : i32
        %dma_start3A_797 = arith.constant 0 : i32
        %dma_start3A_798 = tpu.memref_slice %arg6[%dma_start3A_788, %dma_start3A_796, %dma_start3A_797] : memref<4x1x128xi32, #tpu.memory_space<vmem>> -> memref<1x1x128xi32, #tpu.memory_space<vmem>>
        %dma_start3A_799 = tpu.memref_squeeze %dma_start3A_798 : memref<1x1x128xi32, #tpu.memory_space<vmem>> -> memref<1x128xi32, #tpu.memory_space<vmem>>
        %dma_start3A_800 = arith.constant 0 : i32
        %dma_start3A_801 = tpu.memref_slice %arg2[%add3A, %add3A_787, %dma_start3A_800] : memref<32x200x128xi32, #tpu.memory_space<hbm>> -> memref<1x1x128xi32, #tpu.memory_space<hbm>>
        %dma_start3A_802 = tpu.memref_squeeze %dma_start3A_801 : memref<1x1x128xi32, #tpu.memory_space<hbm>> -> memref<1x128xi32, #tpu.memory_space<hbm>>
        tpu.enqueue_dma source(%dma_start3A_802 : memref<1x128xi32, #tpu.memory_space<hbm>>) target(%dma_start3A_799 : memref<1x128xi32, #tpu.memory_space<vmem>>) target_semaphore(%arg9 : memref<!tpu.dma_semaphore, #tpu.memory_space<semaphore_mem>>)
      } else {
      }
      %gt3A_612 = arith.constant 0 : i32
      %gt3A_613 = arith.cmpi sgt, %add3A_591, %gt3A_612 : i32
      %add3A_614 = arith.constant 4 : i32
      %add3A_615 = arith.addi %add3A_591, %add3A_614 : i32
      %sub3A_616 = arith.constant 1 : i32
      %sub3A_617 = arith.subi %add3A_615, %sub3A_616 : i32
      %lt3A_618 = arith.constant 200 : i32
      %lt3A_619 = arith.cmpi slt, %sub3A_617, %lt3A_618 : i32
      %and3A_620 = arith.andi %gt3A_613, %lt3A_619 : i1
      %convert_element_type3A_621 = arith.extui %and3A_620 : i1 to i32
      %cond3A_622 = arith.constant 0 : i32
      %cond3A_623 = arith.cmpi ne, %convert_element_type3A_621, %cond3A_622 : i32
      scf.if %cond3A_623 {
        %sub3A_786 = arith.constant 1 : i32
        %sub3A_787 = arith.subi %add3A_591, %sub3A_786 : i32
        %jit3A_788 = arith.constant 2 : i32
        %div3A_789 = arith.divsi %mul3A_2, %jit3A_788 : i32
        %sign3A_790 = arith.constant 0 : i32
        %sign3A_791 = arith.cmpi sgt, %mul3A_2, %sign3A_790 : i32
        %sign3A_792 = arith.extui %sign3A_791 : i1 to i32
        %sign3A_793 = arith.constant 0 : i32
        %sign3A_794 = arith.cmpi slt, %mul3A_2, %sign3A_793 : i32
        %sign3A_795 = arith.extui %sign3A_794 : i1 to i32
        %sign3A_796 = arith.subi %sign3A_792, %sign3A_795 : i32
        %sign3A_797 = arith.constant 0 : i32
        %sign3A_798 = arith.cmpi sgt, %jit3A_788, %sign3A_797 : i32
        %sign3A_799 = arith.extui %sign3A_798 : i1 to i32
        %sign3A_800 = arith.constant 0 : i32
        %sign3A_801 = arith.cmpi slt, %jit3A_788, %sign3A_800 : i32
        %sign3A_802 = arith.extui %sign3A_801 : i1 to i32
        %sign3A_803 = arith.subi %sign3A_799, %sign3A_802 : i32
        %ne3A_804 = arith.cmpi ne, %sign3A_796, %sign3A_803 : i32
        %rem3A_805 = arith.remsi %mul3A_2, %jit3A_788 : i32
        %ne3A_806 = arith.constant 0 : i32
        %ne3A_807 = arith.cmpi ne, %rem3A_805, %ne3A_806 : i32
        %and3A_808 = arith.andi %ne3A_804, %ne3A_807 : i1
        %sub3A_809 = arith.constant 1 : i32
        %sub3A_810 = arith.subi %div3A_789, %sub3A_809 : i32
        %select_n3A_811 = arith.select %and3A_808, %sub3A_810, %div3A_789 : i32
        %mul3A_812 = arith.constant 64 : i32
        %mul3A_813 = arith.muli %sub3A_787, %mul3A_812 : i32
        %add3A_814 = arith.addi %select_n3A_811, %mul3A_813 : i32
        %dma_wait3A_815 = arith.constant 1 : i32
        %dma_wait3A_816 = arith.constant 0 : i32
        %dma_wait3A_817 = arith.constant 0 : i32
        %dma_wait3A_818 = tpu.memref_slice %arg7[%dma_wait3A_815, %dma_wait3A_816, %dma_wait3A_817] : memref<4x128x64xf32, #tpu.memory_space<vmem>> -> memref<1x64x64xf32, #tpu.memory_space<vmem>>
        %dma_wait3A_819 = tpu.memref_squeeze %dma_wait3A_818 : memref<1x64x64xf32, #tpu.memory_space<vmem>> -> memref<64x64xf32, #tpu.memory_space<vmem>>
        %dma_wait3A_820 = arith.constant 0 : i32
        %dma_wait3A_821 = tpu.memref_slice %arg5[%add3A_814, %dma_wait3A_820] : memref<409600x128xf32, #tpu.memory_space<hbm>> -> memref<64x64xf32, #tpu.memory_space<hbm>>
        %dma_wait3A_822 = arith.constant 0 : i32
        %dma_wait3A_823 = tpu.memref_slice %arg5[%add3A_814, %dma_wait3A_822] : memref<409600x128xf32, #tpu.memory_space<hbm>> -> memref<64x64xf32, #tpu.memory_space<hbm>>
        %dma_wait3A_824 = arith.constant 0 : i32
        %dma_wait3A_825 = arith.constant 0 : i32
        %dma_wait3A_826 = tpu.memref_slice %arg7[%dma_wait3A_815, %dma_wait3A_824, %dma_wait3A_825] : memref<4x128x64xf32, #tpu.memory_space<vmem>> -> memref<1x64x64xf32, #tpu.memory_space<vmem>>
        %dma_wait3A_827 = tpu.memref_squeeze %dma_wait3A_826 : memref<1x64x64xf32, #tpu.memory_space<vmem>> -> memref<64x64xf32, #tpu.memory_space<vmem>>
        tpu.wait_dma2 semaphore(%arg11 : memref<!tpu.dma_semaphore, #tpu.memory_space<semaphore_mem>>) src(%dma_wait3A_827 : memref<64x64xf32, #tpu.memory_space<vmem>>) dst(%dma_wait3A_823 : memref<64x64xf32, #tpu.memory_space<hbm>>)
        %dma_wait3A_828 = arith.constant 1 : i32
        %dma_wait3A_829 = arith.constant 64 : i32
        %dma_wait3A_830 = arith.constant 0 : i32
        %dma_wait3A_831 = tpu.memref_slice %arg7[%dma_wait3A_828, %dma_wait3A_829, %dma_wait3A_830] : memref<4x128x64xf32, #tpu.memory_space<vmem>> -> memref<1x64x64xf32, #tpu.memory_space<vmem>>
        %dma_wait3A_832 = tpu.memref_squeeze %dma_wait3A_831 : memref<1x64x64xf32, #tpu.memory_space<vmem>> -> memref<64x64xf32, #tpu.memory_space<vmem>>
        %dma_wait3A_833 = arith.constant 64 : i32
        %dma_wait3A_834 = tpu.memref_slice %arg5[%add3A_814, %dma_wait3A_833] : memref<409600x128xf32, #tpu.memory_space<hbm>> -> memref<64x64xf32, #tpu.memory_space<hbm>>
        %dma_wait3A_835 = arith.constant 64 : i32
        %dma_wait3A_836 = tpu.memref_slice %arg5[%add3A_814, %dma_wait3A_835] : memref<409600x128xf32, #tpu.memory_space<hbm>> -> memref<64x64xf32, #tpu.memory_space<hbm>>
        %dma_wait3A_837 = arith.constant 64 : i32
        %dma_wait3A_838 = arith.constant 0 : i32
        %dma_wait3A_839 = tpu.memref_slice %arg7[%dma_wait3A_828, %dma_wait3A_837, %dma_wait3A_838] : memref<4x128x64xf32, #tpu.memory_space<vmem>> -> memref<1x64x64xf32, #tpu.memory_space<vmem>>
        %dma_wait3A_840 = tpu.memref_squeeze %dma_wait3A_839 : memref<1x64x64xf32, #tpu.memory_space<vmem>> -> memref<64x64xf32, #tpu.memory_space<vmem>>
        tpu.wait_dma2 semaphore(%arg11 : memref<!tpu.dma_semaphore, #tpu.memory_space<semaphore_mem>>) src(%dma_wait3A_840 : memref<64x64xf32, #tpu.memory_space<vmem>>) dst(%dma_wait3A_836 : memref<64x64xf32, #tpu.memory_space<hbm>>)
        %add3A_841 = arith.constant 4 : i32
        %add3A_842 = arith.addi %add3A_591, %add3A_841 : i32
        %sub3A_843 = arith.constant 1 : i32
        %sub3A_844 = arith.subi %add3A_842, %sub3A_843 : i32
        %dma_wait3A_845 = arith.constant 1 : i32
        %dma_wait3A_846 = arith.constant 0 : i32
        %dma_wait3A_847 = arith.constant 0 : i32
        %dma_wait3A_848 = tpu.memref_slice %arg6[%dma_wait3A_845, %dma_wait3A_846, %dma_wait3A_847] : memref<4x1x128xi32, #tpu.memory_space<vmem>> -> memref<1x1x128xi32, #tpu.memory_space<vmem>>
        %dma_wait3A_849 = tpu.memref_squeeze %dma_wait3A_848 : memref<1x1x128xi32, #tpu.memory_space<vmem>> -> memref<1x128xi32, #tpu.memory_space<vmem>>
        %dma_wait3A_850 = arith.constant 0 : i32
        %dma_wait3A_851 = tpu.memref_slice %arg2[%add3A, %sub3A_844, %dma_wait3A_850] : memref<32x200x128xi32, #tpu.memory_space<hbm>> -> memref<1x1x128xi32, #tpu.memory_space<hbm>>
        %dma_wait3A_852 = tpu.memref_squeeze %dma_wait3A_851 : memref<1x1x128xi32, #tpu.memory_space<hbm>> -> memref<1x128xi32, #tpu.memory_space<hbm>>
        %dma_wait3A_853 = arith.constant 0 : i32
        %dma_wait3A_854 = arith.constant 0 : i32
        %dma_wait3A_855 = tpu.memref_slice %arg6[%dma_wait3A_845, %dma_wait3A_853, %dma_wait3A_854] : memref<4x1x128xi32, #tpu.memory_space<vmem>> -> memref<1x1x128xi32, #tpu.memory_space<vmem>>
        %dma_wait3A_856 = tpu.memref_squeeze %dma_wait3A_855 : memref<1x1x128xi32, #tpu.memory_space<vmem>> -> memref<1x128xi32, #tpu.memory_space<vmem>>
        %dma_wait3A_857 = arith.constant 0 : i32
        %dma_wait3A_858 = tpu.memref_slice %arg2[%add3A, %sub3A_844, %dma_wait3A_857] : memref<32x200x128xi32, #tpu.memory_space<hbm>> -> memref<1x1x128xi32, #tpu.memory_space<hbm>>
        %dma_wait3A_859 = tpu.memref_squeeze %dma_wait3A_858 : memref<1x1x128xi32, #tpu.memory_space<hbm>> -> memref<1x128xi32, #tpu.memory_space<hbm>>
        tpu.wait_dma2 semaphore(%arg9 : memref<!tpu.dma_semaphore, #tpu.memory_space<semaphore_mem>>) src(%dma_wait3A_859 : memref<1x128xi32, #tpu.memory_space<hbm>>) dst(%dma_wait3A_856 : memref<1x128xi32, #tpu.memory_space<vmem>>)
        %add3A_860 = arith.constant 4 : i32
        %add3A_861 = arith.addi %add3A_591, %add3A_860 : i32
        %sub3A_862 = arith.constant 1 : i32
        %sub3A_863 = arith.subi %add3A_861, %sub3A_862 : i32
        %dma_start3A_864 = arith.constant 1 : i32
        %dma_start3A_865 = arith.constant 0 : i32
        %dma_start3A_866 = arith.constant 1 : i32
        %dma_start3A_867 = arith.constant 0 : i32
        %dma_start3A_868 = arith.constant 0 : i32
        %dma_start3A_869 = tpu.memref_slice %arg7[%dma_start3A_866, %dma_start3A_867, %dma_start3A_868] : memref<4x128x64xf32, #tpu.memory_space<vmem>> -> memref<1x128x64xf32, #tpu.memory_space<vmem>>
        %dma_start3A_870 = tpu.memref_squeeze %dma_start3A_869 : memref<1x128x64xf32, #tpu.memory_space<vmem>> -> memref<128x64xf32, #tpu.memory_space<vmem>>
        %dma_start3A_871 = arith.constant 0 : i32
        %dma_start3A_872 = tpu.memref_slice %arg6[%dma_start3A_864, %dma_start3A_865, %dma_start3A_871] : memref<4x1x128xi32, #tpu.memory_space<vmem>> -> memref<1x1x128xi32, #tpu.memory_space<vmem>>
        %dma_start3A_873 = tpu.memref_squeeze %dma_start3A_872 : memref<1x1x128xi32, #tpu.memory_space<vmem>> -> memref<128xi32, #tpu.memory_space<vmem>>
        %dma_start3A_874 = arith.constant 0 : i32
        %dma_start3A_875 = arith.constant 0 : i32
        %dma_start3A_876 = tpu.memref_slice %arg3[%dma_start3A_874, %dma_start3A_875] : memref<1000000x64xf32, #tpu.memory_space<hbm>> -> memref<1000000x64xf32, #tpu.memory_space<hbm>>
        tpu.enqueue_indirect_dma source(%dma_start3A_876 : memref<1000000x64xf32, #tpu.memory_space<hbm>>) target(%dma_start3A_870 : memref<128x64xf32, #tpu.memory_space<vmem>>) offsets(%dma_start3A_873 : memref<128xi32, #tpu.memory_space<vmem>>) semaphore(%arg10 : memref<!tpu.dma_semaphore, #tpu.memory_space<semaphore_mem>>)
      } else {
      }
      %mul3A_624 = arith.constant 128 : i32
      %mul3A_625 = arith.muli %add3A_591, %mul3A_624 : i32
      %rem3A_626 = arith.constant 200 : i32
      %rem3A_627 = arith.remsi %mul3A_625, %rem3A_626 : i32
      %parallel_loop3A_628 = arith.constant 0 : i32
      %parallel_loop3A_629 = arith.constant 64 : i32
      %parallel_loop3A_630 = arith.constant 1 : i32
      scf.for %parallel_loop3A_786 = %parallel_loop3A_628 to %parallel_loop3A_629 step %parallel_loop3A_630  : i32 {
        %parallel_loop3A_787 = arith.constant 2 : i32
        %parallel_loop3A_788 = arith.muli %parallel_loop3A_787, %parallel_loop3A_786 : i32
        %parallel_loop3A_789 = arith.addi %rem3A_627, %parallel_loop3A_788 : i32
        %parallel_loop3A_790 = arith.constant 2 : i32
        %parallel_loop3A_791 = arith.index_cast %parallel_loop3A_790 : i32 to index
        %parallel_loop3A_792 = arith.index_cast %parallel_loop3A_786 : i32 to index
        %parallel_loop3A_793 = arith.constant 0 : index
        %parallel_loop3A_794 = tpu.vector_load %arg7[%parallel_loop3A_791, %parallel_loop3A_792, %parallel_loop3A_793] {strides = array<i32>} : memref<4x128x64xf32, #tpu.memory_space<vmem>>, vector<1x1x16xf32>,
        %parallel_loop3A_795 = vector.shape_cast %parallel_loop3A_794 : vector<1x1x16xf32> to vector<16xf32>
        %parallel_loop3A_796 = arith.constant 8.000000e+00 : f32
        %parallel_loop3A_797 = vector.broadcast %parallel_loop3A_796 : f32 to vector<16xf32>
        %parallel_loop3A_798 = arith.mulf %parallel_loop3A_795, %parallel_loop3A_797 : vector<16xf32>
        %parallel_loop3A_799 = arith.index_cast %parallel_loop3A_789 : i32 to index
        %parallel_loop3A_800 = arith.constant 0 : index
        %parallel_loop3A_801 = tpu.vector_load %arg8[%parallel_loop3A_799, %parallel_loop3A_800] {strides = array<i32>} : memref<328x64xf32, #tpu.memory_space<vmem>>, vector<1x16xf32>,
        %parallel_loop3A_802 = vector.shape_cast %parallel_loop3A_801 : vector<1x16xf32> to vector<16xf32>
        %parallel_loop3A_803 = arith.addf %parallel_loop3A_798, %parallel_loop3A_802 : vector<16xf32>
        %parallel_loop3A_804 = arith.constant 2 : i32
        %parallel_loop3A_805 = arith.index_cast %parallel_loop3A_804 : i32 to index
        %parallel_loop3A_806 = arith.index_cast %parallel_loop3A_786 : i32 to index
        %parallel_loop3A_807 = arith.constant 0 : index
        %parallel_loop3A_808 = tpu.vector_load %arg7[%parallel_loop3A_805, %parallel_loop3A_806, %parallel_loop3A_807] {strides = array<i32>} : memref<4x128x64xf32, #tpu.memory_space<vmem>>, vector<1x1x16xf32>,
        %parallel_loop3A_809 = vector.shape_cast %parallel_loop3A_808 : vector<1x1x16xf32> to vector<16xf32>
        %parallel_loop3A_810 = vector.shape_cast %parallel_loop3A_803 : vector<16xf32> to vector<1x1x16xf32>
        tpu.vector_store %arg7[%parallel_loop3A_805, %parallel_loop3A_806, %parallel_loop3A_807], %parallel_loop3A_810 {strides = array<i32>} : memref<4x128x64xf32, #tpu.memory_space<vmem>>, vector<1x1x16xf32>,
        %parallel_loop3A_811 = arith.constant 2 : i32
        %parallel_loop3A_812 = arith.index_cast %parallel_loop3A_811 : i32 to index
        %parallel_loop3A_813 = arith.index_cast %parallel_loop3A_786 : i32 to index
        %parallel_loop3A_814 = arith.constant 16 : index
        %parallel_loop3A_815 = tpu.vector_load %arg7[%parallel_loop3A_812, %parallel_loop3A_813, %parallel_loop3A_814] {strides = array<i32>} : memref<4x128x64xf32, #tpu.memory_space<vmem>>, vector<1x1x16xf32>,
        %parallel_loop3A_816 = vector.shape_cast %parallel_loop3A_815 : vector<1x1x16xf32> to vector<16xf32>
        %parallel_loop3A_817 = arith.constant 8.000000e+00 : f32
        %parallel_loop3A_818 = vector.broadcast %parallel_loop3A_817 : f32 to vector<16xf32>
        %parallel_loop3A_819 = arith.mulf %parallel_loop3A_816, %parallel_loop3A_818 : vector<16xf32>
        %parallel_loop3A_820 = arith.index_cast %parallel_loop3A_789 : i32 to index
        %parallel_loop3A_821 = arith.constant 16 : index
        %parallel_loop3A_822 = tpu.vector_load %arg8[%parallel_loop3A_820, %parallel_loop3A_821] {strides = array<i32>} : memref<328x64xf32, #tpu.memory_space<vmem>>, vector<1x16xf32>,
        %parallel_loop3A_823 = vector.shape_cast %parallel_loop3A_822 : vector<1x16xf32> to vector<16xf32>
        %parallel_loop3A_824 = arith.addf %parallel_loop3A_819, %parallel_loop3A_823 : vector<16xf32>
        %parallel_loop3A_825 = arith.constant 2 : i32
        %parallel_loop3A_826 = arith.index_cast %parallel_loop3A_825 : i32 to index
        %parallel_loop3A_827 = arith.index_cast %parallel_loop3A_786 : i32 to index
        %parallel_loop3A_828 = arith.constant 16 : index
        %parallel_loop3A_829 = tpu.vector_load %arg7[%parallel_loop3A_826, %parallel_loop3A_827, %parallel_loop3A_828] {strides = array<i32>} : memref<4x128x64xf32, #tpu.memory_space<vmem>>, vector<1x1x16xf32>,
        %parallel_loop3A_830 = vector.shape_cast %parallel_loop3A_829 : vector<1x1x16xf32> to vector<16xf32>
        %parallel_loop3A_831 = vector.shape_cast %parallel_loop3A_824 : vector<16xf32> to vector<1x1x16xf32>
        tpu.vector_store %arg7[%parallel_loop3A_826, %parallel_loop3A_827, %parallel_loop3A_828], %parallel_loop3A_831 {strides = array<i32>} : memref<4x128x64xf32, #tpu.memory_space<vmem>>, vector<1x1x16xf32>,
        %parallel_loop3A_832 = arith.constant 2 : i32
        %parallel_loop3A_833 = arith.index_cast %parallel_loop3A_832 : i32 to index
        %parallel_loop3A_834 = arith.index_cast %parallel_loop3A_786 : i32 to index
        %parallel_loop3A_835 = arith.constant 32 : index
        %parallel_loop3A_836 = tpu.vector_load %arg7[%parallel_loop3A_833, %parallel_loop3A_834, %parallel_loop3A_835] {strides = array<i32>} : memref<4x128x64xf32, #tpu.memory_space<vmem>>, vector<1x1x16xf32>,
        %parallel_loop3A_837 = vector.shape_cast %parallel_loop3A_836 : vector<1x1x16xf32> to vector<16xf32>
        %parallel_loop3A_838 = arith.constant 8.000000e+00 : f32
        %parallel_loop3A_839 = vector.broadcast %parallel_loop3A_838 : f32 to vector<16xf32>
        %parallel_loop3A_840 = arith.mulf %parallel_loop3A_837, %parallel_loop3A_839 : vector<16xf32>
        %parallel_loop3A_841 = arith.index_cast %parallel_loop3A_789 : i32 to index
        %parallel_loop3A_842 = arith.constant 32 : index
        %parallel_loop3A_843 = tpu.vector_load %arg8[%parallel_loop3A_841, %parallel_loop3A_842] {strides = array<i32>} : memref<328x64xf32, #tpu.memory_space<vmem>>, vector<1x16xf32>,
        %parallel_loop3A_844 = vector.shape_cast %parallel_loop3A_843 : vector<1x16xf32> to vector<16xf32>
        %parallel_loop3A_845 = arith.addf %parallel_loop3A_840, %parallel_loop3A_844 : vector<16xf32>
        %parallel_loop3A_846 = arith.constant 2 : i32
        %parallel_loop3A_847 = arith.index_cast %parallel_loop3A_846 : i32 to index
        %parallel_loop3A_848 = arith.index_cast %parallel_loop3A_786 : i32 to index
        %parallel_loop3A_849 = arith.constant 32 : index
        %parallel_loop3A_850 = tpu.vector_load %arg7[%parallel_loop3A_847, %parallel_loop3A_848, %parallel_loop3A_849] {strides = array<i32>} : memref<4x128x64xf32, #tpu.memory_space<vmem>>, vector<1x1x16xf32>,
        %parallel_loop3A_851 = vector.shape_cast %parallel_loop3A_850 : vector<1x1x16xf32> to vector<16xf32>
        %parallel_loop3A_852 = vector.shape_cast %parallel_loop3A_845 : vector<16xf32> to vector<1x1x16xf32>
        tpu.vector_store %arg7[%parallel_loop3A_847, %parallel_loop3A_848, %parallel_loop3A_849], %parallel_loop3A_852 {strides = array<i32>} : memref<4x128x64xf32, #tpu.memory_space<vmem>>, vector<1x1x16xf32>,
        %parallel_loop3A_853 = arith.constant 2 : i32
        %parallel_loop3A_854 = arith.index_cast %parallel_loop3A_853 : i32 to index
        %parallel_loop3A_855 = arith.index_cast %parallel_loop3A_786 : i32 to index
        %parallel_loop3A_856 = arith.constant 48 : index
        %parallel_loop3A_857 = tpu.vector_load %arg7[%parallel_loop3A_854, %parallel_loop3A_855, %parallel_loop3A_856] {strides = array<i32>} : memref<4x128x64xf32, #tpu.memory_space<vmem>>, vector<1x1x16xf32>,
        %parallel_loop3A_858 = vector.shape_cast %parallel_loop3A_857 : vector<1x1x16xf32> to vector<16xf32>
        %parallel_loop3A_859 = arith.constant 8.000000e+00 : f32
        %parallel_loop3A_860 = vector.broadcast %parallel_loop3A_859 : f32 to vector<16xf32>
        %parallel_loop3A_861 = arith.mulf %parallel_loop3A_858, %parallel_loop3A_860 : vector<16xf32>
        %parallel_loop3A_862 = arith.index_cast %parallel_loop3A_789 : i32 to index
        %parallel_loop3A_863 = arith.constant 48 : index
        %parallel_loop3A_864 = tpu.vector_load %arg8[%parallel_loop3A_862, %parallel_loop3A_863] {strides = array<i32>} : memref<328x64xf32, #tpu.memory_space<vmem>>, vector<1x16xf32>,
        %parallel_loop3A_865 = vector.shape_cast %parallel_loop3A_864 : vector<1x16xf32> to vector<16xf32>
        %parallel_loop3A_866 = arith.addf %parallel_loop3A_861, %parallel_loop3A_865 : vector<16xf32>
        %parallel_loop3A_867 = arith.constant 2 : i32
        %parallel_loop3A_868 = arith.index_cast %parallel_loop3A_867 : i32 to index
        %parallel_loop3A_869 = arith.index_cast %parallel_loop3A_786 : i32 to index
        %parallel_loop3A_870 = arith.constant 48 : index
        %parallel_loop3A_871 = tpu.vector_load %arg7[%parallel_loop3A_868, %parallel_loop3A_869, %parallel_loop3A_870] {strides = array<i32>} : memref<4x128x64xf32, #tpu.memory_space<vmem>>, vector<1x1x16xf32>,
        %parallel_loop3A_872 = vector.shape_cast %parallel_loop3A_871 : vector<1x1x16xf32> to vector<16xf32>
        %parallel_loop3A_873 = vector.shape_cast %parallel_loop3A_866 : vector<16xf32> to vector<1x1x16xf32>
        tpu.vector_store %arg7[%parallel_loop3A_868, %parallel_loop3A_869, %parallel_loop3A_870], %parallel_loop3A_873 {strides = array<i32>} : memref<4x128x64xf32, #tpu.memory_space<vmem>>, vector<1x1x16xf32>,
      } {sc.loop_unroll_factor = 4 : i64, sc.parallel_access}
      %parallel_loop3A_631 = arith.constant 64 : i32
      %parallel_loop3A_632 = arith.constant 128 : i32
      %parallel_loop3A_633 = arith.constant 1 : i32
      scf.for %parallel_loop3A_786 = %parallel_loop3A_631 to %parallel_loop3A_632 step %parallel_loop3A_633  : i32 {
        %parallel_loop3A_787 = arith.constant 64 : i32
        %parallel_loop3A_788 = arith.subi %parallel_loop3A_786, %parallel_loop3A_787 : i32
        %parallel_loop3A_789 = arith.constant 2 : i32
        %parallel_loop3A_790 = arith.muli %parallel_loop3A_789, %parallel_loop3A_788 : i32
        %parallel_loop3A_791 = arith.addi %rem3A_627, %parallel_loop3A_790 : i32
        %parallel_loop3A_792 = arith.constant 1 : i32
        %parallel_loop3A_793 = arith.addi %parallel_loop3A_791, %parallel_loop3A_792 : i32
        %parallel_loop3A_794 = arith.constant 2 : i32
        %parallel_loop3A_795 = arith.index_cast %parallel_loop3A_794 : i32 to index
        %parallel_loop3A_796 = arith.index_cast %parallel_loop3A_786 : i32 to index
        %parallel_loop3A_797 = arith.constant 0 : index
        %parallel_loop3A_798 = tpu.vector_load %arg7[%parallel_loop3A_795, %parallel_loop3A_796, %parallel_loop3A_797] {strides = array<i32>} : memref<4x128x64xf32, #tpu.memory_space<vmem>>, vector<1x1x16xf32>,
        %parallel_loop3A_799 = vector.shape_cast %parallel_loop3A_798 : vector<1x1x16xf32> to vector<16xf32>
        %parallel_loop3A_800 = arith.constant 8.000000e+00 : f32
        %parallel_loop3A_801 = vector.broadcast %parallel_loop3A_800 : f32 to vector<16xf32>
        %parallel_loop3A_802 = arith.mulf %parallel_loop3A_799, %parallel_loop3A_801 : vector<16xf32>
        %parallel_loop3A_803 = arith.index_cast %parallel_loop3A_793 : i32 to index
        %parallel_loop3A_804 = arith.constant 0 : index
        %parallel_loop3A_805 = tpu.vector_load %arg8[%parallel_loop3A_803, %parallel_loop3A_804] {strides = array<i32>} : memref<328x64xf32, #tpu.memory_space<vmem>>, vector<1x16xf32>,
        %parallel_loop3A_806 = vector.shape_cast %parallel_loop3A_805 : vector<1x16xf32> to vector<16xf32>
        %parallel_loop3A_807 = arith.addf %parallel_loop3A_802, %parallel_loop3A_806 : vector<16xf32>
        %parallel_loop3A_808 = arith.constant 2 : i32
        %parallel_loop3A_809 = arith.index_cast %parallel_loop3A_808 : i32 to index
        %parallel_loop3A_810 = arith.index_cast %parallel_loop3A_786 : i32 to index
        %parallel_loop3A_811 = arith.constant 0 : index
        %parallel_loop3A_812 = tpu.vector_load %arg7[%parallel_loop3A_809, %parallel_loop3A_810, %parallel_loop3A_811] {strides = array<i32>} : memref<4x128x64xf32, #tpu.memory_space<vmem>>, vector<1x1x16xf32>,
        %parallel_loop3A_813 = vector.shape_cast %parallel_loop3A_812 : vector<1x1x16xf32> to vector<16xf32>
        %parallel_loop3A_814 = vector.shape_cast %parallel_loop3A_807 : vector<16xf32> to vector<1x1x16xf32>
        tpu.vector_store %arg7[%parallel_loop3A_809, %parallel_loop3A_810, %parallel_loop3A_811], %parallel_loop3A_814 {strides = array<i32>} : memref<4x128x64xf32, #tpu.memory_space<vmem>>, vector<1x1x16xf32>,
        %parallel_loop3A_815 = arith.constant 2 : i32
        %parallel_loop3A_816 = arith.index_cast %parallel_loop3A_815 : i32 to index
        %parallel_loop3A_817 = arith.index_cast %parallel_loop3A_786 : i32 to index
        %parallel_loop3A_818 = arith.constant 16 : index
        %parallel_loop3A_819 = tpu.vector_load %arg7[%parallel_loop3A_816, %parallel_loop3A_817, %parallel_loop3A_818] {strides = array<i32>} : memref<4x128x64xf32, #tpu.memory_space<vmem>>, vector<1x1x16xf32>,
        %parallel_loop3A_820 = vector.shape_cast %parallel_loop3A_819 : vector<1x1x16xf32> to vector<16xf32>
        %parallel_loop3A_821 = arith.constant 8.000000e+00 : f32
        %parallel_loop3A_822 = vector.broadcast %parallel_loop3A_821 : f32 to vector<16xf32>
        %parallel_loop3A_823 = arith.mulf %parallel_loop3A_820, %parallel_loop3A_822 : vector<16xf32>
        %parallel_loop3A_824 = arith.index_cast %parallel_loop3A_793 : i32 to index
        %parallel_loop3A_825 = arith.constant 16 : index
        %parallel_loop3A_826 = tpu.vector_load %arg8[%parallel_loop3A_824, %parallel_loop3A_825] {strides = array<i32>} : memref<328x64xf32, #tpu.memory_space<vmem>>, vector<1x16xf32>,
        %parallel_loop3A_827 = vector.shape_cast %parallel_loop3A_826 : vector<1x16xf32> to vector<16xf32>
        %parallel_loop3A_828 = arith.addf %parallel_loop3A_823, %parallel_loop3A_827 : vector<16xf32>
        %parallel_loop3A_829 = arith.constant 2 : i32
        %parallel_loop3A_830 = arith.index_cast %parallel_loop3A_829 : i32 to index
        %parallel_loop3A_831 = arith.index_cast %parallel_loop3A_786 : i32 to index
        %parallel_loop3A_832 = arith.constant 16 : index
        %parallel_loop3A_833 = tpu.vector_load %arg7[%parallel_loop3A_830, %parallel_loop3A_831, %parallel_loop3A_832] {strides = array<i32>} : memref<4x128x64xf32, #tpu.memory_space<vmem>>, vector<1x1x16xf32>,
        %parallel_loop3A_834 = vector.shape_cast %parallel_loop3A_833 : vector<1x1x16xf32> to vector<16xf32>
        %parallel_loop3A_835 = vector.shape_cast %parallel_loop3A_828 : vector<16xf32> to vector<1x1x16xf32>
        tpu.vector_store %arg7[%parallel_loop3A_830, %parallel_loop3A_831, %parallel_loop3A_832], %parallel_loop3A_835 {strides = array<i32>} : memref<4x128x64xf32, #tpu.memory_space<vmem>>, vector<1x1x16xf32>,
        %parallel_loop3A_836 = arith.constant 2 : i32
        %parallel_loop3A_837 = arith.index_cast %parallel_loop3A_836 : i32 to index
        %parallel_loop3A_838 = arith.index_cast %parallel_loop3A_786 : i32 to index
        %parallel_loop3A_839 = arith.constant 32 : index
        %parallel_loop3A_840 = tpu.vector_load %arg7[%parallel_loop3A_837, %parallel_loop3A_838, %parallel_loop3A_839] {strides = array<i32>} : memref<4x128x64xf32, #tpu.memory_space<vmem>>, vector<1x1x16xf32>,
        %parallel_loop3A_841 = vector.shape_cast %parallel_loop3A_840 : vector<1x1x16xf32> to vector<16xf32>
        %parallel_loop3A_842 = arith.constant 8.000000e+00 : f32
        %parallel_loop3A_843 = vector.broadcast %parallel_loop3A_842 : f32 to vector<16xf32>
        %parallel_loop3A_844 = arith.mulf %parallel_loop3A_841, %parallel_loop3A_843 : vector<16xf32>
        %parallel_loop3A_845 = arith.index_cast %parallel_loop3A_793 : i32 to index
        %parallel_loop3A_846 = arith.constant 32 : index
        %parallel_loop3A_847 = tpu.vector_load %arg8[%parallel_loop3A_845, %parallel_loop3A_846] {strides = array<i32>} : memref<328x64xf32, #tpu.memory_space<vmem>>, vector<1x16xf32>,
        %parallel_loop3A_848 = vector.shape_cast %parallel_loop3A_847 : vector<1x16xf32> to vector<16xf32>
        %parallel_loop3A_849 = arith.addf %parallel_loop3A_844, %parallel_loop3A_848 : vector<16xf32>
        %parallel_loop3A_850 = arith.constant 2 : i32
        %parallel_loop3A_851 = arith.index_cast %parallel_loop3A_850 : i32 to index
        %parallel_loop3A_852 = arith.index_cast %parallel_loop3A_786 : i32 to index
        %parallel_loop3A_853 = arith.constant 32 : index
        %parallel_loop3A_854 = tpu.vector_load %arg7[%parallel_loop3A_851, %parallel_loop3A_852, %parallel_loop3A_853] {strides = array<i32>} : memref<4x128x64xf32, #tpu.memory_space<vmem>>, vector<1x1x16xf32>,
        %parallel_loop3A_855 = vector.shape_cast %parallel_loop3A_854 : vector<1x1x16xf32> to vector<16xf32>
        %parallel_loop3A_856 = vector.shape_cast %parallel_loop3A_849 : vector<16xf32> to vector<1x1x16xf32>
        tpu.vector_store %arg7[%parallel_loop3A_851, %parallel_loop3A_852, %parallel_loop3A_853], %parallel_loop3A_856 {strides = array<i32>} : memref<4x128x64xf32, #tpu.memory_space<vmem>>, vector<1x1x16xf32>,
        %parallel_loop3A_857 = arith.constant 2 : i32
        %parallel_loop3A_858 = arith.index_cast %parallel_loop3A_857 : i32 to index
        %parallel_loop3A_859 = arith.index_cast %parallel_loop3A_786 : i32 to index
        %parallel_loop3A_860 = arith.constant 48 : index
        %parallel_loop3A_861 = tpu.vector_load %arg7[%parallel_loop3A_858, %parallel_loop3A_859, %parallel_loop3A_860] {strides = array<i32>} : memref<4x128x64xf32, #tpu.memory_space<vmem>>, vector<1x1x16xf32>,
        %parallel_loop3A_862 = vector.shape_cast %parallel_loop3A_861 : vector<1x1x16xf32> to vector<16xf32>
        %parallel_loop3A_863 = arith.constant 8.000000e+00 : f32
        %parallel_loop3A_864 = vector.broadcast %parallel_loop3A_863 : f32 to vector<16xf32>
        %parallel_loop3A_865 = arith.mulf %parallel_loop3A_862, %parallel_loop3A_864 : vector<16xf32>
        %parallel_loop3A_866 = arith.index_cast %parallel_loop3A_793 : i32 to index
        %parallel_loop3A_867 = arith.constant 48 : index
        %parallel_loop3A_868 = tpu.vector_load %arg8[%parallel_loop3A_866, %parallel_loop3A_867] {strides = array<i32>} : memref<328x64xf32, #tpu.memory_space<vmem>>, vector<1x16xf32>,
        %parallel_loop3A_869 = vector.shape_cast %parallel_loop3A_868 : vector<1x16xf32> to vector<16xf32>
        %parallel_loop3A_870 = arith.addf %parallel_loop3A_865, %parallel_loop3A_869 : vector<16xf32>
        %parallel_loop3A_871 = arith.constant 2 : i32
        %parallel_loop3A_872 = arith.index_cast %parallel_loop3A_871 : i32 to index
        %parallel_loop3A_873 = arith.index_cast %parallel_loop3A_786 : i32 to index
        %parallel_loop3A_874 = arith.constant 48 : index
        %parallel_loop3A_875 = tpu.vector_load %arg7[%parallel_loop3A_872, %parallel_loop3A_873, %parallel_loop3A_874] {strides = array<i32>} : memref<4x128x64xf32, #tpu.memory_space<vmem>>, vector<1x1x16xf32>,
        %parallel_loop3A_876 = vector.shape_cast %parallel_loop3A_875 : vector<1x1x16xf32> to vector<16xf32>
        %parallel_loop3A_877 = vector.shape_cast %parallel_loop3A_870 : vector<16xf32> to vector<1x1x16xf32>
        tpu.vector_store %arg7[%parallel_loop3A_872, %parallel_loop3A_873, %parallel_loop3A_874], %parallel_loop3A_877 {strides = array<i32>} : memref<4x128x64xf32, #tpu.memory_space<vmem>>, vector<1x1x16xf32>,
      } {sc.loop_unroll_factor = 4 : i64, sc.parallel_access}
      %jit3A_634 = arith.constant 2 : i32
      %div3A_635 = arith.divsi %mul3A_2, %jit3A_634 : i32
      %sign3A_636 = arith.constant 0 : i32
      %sign3A_637 = arith.cmpi sgt, %mul3A_2, %sign3A_636 : i32
      %sign3A_638 = arith.extui %sign3A_637 : i1 to i32
      %sign3A_639 = arith.constant 0 : i32
      %sign3A_640 = arith.cmpi slt, %mul3A_2, %sign3A_639 : i32
      %sign3A_641 = arith.extui %sign3A_640 : i1 to i32
      %sign3A_642 = arith.subi %sign3A_638, %sign3A_641 : i32
      %sign3A_643 = arith.constant 0 : i32
      %sign3A_644 = arith.cmpi sgt, %jit3A_634, %sign3A_643 : i32
      %sign3A_645 = arith.extui %sign3A_644 : i1 to i32
      %sign3A_646 = arith.constant 0 : i32
      %sign3A_647 = arith.cmpi slt, %jit3A_634, %sign3A_646 : i32
      %sign3A_648 = arith.extui %sign3A_647 : i1 to i32
      %sign3A_649 = arith.subi %sign3A_645, %sign3A_648 : i32
      %ne3A_650 = arith.cmpi ne, %sign3A_642, %sign3A_649 : i32
      %rem3A_651 = arith.remsi %mul3A_2, %jit3A_634 : i32
      %ne3A_652 = arith.constant 0 : i32
      %ne3A_653 = arith.cmpi ne, %rem3A_651, %ne3A_652 : i32
      %and3A_654 = arith.andi %ne3A_650, %ne3A_653 : i1
      %sub3A_655 = arith.constant 1 : i32
      %sub3A_656 = arith.subi %div3A_635, %sub3A_655 : i32
      %select_n3A_657 = arith.select %and3A_654, %sub3A_656, %div3A_635 : i32
      %mul3A_658 = arith.constant 64 : i32
      %mul3A_659 = arith.muli %add3A_591, %mul3A_658 : i32
      %add3A_660 = arith.addi %select_n3A_657, %mul3A_659 : i32
      %dma_start3A_661 = arith.constant 2 : i32
      %dma_start3A_662 = arith.constant 0 : i32
      %dma_start3A_663 = arith.constant 0 : i32
      %dma_start3A_664 = tpu.memref_slice %arg7[%dma_start3A_661, %dma_start3A_662, %dma_start3A_663] : memref<4x128x64xf32, #tpu.memory_space<vmem>> -> memref<1x64x64xf32, #tpu.memory_space<vmem>>
      %dma_start3A_665 = tpu.memref_squeeze %dma_start3A_664 : memref<1x64x64xf32, #tpu.memory_space<vmem>> -> memref<64x64xf32, #tpu.memory_space<vmem>>
      %dma_start3A_666 = arith.constant 0 : i32
      %dma_start3A_667 = tpu.memref_slice %arg5[%add3A_660, %dma_start3A_666] : memref<409600x128xf32, #tpu.memory_space<hbm>> -> memref<64x64xf32, #tpu.memory_space<hbm>>
      %dma_start3A_668 = arith.constant 0 : i32
      %dma_start3A_669 = tpu.memref_slice %arg5[%add3A_660, %dma_start3A_668] : memref<409600x128xf32, #tpu.memory_space<hbm>> -> memref<64x64xf32, #tpu.memory_space<hbm>>
      %dma_start3A_670 = arith.constant 0 : i32
      %dma_start3A_671 = arith.constant 0 : i32
      %dma_start3A_672 = tpu.memref_slice %arg7[%dma_start3A_661, %dma_start3A_670, %dma_start3A_671] : memref<4x128x64xf32, #tpu.memory_space<vmem>> -> memref<1x64x64xf32, #tpu.memory_space<vmem>>
      %dma_start3A_673 = tpu.memref_squeeze %dma_start3A_672 : memref<1x64x64xf32, #tpu.memory_space<vmem>> -> memref<64x64xf32, #tpu.memory_space<vmem>>
      tpu.enqueue_dma source(%dma_start3A_673 : memref<64x64xf32, #tpu.memory_space<vmem>>) target(%dma_start3A_669 : memref<64x64xf32, #tpu.memory_space<hbm>>) target_semaphore(%arg11 : memref<!tpu.dma_semaphore, #tpu.memory_space<semaphore_mem>>)
      %dma_start3A_674 = arith.constant 2 : i32
      %dma_start3A_675 = arith.constant 64 : i32
      %dma_start3A_676 = arith.constant 0 : i32
      %dma_start3A_677 = tpu.memref_slice %arg7[%dma_start3A_674, %dma_start3A_675, %dma_start3A_676] : memref<4x128x64xf32, #tpu.memory_space<vmem>> -> memref<1x64x64xf32, #tpu.memory_space<vmem>>
      %dma_start3A_678 = tpu.memref_squeeze %dma_start3A_677 : memref<1x64x64xf32, #tpu.memory_space<vmem>> -> memref<64x64xf32, #tpu.memory_space<vmem>>
      %dma_start3A_679 = arith.constant 64 : i32
      %dma_start3A_680 = tpu.memref_slice %arg5[%add3A_660, %dma_start3A_679] : memref<409600x128xf32, #tpu.memory_space<hbm>> -> memref<64x64xf32, #tpu.memory_space<hbm>>
      %dma_start3A_681 = arith.constant 64 : i32
      %dma_start3A_682 = tpu.memref_slice %arg5[%add3A_660, %dma_start3A_681] : memref<409600x128xf32, #tpu.memory_space<hbm>> -> memref<64x64xf32, #tpu.memory_space<hbm>>
      %dma_start3A_683 = arith.constant 64 : i32
      %dma_start3A_684 = arith.constant 0 : i32
      %dma_start3A_685 = tpu.memref_slice %arg7[%dma_start3A_674, %dma_start3A_683, %dma_start3A_684] : memref<4x128x64xf32, #tpu.memory_space<vmem>> -> memref<1x64x64xf32, #tpu.memory_space<vmem>>
      %dma_start3A_686 = tpu.memref_squeeze %dma_start3A_685 : memref<1x64x64xf32, #tpu.memory_space<vmem>> -> memref<64x64xf32, #tpu.memory_space<vmem>>
      tpu.enqueue_dma source(%dma_start3A_686 : memref<64x64xf32, #tpu.memory_space<vmem>>) target(%dma_start3A_682 : memref<64x64xf32, #tpu.memory_space<hbm>>) target_semaphore(%arg11 : memref<!tpu.dma_semaphore, #tpu.memory_space<semaphore_mem>>)
      %mul3A_687 = arith.constant 4 : i32
      %mul3A_688 = arith.muli %scan3A_394, %mul3A_687 : i32
      %add3A_689 = arith.constant 3 : i32
      %add3A_690 = arith.addi %mul3A_688, %add3A_689 : i32
      %dma_wait3A_691 = arith.constant 3 : i32
      %dma_wait3A_692 = arith.constant 0 : i32
      %dma_wait3A_693 = arith.constant 3 : i32
      %dma_wait3A_694 = arith.constant 0 : i32
      %dma_wait3A_695 = arith.constant 0 : i32
      %dma_wait3A_696 = tpu.memref_slice %arg7[%dma_wait3A_693, %dma_wait3A_694, %dma_wait3A_695] : memref<4x128x64xf32, #tpu.memory_space<vmem>> -> memref<1x128x64xf32, #tpu.memory_space<vmem>>
      %dma_wait3A_697 = tpu.memref_squeeze %dma_wait3A_696 : memref<1x128x64xf32, #tpu.memory_space<vmem>> -> memref<128x64xf32, #tpu.memory_space<vmem>>
      %dma_wait3A_698 = arith.constant 0 : i32
      %dma_wait3A_699 = tpu.memref_slice %arg6[%dma_wait3A_691, %dma_wait3A_692, %dma_wait3A_698] : memref<4x1x128xi32, #tpu.memory_space<vmem>> -> memref<1x1x128xi32, #tpu.memory_space<vmem>>
      %dma_wait3A_700 = tpu.memref_squeeze %dma_wait3A_699 : memref<1x1x128xi32, #tpu.memory_space<vmem>> -> memref<128xi32, #tpu.memory_space<vmem>>
      %dma_wait3A_701 = arith.constant 0 : i32
      %dma_wait3A_702 = arith.constant 0 : i32
      %dma_wait3A_703 = tpu.memref_slice %arg3[%dma_wait3A_701, %dma_wait3A_702] : memref<1000000x64xf32, #tpu.memory_space<hbm>> -> memref<1000000x64xf32, #tpu.memory_space<hbm>>
      tpu.wait_indirect_dma semaphore(%arg10 : memref<!tpu.dma_semaphore, #tpu.memory_space<semaphore_mem>>) src(%dma_wait3A_703 : memref<1000000x64xf32, #tpu.memory_space<hbm>>) dst(%dma_wait3A_697 : memref<128x64xf32, #tpu.memory_space<vmem>>)
      %add3A_704 = arith.constant 4 : i32
      %add3A_705 = arith.addi %add3A_690, %add3A_704 : i32
      %lt3A_706 = arith.constant 200 : i32
      %lt3A_707 = arith.cmpi slt, %add3A_705, %lt3A_706 : i32
      %convert_element_type3A_708 = arith.extui %lt3A_707 : i1 to i32
      %cond3A_709 = arith.constant 0 : i32
      %cond3A_710 = arith.cmpi ne, %convert_element_type3A_708, %cond3A_709 : i32
      scf.if %cond3A_710 {
        %add3A_786 = arith.constant 4 : i32
        %add3A_787 = arith.addi %add3A_690, %add3A_786 : i32
        %dma_start3A_788 = arith.constant 3 : i32
        %dma_start3A_789 = arith.constant 0 : i32
        %dma_start3A_790 = arith.constant 0 : i32
        %dma_start3A_791 = tpu.memref_slice %arg6[%dma_start3A_788, %dma_start3A_789, %dma_start3A_790] : memref<4x1x128xi32, #tpu.memory_space<vmem>> -> memref<1x1x128xi32, #tpu.memory_space<vmem>>
        %dma_start3A_792 = tpu.memref_squeeze %dma_start3A_791 : memref<1x1x128xi32, #tpu.memory_space<vmem>> -> memref<1x128xi32, #tpu.memory_space<vmem>>
        %dma_start3A_793 = arith.constant 0 : i32
        %dma_start3A_794 = tpu.memref_slice %arg2[%add3A, %add3A_787, %dma_start3A_793] : memref<32x200x128xi32, #tpu.memory_space<hbm>> -> memref<1x1x128xi32, #tpu.memory_space<hbm>>
        %dma_start3A_795 = tpu.memref_squeeze %dma_start3A_794 : memref<1x1x128xi32, #tpu.memory_space<hbm>> -> memref<1x128xi32, #tpu.memory_space<hbm>>
        %dma_start3A_796 = arith.constant 0 : i32
        %dma_start3A_797 = arith.constant 0 : i32
        %dma_start3A_798 = tpu.memref_slice %arg6[%dma_start3A_788, %dma_start3A_796, %dma_start3A_797] : memref<4x1x128xi32, #tpu.memory_space<vmem>> -> memref<1x1x128xi32, #tpu.memory_space<vmem>>
        %dma_start3A_799 = tpu.memref_squeeze %dma_start3A_798 : memref<1x1x128xi32, #tpu.memory_space<vmem>> -> memref<1x128xi32, #tpu.memory_space<vmem>>
        %dma_start3A_800 = arith.constant 0 : i32
        %dma_start3A_801 = tpu.memref_slice %arg2[%add3A, %add3A_787, %dma_start3A_800] : memref<32x200x128xi32, #tpu.memory_space<hbm>> -> memref<1x1x128xi32, #tpu.memory_space<hbm>>
        %dma_start3A_802 = tpu.memref_squeeze %dma_start3A_801 : memref<1x1x128xi32, #tpu.memory_space<hbm>> -> memref<1x128xi32, #tpu.memory_space<hbm>>
        tpu.enqueue_dma source(%dma_start3A_802 : memref<1x128xi32, #tpu.memory_space<hbm>>) target(%dma_start3A_799 : memref<1x128xi32, #tpu.memory_space<vmem>>) target_semaphore(%arg9 : memref<!tpu.dma_semaphore, #tpu.memory_space<semaphore_mem>>)
      } else {
      }
      %gt3A_711 = arith.constant 0 : i32
      %gt3A_712 = arith.cmpi sgt, %add3A_690, %gt3A_711 : i32
      %add3A_713 = arith.constant 4 : i32
      %add3A_714 = arith.addi %add3A_690, %add3A_713 : i32
      %sub3A_715 = arith.constant 1 : i32
      %sub3A_716 = arith.subi %add3A_714, %sub3A_715 : i32
      %lt3A_717 = arith.constant 200 : i32
      %lt3A_718 = arith.cmpi slt, %sub3A_716, %lt3A_717 : i32
      %and3A_719 = arith.andi %gt3A_712, %lt3A_718 : i1
      %convert_element_type3A_720 = arith.extui %and3A_719 : i1 to i32
      %cond3A_721 = arith.constant 0 : i32
      %cond3A_722 = arith.cmpi ne, %convert_element_type3A_720, %cond3A_721 : i32
      scf.if %cond3A_722 {
        %sub3A_786 = arith.constant 1 : i32
        %sub3A_787 = arith.subi %add3A_690, %sub3A_786 : i32
        %jit3A_788 = arith.constant 2 : i32
        %div3A_789 = arith.divsi %mul3A_2, %jit3A_788 : i32
        %sign3A_790 = arith.constant 0 : i32
        %sign3A_791 = arith.cmpi sgt, %mul3A_2, %sign3A_790 : i32
        %sign3A_792 = arith.extui %sign3A_791 : i1 to i32
        %sign3A_793 = arith.constant 0 : i32
        %sign3A_794 = arith.cmpi slt, %mul3A_2, %sign3A_793 : i32
        %sign3A_795 = arith.extui %sign3A_794 : i1 to i32
        %sign3A_796 = arith.subi %sign3A_792, %sign3A_795 : i32
        %sign3A_797 = arith.constant 0 : i32
        %sign3A_798 = arith.cmpi sgt, %jit3A_788, %sign3A_797 : i32
        %sign3A_799 = arith.extui %sign3A_798 : i1 to i32
        %sign3A_800 = arith.constant 0 : i32
        %sign3A_801 = arith.cmpi slt, %jit3A_788, %sign3A_800 : i32
        %sign3A_802 = arith.extui %sign3A_801 : i1 to i32
        %sign3A_803 = arith.subi %sign3A_799, %sign3A_802 : i32
        %ne3A_804 = arith.cmpi ne, %sign3A_796, %sign3A_803 : i32
        %rem3A_805 = arith.remsi %mul3A_2, %jit3A_788 : i32
        %ne3A_806 = arith.constant 0 : i32
        %ne3A_807 = arith.cmpi ne, %rem3A_805, %ne3A_806 : i32
        %and3A_808 = arith.andi %ne3A_804, %ne3A_807 : i1
        %sub3A_809 = arith.constant 1 : i32
        %sub3A_810 = arith.subi %div3A_789, %sub3A_809 : i32
        %select_n3A_811 = arith.select %and3A_808, %sub3A_810, %div3A_789 : i32
        %mul3A_812 = arith.constant 64 : i32
        %mul3A_813 = arith.muli %sub3A_787, %mul3A_812 : i32
        %add3A_814 = arith.addi %select_n3A_811, %mul3A_813 : i32
        %dma_wait3A_815 = arith.constant 2 : i32
        %dma_wait3A_816 = arith.constant 0 : i32
        %dma_wait3A_817 = arith.constant 0 : i32
        %dma_wait3A_818 = tpu.memref_slice %arg7[%dma_wait3A_815, %dma_wait3A_816, %dma_wait3A_817] : memref<4x128x64xf32, #tpu.memory_space<vmem>> -> memref<1x64x64xf32, #tpu.memory_space<vmem>>
        %dma_wait3A_819 = tpu.memref_squeeze %dma_wait3A_818 : memref<1x64x64xf32, #tpu.memory_space<vmem>> -> memref<64x64xf32, #tpu.memory_space<vmem>>
        %dma_wait3A_820 = arith.constant 0 : i32
        %dma_wait3A_821 = tpu.memref_slice %arg5[%add3A_814, %dma_wait3A_820] : memref<409600x128xf32, #tpu.memory_space<hbm>> -> memref<64x64xf32, #tpu.memory_space<hbm>>
        %dma_wait3A_822 = arith.constant 0 : i32
        %dma_wait3A_823 = tpu.memref_slice %arg5[%add3A_814, %dma_wait3A_822] : memref<409600x128xf32, #tpu.memory_space<hbm>> -> memref<64x64xf32, #tpu.memory_space<hbm>>
        %dma_wait3A_824 = arith.constant 0 : i32
        %dma_wait3A_825 = arith.constant 0 : i32
        %dma_wait3A_826 = tpu.memref_slice %arg7[%dma_wait3A_815, %dma_wait3A_824, %dma_wait3A_825] : memref<4x128x64xf32, #tpu.memory_space<vmem>> -> memref<1x64x64xf32, #tpu.memory_space<vmem>>
        %dma_wait3A_827 = tpu.memref_squeeze %dma_wait3A_826 : memref<1x64x64xf32, #tpu.memory_space<vmem>> -> memref<64x64xf32, #tpu.memory_space<vmem>>
        tpu.wait_dma2 semaphore(%arg11 : memref<!tpu.dma_semaphore, #tpu.memory_space<semaphore_mem>>) src(%dma_wait3A_827 : memref<64x64xf32, #tpu.memory_space<vmem>>) dst(%dma_wait3A_823 : memref<64x64xf32, #tpu.memory_space<hbm>>)
        %dma_wait3A_828 = arith.constant 2 : i32
        %dma_wait3A_829 = arith.constant 64 : i32
        %dma_wait3A_830 = arith.constant 0 : i32
        %dma_wait3A_831 = tpu.memref_slice %arg7[%dma_wait3A_828, %dma_wait3A_829, %dma_wait3A_830] : memref<4x128x64xf32, #tpu.memory_space<vmem>> -> memref<1x64x64xf32, #tpu.memory_space<vmem>>
        %dma_wait3A_832 = tpu.memref_squeeze %dma_wait3A_831 : memref<1x64x64xf32, #tpu.memory_space<vmem>> -> memref<64x64xf32, #tpu.memory_space<vmem>>
        %dma_wait3A_833 = arith.constant 64 : i32
        %dma_wait3A_834 = tpu.memref_slice %arg5[%add3A_814, %dma_wait3A_833] : memref<409600x128xf32, #tpu.memory_space<hbm>> -> memref<64x64xf32, #tpu.memory_space<hbm>>
        %dma_wait3A_835 = arith.constant 64 : i32
        %dma_wait3A_836 = tpu.memref_slice %arg5[%add3A_814, %dma_wait3A_835] : memref<409600x128xf32, #tpu.memory_space<hbm>> -> memref<64x64xf32, #tpu.memory_space<hbm>>
        %dma_wait3A_837 = arith.constant 64 : i32
        %dma_wait3A_838 = arith.constant 0 : i32
        %dma_wait3A_839 = tpu.memref_slice %arg7[%dma_wait3A_828, %dma_wait3A_837, %dma_wait3A_838] : memref<4x128x64xf32, #tpu.memory_space<vmem>> -> memref<1x64x64xf32, #tpu.memory_space<vmem>>
        %dma_wait3A_840 = tpu.memref_squeeze %dma_wait3A_839 : memref<1x64x64xf32, #tpu.memory_space<vmem>> -> memref<64x64xf32, #tpu.memory_space<vmem>>
        tpu.wait_dma2 semaphore(%arg11 : memref<!tpu.dma_semaphore, #tpu.memory_space<semaphore_mem>>) src(%dma_wait3A_840 : memref<64x64xf32, #tpu.memory_space<vmem>>) dst(%dma_wait3A_836 : memref<64x64xf32, #tpu.memory_space<hbm>>)
        %add3A_841 = arith.constant 4 : i32
        %add3A_842 = arith.addi %add3A_690, %add3A_841 : i32
        %sub3A_843 = arith.constant 1 : i32
        %sub3A_844 = arith.subi %add3A_842, %sub3A_843 : i32
        %dma_wait3A_845 = arith.constant 2 : i32
        %dma_wait3A_846 = arith.constant 0 : i32
        %dma_wait3A_847 = arith.constant 0 : i32
        %dma_wait3A_848 = tpu.memref_slice %arg6[%dma_wait3A_845, %dma_wait3A_846, %dma_wait3A_847] : memref<4x1x128xi32, #tpu.memory_space<vmem>> -> memref<1x1x128xi32, #tpu.memory_space<vmem>>
        %dma_wait3A_849 = tpu.memref_squeeze %dma_wait3A_848 : memref<1x1x128xi32, #tpu.memory_space<vmem>> -> memref<1x128xi32, #tpu.memory_space<vmem>>
        %dma_wait3A_850 = arith.constant 0 : i32
        %dma_wait3A_851 = tpu.memref_slice %arg2[%add3A, %sub3A_844, %dma_wait3A_850] : memref<32x200x128xi32, #tpu.memory_space<hbm>> -> memref<1x1x128xi32, #tpu.memory_space<hbm>>
        %dma_wait3A_852 = tpu.memref_squeeze %dma_wait3A_851 : memref<1x1x128xi32, #tpu.memory_space<hbm>> -> memref<1x128xi32, #tpu.memory_space<hbm>>
        %dma_wait3A_853 = arith.constant 0 : i32
        %dma_wait3A_854 = arith.constant 0 : i32
        %dma_wait3A_855 = tpu.memref_slice %arg6[%dma_wait3A_845, %dma_wait3A_853, %dma_wait3A_854] : memref<4x1x128xi32, #tpu.memory_space<vmem>> -> memref<1x1x128xi32, #tpu.memory_space<vmem>>
        %dma_wait3A_856 = tpu.memref_squeeze %dma_wait3A_855 : memref<1x1x128xi32, #tpu.memory_space<vmem>> -> memref<1x128xi32, #tpu.memory_space<vmem>>
        %dma_wait3A_857 = arith.constant 0 : i32
        %dma_wait3A_858 = tpu.memref_slice %arg2[%add3A, %sub3A_844, %dma_wait3A_857] : memref<32x200x128xi32, #tpu.memory_space<hbm>> -> memref<1x1x128xi32, #tpu.memory_space<hbm>>
        %dma_wait3A_859 = tpu.memref_squeeze %dma_wait3A_858 : memref<1x1x128xi32, #tpu.memory_space<hbm>> -> memref<1x128xi32, #tpu.memory_space<hbm>>
        tpu.wait_dma2 semaphore(%arg9 : memref<!tpu.dma_semaphore, #tpu.memory_space<semaphore_mem>>) src(%dma_wait3A_859 : memref<1x128xi32, #tpu.memory_space<hbm>>) dst(%dma_wait3A_856 : memref<1x128xi32, #tpu.memory_space<vmem>>)
        %add3A_860 = arith.constant 4 : i32
        %add3A_861 = arith.addi %add3A_690, %add3A_860 : i32
        %sub3A_862 = arith.constant 1 : i32
        %sub3A_863 = arith.subi %add3A_861, %sub3A_862 : i32
        %dma_start3A_864 = arith.constant 2 : i32
        %dma_start3A_865 = arith.constant 0 : i32
        %dma_start3A_866 = arith.constant 2 : i32
        %dma_start3A_867 = arith.constant 0 : i32
        %dma_start3A_868 = arith.constant 0 : i32
        %dma_start3A_869 = tpu.memref_slice %arg7[%dma_start3A_866, %dma_start3A_867, %dma_start3A_868] : memref<4x128x64xf32, #tpu.memory_space<vmem>> -> memref<1x128x64xf32, #tpu.memory_space<vmem>>
        %dma_start3A_870 = tpu.memref_squeeze %dma_start3A_869 : memref<1x128x64xf32, #tpu.memory_space<vmem>> -> memref<128x64xf32, #tpu.memory_space<vmem>>
        %dma_start3A_871 = arith.constant 0 : i32
        %dma_start3A_872 = tpu.memref_slice %arg6[%dma_start3A_864, %dma_start3A_865, %dma_start3A_871] : memref<4x1x128xi32, #tpu.memory_space<vmem>> -> memref<1x1x128xi32, #tpu.memory_space<vmem>>
        %dma_start3A_873 = tpu.memref_squeeze %dma_start3A_872 : memref<1x1x128xi32, #tpu.memory_space<vmem>> -> memref<128xi32, #tpu.memory_space<vmem>>
        %dma_start3A_874 = arith.constant 0 : i32
        %dma_start3A_875 = arith.constant 0 : i32
        %dma_start3A_876 = tpu.memref_slice %arg3[%dma_start3A_874, %dma_start3A_875] : memref<1000000x64xf32, #tpu.memory_space<hbm>> -> memref<1000000x64xf32, #tpu.memory_space<hbm>>
        tpu.enqueue_indirect_dma source(%dma_start3A_876 : memref<1000000x64xf32, #tpu.memory_space<hbm>>) target(%dma_start3A_870 : memref<128x64xf32, #tpu.memory_space<vmem>>) offsets(%dma_start3A_873 : memref<128xi32, #tpu.memory_space<vmem>>) semaphore(%arg10 : memref<!tpu.dma_semaphore, #tpu.memory_space<semaphore_mem>>)
      } else {
      }
      %mul3A_723 = arith.constant 128 : i32
      %mul3A_724 = arith.muli %add3A_690, %mul3A_723 : i32
      %rem3A_725 = arith.constant 200 : i32
      %rem3A_726 = arith.remsi %mul3A_724, %rem3A_725 : i32
      %parallel_loop3A_727 = arith.constant 0 : i32
      %parallel_loop3A_728 = arith.constant 64 : i32
      %parallel_loop3A_729 = arith.constant 1 : i32
      scf.for %parallel_loop3A_786 = %parallel_loop3A_727 to %parallel_loop3A_728 step %parallel_loop3A_729  : i32 {
        %parallel_loop3A_787 = arith.constant 2 : i32
        %parallel_loop3A_788 = arith.muli %parallel_loop3A_787, %parallel_loop3A_786 : i32
        %parallel_loop3A_789 = arith.addi %rem3A_726, %parallel_loop3A_788 : i32
        %parallel_loop3A_790 = arith.constant 3 : i32
        %parallel_loop3A_791 = arith.index_cast %parallel_loop3A_790 : i32 to index
        %parallel_loop3A_792 = arith.index_cast %parallel_loop3A_786 : i32 to index
        %parallel_loop3A_793 = arith.constant 0 : index
        %parallel_loop3A_794 = tpu.vector_load %arg7[%parallel_loop3A_791, %parallel_loop3A_792, %parallel_loop3A_793] {strides = array<i32>} : memref<4x128x64xf32, #tpu.memory_space<vmem>>, vector<1x1x16xf32>,
        %parallel_loop3A_795 = vector.shape_cast %parallel_loop3A_794 : vector<1x1x16xf32> to vector<16xf32>
        %parallel_loop3A_796 = arith.constant 8.000000e+00 : f32
        %parallel_loop3A_797 = vector.broadcast %parallel_loop3A_796 : f32 to vector<16xf32>
        %parallel_loop3A_798 = arith.mulf %parallel_loop3A_795, %parallel_loop3A_797 : vector<16xf32>
        %parallel_loop3A_799 = arith.index_cast %parallel_loop3A_789 : i32 to index
        %parallel_loop3A_800 = arith.constant 0 : index
        %parallel_loop3A_801 = tpu.vector_load %arg8[%parallel_loop3A_799, %parallel_loop3A_800] {strides = array<i32>} : memref<328x64xf32, #tpu.memory_space<vmem>>, vector<1x16xf32>,
        %parallel_loop3A_802 = vector.shape_cast %parallel_loop3A_801 : vector<1x16xf32> to vector<16xf32>
        %parallel_loop3A_803 = arith.addf %parallel_loop3A_798, %parallel_loop3A_802 : vector<16xf32>
        %parallel_loop3A_804 = arith.constant 3 : i32
        %parallel_loop3A_805 = arith.index_cast %parallel_loop3A_804 : i32 to index
        %parallel_loop3A_806 = arith.index_cast %parallel_loop3A_786 : i32 to index
        %parallel_loop3A_807 = arith.constant 0 : index
        %parallel_loop3A_808 = tpu.vector_load %arg7[%parallel_loop3A_805, %parallel_loop3A_806, %parallel_loop3A_807] {strides = array<i32>} : memref<4x128x64xf32, #tpu.memory_space<vmem>>, vector<1x1x16xf32>,
        %parallel_loop3A_809 = vector.shape_cast %parallel_loop3A_808 : vector<1x1x16xf32> to vector<16xf32>
        %parallel_loop3A_810 = vector.shape_cast %parallel_loop3A_803 : vector<16xf32> to vector<1x1x16xf32>
        tpu.vector_store %arg7[%parallel_loop3A_805, %parallel_loop3A_806, %parallel_loop3A_807], %parallel_loop3A_810 {strides = array<i32>} : memref<4x128x64xf32, #tpu.memory_space<vmem>>, vector<1x1x16xf32>,
        %parallel_loop3A_811 = arith.constant 3 : i32
        %parallel_loop3A_812 = arith.index_cast %parallel_loop3A_811 : i32 to index
        %parallel_loop3A_813 = arith.index_cast %parallel_loop3A_786 : i32 to index
        %parallel_loop3A_814 = arith.constant 16 : index
        %parallel_loop3A_815 = tpu.vector_load %arg7[%parallel_loop3A_812, %parallel_loop3A_813, %parallel_loop3A_814] {strides = array<i32>} : memref<4x128x64xf32, #tpu.memory_space<vmem>>, vector<1x1x16xf32>,
        %parallel_loop3A_816 = vector.shape_cast %parallel_loop3A_815 : vector<1x1x16xf32> to vector<16xf32>
        %parallel_loop3A_817 = arith.constant 8.000000e+00 : f32
        %parallel_loop3A_818 = vector.broadcast %parallel_loop3A_817 : f32 to vector<16xf32>
        %parallel_loop3A_819 = arith.mulf %parallel_loop3A_816, %parallel_loop3A_818 : vector<16xf32>
        %parallel_loop3A_820 = arith.index_cast %parallel_loop3A_789 : i32 to index
        %parallel_loop3A_821 = arith.constant 16 : index
        %parallel_loop3A_822 = tpu.vector_load %arg8[%parallel_loop3A_820, %parallel_loop3A_821] {strides = array<i32>} : memref<328x64xf32, #tpu.memory_space<vmem>>, vector<1x16xf32>,
        %parallel_loop3A_823 = vector.shape_cast %parallel_loop3A_822 : vector<1x16xf32> to vector<16xf32>
        %parallel_loop3A_824 = arith.addf %parallel_loop3A_819, %parallel_loop3A_823 : vector<16xf32>
        %parallel_loop3A_825 = arith.constant 3 : i32
        %parallel_loop3A_826 = arith.index_cast %parallel_loop3A_825 : i32 to index
        %parallel_loop3A_827 = arith.index_cast %parallel_loop3A_786 : i32 to index
        %parallel_loop3A_828 = arith.constant 16 : index
        %parallel_loop3A_829 = tpu.vector_load %arg7[%parallel_loop3A_826, %parallel_loop3A_827, %parallel_loop3A_828] {strides = array<i32>} : memref<4x128x64xf32, #tpu.memory_space<vmem>>, vector<1x1x16xf32>,
        %parallel_loop3A_830 = vector.shape_cast %parallel_loop3A_829 : vector<1x1x16xf32> to vector<16xf32>
        %parallel_loop3A_831 = vector.shape_cast %parallel_loop3A_824 : vector<16xf32> to vector<1x1x16xf32>
        tpu.vector_store %arg7[%parallel_loop3A_826, %parallel_loop3A_827, %parallel_loop3A_828], %parallel_loop3A_831 {strides = array<i32>} : memref<4x128x64xf32, #tpu.memory_space<vmem>>, vector<1x1x16xf32>,
        %parallel_loop3A_832 = arith.constant 3 : i32
        %parallel_loop3A_833 = arith.index_cast %parallel_loop3A_832 : i32 to index
        %parallel_loop3A_834 = arith.index_cast %parallel_loop3A_786 : i32 to index
        %parallel_loop3A_835 = arith.constant 32 : index
        %parallel_loop3A_836 = tpu.vector_load %arg7[%parallel_loop3A_833, %parallel_loop3A_834, %parallel_loop3A_835] {strides = array<i32>} : memref<4x128x64xf32, #tpu.memory_space<vmem>>, vector<1x1x16xf32>,
        %parallel_loop3A_837 = vector.shape_cast %parallel_loop3A_836 : vector<1x1x16xf32> to vector<16xf32>
        %parallel_loop3A_838 = arith.constant 8.000000e+00 : f32
        %parallel_loop3A_839 = vector.broadcast %parallel_loop3A_838 : f32 to vector<16xf32>
        %parallel_loop3A_840 = arith.mulf %parallel_loop3A_837, %parallel_loop3A_839 : vector<16xf32>
        %parallel_loop3A_841 = arith.index_cast %parallel_loop3A_789 : i32 to index
        %parallel_loop3A_842 = arith.constant 32 : index
        %parallel_loop3A_843 = tpu.vector_load %arg8[%parallel_loop3A_841, %parallel_loop3A_842] {strides = array<i32>} : memref<328x64xf32, #tpu.memory_space<vmem>>, vector<1x16xf32>,
        %parallel_loop3A_844 = vector.shape_cast %parallel_loop3A_843 : vector<1x16xf32> to vector<16xf32>
        %parallel_loop3A_845 = arith.addf %parallel_loop3A_840, %parallel_loop3A_844 : vector<16xf32>
        %parallel_loop3A_846 = arith.constant 3 : i32
        %parallel_loop3A_847 = arith.index_cast %parallel_loop3A_846 : i32 to index
        %parallel_loop3A_848 = arith.index_cast %parallel_loop3A_786 : i32 to index
        %parallel_loop3A_849 = arith.constant 32 : index
        %parallel_loop3A_850 = tpu.vector_load %arg7[%parallel_loop3A_847, %parallel_loop3A_848, %parallel_loop3A_849] {strides = array<i32>} : memref<4x128x64xf32, #tpu.memory_space<vmem>>, vector<1x1x16xf32>,
        %parallel_loop3A_851 = vector.shape_cast %parallel_loop3A_850 : vector<1x1x16xf32> to vector<16xf32>
        %parallel_loop3A_852 = vector.shape_cast %parallel_loop3A_845 : vector<16xf32> to vector<1x1x16xf32>
        tpu.vector_store %arg7[%parallel_loop3A_847, %parallel_loop3A_848, %parallel_loop3A_849], %parallel_loop3A_852 {strides = array<i32>} : memref<4x128x64xf32, #tpu.memory_space<vmem>>, vector<1x1x16xf32>,
        %parallel_loop3A_853 = arith.constant 3 : i32
        %parallel_loop3A_854 = arith.index_cast %parallel_loop3A_853 : i32 to index
        %parallel_loop3A_855 = arith.index_cast %parallel_loop3A_786 : i32 to index
        %parallel_loop3A_856 = arith.constant 48 : index
        %parallel_loop3A_857 = tpu.vector_load %arg7[%parallel_loop3A_854, %parallel_loop3A_855, %parallel_loop3A_856] {strides = array<i32>} : memref<4x128x64xf32, #tpu.memory_space<vmem>>, vector<1x1x16xf32>,
        %parallel_loop3A_858 = vector.shape_cast %parallel_loop3A_857 : vector<1x1x16xf32> to vector<16xf32>
        %parallel_loop3A_859 = arith.constant 8.000000e+00 : f32
        %parallel_loop3A_860 = vector.broadcast %parallel_loop3A_859 : f32 to vector<16xf32>
        %parallel_loop3A_861 = arith.mulf %parallel_loop3A_858, %parallel_loop3A_860 : vector<16xf32>
        %parallel_loop3A_862 = arith.index_cast %parallel_loop3A_789 : i32 to index
        %parallel_loop3A_863 = arith.constant 48 : index
        %parallel_loop3A_864 = tpu.vector_load %arg8[%parallel_loop3A_862, %parallel_loop3A_863] {strides = array<i32>} : memref<328x64xf32, #tpu.memory_space<vmem>>, vector<1x16xf32>,
        %parallel_loop3A_865 = vector.shape_cast %parallel_loop3A_864 : vector<1x16xf32> to vector<16xf32>
        %parallel_loop3A_866 = arith.addf %parallel_loop3A_861, %parallel_loop3A_865 : vector<16xf32>
        %parallel_loop3A_867 = arith.constant 3 : i32
        %parallel_loop3A_868 = arith.index_cast %parallel_loop3A_867 : i32 to index
        %parallel_loop3A_869 = arith.index_cast %parallel_loop3A_786 : i32 to index
        %parallel_loop3A_870 = arith.constant 48 : index
        %parallel_loop3A_871 = tpu.vector_load %arg7[%parallel_loop3A_868, %parallel_loop3A_869, %parallel_loop3A_870] {strides = array<i32>} : memref<4x128x64xf32, #tpu.memory_space<vmem>>, vector<1x1x16xf32>,
        %parallel_loop3A_872 = vector.shape_cast %parallel_loop3A_871 : vector<1x1x16xf32> to vector<16xf32>
        %parallel_loop3A_873 = vector.shape_cast %parallel_loop3A_866 : vector<16xf32> to vector<1x1x16xf32>
        tpu.vector_store %arg7[%parallel_loop3A_868, %parallel_loop3A_869, %parallel_loop3A_870], %parallel_loop3A_873 {strides = array<i32>} : memref<4x128x64xf32, #tpu.memory_space<vmem>>, vector<1x1x16xf32>,
      } {sc.loop_unroll_factor = 4 : i64, sc.parallel_access}
      %parallel_loop3A_730 = arith.constant 64 : i32
      %parallel_loop3A_731 = arith.constant 128 : i32
      %parallel_loop3A_732 = arith.constant 1 : i32
      scf.for %parallel_loop3A_786 = %parallel_loop3A_730 to %parallel_loop3A_731 step %parallel_loop3A_732  : i32 {
        %parallel_loop3A_787 = arith.constant 64 : i32
        %parallel_loop3A_788 = arith.subi %parallel_loop3A_786, %parallel_loop3A_787 : i32
        %parallel_loop3A_789 = arith.constant 2 : i32
        %parallel_loop3A_790 = arith.muli %parallel_loop3A_789, %parallel_loop3A_788 : i32
        %parallel_loop3A_791 = arith.addi %rem3A_726, %parallel_loop3A_790 : i32
        %parallel_loop3A_792 = arith.constant 1 : i32
        %parallel_loop3A_793 = arith.addi %parallel_loop3A_791, %parallel_loop3A_792 : i32
        %parallel_loop3A_794 = arith.constant 3 : i32
        %parallel_loop3A_795 = arith.index_cast %parallel_loop3A_794 : i32 to index
        %parallel_loop3A_796 = arith.index_cast %parallel_loop3A_786 : i32 to index
        %parallel_loop3A_797 = arith.constant 0 : index
        %parallel_loop3A_798 = tpu.vector_load %arg7[%parallel_loop3A_795, %parallel_loop3A_796, %parallel_loop3A_797] {strides = array<i32>} : memref<4x128x64xf32, #tpu.memory_space<vmem>>, vector<1x1x16xf32>,
        %parallel_loop3A_799 = vector.shape_cast %parallel_loop3A_798 : vector<1x1x16xf32> to vector<16xf32>
        %parallel_loop3A_800 = arith.constant 8.000000e+00 : f32
        %parallel_loop3A_801 = vector.broadcast %parallel_loop3A_800 : f32 to vector<16xf32>
        %parallel_loop3A_802 = arith.mulf %parallel_loop3A_799, %parallel_loop3A_801 : vector<16xf32>
        %parallel_loop3A_803 = arith.index_cast %parallel_loop3A_793 : i32 to index
        %parallel_loop3A_804 = arith.constant 0 : index
        %parallel_loop3A_805 = tpu.vector_load %arg8[%parallel_loop3A_803, %parallel_loop3A_804] {strides = array<i32>} : memref<328x64xf32, #tpu.memory_space<vmem>>, vector<1x16xf32>,
        %parallel_loop3A_806 = vector.shape_cast %parallel_loop3A_805 : vector<1x16xf32> to vector<16xf32>
        %parallel_loop3A_807 = arith.addf %parallel_loop3A_802, %parallel_loop3A_806 : vector<16xf32>
        %parallel_loop3A_808 = arith.constant 3 : i32
        %parallel_loop3A_809 = arith.index_cast %parallel_loop3A_808 : i32 to index
        %parallel_loop3A_810 = arith.index_cast %parallel_loop3A_786 : i32 to index
        %parallel_loop3A_811 = arith.constant 0 : index
        %parallel_loop3A_812 = tpu.vector_load %arg7[%parallel_loop3A_809, %parallel_loop3A_810, %parallel_loop3A_811] {strides = array<i32>} : memref<4x128x64xf32, #tpu.memory_space<vmem>>, vector<1x1x16xf32>,
        %parallel_loop3A_813 = vector.shape_cast %parallel_loop3A_812 : vector<1x1x16xf32> to vector<16xf32>
        %parallel_loop3A_814 = vector.shape_cast %parallel_loop3A_807 : vector<16xf32> to vector<1x1x16xf32>
        tpu.vector_store %arg7[%parallel_loop3A_809, %parallel_loop3A_810, %parallel_loop3A_811], %parallel_loop3A_814 {strides = array<i32>} : memref<4x128x64xf32, #tpu.memory_space<vmem>>, vector<1x1x16xf32>,
        %parallel_loop3A_815 = arith.constant 3 : i32
        %parallel_loop3A_816 = arith.index_cast %parallel_loop3A_815 : i32 to index
        %parallel_loop3A_817 = arith.index_cast %parallel_loop3A_786 : i32 to index
        %parallel_loop3A_818 = arith.constant 16 : index
        %parallel_loop3A_819 = tpu.vector_load %arg7[%parallel_loop3A_816, %parallel_loop3A_817, %parallel_loop3A_818] {strides = array<i32>} : memref<4x128x64xf32, #tpu.memory_space<vmem>>, vector<1x1x16xf32>,
        %parallel_loop3A_820 = vector.shape_cast %parallel_loop3A_819 : vector<1x1x16xf32> to vector<16xf32>
        %parallel_loop3A_821 = arith.constant 8.000000e+00 : f32
        %parallel_loop3A_822 = vector.broadcast %parallel_loop3A_821 : f32 to vector<16xf32>
        %parallel_loop3A_823 = arith.mulf %parallel_loop3A_820, %parallel_loop3A_822 : vector<16xf32>
        %parallel_loop3A_824 = arith.index_cast %parallel_loop3A_793 : i32 to index
        %parallel_loop3A_825 = arith.constant 16 : index
        %parallel_loop3A_826 = tpu.vector_load %arg8[%parallel_loop3A_824, %parallel_loop3A_825] {strides = array<i32>} : memref<328x64xf32, #tpu.memory_space<vmem>>, vector<1x16xf32>,
        %parallel_loop3A_827 = vector.shape_cast %parallel_loop3A_826 : vector<1x16xf32> to vector<16xf32>
        %parallel_loop3A_828 = arith.addf %parallel_loop3A_823, %parallel_loop3A_827 : vector<16xf32>
        %parallel_loop3A_829 = arith.constant 3 : i32
        %parallel_loop3A_830 = arith.index_cast %parallel_loop3A_829 : i32 to index
        %parallel_loop3A_831 = arith.index_cast %parallel_loop3A_786 : i32 to index
        %parallel_loop3A_832 = arith.constant 16 : index
        %parallel_loop3A_833 = tpu.vector_load %arg7[%parallel_loop3A_830, %parallel_loop3A_831, %parallel_loop3A_832] {strides = array<i32>} : memref<4x128x64xf32, #tpu.memory_space<vmem>>, vector<1x1x16xf32>,
        %parallel_loop3A_834 = vector.shape_cast %parallel_loop3A_833 : vector<1x1x16xf32> to vector<16xf32>
        %parallel_loop3A_835 = vector.shape_cast %parallel_loop3A_828 : vector<16xf32> to vector<1x1x16xf32>
        tpu.vector_store %arg7[%parallel_loop3A_830, %parallel_loop3A_831, %parallel_loop3A_832], %parallel_loop3A_835 {strides = array<i32>} : memref<4x128x64xf32, #tpu.memory_space<vmem>>, vector<1x1x16xf32>,
        %parallel_loop3A_836 = arith.constant 3 : i32
        %parallel_loop3A_837 = arith.index_cast %parallel_loop3A_836 : i32 to index
        %parallel_loop3A_838 = arith.index_cast %parallel_loop3A_786 : i32 to index
        %parallel_loop3A_839 = arith.constant 32 : index
        %parallel_loop3A_840 = tpu.vector_load %arg7[%parallel_loop3A_837, %parallel_loop3A_838, %parallel_loop3A_839] {strides = array<i32>} : memref<4x128x64xf32, #tpu.memory_space<vmem>>, vector<1x1x16xf32>,
        %parallel_loop3A_841 = vector.shape_cast %parallel_loop3A_840 : vector<1x1x16xf32> to vector<16xf32>
        %parallel_loop3A_842 = arith.constant 8.000000e+00 : f32
        %parallel_loop3A_843 = vector.broadcast %parallel_loop3A_842 : f32 to vector<16xf32>
        %parallel_loop3A_844 = arith.mulf %parallel_loop3A_841, %parallel_loop3A_843 : vector<16xf32>
        %parallel_loop3A_845 = arith.index_cast %parallel_loop3A_793 : i32 to index
        %parallel_loop3A_846 = arith.constant 32 : index
        %parallel_loop3A_847 = tpu.vector_load %arg8[%parallel_loop3A_845, %parallel_loop3A_846] {strides = array<i32>} : memref<328x64xf32, #tpu.memory_space<vmem>>, vector<1x16xf32>,
        %parallel_loop3A_848 = vector.shape_cast %parallel_loop3A_847 : vector<1x16xf32> to vector<16xf32>
        %parallel_loop3A_849 = arith.addf %parallel_loop3A_844, %parallel_loop3A_848 : vector<16xf32>
        %parallel_loop3A_850 = arith.constant 3 : i32
        %parallel_loop3A_851 = arith.index_cast %parallel_loop3A_850 : i32 to index
        %parallel_loop3A_852 = arith.index_cast %parallel_loop3A_786 : i32 to index
        %parallel_loop3A_853 = arith.constant 32 : index
        %parallel_loop3A_854 = tpu.vector_load %arg7[%parallel_loop3A_851, %parallel_loop3A_852, %parallel_loop3A_853] {strides = array<i32>} : memref<4x128x64xf32, #tpu.memory_space<vmem>>, vector<1x1x16xf32>,
        %parallel_loop3A_855 = vector.shape_cast %parallel_loop3A_854 : vector<1x1x16xf32> to vector<16xf32>
        %parallel_loop3A_856 = vector.shape_cast %parallel_loop3A_849 : vector<16xf32> to vector<1x1x16xf32>
        tpu.vector_store %arg7[%parallel_loop3A_851, %parallel_loop3A_852, %parallel_loop3A_853], %parallel_loop3A_856 {strides = array<i32>} : memref<4x128x64xf32, #tpu.memory_space<vmem>>, vector<1x1x16xf32>,
        %parallel_loop3A_857 = arith.constant 3 : i32
        %parallel_loop3A_858 = arith.index_cast %parallel_loop3A_857 : i32 to index
        %parallel_loop3A_859 = arith.index_cast %parallel_loop3A_786 : i32 to index
        %parallel_loop3A_860 = arith.constant 48 : index
        %parallel_loop3A_861 = tpu.vector_load %arg7[%parallel_loop3A_858, %parallel_loop3A_859, %parallel_loop3A_860] {strides = array<i32>} : memref<4x128x64xf32, #tpu.memory_space<vmem>>, vector<1x1x16xf32>,
        %parallel_loop3A_862 = vector.shape_cast %parallel_loop3A_861 : vector<1x1x16xf32> to vector<16xf32>
        %parallel_loop3A_863 = arith.constant 8.000000e+00 : f32
        %parallel_loop3A_864 = vector.broadcast %parallel_loop3A_863 : f32 to vector<16xf32>
        %parallel_loop3A_865 = arith.mulf %parallel_loop3A_862, %parallel_loop3A_864 : vector<16xf32>
        %parallel_loop3A_866 = arith.index_cast %parallel_loop3A_793 : i32 to index
        %parallel_loop3A_867 = arith.constant 48 : index
        %parallel_loop3A_868 = tpu.vector_load %arg8[%parallel_loop3A_866, %parallel_loop3A_867] {strides = array<i32>} : memref<328x64xf32, #tpu.memory_space<vmem>>, vector<1x16xf32>,
        %parallel_loop3A_869 = vector.shape_cast %parallel_loop3A_868 : vector<1x16xf32> to vector<16xf32>
        %parallel_loop3A_870 = arith.addf %parallel_loop3A_865, %parallel_loop3A_869 : vector<16xf32>
        %parallel_loop3A_871 = arith.constant 3 : i32
        %parallel_loop3A_872 = arith.index_cast %parallel_loop3A_871 : i32 to index
        %parallel_loop3A_873 = arith.index_cast %parallel_loop3A_786 : i32 to index
        %parallel_loop3A_874 = arith.constant 48 : index
        %parallel_loop3A_875 = tpu.vector_load %arg7[%parallel_loop3A_872, %parallel_loop3A_873, %parallel_loop3A_874] {strides = array<i32>} : memref<4x128x64xf32, #tpu.memory_space<vmem>>, vector<1x1x16xf32>,
        %parallel_loop3A_876 = vector.shape_cast %parallel_loop3A_875 : vector<1x1x16xf32> to vector<16xf32>
        %parallel_loop3A_877 = vector.shape_cast %parallel_loop3A_870 : vector<16xf32> to vector<1x1x16xf32>
        tpu.vector_store %arg7[%parallel_loop3A_872, %parallel_loop3A_873, %parallel_loop3A_874], %parallel_loop3A_877 {strides = array<i32>} : memref<4x128x64xf32, #tpu.memory_space<vmem>>, vector<1x1x16xf32>,
      } {sc.loop_unroll_factor = 4 : i64, sc.parallel_access}
      %jit3A_733 = arith.constant 2 : i32
      %div3A_734 = arith.divsi %mul3A_2, %jit3A_733 : i32
      %sign3A_735 = arith.constant 0 : i32
      %sign3A_736 = arith.cmpi sgt, %mul3A_2, %sign3A_735 : i32
      %sign3A_737 = arith.extui %sign3A_736 : i1 to i32
      %sign3A_738 = arith.constant 0 : i32
      %sign3A_739 = arith.cmpi slt, %mul3A_2, %sign3A_738 : i32
      %sign3A_740 = arith.extui %sign3A_739 : i1 to i32
      %sign3A_741 = arith.subi %sign3A_737, %sign3A_740 : i32
      %sign3A_742 = arith.constant 0 : i32
      %sign3A_743 = arith.cmpi sgt, %jit3A_733, %sign3A_742 : i32
      %sign3A_744 = arith.extui %sign3A_743 : i1 to i32
      %sign3A_745 = arith.constant 0 : i32
      %sign3A_746 = arith.cmpi slt, %jit3A_733, %sign3A_745 : i32
      %sign3A_747 = arith.extui %sign3A_746 : i1 to i32
      %sign3A_748 = arith.subi %sign3A_744, %sign3A_747 : i32
      %ne3A_749 = arith.cmpi ne, %sign3A_741, %sign3A_748 : i32
      %rem3A_750 = arith.remsi %mul3A_2, %jit3A_733 : i32
      %ne3A_751 = arith.constant 0 : i32
      %ne3A_752 = arith.cmpi ne, %rem3A_750, %ne3A_751 : i32
      %and3A_753 = arith.andi %ne3A_749, %ne3A_752 : i1
      %sub3A_754 = arith.constant 1 : i32
      %sub3A_755 = arith.subi %div3A_734, %sub3A_754 : i32
      %select_n3A_756 = arith.select %and3A_753, %sub3A_755, %div3A_734 : i32
      %mul3A_757 = arith.constant 64 : i32
      %mul3A_758 = arith.muli %add3A_690, %mul3A_757 : i32
      %add3A_759 = arith.addi %select_n3A_756, %mul3A_758 : i32
      %dma_start3A_760 = arith.constant 3 : i32
      %dma_start3A_761 = arith.constant 0 : i32
      %dma_start3A_762 = arith.constant 0 : i32
      %dma_start3A_763 = tpu.memref_slice %arg7[%dma_start3A_760, %dma_start3A_761, %dma_start3A_762] : memref<4x128x64xf32, #tpu.memory_space<vmem>> -> memref<1x64x64xf32, #tpu.memory_space<vmem>>
      %dma_start3A_764 = tpu.memref_squeeze %dma_start3A_763 : memref<1x64x64xf32, #tpu.memory_space<vmem>> -> memref<64x64xf32, #tpu.memory_space<vmem>>
      %dma_start3A_765 = arith.constant 0 : i32
      %dma_start3A_766 = tpu.memref_slice %arg5[%add3A_759, %dma_start3A_765] : memref<409600x128xf32, #tpu.memory_space<hbm>> -> memref<64x64xf32, #tpu.memory_space<hbm>>
      %dma_start3A_767 = arith.constant 0 : i32
      %dma_start3A_768 = tpu.memref_slice %arg5[%add3A_759, %dma_start3A_767] : memref<409600x128xf32, #tpu.memory_space<hbm>> -> memref<64x64xf32, #tpu.memory_space<hbm>>
      %dma_start3A_769 = arith.constant 0 : i32
      %dma_start3A_770 = arith.constant 0 : i32
      %dma_start3A_771 = tpu.memref_slice %arg7[%dma_start3A_760, %dma_start3A_769, %dma_start3A_770] : memref<4x128x64xf32, #tpu.memory_space<vmem>> -> memref<1x64x64xf32, #tpu.memory_space<vmem>>
      %dma_start3A_772 = tpu.memref_squeeze %dma_start3A_771 : memref<1x64x64xf32, #tpu.memory_space<vmem>> -> memref<64x64xf32, #tpu.memory_space<vmem>>
      tpu.enqueue_dma source(%dma_start3A_772 : memref<64x64xf32, #tpu.memory_space<vmem>>) target(%dma_start3A_768 : memref<64x64xf32, #tpu.memory_space<hbm>>) target_semaphore(%arg11 : memref<!tpu.dma_semaphore, #tpu.memory_space<semaphore_mem>>)
      %dma_start3A_773 = arith.constant 3 : i32
      %dma_start3A_774 = arith.constant 64 : i32
      %dma_start3A_775 = arith.constant 0 : i32
      %dma_start3A_776 = tpu.memref_slice %arg7[%dma_start3A_773, %dma_start3A_774, %dma_start3A_775] : memref<4x128x64xf32, #tpu.memory_space<vmem>> -> memref<1x64x64xf32, #tpu.memory_space<vmem>>
      %dma_start3A_777 = tpu.memref_squeeze %dma_start3A_776 : memref<1x64x64xf32, #tpu.memory_space<vmem>> -> memref<64x64xf32, #tpu.memory_space<vmem>>
      %dma_start3A_778 = arith.constant 64 : i32
      %dma_start3A_779 = tpu.memref_slice %arg5[%add3A_759, %dma_start3A_778] : memref<409600x128xf32, #tpu.memory_space<hbm>> -> memref<64x64xf32, #tpu.memory_space<hbm>>
      %dma_start3A_780 = arith.constant 64 : i32
      %dma_start3A_781 = tpu.memref_slice %arg5[%add3A_759, %dma_start3A_780] : memref<409600x128xf32, #tpu.memory_space<hbm>> -> memref<64x64xf32, #tpu.memory_space<hbm>>
      %dma_start3A_782 = arith.constant 64 : i32
      %dma_start3A_783 = arith.constant 0 : i32
      %dma_start3A_784 = tpu.memref_slice %arg7[%dma_start3A_773, %dma_start3A_782, %dma_start3A_783] : memref<4x128x64xf32, #tpu.memory_space<vmem>> -> memref<1x64x64xf32, #tpu.memory_space<vmem>>
      %dma_start3A_785 = tpu.memref_squeeze %dma_start3A_784 : memref<1x64x64xf32, #tpu.memory_space<vmem>> -> memref<64x64xf32, #tpu.memory_space<vmem>>
      tpu.enqueue_dma source(%dma_start3A_785 : memref<64x64xf32, #tpu.memory_space<vmem>>) target(%dma_start3A_781 : memref<64x64xf32, #tpu.memory_space<hbm>>) target_semaphore(%arg11 : memref<!tpu.dma_semaphore, #tpu.memory_space<semaphore_mem>>)
    }
    %scan3A_193 = arith.constant 50 : i32
    %jit3A = arith.constant 2 : i32
    %div3A = arith.divsi %mul3A_2, %jit3A : i32
    %sign3A = arith.constant 0 : i32
    %sign3A_194 = arith.cmpi sgt, %mul3A_2, %sign3A : i32
    %sign3A_195 = arith.extui %sign3A_194 : i1 to i32
    %sign3A_196 = arith.constant 0 : i32
    %sign3A_197 = arith.cmpi slt, %mul3A_2, %sign3A_196 : i32
    %sign3A_198 = arith.extui %sign3A_197 : i1 to i32
    %sign3A_199 = arith.subi %sign3A_195, %sign3A_198 : i32
    %sign3A_200 = arith.constant 0 : i32
    %sign3A_201 = arith.cmpi sgt, %jit3A, %sign3A_200 : i32
    %sign3A_202 = arith.extui %sign3A_201 : i1 to i32
    %sign3A_203 = arith.constant 0 : i32
    %sign3A_204 = arith.cmpi slt, %jit3A, %sign3A_203 : i32
    %sign3A_205 = arith.extui %sign3A_204 : i1 to i32
    %sign3A_206 = arith.subi %sign3A_202, %sign3A_205 : i32
    %ne3A = arith.cmpi ne, %sign3A_199, %sign3A_206 : i32
    %rem3A = arith.remsi %mul3A_2, %jit3A : i32
    %ne3A_207 = arith.constant 0 : i32
    %ne3A_208 = arith.cmpi ne, %rem3A, %ne3A_207 : i32
    %and3A = arith.andi %ne3A, %ne3A_208 : i1
    %sub3A = arith.constant 1 : i32
    %sub3A_209 = arith.subi %div3A, %sub3A : i32
    %select_n3A = arith.select %and3A, %sub3A_209, %div3A : i32
    %add3A_210 = arith.constant 12544 : i32
    %add3A_211 = arith.addi %select_n3A, %add3A_210 : i32
    %dma_wait3A_212 = arith.constant 0 : i32
    %dma_wait3A_213 = arith.constant 0 : i32
    %dma_wait3A_214 = arith.constant 0 : i32
    %dma_wait3A_215 = tpu.memref_slice %arg7[%dma_wait3A_212, %dma_wait3A_213, %dma_wait3A_214] : memref<4x128x64xf32, #tpu.memory_space<vmem>> -> memref<1x64x64xf32, #tpu.memory_space<vmem>>
    %dma_wait3A_216 = tpu.memref_squeeze %dma_wait3A_215 : memref<1x64x64xf32, #tpu.memory_space<vmem>> -> memref<64x64xf32, #tpu.memory_space<vmem>>
    %dma_wait3A_217 = arith.constant 0 : i32
    %dma_wait3A_218 = tpu.memref_slice %arg5[%add3A_211, %dma_wait3A_217] : memref<409600x128xf32, #tpu.memory_space<hbm>> -> memref<64x64xf32, #tpu.memory_space<hbm>>
    %dma_wait3A_219 = arith.constant 0 : i32
    %dma_wait3A_220 = tpu.memref_slice %arg5[%add3A_211, %dma_wait3A_219] : memref<409600x128xf32, #tpu.memory_space<hbm>> -> memref<64x64xf32, #tpu.memory_space<hbm>>
    %dma_wait3A_221 = arith.constant 0 : i32
    %dma_wait3A_222 = arith.constant 0 : i32
    %dma_wait3A_223 = tpu.memref_slice %arg7[%dma_wait3A_212, %dma_wait3A_221, %dma_wait3A_222] : memref<4x128x64xf32, #tpu.memory_space<vmem>> -> memref<1x64x64xf32, #tpu.memory_space<vmem>>
    %dma_wait3A_224 = tpu.memref_squeeze %dma_wait3A_223 : memref<1x64x64xf32, #tpu.memory_space<vmem>> -> memref<64x64xf32, #tpu.memory_space<vmem>>
    tpu.wait_dma2 semaphore(%arg11 : memref<!tpu.dma_semaphore, #tpu.memory_space<semaphore_mem>>) src(%dma_wait3A_224 : memref<64x64xf32, #tpu.memory_space<vmem>>) dst(%dma_wait3A_220 : memref<64x64xf32, #tpu.memory_space<hbm>>)
    %dma_wait3A_225 = arith.constant 0 : i32
    %dma_wait3A_226 = arith.constant 64 : i32
    %dma_wait3A_227 = arith.constant 0 : i32
    %dma_wait3A_228 = tpu.memref_slice %arg7[%dma_wait3A_225, %dma_wait3A_226, %dma_wait3A_227] : memref<4x128x64xf32, #tpu.memory_space<vmem>> -> memref<1x64x64xf32, #tpu.memory_space<vmem>>
    %dma_wait3A_229 = tpu.memref_squeeze %dma_wait3A_228 : memref<1x64x64xf32, #tpu.memory_space<vmem>> -> memref<64x64xf32, #tpu.memory_space<vmem>>
    %dma_wait3A_230 = arith.constant 64 : i32
    %dma_wait3A_231 = tpu.memref_slice %arg5[%add3A_211, %dma_wait3A_230] : memref<409600x128xf32, #tpu.memory_space<hbm>> -> memref<64x64xf32, #tpu.memory_space<hbm>>
    %dma_wait3A_232 = arith.constant 64 : i32
    %dma_wait3A_233 = tpu.memref_slice %arg5[%add3A_211, %dma_wait3A_232] : memref<409600x128xf32, #tpu.memory_space<hbm>> -> memref<64x64xf32, #tpu.memory_space<hbm>>
    %dma_wait3A_234 = arith.constant 64 : i32
    %dma_wait3A_235 = arith.constant 0 : i32
    %dma_wait3A_236 = tpu.memref_slice %arg7[%dma_wait3A_225, %dma_wait3A_234, %dma_wait3A_235] : memref<4x128x64xf32, #tpu.memory_space<vmem>> -> memref<1x64x64xf32, #tpu.memory_space<vmem>>
    %dma_wait3A_237 = tpu.memref_squeeze %dma_wait3A_236 : memref<1x64x64xf32, #tpu.memory_space<vmem>> -> memref<64x64xf32, #tpu.memory_space<vmem>>
    tpu.wait_dma2 semaphore(%arg11 : memref<!tpu.dma_semaphore, #tpu.memory_space<semaphore_mem>>) src(%dma_wait3A_237 : memref<64x64xf32, #tpu.memory_space<vmem>>) dst(%dma_wait3A_233 : memref<64x64xf32, #tpu.memory_space<hbm>>)
    %jit3A_238 = arith.constant 2 : i32
    %div3A_239 = arith.divsi %mul3A_2, %jit3A_238 : i32
    %sign3A_240 = arith.constant 0 : i32
    %sign3A_241 = arith.cmpi sgt, %mul3A_2, %sign3A_240 : i32
    %sign3A_242 = arith.extui %sign3A_241 : i1 to i32
    %sign3A_243 = arith.constant 0 : i32
    %sign3A_244 = arith.cmpi slt, %mul3A_2, %sign3A_243 : i32
    %sign3A_245 = arith.extui %sign3A_244 : i1 to i32
    %sign3A_246 = arith.subi %sign3A_242, %sign3A_245 : i32
    %sign3A_247 = arith.constant 0 : i32
    %sign3A_248 = arith.cmpi sgt, %jit3A_238, %sign3A_247 : i32
    %sign3A_249 = arith.extui %sign3A_248 : i1 to i32
    %sign3A_250 = arith.constant 0 : i32
    %sign3A_251 = arith.cmpi slt, %jit3A_238, %sign3A_250 : i32
    %sign3A_252 = arith.extui %sign3A_251 : i1 to i32
    %sign3A_253 = arith.subi %sign3A_249, %sign3A_252 : i32
    %ne3A_254 = arith.cmpi ne, %sign3A_246, %sign3A_253 : i32
    %rem3A_255 = arith.remsi %mul3A_2, %jit3A_238 : i32
    %ne3A_256 = arith.constant 0 : i32
    %ne3A_257 = arith.cmpi ne, %rem3A_255, %ne3A_256 : i32
    %and3A_258 = arith.andi %ne3A_254, %ne3A_257 : i1
    %sub3A_259 = arith.constant 1 : i32
    %sub3A_260 = arith.subi %div3A_239, %sub3A_259 : i32
    %select_n3A_261 = arith.select %and3A_258, %sub3A_260, %div3A_239 : i32
    %add3A_262 = arith.constant 12608 : i32
    %add3A_263 = arith.addi %select_n3A_261, %add3A_262 : i32
    %dma_wait3A_264 = arith.constant 1 : i32
    %dma_wait3A_265 = arith.constant 0 : i32
    %dma_wait3A_266 = arith.constant 0 : i32
    %dma_wait3A_267 = tpu.memref_slice %arg7[%dma_wait3A_264, %dma_wait3A_265, %dma_wait3A_266] : memref<4x128x64xf32, #tpu.memory_space<vmem>> -> memref<1x64x64xf32, #tpu.memory_space<vmem>>
    %dma_wait3A_268 = tpu.memref_squeeze %dma_wait3A_267 : memref<1x64x64xf32, #tpu.memory_space<vmem>> -> memref<64x64xf32, #tpu.memory_space<vmem>>
    %dma_wait3A_269 = arith.constant 0 : i32
    %dma_wait3A_270 = tpu.memref_slice %arg5[%add3A_263, %dma_wait3A_269] : memref<409600x128xf32, #tpu.memory_space<hbm>> -> memref<64x64xf32, #tpu.memory_space<hbm>>
    %dma_wait3A_271 = arith.constant 0 : i32
    %dma_wait3A_272 = tpu.memref_slice %arg5[%add3A_263, %dma_wait3A_271] : memref<409600x128xf32, #tpu.memory_space<hbm>> -> memref<64x64xf32, #tpu.memory_space<hbm>>
    %dma_wait3A_273 = arith.constant 0 : i32
    %dma_wait3A_274 = arith.constant 0 : i32
    %dma_wait3A_275 = tpu.memref_slice %arg7[%dma_wait3A_264, %dma_wait3A_273, %dma_wait3A_274] : memref<4x128x64xf32, #tpu.memory_space<vmem>> -> memref<1x64x64xf32, #tpu.memory_space<vmem>>
    %dma_wait3A_276 = tpu.memref_squeeze %dma_wait3A_275 : memref<1x64x64xf32, #tpu.memory_space<vmem>> -> memref<64x64xf32, #tpu.memory_space<vmem>>
    tpu.wait_dma2 semaphore(%arg11 : memref<!tpu.dma_semaphore, #tpu.memory_space<semaphore_mem>>) src(%dma_wait3A_276 : memref<64x64xf32, #tpu.memory_space<vmem>>) dst(%dma_wait3A_272 : memref<64x64xf32, #tpu.memory_space<hbm>>)
    %dma_wait3A_277 = arith.constant 1 : i32
    %dma_wait3A_278 = arith.constant 64 : i32
    %dma_wait3A_279 = arith.constant 0 : i32
    %dma_wait3A_280 = tpu.memref_slice %arg7[%dma_wait3A_277, %dma_wait3A_278, %dma_wait3A_279] : memref<4x128x64xf32, #tpu.memory_space<vmem>> -> memref<1x64x64xf32, #tpu.memory_space<vmem>>
    %dma_wait3A_281 = tpu.memref_squeeze %dma_wait3A_280 : memref<1x64x64xf32, #tpu.memory_space<vmem>> -> memref<64x64xf32, #tpu.memory_space<vmem>>
    %dma_wait3A_282 = arith.constant 64 : i32
    %dma_wait3A_283 = tpu.memref_slice %arg5[%add3A_263, %dma_wait3A_282] : memref<409600x128xf32, #tpu.memory_space<hbm>> -> memref<64x64xf32, #tpu.memory_space<hbm>>
    %dma_wait3A_284 = arith.constant 64 : i32
    %dma_wait3A_285 = tpu.memref_slice %arg5[%add3A_263, %dma_wait3A_284] : memref<409600x128xf32, #tpu.memory_space<hbm>> -> memref<64x64xf32, #tpu.memory_space<hbm>>
    %dma_wait3A_286 = arith.constant 64 : i32
    %dma_wait3A_287 = arith.constant 0 : i32
    %dma_wait3A_288 = tpu.memref_slice %arg7[%dma_wait3A_277, %dma_wait3A_286, %dma_wait3A_287] : memref<4x128x64xf32, #tpu.memory_space<vmem>> -> memref<1x64x64xf32, #tpu.memory_space<vmem>>
    %dma_wait3A_289 = tpu.memref_squeeze %dma_wait3A_288 : memref<1x64x64xf32, #tpu.memory_space<vmem>> -> memref<64x64xf32, #tpu.memory_space<vmem>>
    tpu.wait_dma2 semaphore(%arg11 : memref<!tpu.dma_semaphore, #tpu.memory_space<semaphore_mem>>) src(%dma_wait3A_289 : memref<64x64xf32, #tpu.memory_space<vmem>>) dst(%dma_wait3A_285 : memref<64x64xf32, #tpu.memory_space<hbm>>)
    %jit3A_290 = arith.constant 2 : i32
    %div3A_291 = arith.divsi %mul3A_2, %jit3A_290 : i32
    %sign3A_292 = arith.constant 0 : i32
    %sign3A_293 = arith.cmpi sgt, %mul3A_2, %sign3A_292 : i32
    %sign3A_294 = arith.extui %sign3A_293 : i1 to i32
    %sign3A_295 = arith.constant 0 : i32
    %sign3A_296 = arith.cmpi slt, %mul3A_2, %sign3A_295 : i32
    %sign3A_297 = arith.extui %sign3A_296 : i1 to i32
    %sign3A_298 = arith.subi %sign3A_294, %sign3A_297 : i32
    %sign3A_299 = arith.constant 0 : i32
    %sign3A_300 = arith.cmpi sgt, %jit3A_290, %sign3A_299 : i32
    %sign3A_301 = arith.extui %sign3A_300 : i1 to i32
    %sign3A_302 = arith.constant 0 : i32
    %sign3A_303 = arith.cmpi slt, %jit3A_290, %sign3A_302 : i32
    %sign3A_304 = arith.extui %sign3A_303 : i1 to i32
    %sign3A_305 = arith.subi %sign3A_301, %sign3A_304 : i32
    %ne3A_306 = arith.cmpi ne, %sign3A_298, %sign3A_305 : i32
    %rem3A_307 = arith.remsi %mul3A_2, %jit3A_290 : i32
    %ne3A_308 = arith.constant 0 : i32
    %ne3A_309 = arith.cmpi ne, %rem3A_307, %ne3A_308 : i32
    %and3A_310 = arith.andi %ne3A_306, %ne3A_309 : i1
    %sub3A_311 = arith.constant 1 : i32
    %sub3A_312 = arith.subi %div3A_291, %sub3A_311 : i32
    %select_n3A_313 = arith.select %and3A_310, %sub3A_312, %div3A_291 : i32
    %add3A_314 = arith.constant 12672 : i32
    %add3A_315 = arith.addi %select_n3A_313, %add3A_314 : i32
    %dma_wait3A_316 = arith.constant 2 : i32
    %dma_wait3A_317 = arith.constant 0 : i32
    %dma_wait3A_318 = arith.constant 0 : i32
    %dma_wait3A_319 = tpu.memref_slice %arg7[%dma_wait3A_316, %dma_wait3A_317, %dma_wait3A_318] : memref<4x128x64xf32, #tpu.memory_space<vmem>> -> memref<1x64x64xf32, #tpu.memory_space<vmem>>
    %dma_wait3A_320 = tpu.memref_squeeze %dma_wait3A_319 : memref<1x64x64xf32, #tpu.memory_space<vmem>> -> memref<64x64xf32, #tpu.memory_space<vmem>>
    %dma_wait3A_321 = arith.constant 0 : i32
    %dma_wait3A_322 = tpu.memref_slice %arg5[%add3A_315, %dma_wait3A_321] : memref<409600x128xf32, #tpu.memory_space<hbm>> -> memref<64x64xf32, #tpu.memory_space<hbm>>
    %dma_wait3A_323 = arith.constant 0 : i32
    %dma_wait3A_324 = tpu.memref_slice %arg5[%add3A_315, %dma_wait3A_323] : memref<409600x128xf32, #tpu.memory_space<hbm>> -> memref<64x64xf32, #tpu.memory_space<hbm>>
    %dma_wait3A_325 = arith.constant 0 : i32
    %dma_wait3A_326 = arith.constant 0 : i32
    %dma_wait3A_327 = tpu.memref_slice %arg7[%dma_wait3A_316, %dma_wait3A_325, %dma_wait3A_326] : memref<4x128x64xf32, #tpu.memory_space<vmem>> -> memref<1x64x64xf32, #tpu.memory_space<vmem>>
    %dma_wait3A_328 = tpu.memref_squeeze %dma_wait3A_327 : memref<1x64x64xf32, #tpu.memory_space<vmem>> -> memref<64x64xf32, #tpu.memory_space<vmem>>
    tpu.wait_dma2 semaphore(%arg11 : memref<!tpu.dma_semaphore, #tpu.memory_space<semaphore_mem>>) src(%dma_wait3A_328 : memref<64x64xf32, #tpu.memory_space<vmem>>) dst(%dma_wait3A_324 : memref<64x64xf32, #tpu.memory_space<hbm>>)
    %dma_wait3A_329 = arith.constant 2 : i32
    %dma_wait3A_330 = arith.constant 64 : i32
    %dma_wait3A_331 = arith.constant 0 : i32
    %dma_wait3A_332 = tpu.memref_slice %arg7[%dma_wait3A_329, %dma_wait3A_330, %dma_wait3A_331] : memref<4x128x64xf32, #tpu.memory_space<vmem>> -> memref<1x64x64xf32, #tpu.memory_space<vmem>>
    %dma_wait3A_333 = tpu.memref_squeeze %dma_wait3A_332 : memref<1x64x64xf32, #tpu.memory_space<vmem>> -> memref<64x64xf32, #tpu.memory_space<vmem>>
    %dma_wait3A_334 = arith.constant 64 : i32
    %dma_wait3A_335 = tpu.memref_slice %arg5[%add3A_315, %dma_wait3A_334] : memref<409600x128xf32, #tpu.memory_space<hbm>> -> memref<64x64xf32, #tpu.memory_space<hbm>>
    %dma_wait3A_336 = arith.constant 64 : i32
    %dma_wait3A_337 = tpu.memref_slice %arg5[%add3A_315, %dma_wait3A_336] : memref<409600x128xf32, #tpu.memory_space<hbm>> -> memref<64x64xf32, #tpu.memory_space<hbm>>
    %dma_wait3A_338 = arith.constant 64 : i32
    %dma_wait3A_339 = arith.constant 0 : i32
    %dma_wait3A_340 = tpu.memref_slice %arg7[%dma_wait3A_329, %dma_wait3A_338, %dma_wait3A_339] : memref<4x128x64xf32, #tpu.memory_space<vmem>> -> memref<1x64x64xf32, #tpu.memory_space<vmem>>
    %dma_wait3A_341 = tpu.memref_squeeze %dma_wait3A_340 : memref<1x64x64xf32, #tpu.memory_space<vmem>> -> memref<64x64xf32, #tpu.memory_space<vmem>>
    tpu.wait_dma2 semaphore(%arg11 : memref<!tpu.dma_semaphore, #tpu.memory_space<semaphore_mem>>) src(%dma_wait3A_341 : memref<64x64xf32, #tpu.memory_space<vmem>>) dst(%dma_wait3A_337 : memref<64x64xf32, #tpu.memory_space<hbm>>)
    %jit3A_342 = arith.constant 2 : i32
    %div3A_343 = arith.divsi %mul3A_2, %jit3A_342 : i32
    %sign3A_344 = arith.constant 0 : i32
    %sign3A_345 = arith.cmpi sgt, %mul3A_2, %sign3A_344 : i32
    %sign3A_346 = arith.extui %sign3A_345 : i1 to i32
    %sign3A_347 = arith.constant 0 : i32
    %sign3A_348 = arith.cmpi slt, %mul3A_2, %sign3A_347 : i32
    %sign3A_349 = arith.extui %sign3A_348 : i1 to i32
    %sign3A_350 = arith.subi %sign3A_346, %sign3A_349 : i32
    %sign3A_351 = arith.constant 0 : i32
    %sign3A_352 = arith.cmpi sgt, %jit3A_342, %sign3A_351 : i32
    %sign3A_353 = arith.extui %sign3A_352 : i1 to i32
    %sign3A_354 = arith.constant 0 : i32
    %sign3A_355 = arith.cmpi slt, %jit3A_342, %sign3A_354 : i32
    %sign3A_356 = arith.extui %sign3A_355 : i1 to i32
    %sign3A_357 = arith.subi %sign3A_353, %sign3A_356 : i32
    %ne3A_358 = arith.cmpi ne, %sign3A_350, %sign3A_357 : i32
    %rem3A_359 = arith.remsi %mul3A_2, %jit3A_342 : i32
    %ne3A_360 = arith.constant 0 : i32
    %ne3A_361 = arith.cmpi ne, %rem3A_359, %ne3A_360 : i32
    %and3A_362 = arith.andi %ne3A_358, %ne3A_361 : i1
    %sub3A_363 = arith.constant 1 : i32
    %sub3A_364 = arith.subi %div3A_343, %sub3A_363 : i32
    %select_n3A_365 = arith.select %and3A_362, %sub3A_364, %div3A_343 : i32
    %add3A_366 = arith.constant 12736 : i32
    %add3A_367 = arith.addi %select_n3A_365, %add3A_366 : i32
    %dma_wait3A_368 = arith.constant 3 : i32
    %dma_wait3A_369 = arith.constant 0 : i32
    %dma_wait3A_370 = arith.constant 0 : i32
    %dma_wait3A_371 = tpu.memref_slice %arg7[%dma_wait3A_368, %dma_wait3A_369, %dma_wait3A_370] : memref<4x128x64xf32, #tpu.memory_space<vmem>> -> memref<1x64x64xf32, #tpu.memory_space<vmem>>
    %dma_wait3A_372 = tpu.memref_squeeze %dma_wait3A_371 : memref<1x64x64xf32, #tpu.memory_space<vmem>> -> memref<64x64xf32, #tpu.memory_space<vmem>>
    %dma_wait3A_373 = arith.constant 0 : i32
    %dma_wait3A_374 = tpu.memref_slice %arg5[%add3A_367, %dma_wait3A_373] : memref<409600x128xf32, #tpu.memory_space<hbm>> -> memref<64x64xf32, #tpu.memory_space<hbm>>
    %dma_wait3A_375 = arith.constant 0 : i32
    %dma_wait3A_376 = tpu.memref_slice %arg5[%add3A_367, %dma_wait3A_375] : memref<409600x128xf32, #tpu.memory_space<hbm>> -> memref<64x64xf32, #tpu.memory_space<hbm>>
    %dma_wait3A_377 = arith.constant 0 : i32
    %dma_wait3A_378 = arith.constant 0 : i32
    %dma_wait3A_379 = tpu.memref_slice %arg7[%dma_wait3A_368, %dma_wait3A_377, %dma_wait3A_378] : memref<4x128x64xf32, #tpu.memory_space<vmem>> -> memref<1x64x64xf32, #tpu.memory_space<vmem>>
    %dma_wait3A_380 = tpu.memref_squeeze %dma_wait3A_379 : memref<1x64x64xf32, #tpu.memory_space<vmem>> -> memref<64x64xf32, #tpu.memory_space<vmem>>
    tpu.wait_dma2 semaphore(%arg11 : memref<!tpu.dma_semaphore, #tpu.memory_space<semaphore_mem>>) src(%dma_wait3A_380 : memref<64x64xf32, #tpu.memory_space<vmem>>) dst(%dma_wait3A_376 : memref<64x64xf32, #tpu.memory_space<hbm>>)
    %dma_wait3A_381 = arith.constant 3 : i32
    %dma_wait3A_382 = arith.constant 64 : i32
    %dma_wait3A_383 = arith.constant 0 : i32
    %dma_wait3A_384 = tpu.memref_slice %arg7[%dma_wait3A_381, %dma_wait3A_382, %dma_wait3A_383] : memref<4x128x64xf32, #tpu.memory_space<vmem>> -> memref<1x64x64xf32, #tpu.memory_space<vmem>>
    %dma_wait3A_385 = tpu.memref_squeeze %dma_wait3A_384 : memref<1x64x64xf32, #tpu.memory_space<vmem>> -> memref<64x64xf32, #tpu.memory_space<vmem>>
    %dma_wait3A_386 = arith.constant 64 : i32
    %dma_wait3A_387 = tpu.memref_slice %arg5[%add3A_367, %dma_wait3A_386] : memref<409600x128xf32, #tpu.memory_space<hbm>> -> memref<64x64xf32, #tpu.memory_space<hbm>>
    %dma_wait3A_388 = arith.constant 64 : i32
    %dma_wait3A_389 = tpu.memref_slice %arg5[%add3A_367, %dma_wait3A_388] : memref<409600x128xf32, #tpu.memory_space<hbm>> -> memref<64x64xf32, #tpu.memory_space<hbm>>
    %dma_wait3A_390 = arith.constant 64 : i32
    %dma_wait3A_391 = arith.constant 0 : i32
    %dma_wait3A_392 = tpu.memref_slice %arg7[%dma_wait3A_381, %dma_wait3A_390, %dma_wait3A_391] : memref<4x128x64xf32, #tpu.memory_space<vmem>> -> memref<1x64x64xf32, #tpu.memory_space<vmem>>
    %dma_wait3A_393 = tpu.memref_squeeze %dma_wait3A_392 : memref<1x64x64xf32, #tpu.memory_space<vmem>> -> memref<64x64xf32, #tpu.memory_space<vmem>>
    tpu.wait_dma2 semaphore(%arg11 : memref<!tpu.dma_semaphore, #tpu.memory_space<semaphore_mem>>) src(%dma_wait3A_393 : memref<64x64xf32, #tpu.memory_space<vmem>>) dst(%dma_wait3A_389 : memref<64x64xf32, #tpu.memory_space<hbm>>)
    return
  }
}

</mosaic_0001>

<sc_bundles>
// kernel: kernel.3.cloned.1.call-start
scs
__scs_entry_jumppad:
0x0: {  	(pc) =	sbr.rel $0x88, $3  }
0x1: {  	(tag) =	ssettag $0x0;
	lr =	simm.s32 $0x1  }
0x2: {  	[smem:$0x3F9E] =	sst lr;
	_ =	strace $0xD0000000  }
0x3: {  	_ = 	snop  }
0x4: {  	_ = 	snop  }
0x5: {  	_ = 	snop  }
0x6: {  	_ = 	snop  }
0x7: {  	_ = 	snop  }
__scs_overlays_trampoline_lowered:
0x8: {  	[smem:$0x3FAD] =	sst s0  }
0x9: {  	[smem:$0x3FAE] =	sst s1  }
0xa: {  	[smem:$0x3FAF] =	sst s2  }
0xb: {  	[smem:$0x3FB0] =	sst s3  }
0xc: {  	[smem:$0x3FB1] =	sst s4  }
0xd: {  	[smem:$0x3FB2] =	sst s5  }
0xe: {  	[smem:$0x3FB3] =	sst s6  }
0xf: {  	[smem:$0x3FB4] =	sst s7  }
0x10: {  	[smem:$0x3FB5] =	sst s8  }
0x11: {  	[smem:$0x3FB6] =	sst s9;
	s0 =	simm.s32 @!p0 $0x0  }
0x12: {  	s1 =	sld [smem:$0x3F9C];
	s0 =	simm.s32 @p0 $0x1  }
0x13: {  	[smem:$0x3FB7] =	sst s0;
	s0 =	simm.s32 @!p1 $0x0  }
0x14: {  	s2 =	sld [smem:$0x3F9B];
	s0 =	simm.s32 @p1 $0x1  }
0x15: {  	[smem:$0x3FB8] =	sst s0;
	s0 =	simm.s32 @!p2 $0x0  }
0x16: {  	s3 =	sld [smem:$0x3FDB];
	s0 =	simm.s32 @p2 $0x1  }
0x17: {  	s4 =	simm.s32 $0x1BF5;
	[smem:$0x3FBA] =	sst s0  }
0x18: {  	s0 =	sld [smem:$0x3F9D];
	_ =	swait.ge [sflag:s4], $0x0  }
0x19: {  	s7 =	sld [smem:$0x3F9E]  }
0x1a: {  	s8 =	sadd.s32 $0xFFFFE003, lr  }
0x1b: {  	s9 =	sadd.s32 $0xFFFFFEF7, lr;
	s5 =	simm.s32 $0xFFFFFFFF;
	p2 =	slt.u32 s8, $0xFFFFF086  }
0x1c: {  	p1 =	slt.u32 s9, $0xF7A;
	s5 =	simm.s32 @!p2 $0x0  }
0x1d: {  	s5 =	simm.s32 @p1 $0x1;
	p0 =	seq.s32 s7, s2  }
0x1e: {  	s7 =	smul.u32 @!p0 $0xF7A, s2;
	p2 =	seq.s32 @!p0 s5, $0x0  }
0x1f: {  	s9 =	smul.u32 $0xF7A, s1;
	s8 =	simm.s32 @!p0 $0x1BF5;
	p2 =	por !p2, p0  }
0x20: {  	[sflag:s8] =	ssyncset.s32 @!p0 $0xFFFFF086;
	s6 =	sadd.s32 @!p0 s3, s7;
	s7 =	simm.s32 @!p0 $0x108  }
0x21: {  	s3 =	sadd.s32 s3, s9;
	s6 =	sadd.s32 @!p0 $0x88, s6;
	s7 =	simm.s32 @p2 $0x1082  }
0x22: {  	[simem:s7], [sflag:s8] =	dma.local @!p0 [hbm:s6], $0xF7A  }
0x23: {  	s9 =	sor.u32 $0xD0000000, s2;
	s6 =	simm.s32 $0x108;
	_ =	swait.ge @!p0 [sflag:s8], $0x0  }
0x24: {  	s3 =	sadd.s32 $0x88, s3;
	s6 =	simm.s32 @!p1 $0x1082;
	[sflag:s4] =	ssyncset.s32 $0xFFFFF086  }
0x25: {  	[simem:s6], [sflag:s4] =	dma.local [hbm:s3], $0xF7A  }
0x26: {  	[smem:$0x3F9E] =	sst s1;
	(tag) =	ssettag s2;
	_ =	strace s9  }
0x27: {  	s1 =	sld [smem:$0x3FAE]  }
0x28: {  	s2 =	sld [smem:$0x3FAF]  }
0x29: {  	s4 =	sld [smem:$0x3FB1]  }
0x2a: {  	p0 =	seq.s32 s5, $0x0;
	s5 =	sld [smem:$0x3FB2]  }
0x2b: {  	s6 =	sld [smem:$0x3FB3]  }
0x2c: {  	s7 =	sld [smem:$0x3FB4]  }
0x2d: {  	s3 =	simm.s32 $0x108;
	s8 =	sld [smem:$0x3FB5]  }
0x2e: {  	s3 =	simm.s32 @!p0 $0x1082;
	s9 =	sld [smem:$0x3FB6]  }
0x2f: {  	lr =	sadd.s32 s0, s3;
	s0 =	sld [smem:$0x3FAD]  }
0x30: {  	s3 =	sld [smem:$0x3FB0]  }
0x31: {  	[smem:$0x3FB9] =	sst s10  }
0x32: {  	s10 =	sld [smem:$0x3FB7];
	_ =	sdelay $0x3  }
0x33: {  	p0 =	seq.s32 s10, $0x1;
	s10 =	sld [smem:$0x3FB9];
	_ =	sdelay $0x3  }
0x34: {  	[smem:$0x3FB9] =	sst s10  }
0x35: {  	s10 =	sld [smem:$0x3FB8];
	_ =	sdelay $0x3  }
0x36: {  	p1 =	seq.s32 s10, $0x1;
	s10 =	sld [smem:$0x3FB9];
	_ =	sdelay $0x3  }
0x37: {  	[smem:$0x3FB9] =	sst s10  }
0x38: {  	s10 =	sld [smem:$0x3FBA]  }
0x39: {  	_ = 	snop;
	(pc) =	sbr.ind lr, $3  }
0x3a: {  	_ = 	snop  }
0x3b: {  	_ = 	snop  }
0x3c: {  	p2 =	seq.s32 s10, $0x1;
	s10 =	sld [smem:$0x3FB9]  }
0x3d: {  	_ =	shalt  }
0x3e: {  	_ =	shalt  }
0x3f: {  	_ =	shalt  }
0x40: {  	_ =	shalt  }
0x41: {  	_ =	shalt  }
0x42: {  	_ =	shalt  }
0x43: {  	_ =	shalt  }
0x44: {  	_ =	shalt  }
0x45: {  	_ =	shalt  }
0x46: {  	_ =	shalt  }
0x47: {  	_ =	shalt  }
0x48: {  	_ =	shalt  }
0x49: {  	_ =	shalt  }
0x4a: {  	_ =	shalt  }
0x4b: {  	_ =	shalt  }
0x4c: {  	_ =	shalt  }
0x4d: {  	_ =	shalt  }
0x4e: {  	_ =	shalt  }
0x4f: {  	_ =	shalt  }
0x50: {  	_ =	shalt  }
0x51: {  	_ =	shalt  }
0x52: {  	_ =	shalt  }
0x53: {  	_ =	shalt  }
0x54: {  	_ =	shalt  }
0x55: {  	_ =	shalt  }
0x56: {  	_ =	shalt  }
0x57: {  	_ =	shalt  }
0x58: {  	_ =	shalt  }
0x59: {  	_ =	shalt  }
0x5a: {  	_ =	shalt  }
0x5b: {  	_ =	shalt  }
0x5c: {  	_ =	shalt  }
0x5d: {  	_ =	shalt  }
0x5e: {  	_ =	shalt  }
0x5f: {  	_ =	shalt  }
0x60: {  	_ =	shalt  }
0x61: {  	_ =	shalt  }
0x62: {  	_ =	shalt  }
0x63: {  	_ =	shalt  }
0x64: {  	_ =	shalt  }
0x65: {  	_ =	shalt  }
0x66: {  	_ =	shalt  }
0x67: {  	_ =	shalt  }
0x68: {  	_ =	shalt  }
0x69: {  	_ =	shalt  }
0x6a: {  	_ =	shalt  }
0x6b: {  	_ =	shalt  }
0x6c: {  	_ =	shalt  }
0x6d: {  	_ =	shalt  }
0x6e: {  	_ =	shalt  }
0x6f: {  	_ =	shalt  }
0x70: {  	_ =	shalt  }
0x71: {  	_ =	shalt  }
0x72: {  	_ =	shalt  }
0x73: {  	_ =	shalt  }
0x74: {  	_ =	shalt  }
0x75: {  	_ =	shalt  }
0x76: {  	_ =	shalt  }
0x77: {  	_ =	shalt  }
0x78: {  	_ =	shalt  }
0x79: {  	_ =	shalt  }
0x7a: {  	_ =	shalt  }
0x7b: {  	_ =	shalt  }
0x7c: {  	_ =	shalt  }
0x7d: {  	_ =	shalt  }
0x7e: {  	_ =	shalt  }
0x7f: {  	_ =	shalt  }
0x80: {  	_ =	shalt  }
0x81: {  	_ =	shalt  }
0x82: {  	_ =	shalt  }
0x83: {  	_ =	shalt  }
0x84: {  	_ =	shalt  }
0x85: {  	_ =	shalt  }
0x86: {  	_ =	shalt  }
0x87: {  	_ =	shalt  }
.Lfunc_end0:
.L_simem_size_0:
called_computation.1_lowered:
.L_overlay_start_0:
0x88: {  	s2 =	sld [smem:$0x3FD9]  }
0x89: {  	s3 =	sld [smem:$0x3FFE];
	_ =	sdelay $0x1  }
0x8a: {  	s1 =	srdreg.scid  }
0x8b: {  	s0 =	sand.u32 $0x1, s1  }
0x8c: {  	s17 =	sshll.u32 s0, $0xA;
	s2 =	sadd.s32 s3, s2  }
0x8d: {  	s2 =	sadd.s32 s2, s17  }
0x8e: {  	[smem:$0x3FC5] =	sst s2  }
0x8f: {  	_ = 	snop  }
0x90: {  	s2 =	sld [smem:$0x3FD0];
	(tm) =	ssettm $0x1  }
0x91: {  	s18 =	sld [smem:$0x3FFB];
	_ =	sdelay $0x3  }
0x92: {  	_ =	strace s18  }
0x93: {  	s3 =	sld [smem:$0x3FFC];
	_ =	sdelay $0x3  }
0x94: {  	_ =	strace s3  }
0x95: {  	s3 =	sld [smem:$0x3FFD];
	_ =	sdelay $0x3  }
0x96: {  	_ =	strace s3  }
0x97: {  	_ =	strace $0x8FFFFFFF  }
0x98: {  	s19 =	sld [smem:$0x3FDB];
	_ =	sdelay $0x1  }
0x99: {  	s4 =	simm.s32 $_scs_section_size  }
0x9a: {  	s5 =	simm.s32 $_size__tile_overlayer_lowered;
	s6 =	simm.s32 $_tile_overlayer_lowered  }
0x9b: {  	s22 =	simm.s32 $0x1BFF;
	s21 =	sshll.u32 s6, $0x1;
	s3 =	sadd.s32 s4, s19  }
0x9c: {  	s7 =	simm.s32 $0x0;
	s20 =	sshll.u32 s5, $0x1;
	s5 =	sadd.s32 s21, s3  }
0x9d: {  	[timem:s7], [sflag:s22] =	dma.local [hbm:s5], s20  }
0x9e: {  	_ =	swait.ge [sflag:s22], s20  }
0x9f: {  	s4 =	ssub.s32 $0x0, s20;
	[sflag:s22] =	ssyncset.done $0x0  }
0xa0: {  	[sflag:s22] =	ssyncadd.s32 s4;
	_ =	sdelay $0x1  }
0xa1: {  	s23 =	simm.s32 $0x1B8B  }
0xa2: {  	_ =	swait.ge [sflag:s23], $0x1  }
0xa3: {  	[sflag:s23] =	ssyncset.done $0x0  }
0xa4: {  	s25 =	simm.s32 $0x1B8E;
	s24 =	sld [smem:$0x3FFE];
	[sflag:s23] =	ssyncadd.s32 $0xFFFFFFFF  }
0xa5: {  	s26 =	simm.s32 $execute0_lowered;
	[smem:$0x3FD2] =	sst s25  }
0xa6: {  	s5 =	sshll.u32 s26, $0x1;
	_ =	strace $0x80000046;
	[dreg:$0x1] =	wrdreg $0xFFFFFFFF  }
0xa7: {  	s28 =	simm.s32 $_size_execute0_lowered;
	s3 =	sadd.s32 s3, s5;
	[dreg:$0x0] =	wrdreg $0x0  }
0xa8: {  	s5 =	sshll.u32 s28, $0x1;
	[dreg:$0x2] =	wrdreg s3  }
0xa9: {  	[dreg:$0x3] =	wrdreg s5  }
0xaa: {  	[dreg:$0x4] =	wrdreg $0xC0  }
0xab: {  	_ =	task [dreg:s7], $0x5FFFF  }
0xac: {  	[dreg:$0x1] =	wrdreg $0xFFFFFFFF  }
0xad: {  	[dreg:$0x0] =	wrdreg $0x60  }
0xae: {  	[dreg:$0x2] =	wrdreg s24  }
0xaf: {  	[dreg:$0x3] =	wrdreg s2  }
0xb0: {  	[dreg:$0x4] =	wrdreg $0x9  }
0xb1: {  	_ =	task.clear_ibuf [dreg:s7], $0x5FFFF;
	_ =	strace $0x90000046  }
0xb2: {  	s29 =	simm.s32 $0x9;
	_ =	strace $0x80000048  }
0xb3: {  	_ =	swait.ge [sflag:s29], $0x1  }
0xb4: {  	[sflag:s29] =	ssyncadd.s32 $0xFFFFFFFF  }
0xb5: {  	_ =	strace $0x90000048  }
0xb6: {  	_ =	sfence  }
0xb7: {  	s30 =	sld [smem:$0x0];
	_ =	sdelay $0x2  }
0xb8: {  	s31 =	sshll.u32 s1, $0xD;
	s1 =	sshrl.u32 s1, $0x2  }
0xb9: {  	s3 =	sand.u32 $0x4000, s31;
	s1 =	sadd.s32 s1, s30  }
0xba: {  	s0 =	sor.u32 s3, s0;
	s1 =	sshll.u32 s1, $0x11  }
0xbb: {  	s0 =	sor.u32 s1, s0  }
0xbc: {  	s0 =	sadd.s32 $0x8F2B, s0  }
0xbd: {  	[sflag:s0] =	ssyncadd.remote.s32 $0x1  }
0xbe: {  	_ =	sfence.sel $0xFFFF  }
0xbf: {  	[dreg:$0x0] =	wrdreg $0xFFFFFFFF;
	(pc) =	sbr.abs _section_cstart, $3  }
0xc0: {  	[dreg:$0x1] =	wrdreg $0xFFFFFFFF  }
0xc1: {  	_ =	task.clear_ibuf [dreg:s7], $0x2FFFF;
	_ =	strace $0x9FFFFFFF  }
0xc2: {  	(tm) =	ssettm $0x7FFFFFFF  }
0xc3: {  	_ =	shalt  }
tec
execute0_lowered:
.L_overlay_start_1:
0x0: {  	(tag) =	ssettag $0x1  }
0x1: {  	s0 =	rddreg [dreg:$0x0]  }
0x2: {  	s1 =	srdreg.scid;
	s3 =	stileid.u32  }
0x3: {  	s2 =	rddreg [dreg:$0x1];
	s4 =	simm.s32 $0x0;
	s21 =	simm.s32 $0x1  }
0x4: {  	s28 =	simm.s32 $0x40;
	s1 =	sand.u32 $0x1, s1;
	s3 =	sshll.u32 s3, $0x1  }
0x5: {  	s29 =	simm.s32 $0x80;
	s19 =	simm.s32 $0x3;
	s3 =	sor.u32 s1, s3  }
0x6: {  	[smem:$0x7FF] =	sst s4;
	s5 =	sadd.s32 $0xF5C200, s0;
	s6 =	smul.u32 $0x6400, s3  }
0x7: {  	s4 =	sadd.s32 $0xE00, s0;
	s0 =	sadd.s32 $0x19E00, s0;
	_ =	strace $0x80000047  }
0x8: {  	s1 =	ssub.s32 $0x2, s1;
	[dreg:$0x3] =	wrdreg s0;
	s26 =	sor.u32 $0x200, s6  }
0x9: {  	s7 =	sshrl.u32 s1, $0x1;
	s30 =	sor.u32 $0x280, s6;
	[dreg:$0x8] =	wrdreg s26  }
0xa: {  	s22 =	ssub.s32 s1, s7;
	s31 =	sor.u32 $0x300, s6;
	[dreg:$0x9] =	wrdreg s30  }
0xb: {  	s8 =	sshrl.u32 s6, $0x3;
	s0 =	smax.u32 s22, $0x1;
	[dreg:$0xa] =	wrdreg s31  }
.Ltmp0:
0xc: {  	s23 =	sadd.s32 s4, s8;
	[dreg:$0xb] =	wrdreg s0;
	(pc) =	sbr.rel .LBB2_1-.Ltmp0, $4  }
0xd: {  	s13 =	sadd.s32 $0x8, s2;
	s24 =	sadd.s32 $0x10, s23;
	[dreg:$0x4] =	wrdreg s23  }
0xe: {  	s12 =	smul.u32 $0x190000, s3;
	s25 =	sadd.s32 $0x20, s23;
	[dreg:$0x5] =	wrdreg s24  }
0xf: {  	s16 =	sor.u32 $0x380, s6;
	s1 =	sadd.s32 $0x30, s23;
	[dreg:$0x6] =	wrdreg s25  }
0x10: {  	s26 =	simm.s32 $0x2;
	[dreg:$0x7] =	wrdreg s1;
	s1 =	simm.s32 $0x0  }
.LBB2_29:
0x11: {  	_ =	swait.ge [sflag:s19], $0x1000  }
0x12: {  	[sflag:s19] =	ssyncset.done $0x0  }
0x13: {  	[sflag:s19] =	ssyncadd.s32 $0xFFFFF000  }
0x14: {  	_ =	swait.ge [sflag:s19], $0x1000  }
0x15: {  	[sflag:s19] =	ssyncset.done $0x0  }
0x16: {  	[sflag:s19] =	ssyncadd.s32 $0xFFFFF000  }
0x17: {  	_ =	swait.ge [sflag:s19], $0x1000  }
0x18: {  	[sflag:s19] =	ssyncset.done $0x0  }
0x19: {  	[sflag:s19] =	ssyncadd.s32 $0xFFFFF000  }
0x1a: {  	_ =	swait.ge [sflag:s19], $0x1000  }
0x1b: {  	[sflag:s19] =	ssyncset.done $0x0  }
0x1c: {  	[sflag:s19] =	ssyncadd.s32 $0xFFFFF000  }
0x1d: {  	_ =	swait.ge [sflag:s19], $0x1000  }
0x1e: {  	[sflag:s19] =	ssyncset.done $0x0  }
0x1f: {  	[sflag:s19] =	ssyncadd.s32 $0xFFFFF000  }
0x20: {  	_ =	swait.ge [sflag:s19], $0x1000  }
0x21: {  	[sflag:s19] =	ssyncset.done $0x0  }
0x22: {  	[sflag:s19] =	ssyncadd.s32 $0xFFFFF000  }
0x23: {  	_ =	swait.ge [sflag:s19], $0x1000  }
0x24: {  	[sflag:s19] =	ssyncset.done $0x0  }
0x25: {  	[sflag:s19] =	ssyncadd.s32 $0xFFFFF000  }
0x26: {  	_ =	swait.ge [sflag:s19], $0x1000  }
0x27: {  	s1 =	rddreg [dreg:$0xc]  }
0x28: {  	s0 =	rddreg [dreg:$0xb];
	s1 =	sadd.s32 $0x1, s1  }
0x29: {  	p0 =	sne.s32 s1, s0  }
.Ltmp1:
0x2a: {  	_ = 	snop;
	(pc) =	sbr.rel @!p0 .LBB2_30-.Ltmp1, $3  }
0x2b: {  	_ =	sdelay $0x1  }
0x2c: {  	[sflag:s19] =	ssyncset.done $0x0  }
0x2d: {  	[sflag:s19] =	ssyncadd.s32 $0xFFFFF000  }
.LBB2_1:
0x2e: {  	[dreg:$0xc] =	wrdreg s1;
	s9 =	simm.s32 $0x8200  }
0x2f: {  	s0 =	simm.s32 $0x0;
	s15 =	rddreg [dreg:$0x3];
	s3 =	simm.s32 $0x4  }
0x30: {  	[tilespmem:s9], [sflag:$0x4] =	stream.linear.gather [hbm4b:s15+s0], $0x3200, $0x38;
	[tilespmem:$0xD400] =	vst v63  }
0x31: {  	_ =	swait.ge [sflag:s3], $0x3200  }
0x32: {  	[sflag:s3] =	ssyncset.done $0x0  }
0x33: {  	s6 =	simm.s32 $0xB400;
	[sflag:s3] =	ssyncadd.s32 $0xFFFFCE00  }
0x34: {  	[tilespmem:s6], [sflag:$0x4] =	stream.linear.gather [hbm4b:s15+s0], $0x2000, $0x38;
	[tilespmem:$0xD400] =	vst v63  }
0x35: {  	_ =	swait.ge [sflag:s3], $0x2000  }
0x36: {  	[sflag:s3] =	ssyncset.done $0x0  }
0x37: {  	s17 =	rddreg [dreg:$0x4];
	[sflag:s3] =	ssyncadd.s32 $0xFFFFE000  }
0x38: {  	[tilespmem:s0], [sflag:$0x1] =	stream.linear.gather [hbm4b:s17+s0], $0x80, $0x38;
	[tilespmem:$0xD400] =	vst v63  }
0x39: {  	s18 =	rddreg [dreg:$0x5]  }
0x3a: {  	[tilespmem:s29], [sflag:$0x1] =	stream.linear.gather [hbm4b:s18+s0], $0x80, $0x38;
	[tilespmem:$0xD400] =	vst v63  }
0x3b: {  	s10 =	simm.s32 $0x100;
	s20 =	rddreg [dreg:$0x6]  }
0x3c: {  	[tilespmem:s10], [sflag:$0x1] =	stream.linear.gather [hbm4b:s20+s0], $0x80, $0x38;
	[tilespmem:$0xD400] =	vst v63  }
0x3d: {  	s23 =	simm.s32 $0x180;
	s22 =	rddreg [dreg:$0x7]  }
0x3e: {  	[tilespmem:s23], [sflag:$0x1] =	stream.linear.gather [hbm4b:s22+s0], $0x80, $0x38;
	[tilespmem:$0xD400] =	vst v63  }
0x3f: {  	_ =	swait.ge [sflag:s21], $0x80  }
0x40: {  	[sflag:s21] =	ssyncset.done $0x0  }
0x41: {  	s24 =	simm.s32 $0x200;
	[sflag:s21] =	ssyncadd.s32 $0xFFFFFF80  }
0x42: {  	[tilespmem:s24], [sflag:$0x2] =	stream.indirect.gather [hbm4b:s5+s29], $0x40, s0, s29, $0xb8;
	[tilespmem:$0xD400] =	vst v63  }
0x43: {  	_ =	swait.ge [sflag:s21], $0x80  }
0x44: {  	[sflag:s21] =	ssyncset.done $0x0  }
0x45: {  	s25 =	simm.s32 $0x2200;
	[sflag:s21] =	ssyncadd.s32 $0xFFFFFF80  }
0x46: {  	[tilespmem:s25], [sflag:$0x2] =	stream.indirect.gather [hbm4b:s5+s29], $0x40, s29, s29, $0xb8;
	[tilespmem:$0xD400] =	vst v63  }
0x47: {  	_ =	swait.ge [sflag:s21], $0x80  }
0x48: {  	[sflag:s21] =	ssyncset.done $0x0  }
0x49: {  	s30 =	simm.s32 $0x4200;
	[sflag:s21] =	ssyncadd.s32 $0xFFFFFF80  }
0x4a: {  	[tilespmem:s30], [sflag:$0x2] =	stream.indirect.gather [hbm4b:s5+s29], $0x40, s10, s29, $0xb8;
	[tilespmem:$0xD400] =	vst v63  }
0x4b: {  	s31 =	simm.s32 $0x6200;
	_ =	swait.ge [sflag:s21], $0x80  }
0x4c: {  	s7 =	simm.s32 $0xC3B0;
	s6 =	simm.s32 $0x80;
	[sflag:s21] =	ssyncset.done $0x0  }
0x4d: {  	s17 =	simm.s32 $0xA3B0;
	s18 =	simm.s32 $0x0;
	[sflag:s21] =	ssyncadd.s32 $0xFFFFFF80  }
0x4e: {  	[tilespmem:s31], [sflag:$0x2] =	stream.indirect.gather [hbm4b:s5+s29], $0x40, s23, s29, $0xb8;
	[tilespmem:$0xD400] =	vst v63  }
.LBB2_2:
0x4f: {  	p0 =	seq.s32 s18, $0x31  }
0x50: {  	p1 =	seq.s32 @!p0 s18, $0x0  }
0x51: {  	_ =	swait.ge [sflag:s26], $0x2000;
	p1 =	por p0, !p1  }
.Ltmp2:
0x52: {  	s0 =	sshll.u32 @!p0 s18, $0x9;
	s1 =	rddreg [dreg:$0x8];
	(pc) =	sbr.rel @!p1 .LBB2_4-.Ltmp2, $4  }
0x53: {  	s20 =	sshll.u32 s18, $0x2;
	s1 =	sadd.s32 @!p0 s0, s1  }
0x54: {  	[sflag:s26] =	ssyncset.done $0x0;
	s8 =	simm.s32 @!p0 $0x0;
	s1 =	sshrl.u32 @!p0 s1, $0x3  }
0x55: {  	s3 =	sor.u32 @!p0 $0x3, s20;
	[sflag:s26] =	ssyncadd.s32 $0xFFFFE000;
	s1 =	sadd.s32 @!p0 s4, s1  }
0x56: {  	[tilespmem:s8], [sflag:$0x1] =	stream.linear.gather @!p0 [hbm4b:s1+s8], $0x80, $0x38;
	[tilespmem:$0xD400] =	vst v63  }
0x57: {  	_ =	swait.ge [sflag:s19], $0x1000  }
0x58: {  	[sflag:s19] =	ssyncset.done $0x0  }
0x59: {  	[sflag:s19] =	ssyncadd.s32 $0xFFFFF000  }
0x5a: {  	_ =	swait.ge [sflag:s19], $0x1000  }
0x5b: {  	[sflag:s19] =	ssyncset.done $0x0  }
0x5c: {  	[sflag:s19] =	ssyncadd.s32 $0xFFFFF000  }
0x5d: {  	_ =	swait.ge [sflag:s21], $0x80  }
0x5e: {  	s1 =	simm.s32 $0x180;
	[sflag:s21] =	ssyncset.done $0x0  }
0x5f: {  	s8 =	simm.s32 $0x6200;
	s0 =	simm.s32 @p0 $0x6200;
	[sflag:s21] =	ssyncadd.s32 $0xFFFFFF80  }
0x60: {  	[tilespmem:s8], [sflag:$0x2] =	stream.indirect.gather [hbm4b:s5+s29], $0x40, s1, s29, $0xb8;
	[tilespmem:$0xD400] =	vst v63  }
0x61: {  	s3 =	simm.s32 @p0 $0xC7;
	s8 =	smov.u32 s0  }
.LBB2_4:
0x62: {  	s0 =	sand.u32 $0xFFF8, s8  }
0x63: {  	s0 =	sshrl.u32 s0, $0x3  }
0x64: {  	s0 =	smul.u32 $0x147B, s0;
	_ =	sdelay $0x1  }
0x65: {  	s1 =	smulhi.u32 $0x51EB851F, s10;
	s0 =	sshrl.u32 s0, $0x11  }
0x66: {  	s22 =	simm.s32 $0x380;
	s0 =	smul.u32 $0xC8, s0  }
0x67: {  	v10 =	vld [tilespmem:s22+$0xFFFFFFC0]  }
0x68: {  	v12 =	vld [tilespmem:s22+$0xFFFFFF80];
	s1 =	sshrl.u32 s1, $0x6;
	s0 =	ssub.s32 s8, s0  }
0x69: {  	v13 =	vld [tilespmem:s22+$0x0];
	s30 =	smul.u32 $0xFFFF3800, s1;
	s1 =	simm.s32 $0x280;
	s0 =	sand.u32 $0xFFFF, s0  }
0x6a: {  	v0 =	vld [tilespmem:s1+$0x40];
	s0 =	sshll.u32 s0, $0x8  }
0x6b: {  	v1 =	vld [tilespmem:s1+$0xFFFFFFC0];
	s0 =	sshrl.u32 s0, $0x2  }
0x6c: {  	v3 =	vld [tilespmem:s1+$0xFFFFFF80];
	s24 =	sadd.s32 $0x8300, s0  }
0x6d: {  	v2 =	vld [tilespmem:s24+$0x80]  }
0x6e: {  	v5 =	vld [tilespmem:s24+$0xFFFFFF00]  }
0x6f: {  	v6 =	vld [tilespmem:s24+$0xFFFFFF80]  }
0x70: {  	v4 =	vld [tilespmem:s1+$0x0];
	v0 =	vmul.f32 $8.000000000e+00, v0  }
0x71: {  	v8 =	vld [tilespmem:s1+$0xFFFFFF90]  }
0x72: {  	v3 =	vmul.f32 $8.000000000e+00, v3;
	v1 =	vmul.f32 $8.000000000e+00, v1;
	v7 =	vld [tilespmem:s24+$0x0];
	v0 =	vadd.f32 v2, v0  }
0x73: {  	v2 =	vld [tilespmem:s1+$0x50]  }
0x74: {  	v3 =	vadd.f32 v5, v3;
	v1 =	vadd.f32 v6, v1;
	v5 =	vld [tilespmem:s1+$0xFFFFFFD0];
	[tilespmem:s1+$0x40] =	vst v0  }
0x75: {  	v4 =	vmul.f32 $8.000000000e+00, v4;
	v0 =	vld [tilespmem:s24+$0x90]  }
0x76: {  	v6 =	vld [tilespmem:s1+$0x10];
	[tilespmem:s1+$0xFFFFFFC0] =	vst v1  }
0x77: {  	[tilespmem:s1+$0xFFFFFF80] =	vst v3;
	v1 =	vadd.f32 v7, v4;
	v4 =	vld [tilespmem:s24+$0xFFFFFF90]  }
0x78: {  	v3 =	vld [tilespmem:s24+$0xFFFFFF10];
	v2 =	vmul.f32 $8.000000000e+00, v2  }
0x79: {  	v17 =	vld [tilespmem:s22+$0xFFFFFF90];
	[tilespmem:s1+$0x0] =	vst v1  }
0x7a: {  	v5 =	vmul.f32 $8.000000000e+00, v5;
	v0 =	vadd.f32 v0, v2;
	v2 =	vmul.f32 $8.000000000e+00, v8;
	v8 =	vld [tilespmem:s24+$0x10]  }
0x7b: {  	v54 =	vld [tilespmem:s22+$0xFFFFFFD0]  }
0x7c: {  	v55 =	vld [tilespmem:s22+$0x10];
	v4 =	vadd.f32 v4, v5  }
0x7d: {  	v5 =	vmul.f32 $8.000000000e+00, v6;
	v2 =	vadd.f32 v3, v2;
	v3 =	vld [tilespmem:s1+$0xFFFFFFE0]  }
0x7e: {  	v56 =	vld [tilespmem:s22+$0xFFFFFFA0];
	[tilespmem:s1+$0xFFFFFFD0] =	vst v4  }
0x7f: {  	v4 =	vadd.f32 v8, v5;
	v5 =	vld [tilespmem:s24+$0xFFFFFFA0]  }
0x80: {  	v57 =	vld [tilespmem:s22+$0x60];
	s23 =	sadd.s32 $0x200, s24  }
0x81: {  	v14 =	vld [tilespmem:s23+$0xFFFFFF00]  }
0x82: {  	v16 =	vld [tilespmem:s23+$0x0];
	v3 =	vmul.f32 $8.000000000e+00, v3  }
0x83: {  	v60 =	vld [tilespmem:s22+$0xFFFFFFE0]  }
0x84: {  	v12 =	vmul.f32 $8.000000000e+00, v12;
	v11 =	vld [tilespmem:s23+$0x80];
	v3 =	vadd.f32 v5, v3  }
0x85: {  	v13 =	vmul.f32 $8.000000000e+00, v13;
	v15 =	vld [tilespmem:s23+$0xFFFFFF80]  }
0x86: {  	v12 =	vadd.f32 v14, v12;
	[tilespmem:s1+$0xFFFFFFE0] =	vst v3;
	v3 =	vld [tilespmem:s22+$0x40]  }
0x87: {  	v13 =	vadd.f32 v16, v13;
	v7 =	vld [tilespmem:s1+$0xFFFFFFA0]  }
0x88: {  	[tilespmem:s22+$0xFFFFFF80] =	vst v12;
	v1 =	vld [tilespmem:s1+$0x60]  }
0x89: {  	[tilespmem:s22+$0x0] =	vst v13;
	v12 =	vld [tilespmem:s23+$0xFFFFFF10]  }
0x8a: {  	v58 =	vld [tilespmem:s23+$0x10]  }
0x8b: {  	v6 =	vld [tilespmem:s1+$0x20];
	[tilespmem:s1+$0x50] =	vst v0;
	v3 =	vmul.f32 $8.000000000e+00, v3  }
0x8c: {  	v0 =	vld [tilespmem:s24+$0xA0];
	[tilespmem:s1+$0xFFFFFF90] =	vst v2  }
0x8d: {  	v2 =	vld [tilespmem:s24+$0xFFFFFF20];
	v3 =	vadd.f32 v11, v3  }
0x8e: {  	v11 =	vld [tilespmem:s22+$0x50]  }
0x8f: {  	v1 =	vmul.f32 $8.000000000e+00, v1;
	v8 =	vld [tilespmem:s1+$0xFFFFFFB0];
	[tilespmem:s22+$0x40] =	vst v3  }
0x90: {  	v3 =	vmul.f32 $8.000000000e+00, v10;
	v10 =	vld [tilespmem:s23+$0x90]  }
0x91: {  	[tilespmem:s1+$0x10] =	vst v4;
	v4 =	vld [tilespmem:s1+$0x70];
	v0 =	vadd.f32 v0, v1;
	v1 =	vmul.f32 $8.000000000e+00, v7  }
0x92: {  	v7 =	vld [tilespmem:s24+$0x20];
	v3 =	vadd.f32 v15, v3  }
0x93: {  	v1 =	vadd.f32 v2, v1;
	v2 =	vld [tilespmem:s1+$0xFFFFFFF0];
	v11 =	vmul.f32 $8.000000000e+00, v11  }
0x94: {  	v5 =	vld [tilespmem:s1+$0x30];
	[tilespmem:s22+$0xFFFFFFC0] =	vst v3  }
0x95: {  	[tilespmem:s1+$0x60] =	vst v0;
	v3 =	vld [tilespmem:s23+$0xFFFFFF90];
	v10 =	vadd.f32 v10, v11  }
0x96: {  	v0 =	vld [tilespmem:s24+$0xB0];
	[tilespmem:s1+$0xFFFFFFA0] =	vst v1  }
0x97: {  	v1 =	vld [tilespmem:s24+$0xFFFFFF30];
	v11 =	vmul.f32 $8.000000000e+00, v17;
	[tilespmem:s22+$0x50] =	vst v10  }
0x98: {  	v10 =	vmul.f32 $8.000000000e+00, v54;
	v59 =	vld [tilespmem:s23+$0xA0]  }
0x99: {  	v9 =	vld [tilespmem:s24+$0xFFFFFFB0];
	v11 =	vadd.f32 v12, v11  }
0x9a: {  	v15 =	vmul.f32 $8.000000000e+00, v55;
	v3 =	vadd.f32 v3, v10;
	v10 =	vld [tilespmem:s22+$0x20]  }
0x9b: {  	v13 =	vmul.f32 $8.000000000e+00, v57;
	[tilespmem:s22+$0xFFFFFF90] =	vst v11;
	v11 =	vld [tilespmem:s22+$0xFFFFFFB0]  }
0x9c: {  	v4 =	vmul.f32 $8.000000000e+00, v4;
	v61 =	vld [tilespmem:s23+$0xFFFFFF20];
	[tilespmem:s22+$0xFFFFFFD0] =	vst v3;
	v3 =	vmul.f32 $8.000000000e+00, v6;
	v6 =	vadd.f32 v58, v15  }
0x9d: {  	v62 =	vld [tilespmem:s23+$0xFFFFFFA0];
	v13 =	vadd.f32 v59, v13  }
0x9e: {  	v0 =	vadd.f32 v0, v4;
	v3 =	vadd.f32 v7, v3;
	v7 =	vmul.f32 $8.000000000e+00, v8;
	[tilespmem:s22+$0x10] =	vst v6;
	v6 =	vld [tilespmem:s22+$0x70]  }
0x9f: {  	v4 =	vmul.f32 $8.000000000e+00, v56;
	v8 =	vld [tilespmem:s23+$0x20];
	[tilespmem:s22+$0x60] =	vst v13  }
0xa0: {  	[tilespmem:s1+$0x70] =	vst v0;
	v0 =	vmul.f32 $8.000000000e+00, v2;
	v1 =	vadd.f32 v1, v7;
	v7 =	vmul.f32 $8.000000000e+00, v60;
	v63 =	vld [tilespmem:s23+$0xB0]  }
0xa1: {  	s11 =	smulhi.u32 $0x51EB851F, s6;
	[tilespmem:s1+$0x20] =	vst v3;
	v4 =	vadd.f32 v61, v4;
	v3 =	vld [tilespmem:s22+$0xFFFFFFF0]  }
0xa2: {  	v2 =	vld [tilespmem:s22+$0x30];
	[tilespmem:s1+$0xFFFFFFB0] =	vst v1;
	v1 =	vadd.f32 v62, v7;
	v7 =	vadd.f32 v9, v0;
	v9 =	vmul.f32 $8.000000000e+00, v10  }
0xa3: {  	s25 =	sshrl.u32 s11, $0x6;
	[tilespmem:s22+$0xFFFFFFA0] =	vst v4;
	v4 =	vld [tilespmem:s24+$0x30];
	v10 =	vmul.f32 $8.000000000e+00, v6  }
0xa4: {  	s31 =	smul.u32 $0xFFFF3800, s25;
	v0 =	vmul.f32 $8.000000000e+00, v5;
	v5 =	vld [tilespmem:s23+$0xFFFFFF30];
	[tilespmem:s22+$0xFFFFFFE0] =	vst v1;
	v8 =	vadd.f32 v8, v9  }
0xa5: {  	s25 =	simm.s32 $0x480;
	s11 =	smov.u32 s23;
	s24 =	simm.s32 $0x4;
	[tilespmem:s1+$0xFFFFFFF0] =	vst v7;
	v1 =	vmul.f32 $8.000000000e+00, v11;
	v6 =	vld [tilespmem:s23+$0xFFFFFFB0];
	v7 =	vadd.f32 v63, v10  }
.LBB2_5:
0xa6: {  	v9 =	vld [tilespmem:s25+$0x40];
	s24 =	sadd.s32 $0x4, s24;
	v3 =	vmul.f32 $8.000000000e+00, v3;
	[tilespmem:s22+$0x20] =	vst v8  }
0xa7: {  	s23 =	sadd.s32 $0x200, s23;
	v8 =	vld [tilespmem:s25+$0xFFFFFFC0];
	p1 =	slt.u32 s24, $0x3C;
	v2 =	vmul.f32 $8.000000000e+00, v2;
	[tilespmem:s22+$0x70] =	vst v7  }
0xa8: {  	v7 =	vld [tilespmem:s23+$0x80];
	v4 =	vadd.f32 v4, v0  }
0xa9: {  	v10 =	vld [tilespmem:s25+$0x0];
	v1 =	vadd.f32 v5, v1;
	v0 =	vmov v2  }
0xaa: {  	v2 =	vld [tilespmem:s25+$0xFFFFFF80];
	v3 =	vadd.f32 v6, v3;
	[tilespmem:s1+$0x30] =	vst v4;
	s1 =	smov.u32 s22;
	s22 =	smov.u32 s25  }
0xab: {  	v4 =	vld [tilespmem:s23+$0xFFFFFF00];
	v5 =	vmul.f32 $8.000000000e+00, v9;
	[tilespmem:s1+$0xFFFFFFB0] =	vst v1  }
0xac: {  	v1 =	vmul.f32 $8.000000000e+00, v8;
	v6 =	vld [tilespmem:s23+$0xFFFFFF80];
	[tilespmem:s1+$0xFFFFFFF0] =	vst v3  }
0xad: {  	v3 =	vld [tilespmem:s23+$0x0];
	v5 =	vadd.f32 v7, v5  }
0xae: {  	v7 =	vmul.f32 $8.000000000e+00, v10;
	v8 =	vld [tilespmem:s25+$0x50]  }
0xaf: {  	v2 =	vmul.f32 $8.000000000e+00, v2;
	v9 =	vld [tilespmem:s25+$0xFFFFFF90];
	[tilespmem:s25+$0x40] =	vst v5  }
0xb0: {  	v5 =	vld [tilespmem:s23+$0x90]  }
0xb1: {  	v2 =	vadd.f32 v4, v2;
	v1 =	vadd.f32 v6, v1;
	v4 =	vld [tilespmem:s25+$0xFFFFFFD0]  }
0xb2: {  	v3 =	vadd.f32 v3, v7;
	v6 =	vld [tilespmem:s25+$0x10]  }
0xb3: {  	[tilespmem:s25+$0xFFFFFF80] =	vst v2;
	v2 =	vld [tilespmem:s25+$0xFFFFFFA0];
	v7 =	vmul.f32 $8.000000000e+00, v8  }
0xb4: {  	v8 =	vmul.f32 $8.000000000e+00, v9;
	v9 =	vld [tilespmem:s23+$0xFFFFFF10];
	[tilespmem:s25+$0xFFFFFFC0] =	vst v1  }
0xb5: {  	v1 =	vld [tilespmem:s23+$0xFFFFFF90];
	[tilespmem:s25+$0x0] =	vst v3;
	v3 =	vadd.f32 v5, v7  }
0xb6: {  	v4 =	vmul.f32 $8.000000000e+00, v4;
	v5 =	vld [tilespmem:s25+$0x60]  }
0xb7: {  	v6 =	vmul.f32 $8.000000000e+00, v6;
	v7 =	vld [tilespmem:s23+$0x10];
	[tilespmem:s25+$0x50] =	vst v3  }
0xb8: {  	v2 =	vmul.f32 $8.000000000e+00, v2;
	v3 =	vld [tilespmem:s23+$0xA0]  }
0xb9: {  	v8 =	vadd.f32 v9, v8;
	v9 =	vld [tilespmem:s25+$0xFFFFFFE0]  }
0xba: {  	v1 =	vadd.f32 v1, v4;
	v4 =	vld [tilespmem:s25+$0x20]  }
0xbb: {  	[tilespmem:s25+$0xFFFFFF90] =	vst v8;
	v8 =	vld [tilespmem:s25+$0xFFFFFFB0];
	v5 =	vmul.f32 $8.000000000e+00, v5  }
0xbc: {  	v10 =	vld [tilespmem:s23+$0xFFFFFF20];
	[tilespmem:s25+$0xFFFFFFD0] =	vst v1;
	v1 =	vadd.f32 v7, v6  }
0xbd: {  	v6 =	vld [tilespmem:s23+$0xFFFFFFA0];
	v3 =	vadd.f32 v3, v5  }
0xbe: {  	v5 =	vmul.f32 $8.000000000e+00, v9;
	[tilespmem:s25+$0x10] =	vst v1;
	v7 =	vld [tilespmem:s25+$0x70]  }
0xbf: {  	v9 =	vmul.f32 $8.000000000e+00, v4;
	v11 =	vld [tilespmem:s23+$0x20];
	[tilespmem:s25+$0x60] =	vst v3  }
0xc0: {  	v1 =	vmul.f32 $8.000000000e+00, v8;
	v12 =	vld [tilespmem:s23+$0xB0]  }
.Ltmp3:
0xc1: {  	v4 =	vadd.f32 v10, v2;
	v3 =	vld [tilespmem:s25+$0xFFFFFFF0];
	(pc) =	sbr.rel @p1 .LBB2_5-.Ltmp3, $4  }
0xc2: {  	v6 =	vadd.f32 v6, v5;
	v2 =	vld [tilespmem:s25+$0x30]  }
0xc3: {  	[tilespmem:s25+$0xFFFFFFA0] =	vst v4;
	v7 =	vmul.f32 $8.000000000e+00, v7;
	v4 =	vld [tilespmem:s11+$0x30];
	s11 =	smov.u32 s23  }
0xc4: {  	v5 =	vld [tilespmem:s23+$0xFFFFFF30];
	[tilespmem:s25+$0xFFFFFFE0] =	vst v6;
	v8 =	vadd.f32 v11, v9  }
0xc5: {  	s25 =	sadd.s32 $0x100, s25;
	v6 =	vld [tilespmem:s23+$0xFFFFFFB0];
	v7 =	vadd.f32 v12, v7  }
0xc6: {  	[tilespmem:s22+$0x20] =	vst v8  }
0xc7: {  	v8 =	vld [tilespmem:s11+$0x30];
	_ =	sdelay $0x1  }
0xc8: {  	v3 =	vmul.f32 $8.000000000e+00, v3;
	v0 =	vadd.f32 v4, v0  }
0xc9: {  	v2 =	vmul.f32 $8.000000000e+00, v2;
	[tilespmem:s22+$0x70] =	vst v7;
	v1 =	vadd.f32 v5, v1  }
0xca: {  	v3 =	vadd.f32 v6, v3;
	[tilespmem:s1+$0x30] =	vst v0  }
0xcb: {  	[tilespmem:s22+$0xFFFFFFB0] =	vst v1;
	v0 =	vadd.f32 v8, v2  }
0xcc: {  	[tilespmem:s22+$0xFFFFFFF0] =	vst v3  }
0xcd: {  	s23 =	sadd.s32 $0x8340, s0;
	s0 =	simm.s32 $0x12F0;
	[tilespmem:s22+$0x30] =	vst v0  }
0xce: {  	v0 =	vld [tilespmem:s0+$0xFFFFFFD0]  }
0xcf: {  	v1 =	vld [tilespmem:s0+$0xFFFFFF50]  }
0xd0: {  	v2 =	vld [tilespmem:s23+$0x80]  }
0xd1: {  	v3 =	vld [tilespmem:s0+$0xFFFFFF10]  }
0xd2: {  	v4 =	vld [tilespmem:s0+$0xFFFFFF90]  }
0xd3: {  	v5 =	vld [tilespmem:s23+$0xFFFFFF00]  }
0xd4: {  	v6 =	vld [tilespmem:s23+$0xFFFFFF80]  }
0xd5: {  	v7 =	vld [tilespmem:s23+$0x0]  }
0xd6: {  	s1 =	simm.s32 $0x13F0;
	v8 =	vld [tilespmem:s0+$0xFFFFFF20]  }
0xd7: {  	s22 =	sadd.s32 $0x200, s23;
	v10 =	vld [tilespmem:s1+$0xFFFFFF50];
	v0 =	vmul.f32 $8.000000000e+00, v0  }
0xd8: {  	v11 =	vld [tilespmem:s22+$0x80]  }
0xd9: {  	v12 =	vld [tilespmem:s1+$0xFFFFFF10];
	v3 =	vmul.f32 $8.000000000e+00, v3;
	v1 =	vmul.f32 $8.000000000e+00, v1;
	v0 =	vadd.f32 v2, v0  }
0xda: {  	v2 =	vld [tilespmem:s0+$0xFFFFFFE0]  }
0xdb: {  	v3 =	vadd.f32 v5, v3;
	v1 =	vadd.f32 v6, v1;
	v5 =	vld [tilespmem:s0+$0xFFFFFF60];
	[tilespmem:s0+$0xFFFFFFD0] =	vst v0  }
0xdc: {  	v4 =	vmul.f32 $8.000000000e+00, v4;
	v0 =	vld [tilespmem:s23+$0x90]  }
0xdd: {  	v6 =	vld [tilespmem:s0+$0xFFFFFFA0];
	[tilespmem:s0+$0xFFFFFF50] =	vst v1  }
0xde: {  	[tilespmem:s0+$0xFFFFFF10] =	vst v3;
	v1 =	vadd.f32 v7, v4;
	v4 =	vld [tilespmem:s23+$0xFFFFFF90]  }
0xdf: {  	v3 =	vld [tilespmem:s23+$0xFFFFFF10];
	v2 =	vmul.f32 $8.000000000e+00, v2  }
0xe0: {  	v13 =	vld [tilespmem:s1+$0xFFFFFF90];
	[tilespmem:s0+$0xFFFFFF90] =	vst v1  }
0xe1: {  	v5 =	vmul.f32 $8.000000000e+00, v5;
	v0 =	vadd.f32 v0, v2;
	v2 =	vmul.f32 $8.000000000e+00, v8;
	v8 =	vld [tilespmem:s23+$0x10]  }
0xe2: {  	v14 =	vld [tilespmem:s22+$0xFFFFFF00]  }
0xe3: {  	v15 =	vld [tilespmem:s22+$0xFFFFFF80];
	v4 =	vadd.f32 v4, v5  }
0xe4: {  	v5 =	vmul.f32 $8.000000000e+00, v6;
	v2 =	vadd.f32 v3, v2;
	v3 =	vld [tilespmem:s0+$0xFFFFFF70]  }
0xe5: {  	v16 =	vld [tilespmem:s22+$0x0];
	[tilespmem:s0+$0xFFFFFF60] =	vst v4  }
0xe6: {  	v4 =	vadd.f32 v8, v5;
	v5 =	vld [tilespmem:s23+$0xFFFFFFA0]  }
0xe7: {  	v17 =	vld [tilespmem:s1+$0xFFFFFF20]  }
0xe8: {  	v54 =	vld [tilespmem:s1+$0xFFFFFF60]  }
0xe9: {  	v55 =	vld [tilespmem:s1+$0xFFFFFFA0];
	v3 =	vmul.f32 $8.000000000e+00, v3  }
0xea: {  	v56 =	vld [tilespmem:s1+$0xFFFFFF30];
	v12 =	vmul.f32 $8.000000000e+00, v12  }
0xeb: {  	v57 =	vld [tilespmem:s1+$0xFFFFFFF0];
	v13 =	vmul.f32 $8.000000000e+00, v13;
	v3 =	vadd.f32 v5, v3  }
0xec: {  	v60 =	vld [tilespmem:s1+$0xFFFFFF70];
	v12 =	vadd.f32 v14, v12  }
0xed: {  	v13 =	vadd.f32 v16, v13;
	[tilespmem:s0+$0xFFFFFF70] =	vst v3;
	v3 =	vld [tilespmem:s1+$0xFFFFFFD0]  }
0xee: {  	v7 =	vld [tilespmem:s0+$0xFFFFFF30];
	[tilespmem:s1+$0xFFFFFF10] =	vst v12  }
0xef: {  	[tilespmem:s1+$0xFFFFFF90] =	vst v13;
	v12 =	vld [tilespmem:s22+$0xFFFFFF10]  }
0xf0: {  	v58 =	vld [tilespmem:s22+$0x10]  }
0xf1: {  	v1 =	vld [tilespmem:s0+$0xFFFFFFF0]  }
0xf2: {  	v6 =	vld [tilespmem:s0+$0xFFFFFFB0];
	[tilespmem:s0+$0xFFFFFFE0] =	vst v0;
	v3 =	vmul.f32 $8.000000000e+00, v3  }
0xf3: {  	v0 =	vld [tilespmem:s23+$0xA0];
	[tilespmem:s0+$0xFFFFFF20] =	vst v2  }
0xf4: {  	v2 =	vld [tilespmem:s23+$0xFFFFFF20];
	v3 =	vadd.f32 v11, v3  }
0xf5: {  	v11 =	vld [tilespmem:s1+$0xFFFFFFE0]  }
0xf6: {  	v1 =	vmul.f32 $8.000000000e+00, v1;
	v8 =	vld [tilespmem:s0+$0xFFFFFF40];
	[tilespmem:s1+$0xFFFFFFD0] =	vst v3  }
0xf7: {  	v3 =	vmul.f32 $8.000000000e+00, v10;
	v10 =	vld [tilespmem:s22+$0x90]  }
0xf8: {  	[tilespmem:s0+$0xFFFFFFA0] =	vst v4;
	v4 =	vld [tilespmem:s0+$0x0];
	v0 =	vadd.f32 v0, v1;
	v1 =	vmul.f32 $8.000000000e+00, v7  }
0xf9: {  	v7 =	vld [tilespmem:s23+$0x20];
	v3 =	vadd.f32 v15, v3  }
0xfa: {  	v1 =	vadd.f32 v2, v1;
	v2 =	vld [tilespmem:s0+$0xFFFFFF80];
	v11 =	vmul.f32 $8.000000000e+00, v11  }
0xfb: {  	v5 =	vld [tilespmem:s0+$0xFFFFFFC0];
	[tilespmem:s1+$0xFFFFFF50] =	vst v3  }
0xfc: {  	[tilespmem:s0+$0xFFFFFFF0] =	vst v0;
	v3 =	vld [tilespmem:s22+$0xFFFFFF90];
	v10 =	vadd.f32 v10, v11  }
0xfd: {  	v0 =	vld [tilespmem:s23+$0xB0];
	[tilespmem:s0+$0xFFFFFF30] =	vst v1  }
0xfe: {  	v1 =	vld [tilespmem:s23+$0xFFFFFF30];
	v11 =	vmul.f32 $8.000000000e+00, v17;
	[tilespmem:s1+$0xFFFFFFE0] =	vst v10  }
0xff: {  	v10 =	vmul.f32 $8.000000000e+00, v54;
	v59 =	vld [tilespmem:s22+$0xA0]  }
0x100: {  	v9 =	vld [tilespmem:s23+$0xFFFFFFB0];
	v11 =	vadd.f32 v12, v11  }
0x101: {  	v15 =	vmul.f32 $8.000000000e+00, v55;
	v3 =	vadd.f32 v3, v10;
	v10 =	vld [tilespmem:s1+$0xFFFFFFB0]  }
0x102: {  	v13 =	vmul.f32 $8.000000000e+00, v57;
	[tilespmem:s1+$0xFFFFFF20] =	vst v11;
	v11 =	vld [tilespmem:s1+$0xFFFFFF40]  }
0x103: {  	v4 =	vmul.f32 $8.000000000e+00, v4;
	v61 =	vld [tilespmem:s22+$0xFFFFFF20];
	[tilespmem:s1+$0xFFFFFF60] =	vst v3;
	v3 =	vmul.f32 $8.000000000e+00, v6;
	v6 =	vadd.f32 v58, v15  }
0x104: {  	v62 =	vld [tilespmem:s22+$0xFFFFFFA0];
	v13 =	vadd.f32 v59, v13  }
0x105: {  	v0 =	vadd.f32 v0, v4;
	v3 =	vadd.f32 v7, v3;
	v7 =	vmul.f32 $8.000000000e+00, v8;
	[tilespmem:s1+$0xFFFFFFA0] =	vst v6;
	v6 =	vld [tilespmem:s1+$0x0]  }
0x106: {  	v4 =	vmul.f32 $8.000000000e+00, v56;
	v8 =	vld [tilespmem:s22+$0x20];
	[tilespmem:s1+$0xFFFFFFF0] =	vst v13  }
0x107: {  	[tilespmem:s0+$0x0] =	vst v0;
	v0 =	vmul.f32 $8.000000000e+00, v2;
	v1 =	vadd.f32 v1, v7;
	v7 =	vmul.f32 $8.000000000e+00, v60;
	v63 =	vld [tilespmem:s22+$0xB0]  }
0x108: {  	[tilespmem:s0+$0xFFFFFFB0] =	vst v3;
	v4 =	vadd.f32 v61, v4;
	v3 =	vld [tilespmem:s1+$0xFFFFFF80]  }
0x109: {  	v2 =	vld [tilespmem:s1+$0xFFFFFFC0];
	[tilespmem:s0+$0xFFFFFF40] =	vst v1;
	v1 =	vadd.f32 v62, v7;
	v7 =	vadd.f32 v9, v0;
	v9 =	vmul.f32 $8.000000000e+00, v10  }
0x10a: {  	[tilespmem:s1+$0xFFFFFF30] =	vst v4;
	v4 =	vld [tilespmem:s23+$0x30];
	v10 =	vmul.f32 $8.000000000e+00, v6  }
0x10b: {  	v0 =	vmul.f32 $8.000000000e+00, v5;
	v5 =	vld [tilespmem:s22+$0xFFFFFF30];
	[tilespmem:s1+$0xFFFFFF70] =	vst v1;
	v8 =	vadd.f32 v8, v9  }
0x10c: {  	s24 =	simm.s32 $0x14F0;
	s11 =	smov.u32 s22;
	s23 =	simm.s32 $0x44;
	[tilespmem:s0+$0xFFFFFF80] =	vst v7;
	v1 =	vmul.f32 $8.000000000e+00, v11;
	v6 =	vld [tilespmem:s22+$0xFFFFFFB0];
	v7 =	vadd.f32 v63, v10  }
.LBB2_7:
0x10d: {  	v9 =	vld [tilespmem:s24+$0xFFFFFFD0];
	s23 =	sadd.s32 $0x4, s23;
	v3 =	vmul.f32 $8.000000000e+00, v3;
	[tilespmem:s1+$0xFFFFFFB0] =	vst v8  }
0x10e: {  	s22 =	sadd.s32 $0x200, s22;
	v8 =	vld [tilespmem:s24+$0xFFFFFF50];
	p1 =	slt.u32 s23, $0x7C;
	v2 =	vmul.f32 $8.000000000e+00, v2;
	[tilespmem:s1+$0x0] =	vst v7  }
0x10f: {  	v7 =	vld [tilespmem:s22+$0x80];
	v4 =	vadd.f32 v4, v0  }
0x110: {  	v10 =	vld [tilespmem:s24+$0xFFFFFF90];
	v1 =	vadd.f32 v5, v1;
	v0 =	vmov v2  }
0x111: {  	v2 =	vld [tilespmem:s24+$0xFFFFFF10];
	v3 =	vadd.f32 v6, v3;
	[tilespmem:s0+$0xFFFFFFC0] =	vst v4;
	s0 =	smov.u32 s1;
	s1 =	smov.u32 s24  }
0x112: {  	v4 =	vld [tilespmem:s22+$0xFFFFFF00];
	v5 =	vmul.f32 $8.000000000e+00, v9;
	[tilespmem:s0+$0xFFFFFF40] =	vst v1  }
0x113: {  	v1 =	vmul.f32 $8.000000000e+00, v8;
	v6 =	vld [tilespmem:s22+$0xFFFFFF80];
	[tilespmem:s0+$0xFFFFFF80] =	vst v3  }
0x114: {  	v3 =	vld [tilespmem:s22+$0x0];
	v5 =	vadd.f32 v7, v5  }
0x115: {  	v7 =	vmul.f32 $8.000000000e+00, v10;
	v8 =	vld [tilespmem:s24+$0xFFFFFFE0]  }
0x116: {  	v2 =	vmul.f32 $8.000000000e+00, v2;
	v9 =	vld [tilespmem:s24+$0xFFFFFF20];
	[tilespmem:s24+$0xFFFFFFD0] =	vst v5  }
0x117: {  	v5 =	vld [tilespmem:s22+$0x90]  }
0x118: {  	v2 =	vadd.f32 v4, v2;
	v1 =	vadd.f32 v6, v1;
	v4 =	vld [tilespmem:s24+$0xFFFFFF60]  }
0x119: {  	v3 =	vadd.f32 v3, v7;
	v6 =	vld [tilespmem:s24+$0xFFFFFFA0]  }
0x11a: {  	[tilespmem:s24+$0xFFFFFF10] =	vst v2;
	v2 =	vld [tilespmem:s24+$0xFFFFFF30];
	v7 =	vmul.f32 $8.000000000e+00, v8  }
0x11b: {  	v8 =	vmul.f32 $8.000000000e+00, v9;
	v9 =	vld [tilespmem:s22+$0xFFFFFF10];
	[tilespmem:s24+$0xFFFFFF50] =	vst v1  }
0x11c: {  	v1 =	vld [tilespmem:s22+$0xFFFFFF90];
	[tilespmem:s24+$0xFFFFFF90] =	vst v3;
	v3 =	vadd.f32 v5, v7  }
0x11d: {  	v4 =	vmul.f32 $8.000000000e+00, v4;
	v5 =	vld [tilespmem:s24+$0xFFFFFFF0]  }
0x11e: {  	v6 =	vmul.f32 $8.000000000e+00, v6;
	v7 =	vld [tilespmem:s22+$0x10];
	[tilespmem:s24+$0xFFFFFFE0] =	vst v3  }
0x11f: {  	v2 =	vmul.f32 $8.000000000e+00, v2;
	v3 =	vld [tilespmem:s22+$0xA0]  }
0x120: {  	v8 =	vadd.f32 v9, v8;
	v9 =	vld [tilespmem:s24+$0xFFFFFF70]  }
0x121: {  	v1 =	vadd.f32 v1, v4;
	v4 =	vld [tilespmem:s24+$0xFFFFFFB0]  }
0x122: {  	[tilespmem:s24+$0xFFFFFF20] =	vst v8;
	v8 =	vld [tilespmem:s24+$0xFFFFFF40];
	v5 =	vmul.f32 $8.000000000e+00, v5  }
0x123: {  	v10 =	vld [tilespmem:s22+$0xFFFFFF20];
	[tilespmem:s24+$0xFFFFFF60] =	vst v1;
	v1 =	vadd.f32 v7, v6  }
0x124: {  	v6 =	vld [tilespmem:s22+$0xFFFFFFA0];
	v3 =	vadd.f32 v3, v5  }
0x125: {  	v5 =	vmul.f32 $8.000000000e+00, v9;
	[tilespmem:s24+$0xFFFFFFA0] =	vst v1;
	v7 =	vld [tilespmem:s24+$0x0]  }
0x126: {  	v9 =	vmul.f32 $8.000000000e+00, v4;
	v11 =	vld [tilespmem:s22+$0x20];
	[tilespmem:s24+$0xFFFFFFF0] =	vst v3  }
0x127: {  	v1 =	vmul.f32 $8.000000000e+00, v8;
	v12 =	vld [tilespmem:s22+$0xB0]  }
.Ltmp4:
0x128: {  	v4 =	vadd.f32 v10, v2;
	v3 =	vld [tilespmem:s24+$0xFFFFFF80];
	(pc) =	sbr.rel @p1 .LBB2_7-.Ltmp4, $4  }
0x129: {  	v6 =	vadd.f32 v6, v5;
	v2 =	vld [tilespmem:s24+$0xFFFFFFC0]  }
0x12a: {  	[tilespmem:s24+$0xFFFFFF30] =	vst v4;
	v7 =	vmul.f32 $8.000000000e+00, v7;
	v4 =	vld [tilespmem:s11+$0x30];
	s11 =	smov.u32 s22  }
0x12b: {  	v5 =	vld [tilespmem:s22+$0xFFFFFF30];
	[tilespmem:s24+$0xFFFFFF70] =	vst v6;
	v8 =	vadd.f32 v11, v9  }
0x12c: {  	s24 =	sadd.s32 $0x100, s24;
	v6 =	vld [tilespmem:s22+$0xFFFFFFB0];
	v7 =	vadd.f32 v12, v7  }
0x12d: {  	[tilespmem:s1+$0xFFFFFFB0] =	vst v8  }
0x12e: {  	v8 =	vld [tilespmem:s11+$0x30];
	_ =	sdelay $0x1  }
0x12f: {  	v3 =	vmul.f32 $8.000000000e+00, v3;
	v0 =	vadd.f32 v4, v0  }
0x130: {  	v2 =	vmul.f32 $8.000000000e+00, v2;
	[tilespmem:s1+$0x0] =	vst v7;
	v1 =	vadd.f32 v5, v1  }
0x131: {  	s23 =	sshll.u32 s18, $0xF;
	v3 =	vadd.f32 v6, v3;
	[tilespmem:s0+$0xFFFFFFC0] =	vst v0  }
0x132: {  	s0 =	sadd.s32 s12, s23;
	[tilespmem:s1+$0xFFFFFF40] =	vst v1;
	v0 =	vadd.f32 v8, v2  }
0x133: {  	s0 =	sshrl.u32 s0, $0x3;
	[tilespmem:s1+$0xFFFFFF80] =	vst v3  }
0x134: {  	s25 =	simm.s32 $0x200;
	s24 =	sadd.s32 s2, s0;
	[tilespmem:s1+$0xFFFFFFC0] =	vst v0  }
0x135: {  	[hbm4b:s24+s28] =	stream.strided.scatter [tilespmem:s25], [sflag:$0x3], $0x1000, s29, s28, $0x38;
	[tilespmem:$0xD400] =	vst v63  }
0x136: {  	s14 =	simm.s32 $0x1200;
	s0 =	sadd.s32 s0, s13  }
0x137: {  	[hbm4b:s0+s28] =	stream.strided.scatter [tilespmem:s14], [sflag:$0x3], $0x1000, s29, s28, $0x38;
	[tilespmem:$0xD400] =	vst v63  }
0x138: {  	_ =	swait.ge [sflag:s26], $0x2000  }
0x139: {  	s0 =	rddreg [dreg:$0x9]  }
0x13a: {  	s0 =	sadd.s32 @!p0 s8, s0  }
0x13b: {  	s11 =	simm.s32 @!p0 $0x80;
	[sflag:s26] =	ssyncset.done $0x0;
	s0 =	sshrl.u32 @!p0 s0, $0x3  }
0x13c: {  	s1 =	simm.s32 @!p0 $0x0;
	[sflag:s26] =	ssyncadd.s32 $0xFFFFE000;
	s0 =	sadd.s32 @!p0 s4, s0  }
0x13d: {  	[tilespmem:s11], [sflag:$0x1] =	stream.linear.gather @!p0 [hbm4b:s0+s1], $0x80, $0x38;
	[tilespmem:$0xD400] =	vst v63  }
0x13e: {  	s0 =	simm.s32 @!p0 $0x3  }
0x13f: {  	_ =	swait.ge @!p0 [sflag:s0], $0x1000  }
0x140: {  	[sflag:s0] =	ssyncset.done @!p0 $0x0  }
0x141: {  	[sflag:s0] =	ssyncadd.s32 @!p0 $0xFFFFF000  }
0x142: {  	_ =	swait.ge @!p0 [sflag:s0], $0x1000  }
0x143: {  	[sflag:s0] =	ssyncset.done @!p0 $0x0  }
0x144: {  	[sflag:s0] =	ssyncadd.s32 @!p0 $0xFFFFF000;
	s0 =	simm.s32 @!p0 $0x1  }
0x145: {  	_ =	swait.ge @!p0 [sflag:s0], $0x80  }
0x146: {  	[sflag:s0] =	ssyncset.done @!p0 $0x0  }
0x147: {  	s22 =	simm.s32 $0x22F0;
	[sflag:s0] =	ssyncadd.s32 @!p0 $0xFFFFFF80;
	s0 =	simm.s32 @!p0 $0x200  }
0x148: {  	[tilespmem:s0], [sflag:$0x2] =	stream.indirect.gather @!p0 [hbm4b:s5+s11], $0x40, s1, s11, $0xb8;
	[tilespmem:$0xD400] =	vst v63  }
0x149: {  	s31 =	sshra.s32 s31, $0x2;
	v0 =	vld [tilespmem:s22+$0xFFFFFFD0]  }
0x14a: {  	s15 =	sadd.s32 s31, s17;
	v1 =	vld [tilespmem:s22+$0xFFFFFF50]  }
0x14b: {  	v2 =	vld [tilespmem:s15+$0xFFFFFFD0]  }
0x14c: {  	v3 =	vld [tilespmem:s22+$0xFFFFFF10]  }
0x14d: {  	v4 =	vld [tilespmem:s22+$0xFFFFFF90]  }
0x14e: {  	v5 =	vld [tilespmem:s15+$0xFFFFFE50]  }
0x14f: {  	v6 =	vld [tilespmem:s15+$0xFFFFFED0]  }
0x150: {  	v7 =	vld [tilespmem:s15+$0xFFFFFF50]  }
0x151: {  	s23 =	simm.s32 $0x23F0;
	s25 =	sadd.s32 $0x200, s17;
	v8 =	vld [tilespmem:s22+$0xFFFFFF20]  }
0x152: {  	s24 =	sadd.s32 s31, s25;
	v10 =	vld [tilespmem:s23+$0xFFFFFF50];
	v0 =	vmul.f32 $8.000000000e+00, v0  }
0x153: {  	v11 =	vld [tilespmem:s24+$0xFFFFFFD0]  }
0x154: {  	v12 =	vld [tilespmem:s23+$0xFFFFFF10];
	v3 =	vmul.f32 $8.000000000e+00, v3;
	v1 =	vmul.f32 $8.000000000e+00, v1;
	v0 =	vadd.f32 v2, v0  }
0x155: {  	v2 =	vld [tilespmem:s22+$0xFFFFFFE0]  }
0x156: {  	v3 =	vadd.f32 v5, v3;
	v1 =	vadd.f32 v6, v1;
	v5 =	vld [tilespmem:s22+$0xFFFFFF60];
	[tilespmem:s22+$0xFFFFFFD0] =	vst v0  }
0x157: {  	v4 =	vmul.f32 $8.000000000e+00, v4;
	v0 =	vld [tilespmem:s15+$0xFFFFFFE0]  }
0x158: {  	v6 =	vld [tilespmem:s22+$0xFFFFFFA0];
	[tilespmem:s22+$0xFFFFFF50] =	vst v1  }
0x159: {  	[tilespmem:s22+$0xFFFFFF10] =	vst v3;
	v1 =	vadd.f32 v7, v4;
	v4 =	vld [tilespmem:s15+$0xFFFFFEE0]  }
0x15a: {  	v3 =	vld [tilespmem:s15+$0xFFFFFE60];
	v2 =	vmul.f32 $8.000000000e+00, v2  }
0x15b: {  	v13 =	vld [tilespmem:s23+$0xFFFFFF90];
	[tilespmem:s22+$0xFFFFFF90] =	vst v1  }
0x15c: {  	v5 =	vmul.f32 $8.000000000e+00, v5;
	v0 =	vadd.f32 v0, v2;
	v2 =	vmul.f32 $8.000000000e+00, v8;
	v8 =	vld [tilespmem:s15+$0xFFFFFF60]  }
0x15d: {  	v14 =	vld [tilespmem:s24+$0xFFFFFE50]  }
0x15e: {  	v15 =	vld [tilespmem:s24+$0xFFFFFED0];
	v4 =	vadd.f32 v4, v5  }
0x15f: {  	v5 =	vmul.f32 $8.000000000e+00, v6;
	v2 =	vadd.f32 v3, v2;
	v3 =	vld [tilespmem:s22+$0xFFFFFF70]  }
0x160: {  	v16 =	vld [tilespmem:s24+$0xFFFFFF50];
	[tilespmem:s22+$0xFFFFFF60] =	vst v4  }
0x161: {  	v4 =	vadd.f32 v8, v5;
	v5 =	vld [tilespmem:s15+$0xFFFFFEF0]  }
0x162: {  	v17 =	vld [tilespmem:s23+$0xFFFFFF20]  }
0x163: {  	v54 =	vld [tilespmem:s23+$0xFFFFFF60]  }
0x164: {  	v55 =	vld [tilespmem:s23+$0xFFFFFFA0];
	v3 =	vmul.f32 $8.000000000e+00, v3  }
0x165: {  	v56 =	vld [tilespmem:s23+$0xFFFFFF30];
	v12 =	vmul.f32 $8.000000000e+00, v12  }
0x166: {  	v57 =	vld [tilespmem:s23+$0xFFFFFFF0];
	v13 =	vmul.f32 $8.000000000e+00, v13;
	v3 =	vadd.f32 v5, v3  }
0x167: {  	v60 =	vld [tilespmem:s23+$0xFFFFFF70];
	v12 =	vadd.f32 v14, v12  }
0x168: {  	v13 =	vadd.f32 v16, v13;
	[tilespmem:s22+$0xFFFFFF70] =	vst v3;
	v3 =	vld [tilespmem:s23+$0xFFFFFFD0]  }
0x169: {  	v7 =	vld [tilespmem:s22+$0xFFFFFF30];
	[tilespmem:s23+$0xFFFFFF10] =	vst v12  }
0x16a: {  	[tilespmem:s23+$0xFFFFFF90] =	vst v13;
	v12 =	vld [tilespmem:s24+$0xFFFFFE60]  }
0x16b: {  	v58 =	vld [tilespmem:s24+$0xFFFFFF60]  }
0x16c: {  	v1 =	vld [tilespmem:s22+$0xFFFFFFF0]  }
0x16d: {  	v6 =	vld [tilespmem:s22+$0xFFFFFFB0];
	[tilespmem:s22+$0xFFFFFFE0] =	vst v0;
	v3 =	vmul.f32 $8.000000000e+00, v3  }
0x16e: {  	v0 =	vld [tilespmem:s15+$0xFFFFFFF0];
	[tilespmem:s22+$0xFFFFFF20] =	vst v2  }
0x16f: {  	v2 =	vld [tilespmem:s15+$0xFFFFFE70];
	v3 =	vadd.f32 v11, v3  }
0x170: {  	v11 =	vld [tilespmem:s23+$0xFFFFFFE0]  }
0x171: {  	v1 =	vmul.f32 $8.000000000e+00, v1;
	v8 =	vld [tilespmem:s22+$0xFFFFFF40];
	[tilespmem:s23+$0xFFFFFFD0] =	vst v3  }
0x172: {  	v3 =	vmul.f32 $8.000000000e+00, v10;
	v10 =	vld [tilespmem:s24+$0xFFFFFFE0]  }
0x173: {  	[tilespmem:s22+$0xFFFFFFA0] =	vst v4;
	v4 =	vld [tilespmem:s22+$0x0];
	v0 =	vadd.f32 v0, v1;
	v1 =	vmul.f32 $8.000000000e+00, v7  }
0x174: {  	v7 =	vld [tilespmem:s15+$0xFFFFFF70];
	v3 =	vadd.f32 v15, v3  }
0x175: {  	v1 =	vadd.f32 v2, v1;
	v2 =	vld [tilespmem:s22+$0xFFFFFF80];
	v11 =	vmul.f32 $8.000000000e+00, v11  }
0x176: {  	v5 =	vld [tilespmem:s22+$0xFFFFFFC0];
	[tilespmem:s23+$0xFFFFFF50] =	vst v3  }
0x177: {  	[tilespmem:s22+$0xFFFFFFF0] =	vst v0;
	v3 =	vld [tilespmem:s24+$0xFFFFFEE0];
	v10 =	vadd.f32 v10, v11  }
0x178: {  	v0 =	vld [tilespmem:s15+$0x0];
	[tilespmem:s22+$0xFFFFFF30] =	vst v1  }
0x179: {  	v1 =	vld [tilespmem:s15+$0xFFFFFE80];
	v11 =	vmul.f32 $8.000000000e+00, v17;
	[tilespmem:s23+$0xFFFFFFE0] =	vst v10  }
0x17a: {  	v10 =	vmul.f32 $8.000000000e+00, v54;
	v59 =	vld [tilespmem:s24+$0xFFFFFFF0]  }
0x17b: {  	v9 =	vld [tilespmem:s15+$0xFFFFFF00];
	v11 =	vadd.f32 v12, v11  }
0x17c: {  	v15 =	vmul.f32 $8.000000000e+00, v55;
	v3 =	vadd.f32 v3, v10;
	v10 =	vld [tilespmem:s23+$0xFFFFFFB0]  }
0x17d: {  	v13 =	vmul.f32 $8.000000000e+00, v57;
	[tilespmem:s23+$0xFFFFFF20] =	vst v11;
	v11 =	vld [tilespmem:s23+$0xFFFFFF40]  }
0x17e: {  	v4 =	vmul.f32 $8.000000000e+00, v4;
	v61 =	vld [tilespmem:s24+$0xFFFFFE70];
	[tilespmem:s23+$0xFFFFFF60] =	vst v3;
	v3 =	vmul.f32 $8.000000000e+00, v6;
	v6 =	vadd.f32 v58, v15  }
0x17f: {  	v62 =	vld [tilespmem:s24+$0xFFFFFEF0];
	v13 =	vadd.f32 v59, v13  }
0x180: {  	v0 =	vadd.f32 v0, v4;
	v3 =	vadd.f32 v7, v3;
	v7 =	vmul.f32 $8.000000000e+00, v8;
	[tilespmem:s23+$0xFFFFFFA0] =	vst v6;
	v6 =	vld [tilespmem:s23+$0x0]  }
0x181: {  	v4 =	vmul.f32 $8.000000000e+00, v56;
	v8 =	vld [tilespmem:s24+$0xFFFFFF70];
	[tilespmem:s23+$0xFFFFFFF0] =	vst v13  }
0x182: {  	[tilespmem:s22+$0x0] =	vst v0;
	v0 =	vmul.f32 $8.000000000e+00, v2;
	v1 =	vadd.f32 v1, v7;
	v7 =	vmul.f32 $8.000000000e+00, v60;
	v63 =	vld [tilespmem:s24+$0x0]  }
0x183: {  	[tilespmem:s22+$0xFFFFFFB0] =	vst v3;
	v4 =	vadd.f32 v61, v4;
	v3 =	vld [tilespmem:s23+$0xFFFFFF80]  }
0x184: {  	v2 =	vld [tilespmem:s23+$0xFFFFFFC0];
	[tilespmem:s22+$0xFFFFFF40] =	vst v1;
	v1 =	vadd.f32 v62, v7;
	v7 =	vadd.f32 v9, v0;
	v9 =	vmul.f32 $8.000000000e+00, v10  }
0x185: {  	[tilespmem:s23+$0xFFFFFF30] =	vst v4;
	v4 =	vld [tilespmem:s15+$0xFFFFFF80];
	v10 =	vmul.f32 $8.000000000e+00, v6  }
0x186: {  	s14 =	simm.s32 $0x24F0;
	v0 =	vmul.f32 $8.000000000e+00, v5;
	v5 =	vld [tilespmem:s24+$0xFFFFFE80];
	[tilespmem:s23+$0xFFFFFF70] =	vst v1;
	v8 =	vadd.f32 v8, v9  }
0x187: {  	s1 =	sor.u32 $0x1, s20;
	s0 =	simm.s32 $0x32F0;
	s11 =	simm.s32 $0x4;
	[tilespmem:s22+$0xFFFFFF80] =	vst v7;
	v1 =	vmul.f32 $8.000000000e+00, v11;
	v6 =	vld [tilespmem:s24+$0xFFFFFF00];
	v7 =	vadd.f32 v63, v10  }
.LBB2_9:
0x188: {  	v9 =	vld [tilespmem:s14+$0xFFFFFFD0];
	s11 =	sadd.s32 $0x4, s11;
	v3 =	vmul.f32 $8.000000000e+00, v3;
	[tilespmem:s23+$0xFFFFFFB0] =	vst v8;
	s25 =	sadd.s32 $0x200, s25  }
0x189: {  	s15 =	sadd.s32 s31, s25;
	v8 =	vld [tilespmem:s14+$0xFFFFFF50];
	p1 =	slt.u32 s11, $0x3C;
	v2 =	vmul.f32 $8.000000000e+00, v2;
	[tilespmem:s23+$0x0] =	vst v7  }
0x18a: {  	v7 =	vld [tilespmem:s15+$0xFFFFFFD0];
	v4 =	vadd.f32 v4, v0  }
0x18b: {  	v10 =	vld [tilespmem:s14+$0xFFFFFF90];
	v1 =	vadd.f32 v5, v1;
	v0 =	vmov v2  }
0x18c: {  	v2 =	vld [tilespmem:s14+$0xFFFFFF10];
	v3 =	vadd.f32 v6, v3;
	[tilespmem:s22+$0xFFFFFFC0] =	vst v4;
	s22 =	smov.u32 s23;
	s23 =	smov.u32 s14  }
0x18d: {  	v4 =	vld [tilespmem:s15+$0xFFFFFE50];
	v5 =	vmul.f32 $8.000000000e+00, v9;
	[tilespmem:s22+$0xFFFFFF40] =	vst v1  }
0x18e: {  	v1 =	vmul.f32 $8.000000000e+00, v8;
	v6 =	vld [tilespmem:s15+$0xFFFFFED0];
	[tilespmem:s22+$0xFFFFFF80] =	vst v3  }
0x18f: {  	v3 =	vld [tilespmem:s15+$0xFFFFFF50];
	v5 =	vadd.f32 v7, v5  }
0x190: {  	v7 =	vmul.f32 $8.000000000e+00, v10;
	v8 =	vld [tilespmem:s14+$0xFFFFFFE0]  }
0x191: {  	v2 =	vmul.f32 $8.000000000e+00, v2;
	v9 =	vld [tilespmem:s14+$0xFFFFFF20];
	[tilespmem:s14+$0xFFFFFFD0] =	vst v5  }
0x192: {  	v5 =	vld [tilespmem:s15+$0xFFFFFFE0]  }
0x193: {  	v2 =	vadd.f32 v4, v2;
	v1 =	vadd.f32 v6, v1;
	v4 =	vld [tilespmem:s14+$0xFFFFFF60]  }
0x194: {  	v3 =	vadd.f32 v3, v7;
	v6 =	vld [tilespmem:s14+$0xFFFFFFA0]  }
0x195: {  	[tilespmem:s14+$0xFFFFFF10] =	vst v2;
	v2 =	vld [tilespmem:s14+$0xFFFFFF30];
	v7 =	vmul.f32 $8.000000000e+00, v8  }
0x196: {  	v8 =	vmul.f32 $8.000000000e+00, v9;
	v9 =	vld [tilespmem:s15+$0xFFFFFE60];
	[tilespmem:s14+$0xFFFFFF50] =	vst v1  }
0x197: {  	v1 =	vld [tilespmem:s15+$0xFFFFFEE0];
	[tilespmem:s14+$0xFFFFFF90] =	vst v3;
	v3 =	vadd.f32 v5, v7  }
0x198: {  	v4 =	vmul.f32 $8.000000000e+00, v4;
	v5 =	vld [tilespmem:s14+$0xFFFFFFF0]  }
0x199: {  	v6 =	vmul.f32 $8.000000000e+00, v6;
	v7 =	vld [tilespmem:s15+$0xFFFFFF60];
	[tilespmem:s14+$0xFFFFFFE0] =	vst v3  }
0x19a: {  	v2 =	vmul.f32 $8.000000000e+00, v2;
	v3 =	vld [tilespmem:s15+$0xFFFFFFF0]  }
0x19b: {  	v8 =	vadd.f32 v9, v8;
	v9 =	vld [tilespmem:s14+$0xFFFFFF70]  }
0x19c: {  	v1 =	vadd.f32 v1, v4;
	v4 =	vld [tilespmem:s14+$0xFFFFFFB0]  }
0x19d: {  	[tilespmem:s14+$0xFFFFFF20] =	vst v8;
	v8 =	vld [tilespmem:s14+$0xFFFFFF40];
	v5 =	vmul.f32 $8.000000000e+00, v5  }
0x19e: {  	v10 =	vld [tilespmem:s15+$0xFFFFFE70];
	[tilespmem:s14+$0xFFFFFF60] =	vst v1;
	v1 =	vadd.f32 v7, v6  }
0x19f: {  	v6 =	vld [tilespmem:s15+$0xFFFFFEF0];
	v3 =	vadd.f32 v3, v5  }
0x1a0: {  	v5 =	vmul.f32 $8.000000000e+00, v9;
	[tilespmem:s14+$0xFFFFFFA0] =	vst v1;
	v7 =	vld [tilespmem:s14+$0x0]  }
0x1a1: {  	v9 =	vmul.f32 $8.000000000e+00, v4;
	v11 =	vld [tilespmem:s15+$0xFFFFFF70];
	[tilespmem:s14+$0xFFFFFFF0] =	vst v3  }
0x1a2: {  	v1 =	vmul.f32 $8.000000000e+00, v8;
	v12 =	vld [tilespmem:s15+$0x0]  }
.Ltmp5:
0x1a3: {  	v4 =	vadd.f32 v10, v2;
	v3 =	vld [tilespmem:s14+$0xFFFFFF80];
	(pc) =	sbr.rel @p1 .LBB2_9-.Ltmp5, $4  }
0x1a4: {  	v6 =	vadd.f32 v6, v5;
	v2 =	vld [tilespmem:s14+$0xFFFFFFC0]  }
0x1a5: {  	[tilespmem:s14+$0xFFFFFF30] =	vst v4;
	v7 =	vmul.f32 $8.000000000e+00, v7;
	v4 =	vld [tilespmem:s24+$0xFFFFFF80];
	s24 =	smov.u32 s15  }
0x1a6: {  	v5 =	vld [tilespmem:s24+$0xFFFFFE80];
	[tilespmem:s14+$0xFFFFFF70] =	vst v6;
	v8 =	vadd.f32 v11, v9  }
0x1a7: {  	s14 =	sadd.s32 $0x100, s14;
	v6 =	vld [tilespmem:s24+$0xFFFFFF00];
	v7 =	vadd.f32 v12, v7  }
0x1a8: {  	[tilespmem:s23+$0xFFFFFFB0] =	vst v8  }
0x1a9: {  	v8 =	vld [tilespmem:s24+$0xFFFFFF80];
	_ =	sdelay $0x1  }
0x1aa: {  	v3 =	vmul.f32 $8.000000000e+00, v3;
	v0 =	vadd.f32 v4, v0  }
0x1ab: {  	v2 =	vmul.f32 $8.000000000e+00, v2;
	[tilespmem:s23+$0x0] =	vst v7;
	v1 =	vadd.f32 v5, v1  }
0x1ac: {  	v3 =	vadd.f32 v6, v3;
	[tilespmem:s22+$0xFFFFFFC0] =	vst v0  }
0x1ad: {  	[tilespmem:s23+$0xFFFFFF40] =	vst v1;
	v0 =	vadd.f32 v8, v2  }
0x1ae: {  	[tilespmem:s23+$0xFFFFFF80] =	vst v3  }
0x1af: {  	[tilespmem:s23+$0xFFFFFFC0] =	vst v0  }
0x1b0: {  	v0 =	vld [tilespmem:s0+$0xFFFFFFD0]  }
0x1b1: {  	s25 =	sadd.s32 s31, s9;
	v1 =	vld [tilespmem:s0+$0xFFFFFF50]  }
0x1b2: {  	v2 =	vld [tilespmem:s25+$0x21C0]  }
0x1b3: {  	v3 =	vld [tilespmem:s0+$0xFFFFFF10]  }
0x1b4: {  	v4 =	vld [tilespmem:s0+$0xFFFFFF90]  }
0x1b5: {  	v5 =	vld [tilespmem:s25+$0x2040];
	v0 =	vmul.f32 $8.000000000e+00, v0  }
0x1b6: {  	v6 =	vld [tilespmem:s25+$0x20C0]  }
0x1b7: {  	v7 =	vld [tilespmem:s25+$0x2140];
	v0 =	vadd.f32 v2, v0  }
0x1b8: {  	v3 =	vmul.f32 $8.000000000e+00, v3;
	v2 =	vld [tilespmem:s0+$0xFFFFFFE0]  }
0x1b9: {  	v8 =	vld [tilespmem:s0+$0xFFFFFF20];
	[tilespmem:s0+$0xFFFFFFD0] =	vst v0  }
0x1ba: {  	v3 =	vadd.f32 v5, v3;
	v0 =	vmul.f32 $8.000000000e+00, v1;
	v1 =	vld [tilespmem:s25+$0x21D0]  }
0x1bb: {  	v9 =	vld [tilespmem:s0+$0xFFFFFF40]  }
0x1bc: {  	v4 =	vmul.f32 $8.000000000e+00, v4;
	v5 =	vld [tilespmem:s0+$0xFFFFFF60];
	[tilespmem:s0+$0xFFFFFF10] =	vst v3;
	v0 =	vadd.f32 v6, v0  }
0x1bd: {  	v3 =	vld [tilespmem:s25+$0x2050];
	v2 =	vmul.f32 $8.000000000e+00, v2  }
0x1be: {  	v4 =	vadd.f32 v7, v4;
	v6 =	vld [tilespmem:s0+$0xFFFFFFA0];
	[tilespmem:s0+$0xFFFFFF50] =	vst v0  }
0x1bf: {  	v0 =	vld [tilespmem:s25+$0x20D0];
	v1 =	vadd.f32 v1, v2  }
0x1c0: {  	[tilespmem:s0+$0xFFFFFF90] =	vst v4;
	v4 =	vld [tilespmem:s0+$0xFFFFFFF0]  }
0x1c1: {  	v2 =	vmul.f32 $8.000000000e+00, v8;
	v8 =	vld [tilespmem:s25+$0x2150];
	[tilespmem:s0+$0xFFFFFFE0] =	vst v1  }
0x1c2: {  	v1 =	vmul.f32 $8.000000000e+00, v5;
	v5 =	vld [tilespmem:s25+$0x21E0]  }
0x1c3: {  	v7 =	vld [tilespmem:s0+$0xFFFFFF30];
	v2 =	vadd.f32 v3, v2  }
0x1c4: {  	v6 =	vmul.f32 $8.000000000e+00, v6;
	v3 =	vld [tilespmem:s0+$0xFFFFFF70];
	v0 =	vadd.f32 v0, v1  }
0x1c5: {  	v1 =	vld [tilespmem:s0+$0xFFFFFFB0];
	[tilespmem:s0+$0xFFFFFF20] =	vst v2;
	v2 =	vmul.f32 $8.000000000e+00, v4  }
0x1c6: {  	v4 =	vld [tilespmem:s25+$0x2060];
	[tilespmem:s0+$0xFFFFFF60] =	vst v0;
	v0 =	vadd.f32 v8, v6  }
0x1c7: {  	v6 =	vld [tilespmem:s25+$0x20E0];
	v2 =	vadd.f32 v5, v2  }
0x1c8: {  	[tilespmem:s0+$0xFFFFFFA0] =	vst v0;
	v0 =	vld [tilespmem:s0+$0x0]  }
0x1c9: {  	v5 =	vmul.f32 $8.000000000e+00, v7;
	v7 =	vld [tilespmem:s25+$0x2160];
	[tilespmem:s0+$0xFFFFFFF0] =	vst v2  }
0x1ca: {  	p2 =	por $0x1, $0x1;
	v3 =	vmul.f32 $8.000000000e+00, v3;
	v8 =	vld [tilespmem:s25+$0x21F0]  }
.Ltmp6:
0x1cb: {  	v4 =	vadd.f32 v4, v5;
	(pc) =	sbr.rel @!p2 .LBB2_11-.Ltmp6, $4  }
0x1cc: {  	v2 =	vld [tilespmem:s0+$0xFFFFFF80];
	v3 =	vadd.f32 v6, v3  }
0x1cd: {  	v6 =	vmul.f32 $8.000000000e+00, v1;
	v1 =	vld [tilespmem:s0+$0xFFFFFFC0];
	[tilespmem:s0+$0xFFFFFF30] =	vst v4;
	v0 =	vmul.f32 $8.000000000e+00, v0  }
0x1ce: {  	v5 =	vld [tilespmem:s25+$0x2070];
	[tilespmem:s0+$0xFFFFFF70] =	vst v3  }
0x1cf: {  	p1 =	por $0x0, $0x0;
	s22 =	simm.s32 $0x33F0;
	v3 =	vmul.f32 $8.000000000e+00, v9;
	v7 =	vadd.f32 v7, v6;
	v4 =	vld [tilespmem:s25+$0x20F0];
	v6 =	vadd.f32 v8, v0  }
0x1d0: {  	v0 =	vld [tilespmem:s22+$0xFFFFFFD0];
	s24 =	sadd.s32 $0x200, s9  }
0x1d1: {  	v8 =	vld [tilespmem:s22+$0xFFFFFF50];
	s23 =	sadd.s32 s31, s24  }
0x1d2: {  	v9 =	vld [tilespmem:s23+$0x21C0]  }
0x1d3: {  	v10 =	vld [tilespmem:s22+$0xFFFFFF10]  }
0x1d4: {  	v11 =	vld [tilespmem:s22+$0xFFFFFF90]  }
0x1d5: {  	v15 =	vld [tilespmem:s22+$0xFFFFFF20];
	v0 =	vmul.f32 $8.000000000e+00, v0  }
0x1d6: {  	v12 =	vld [tilespmem:s23+$0x2040]  }
0x1d7: {  	v13 =	vld [tilespmem:s23+$0x20C0];
	v0 =	vadd.f32 v9, v0  }
0x1d8: {  	v9 =	vld [tilespmem:s22+$0xFFFFFFE0]  }
0x1d9: {  	v14 =	vld [tilespmem:s23+$0x2140];
	v10 =	vmul.f32 $8.000000000e+00, v10;
	[tilespmem:s22+$0xFFFFFFD0] =	vst v0  }
0x1da: {  	v0 =	vmul.f32 $8.000000000e+00, v8;
	v8 =	vld [tilespmem:s23+$0x21D0]  }
0x1db: {  	v56 =	vld [tilespmem:s22+$0xFFFFFF60];
	v10 =	vadd.f32 v12, v10  }
0x1dc: {  	v57 =	vld [tilespmem:s22+$0xFFFFFFA0];
	v11 =	vmul.f32 $8.000000000e+00, v11;
	v0 =	vadd.f32 v13, v0  }
0x1dd: {  	v58 =	vld [tilespmem:s22+$0xFFFFFF30];
	[tilespmem:s22+$0xFFFFFF10] =	vst v10;
	v9 =	vmul.f32 $8.000000000e+00, v9  }
0x1de: {  	v11 =	vadd.f32 v14, v11;
	v10 =	vld [tilespmem:s23+$0x2050];
	[tilespmem:s22+$0xFFFFFF50] =	vst v0  }
0x1df: {  	v0 =	vld [tilespmem:s23+$0x20D0];
	v8 =	vadd.f32 v8, v9  }
0x1e0: {  	[tilespmem:s22+$0xFFFFFF90] =	vst v11;
	v11 =	vld [tilespmem:s22+$0xFFFFFFF0]  }
0x1e1: {  	v59 =	vld [tilespmem:s23+$0x2150];
	v9 =	vmul.f32 $8.000000000e+00, v15;
	[tilespmem:s22+$0xFFFFFFE0] =	vst v8  }
0x1e2: {  	v8 =	vmul.f32 $8.000000000e+00, v56;
	v60 =	vld [tilespmem:s23+$0x21E0]  }
0x1e3: {  	v63 =	vld [tilespmem:s22+$0x0];
	v9 =	vadd.f32 v10, v9  }
0x1e4: {  	v13 =	vmul.f32 $8.000000000e+00, v57;
	v10 =	vld [tilespmem:s22+$0xFFFFFF70];
	v0 =	vadd.f32 v0, v8  }
0x1e5: {  	v11 =	vmul.f32 $8.000000000e+00, v11;
	v8 =	vld [tilespmem:s22+$0xFFFFFFB0];
	[tilespmem:s22+$0xFFFFFF20] =	vst v9  }
0x1e6: {  	v61 =	vld [tilespmem:s23+$0x2060];
	[tilespmem:s22+$0xFFFFFF60] =	vst v0;
	v0 =	vadd.f32 v59, v13  }
0x1e7: {  	[tilespmem:s0+$0xFFFFFFB0] =	vst v7;
	v62 =	vld [tilespmem:s23+$0x20E0];
	v11 =	vadd.f32 v60, v11  }
0x1e8: {  	v9 =	vld [tilespmem:s22+$0xFFFFFF40];
	[tilespmem:s22+$0xFFFFFFA0] =	vst v0  }
0x1e9: {  	v7 =	vmul.f32 $8.000000000e+00, v2;
	v14 =	vmul.f32 $8.000000000e+00, v58;
	[tilespmem:s22+$0xFFFFFFF0] =	vst v11;
	v11 =	vld [tilespmem:s23+$0x2160]  }
0x1ea: {  	p2 =	por $0x1, $0x1;
	v3 =	vadd.f32 v5, v3;
	v5 =	vmul.f32 $8.000000000e+00, v10;
	v10 =	vld [tilespmem:s23+$0x21F0]  }
.Ltmp7:
0x1eb: {  	[tilespmem:s0+$0x0] =	vst v6;
	v2 =	vld [tilespmem:s22+$0xFFFFFF80];
	v4 =	vadd.f32 v4, v7;
	v6 =	vadd.f32 v61, v14;
	(pc) =	sbr.rel @!p2 .LBB2_13-.Ltmp7, $4  }
0x1ec: {  	[tilespmem:s0+$0xFFFFFF40] =	vst v3;
	v0 =	vmul.f32 $8.000000000e+00, v1;
	v1 =	vld [tilespmem:s22+$0xFFFFFFC0];
	v7 =	vmul.f32 $8.000000000e+00, v8;
	v3 =	vadd.f32 v62, v5  }
0x1ed: {  	v8 =	vld [tilespmem:s25+$0x2170];
	[tilespmem:s22+$0xFFFFFF30] =	vst v6;
	v6 =	vmul.f32 $8.000000000e+00, v63  }
0x1ee: {  	v5 =	vld [tilespmem:s23+$0x2070];
	[tilespmem:s22+$0xFFFFFF70] =	vst v3;
	v7 =	vadd.f32 v11, v7  }
0x1ef: {  	s11 =	simm.s32 $0x34F0;
	p1 =	por $0x1, $0x1;
	[tilespmem:s0+$0xFFFFFF80] =	vst v4;
	s25 =	simm.s32 $0x44;
	v3 =	vmul.f32 $8.000000000e+00, v9;
	v4 =	vld [tilespmem:s23+$0x20F0];
	v6 =	vadd.f32 v10, v6  }
.LBB2_14:
0x1f0: {  	v9 =	vld [tilespmem:s11+$0xFFFFFFD0];
	s25 =	sadd.s32 $0x4, s25;
	v2 =	vmul.f32 $8.000000000e+00, v2;
	[tilespmem:s22+$0xFFFFFFB0] =	vst v7;
	s24 =	sadd.s32 $0x200, s24  }
0x1f1: {  	s14 =	sadd.s32 s31, s24;
	v7 =	vld [tilespmem:s11+$0xFFFFFF50];
	p2 =	slt.u32 s25, $0x7C;
	v1 =	vmul.f32 $8.000000000e+00, v1;
	[tilespmem:s22+$0x0] =	vst v6  }
0x1f2: {  	v6 =	vld [tilespmem:s14+$0x21C0];
	v8 =	vadd.f32 v8, v0  }
0x1f3: {  	v10 =	vld [tilespmem:s11+$0xFFFFFF90];
	v3 =	vadd.f32 v5, v3;
	v0 =	vmov v1  }
0x1f4: {  	v1 =	vld [tilespmem:s11+$0xFFFFFF10];
	v2 =	vadd.f32 v4, v2;
	[tilespmem:s0+$0xFFFFFFC0] =	vst v8;
	s0 =	smov.u32 s22;
	s22 =	smov.u32 s11  }
0x1f5: {  	v4 =	vld [tilespmem:s14+$0x2040];
	v5 =	vmul.f32 $8.000000000e+00, v9;
	[tilespmem:s0+$0xFFFFFF40] =	vst v3  }
0x1f6: {  	v3 =	vmul.f32 $8.000000000e+00, v7;
	v7 =	vld [tilespmem:s14+$0x20C0];
	[tilespmem:s0+$0xFFFFFF80] =	vst v2  }
0x1f7: {  	v2 =	vld [tilespmem:s14+$0x2140];
	v5 =	vadd.f32 v6, v5  }
0x1f8: {  	v6 =	vmul.f32 $8.000000000e+00, v10;
	v8 =	vld [tilespmem:s11+$0xFFFFFFE0]  }
0x1f9: {  	v1 =	vmul.f32 $8.000000000e+00, v1;
	v9 =	vld [tilespmem:s11+$0xFFFFFF20];
	[tilespmem:s11+$0xFFFFFFD0] =	vst v5  }
0x1fa: {  	v5 =	vld [tilespmem:s14+$0x21D0]  }
0x1fb: {  	v1 =	vadd.f32 v4, v1;
	v3 =	vadd.f32 v7, v3;
	v4 =	vld [tilespmem:s11+$0xFFFFFF60]  }
0x1fc: {  	v2 =	vadd.f32 v2, v6;
	v6 =	vld [tilespmem:s11+$0xFFFFFFA0]  }
0x1fd: {  	[tilespmem:s11+$0xFFFFFF10] =	vst v1;
	v1 =	vld [tilespmem:s11+$0xFFFFFF30];
	v7 =	vmul.f32 $8.000000000e+00, v8  }
0x1fe: {  	v8 =	vmul.f32 $8.000000000e+00, v9;
	v9 =	vld [tilespmem:s14+$0x2050];
	[tilespmem:s11+$0xFFFFFF50] =	vst v3  }
0x1ff: {  	v3 =	vld [tilespmem:s14+$0x20D0];
	[tilespmem:s11+$0xFFFFFF90] =	vst v2;
	v2 =	vadd.f32 v5, v7  }
0x200: {  	v4 =	vmul.f32 $8.000000000e+00, v4;
	v5 =	vld [tilespmem:s11+$0xFFFFFFF0]  }
0x201: {  	v6 =	vmul.f32 $8.000000000e+00, v6;
	v7 =	vld [tilespmem:s14+$0x2150];
	[tilespmem:s11+$0xFFFFFFE0] =	vst v2  }
0x202: {  	v1 =	vmul.f32 $8.000000000e+00, v1;
	v2 =	vld [tilespmem:s14+$0x21E0]  }
0x203: {  	v8 =	vadd.f32 v9, v8;
	v9 =	vld [tilespmem:s11+$0xFFFFFF70]  }
0x204: {  	v3 =	vadd.f32 v3, v4;
	v4 =	vld [tilespmem:s11+$0xFFFFFFB0]  }
0x205: {  	[tilespmem:s11+$0xFFFFFF20] =	vst v8;
	v8 =	vld [tilespmem:s11+$0xFFFFFF40];
	v5 =	vmul.f32 $8.000000000e+00, v5  }
0x206: {  	v10 =	vld [tilespmem:s14+$0x2060];
	[tilespmem:s11+$0xFFFFFF60] =	vst v3;
	v3 =	vadd.f32 v7, v6  }
0x207: {  	v6 =	vld [tilespmem:s14+$0x20E0];
	v2 =	vadd.f32 v2, v5  }
0x208: {  	v5 =	vmul.f32 $8.000000000e+00, v9;
	[tilespmem:s11+$0xFFFFFFA0] =	vst v3;
	v7 =	vld [tilespmem:s11+$0x0]  }
0x209: {  	v4 =	vmul.f32 $8.000000000e+00, v4;
	v9 =	vld [tilespmem:s14+$0x2160];
	[tilespmem:s11+$0xFFFFFFF0] =	vst v2  }
0x20a: {  	v3 =	vmul.f32 $8.000000000e+00, v8;
	v11 =	vld [tilespmem:s14+$0x21F0]  }
.Ltmp8:
0x20b: {  	v8 =	vadd.f32 v10, v1;
	v2 =	vld [tilespmem:s11+$0xFFFFFF80];
	(pc) =	sbr.rel @p2 .LBB2_14-.Ltmp8, $4  }
0x20c: {  	v6 =	vadd.f32 v6, v5;
	v1 =	vld [tilespmem:s11+$0xFFFFFFC0]  }
0x20d: {  	[tilespmem:s11+$0xFFFFFF30] =	vst v8;
	v10 =	vmul.f32 $8.000000000e+00, v7;
	v8 =	vld [tilespmem:s23+$0x2170];
	s23 =	smov.u32 s14  }
0x20e: {  	v5 =	vld [tilespmem:s23+$0x2070];
	[tilespmem:s11+$0xFFFFFF70] =	vst v6;
	v7 =	vadd.f32 v9, v4  }
0x20f: {  	s11 =	sadd.s32 $0x100, s11;
	v4 =	vld [tilespmem:s23+$0x20F0];
	v6 =	vadd.f32 v11, v10  }
0x210: {  	s25 =	smov.u32 s23  }
.LBB2_16:
0x211: {  	[tilespmem:s22+$0xFFFFFFB0] =	vst v7  }
0x212: {  	v7 =	vld [tilespmem:s25+$0x2170];
	_ =	sdelay $0x1  }
0x213: {  	v2 =	vmul.f32 $8.000000000e+00, v2;
	v0 =	vadd.f32 @p1 v8, v0  }
0x214: {  	v1 =	vmul.f32 $8.000000000e+00, v1;
	[tilespmem:s22+$0x0] =	vst v6;
	v3 =	vadd.f32 v5, v3  }
0x215: {  	s23 =	sshll.u32 s1, $0xD;
	v2 =	vadd.f32 v4, v2;
	[tilespmem:s0+$0xFFFFFFC0] =	vst @p1 v0  }
0x216: {  	s0 =	sadd.s32 s12, s23;
	[tilespmem:s22+$0xFFFFFF40] =	vst v3;
	v0 =	vadd.f32 v7, v1  }
0x217: {  	s0 =	sshrl.u32 s0, $0x3;
	[tilespmem:s22+$0xFFFFFF80] =	vst v2  }
0x218: {  	s11 =	simm.s32 $0x2200;
	s24 =	sadd.s32 s2, s0;
	[tilespmem:s22+$0xFFFFFFC0] =	vst v0  }
0x219: {  	[hbm4b:s24+s28] =	stream.strided.scatter [tilespmem:s11], [sflag:$0x3], $0x1000, s29, s28, $0x38;
	[tilespmem:$0xD400] =	vst v63  }
0x21a: {  	s25 =	simm.s32 $0x3200;
	s0 =	sadd.s32 s0, s13  }
0x21b: {  	[hbm4b:s0+s28] =	stream.strided.scatter [tilespmem:s25], [sflag:$0x3], $0x1000, s29, s28, $0x38;
	[tilespmem:$0xD400] =	vst v63  }
0x21c: {  	_ =	swait.ge [sflag:s26], $0x2000  }
0x21d: {  	s0 =	rddreg [dreg:$0xa]  }
0x21e: {  	s0 =	sadd.s32 @!p0 s8, s0  }
0x21f: {  	s1 =	simm.s32 @!p0 $0x0;
	[sflag:s26] =	ssyncset.done $0x0;
	s0 =	sshrl.u32 @!p0 s0, $0x3  }
0x220: {  	s11 =	simm.s32 @!p0 $0x100;
	[sflag:s26] =	ssyncadd.s32 $0xFFFFE000;
	s0 =	sadd.s32 @!p0 s4, s0  }
0x221: {  	[tilespmem:s11], [sflag:$0x1] =	stream.linear.gather @!p0 [hbm4b:s0+s1], $0x80, $0x38;
	[tilespmem:$0xD400] =	vst v63  }
0x222: {  	s0 =	simm.s32 @!p0 $0x3  }
0x223: {  	_ =	swait.ge @!p0 [sflag:s0], $0x1000  }
0x224: {  	[sflag:s0] =	ssyncset.done @!p0 $0x0  }
0x225: {  	[sflag:s0] =	ssyncadd.s32 @!p0 $0xFFFFF000  }
0x226: {  	_ =	swait.ge @!p0 [sflag:s0], $0x1000  }
0x227: {  	[sflag:s0] =	ssyncset.done @!p0 $0x0  }
0x228: {  	[sflag:s0] =	ssyncadd.s32 @!p0 $0xFFFFF000;
	s0 =	simm.s32 @!p0 $0x1  }
0x229: {  	_ =	swait.ge @!p0 [sflag:s0], $0x80  }
0x22a: {  	s22 =	simm.s32 $0x42F0;
	[sflag:s0] =	ssyncset.done @!p0 $0x0  }
0x22b: {  	s1 =	simm.s32 @!p0 $0x2200;
	[sflag:s0] =	ssyncadd.s32 @!p0 $0xFFFFFF80;
	s0 =	simm.s32 @!p0 $0x80  }
0x22c: {  	[tilespmem:s1], [sflag:$0x2] =	stream.indirect.gather @!p0 [hbm4b:s5+s0], $0x40, s0, s0, $0xb8;
	[tilespmem:$0xD400] =	vst v63  }
0x22d: {  	s30 =	sshra.s32 s30, $0x2;
	v0 =	vld [tilespmem:s22+$0xFFFFFFD0]  }
0x22e: {  	s31 =	sadd.s32 s30, s7;
	v1 =	vld [tilespmem:s22+$0xFFFFFF50]  }
0x22f: {  	v2 =	vld [tilespmem:s31+$0xFFFFFFD0]  }
0x230: {  	v3 =	vld [tilespmem:s22+$0xFFFFFF10]  }
0x231: {  	v4 =	vld [tilespmem:s22+$0xFFFFFF90]  }
0x232: {  	v5 =	vld [tilespmem:s31+$0xFFFFFE50]  }
0x233: {  	v6 =	vld [tilespmem:s31+$0xFFFFFED0]  }
0x234: {  	v7 =	vld [tilespmem:s31+$0xFFFFFF50]  }
0x235: {  	s23 =	simm.s32 $0x43F0;
	s25 =	sadd.s32 $0x200, s7;
	v8 =	vld [tilespmem:s22+$0xFFFFFF20]  }
0x236: {  	s24 =	sadd.s32 s30, s25;
	v10 =	vld [tilespmem:s23+$0xFFFFFF50];
	v0 =	vmul.f32 $8.000000000e+00, v0  }
0x237: {  	v11 =	vld [tilespmem:s24+$0xFFFFFFD0]  }
0x238: {  	v12 =	vld [tilespmem:s23+$0xFFFFFF10];
	v3 =	vmul.f32 $8.000000000e+00, v3;
	v1 =	vmul.f32 $8.000000000e+00, v1;
	v0 =	vadd.f32 v2, v0  }
0x239: {  	v2 =	vld [tilespmem:s22+$0xFFFFFFE0]  }
0x23a: {  	v3 =	vadd.f32 v5, v3;
	v1 =	vadd.f32 v6, v1;
	v5 =	vld [tilespmem:s22+$0xFFFFFF60];
	[tilespmem:s22+$0xFFFFFFD0] =	vst v0  }
0x23b: {  	v4 =	vmul.f32 $8.000000000e+00, v4;
	v0 =	vld [tilespmem:s31+$0xFFFFFFE0]  }
0x23c: {  	v6 =	vld [tilespmem:s22+$0xFFFFFFA0];
	[tilespmem:s22+$0xFFFFFF50] =	vst v1  }
0x23d: {  	[tilespmem:s22+$0xFFFFFF10] =	vst v3;
	v1 =	vadd.f32 v7, v4;
	v4 =	vld [tilespmem:s31+$0xFFFFFEE0]  }
0x23e: {  	v3 =	vld [tilespmem:s31+$0xFFFFFE60];
	v2 =	vmul.f32 $8.000000000e+00, v2  }
0x23f: {  	v13 =	vld [tilespmem:s23+$0xFFFFFF90];
	[tilespmem:s22+$0xFFFFFF90] =	vst v1  }
0x240: {  	v5 =	vmul.f32 $8.000000000e+00, v5;
	v0 =	vadd.f32 v0, v2;
	v2 =	vmul.f32 $8.000000000e+00, v8;
	v8 =	vld [tilespmem:s31+$0xFFFFFF60]  }
0x241: {  	v14 =	vld [tilespmem:s24+$0xFFFFFE50]  }
0x242: {  	v15 =	vld [tilespmem:s24+$0xFFFFFED0];
	v4 =	vadd.f32 v4, v5  }
0x243: {  	v5 =	vmul.f32 $8.000000000e+00, v6;
	v2 =	vadd.f32 v3, v2;
	v3 =	vld [tilespmem:s22+$0xFFFFFF70]  }
0x244: {  	v16 =	vld [tilespmem:s24+$0xFFFFFF50];
	[tilespmem:s22+$0xFFFFFF60] =	vst v4  }
0x245: {  	v4 =	vadd.f32 v8, v5;
	v5 =	vld [tilespmem:s31+$0xFFFFFEF0]  }
0x246: {  	v17 =	vld [tilespmem:s23+$0xFFFFFF20]  }
0x247: {  	v54 =	vld [tilespmem:s23+$0xFFFFFF60]  }
0x248: {  	v55 =	vld [tilespmem:s23+$0xFFFFFFA0];
	v3 =	vmul.f32 $8.000000000e+00, v3  }
0x249: {  	v56 =	vld [tilespmem:s23+$0xFFFFFF30];
	v12 =	vmul.f32 $8.000000000e+00, v12  }
0x24a: {  	v57 =	vld [tilespmem:s23+$0xFFFFFFF0];
	v13 =	vmul.f32 $8.000000000e+00, v13;
	v3 =	vadd.f32 v5, v3  }
0x24b: {  	v60 =	vld [tilespmem:s23+$0xFFFFFF70];
	v12 =	vadd.f32 v14, v12  }
0x24c: {  	v13 =	vadd.f32 v16, v13;
	[tilespmem:s22+$0xFFFFFF70] =	vst v3;
	v3 =	vld [tilespmem:s23+$0xFFFFFFD0]  }
0x24d: {  	v7 =	vld [tilespmem:s22+$0xFFFFFF30];
	[tilespmem:s23+$0xFFFFFF10] =	vst v12  }
0x24e: {  	[tilespmem:s23+$0xFFFFFF90] =	vst v13;
	v12 =	vld [tilespmem:s24+$0xFFFFFE60]  }
0x24f: {  	v58 =	vld [tilespmem:s24+$0xFFFFFF60]  }
0x250: {  	v1 =	vld [tilespmem:s22+$0xFFFFFFF0]  }
0x251: {  	v6 =	vld [tilespmem:s22+$0xFFFFFFB0];
	[tilespmem:s22+$0xFFFFFFE0] =	vst v0;
	v3 =	vmul.f32 $8.000000000e+00, v3  }
0x252: {  	v0 =	vld [tilespmem:s31+$0xFFFFFFF0];
	[tilespmem:s22+$0xFFFFFF20] =	vst v2  }
0x253: {  	v2 =	vld [tilespmem:s31+$0xFFFFFE70];
	v3 =	vadd.f32 v11, v3  }
0x254: {  	v11 =	vld [tilespmem:s23+$0xFFFFFFE0]  }
0x255: {  	v1 =	vmul.f32 $8.000000000e+00, v1;
	v8 =	vld [tilespmem:s22+$0xFFFFFF40];
	[tilespmem:s23+$0xFFFFFFD0] =	vst v3  }
0x256: {  	v3 =	vmul.f32 $8.000000000e+00, v10;
	v10 =	vld [tilespmem:s24+$0xFFFFFFE0]  }
0x257: {  	[tilespmem:s22+$0xFFFFFFA0] =	vst v4;
	v4 =	vld [tilespmem:s22+$0x0];
	v0 =	vadd.f32 v0, v1;
	v1 =	vmul.f32 $8.000000000e+00, v7  }
0x258: {  	v7 =	vld [tilespmem:s31+$0xFFFFFF70];
	v3 =	vadd.f32 v15, v3  }
0x259: {  	v1 =	vadd.f32 v2, v1;
	v2 =	vld [tilespmem:s22+$0xFFFFFF80];
	v11 =	vmul.f32 $8.000000000e+00, v11  }
0x25a: {  	v5 =	vld [tilespmem:s22+$0xFFFFFFC0];
	[tilespmem:s23+$0xFFFFFF50] =	vst v3  }
0x25b: {  	[tilespmem:s22+$0xFFFFFFF0] =	vst v0;
	v3 =	vld [tilespmem:s24+$0xFFFFFEE0];
	v10 =	vadd.f32 v10, v11  }
0x25c: {  	v0 =	vld [tilespmem:s31+$0x0];
	[tilespmem:s22+$0xFFFFFF30] =	vst v1  }
0x25d: {  	v1 =	vld [tilespmem:s31+$0xFFFFFE80];
	v11 =	vmul.f32 $8.000000000e+00, v17;
	[tilespmem:s23+$0xFFFFFFE0] =	vst v10  }
0x25e: {  	v10 =	vmul.f32 $8.000000000e+00, v54;
	v59 =	vld [tilespmem:s24+$0xFFFFFFF0]  }
0x25f: {  	v9 =	vld [tilespmem:s31+$0xFFFFFF00];
	v11 =	vadd.f32 v12, v11  }
0x260: {  	v15 =	vmul.f32 $8.000000000e+00, v55;
	v3 =	vadd.f32 v3, v10;
	v10 =	vld [tilespmem:s23+$0xFFFFFFB0]  }
0x261: {  	v13 =	vmul.f32 $8.000000000e+00, v57;
	[tilespmem:s23+$0xFFFFFF20] =	vst v11;
	v11 =	vld [tilespmem:s23+$0xFFFFFF40]  }
0x262: {  	v4 =	vmul.f32 $8.000000000e+00, v4;
	v61 =	vld [tilespmem:s24+$0xFFFFFE70];
	[tilespmem:s23+$0xFFFFFF60] =	vst v3;
	v3 =	vmul.f32 $8.000000000e+00, v6;
	v6 =	vadd.f32 v58, v15  }
0x263: {  	v62 =	vld [tilespmem:s24+$0xFFFFFEF0];
	v13 =	vadd.f32 v59, v13  }
0x264: {  	v0 =	vadd.f32 v0, v4;
	v3 =	vadd.f32 v7, v3;
	v7 =	vmul.f32 $8.000000000e+00, v8;
	[tilespmem:s23+$0xFFFFFFA0] =	vst v6;
	v6 =	vld [tilespmem:s23+$0x0]  }
0x265: {  	v4 =	vmul.f32 $8.000000000e+00, v56;
	v8 =	vld [tilespmem:s24+$0xFFFFFF70];
	[tilespmem:s23+$0xFFFFFFF0] =	vst v13  }
0x266: {  	[tilespmem:s22+$0x0] =	vst v0;
	v0 =	vmul.f32 $8.000000000e+00, v2;
	v1 =	vadd.f32 v1, v7;
	v7 =	vmul.f32 $8.000000000e+00, v60;
	v63 =	vld [tilespmem:s24+$0x0]  }
0x267: {  	[tilespmem:s22+$0xFFFFFFB0] =	vst v3;
	v4 =	vadd.f32 v61, v4;
	v3 =	vld [tilespmem:s23+$0xFFFFFF80]  }
0x268: {  	v2 =	vld [tilespmem:s23+$0xFFFFFFC0];
	[tilespmem:s22+$0xFFFFFF40] =	vst v1;
	v1 =	vadd.f32 v62, v7;
	v7 =	vadd.f32 v9, v0;
	v9 =	vmul.f32 $8.000000000e+00, v10  }
0x269: {  	[tilespmem:s23+$0xFFFFFF30] =	vst v4;
	v4 =	vld [tilespmem:s31+$0xFFFFFF80];
	v10 =	vmul.f32 $8.000000000e+00, v6  }
0x26a: {  	v0 =	vmul.f32 $8.000000000e+00, v5;
	v5 =	vld [tilespmem:s24+$0xFFFFFE80];
	[tilespmem:s23+$0xFFFFFF70] =	vst v1;
	v8 =	vadd.f32 v8, v9  }
0x26b: {  	s11 =	simm.s32 $0x44F0;
	s1 =	sor.u32 $0x2, s20;
	s20 =	simm.s32 $0x4;
	[tilespmem:s22+$0xFFFFFF80] =	vst v7;
	v1 =	vmul.f32 $8.000000000e+00, v11;
	v6 =	vld [tilespmem:s24+$0xFFFFFF00];
	v7 =	vadd.f32 v63, v10  }
.LBB2_17:
0x26c: {  	v9 =	vld [tilespmem:s11+$0xFFFFFFD0];
	s20 =	sadd.s32 $0x4, s20;
	v3 =	vmul.f32 $8.000000000e+00, v3;
	[tilespmem:s23+$0xFFFFFFB0] =	vst v8;
	s25 =	sadd.s32 $0x200, s25  }
0x26d: {  	s0 =	sadd.s32 s30, s25;
	v8 =	vld [tilespmem:s11+$0xFFFFFF50];
	p1 =	slt.u32 s20, $0x3C;
	v2 =	vmul.f32 $8.000000000e+00, v2;
	[tilespmem:s23+$0x0] =	vst v7  }
0x26e: {  	v7 =	vld [tilespmem:s0+$0xFFFFFFD0];
	v4 =	vadd.f32 v4, v0  }
0x26f: {  	v10 =	vld [tilespmem:s11+$0xFFFFFF90];
	v1 =	vadd.f32 v5, v1;
	v0 =	vmov v2  }
0x270: {  	v2 =	vld [tilespmem:s11+$0xFFFFFF10];
	v3 =	vadd.f32 v6, v3;
	[tilespmem:s22+$0xFFFFFFC0] =	vst v4;
	s22 =	smov.u32 s23;
	s23 =	smov.u32 s11  }
0x271: {  	v4 =	vld [tilespmem:s0+$0xFFFFFE50];
	v5 =	vmul.f32 $8.000000000e+00, v9;
	[tilespmem:s22+$0xFFFFFF40] =	vst v1  }
0x272: {  	v1 =	vmul.f32 $8.000000000e+00, v8;
	v6 =	vld [tilespmem:s0+$0xFFFFFED0];
	[tilespmem:s22+$0xFFFFFF80] =	vst v3  }
0x273: {  	v3 =	vld [tilespmem:s0+$0xFFFFFF50];
	v5 =	vadd.f32 v7, v5  }
0x274: {  	v7 =	vmul.f32 $8.000000000e+00, v10;
	v8 =	vld [tilespmem:s11+$0xFFFFFFE0]  }
0x275: {  	v2 =	vmul.f32 $8.000000000e+00, v2;
	v9 =	vld [tilespmem:s11+$0xFFFFFF20];
	[tilespmem:s11+$0xFFFFFFD0] =	vst v5  }
0x276: {  	v5 =	vld [tilespmem:s0+$0xFFFFFFE0]  }
0x277: {  	v2 =	vadd.f32 v4, v2;
	v1 =	vadd.f32 v6, v1;
	v4 =	vld [tilespmem:s11+$0xFFFFFF60]  }
0x278: {  	v3 =	vadd.f32 v3, v7;
	v6 =	vld [tilespmem:s11+$0xFFFFFFA0]  }
0x279: {  	[tilespmem:s11+$0xFFFFFF10] =	vst v2;
	v2 =	vld [tilespmem:s11+$0xFFFFFF30];
	v7 =	vmul.f32 $8.000000000e+00, v8  }
0x27a: {  	v8 =	vmul.f32 $8.000000000e+00, v9;
	v9 =	vld [tilespmem:s0+$0xFFFFFE60];
	[tilespmem:s11+$0xFFFFFF50] =	vst v1  }
0x27b: {  	v1 =	vld [tilespmem:s0+$0xFFFFFEE0];
	[tilespmem:s11+$0xFFFFFF90] =	vst v3;
	v3 =	vadd.f32 v5, v7  }
0x27c: {  	v4 =	vmul.f32 $8.000000000e+00, v4;
	v5 =	vld [tilespmem:s11+$0xFFFFFFF0]  }
0x27d: {  	v6 =	vmul.f32 $8.000000000e+00, v6;
	v7 =	vld [tilespmem:s0+$0xFFFFFF60];
	[tilespmem:s11+$0xFFFFFFE0] =	vst v3  }
0x27e: {  	v2 =	vmul.f32 $8.000000000e+00, v2;
	v3 =	vld [tilespmem:s0+$0xFFFFFFF0]  }
0x27f: {  	v8 =	vadd.f32 v9, v8;
	v9 =	vld [tilespmem:s11+$0xFFFFFF70]  }
0x280: {  	v1 =	vadd.f32 v1, v4;
	v4 =	vld [tilespmem:s11+$0xFFFFFFB0]  }
0x281: {  	[tilespmem:s11+$0xFFFFFF20] =	vst v8;
	v8 =	vld [tilespmem:s11+$0xFFFFFF40];
	v5 =	vmul.f32 $8.000000000e+00, v5  }
0x282: {  	v10 =	vld [tilespmem:s0+$0xFFFFFE70];
	[tilespmem:s11+$0xFFFFFF60] =	vst v1;
	v1 =	vadd.f32 v7, v6  }
0x283: {  	v6 =	vld [tilespmem:s0+$0xFFFFFEF0];
	v3 =	vadd.f32 v3, v5  }
0x284: {  	v5 =	vmul.f32 $8.000000000e+00, v9;
	[tilespmem:s11+$0xFFFFFFA0] =	vst v1;
	v7 =	vld [tilespmem:s11+$0x0]  }
0x285: {  	v9 =	vmul.f32 $8.000000000e+00, v4;
	v11 =	vld [tilespmem:s0+$0xFFFFFF70];
	[tilespmem:s11+$0xFFFFFFF0] =	vst v3  }
0x286: {  	v1 =	vmul.f32 $8.000000000e+00, v8;
	v12 =	vld [tilespmem:s0+$0x0]  }
.Ltmp9:
0x287: {  	v4 =	vadd.f32 v10, v2;
	v3 =	vld [tilespmem:s11+$0xFFFFFF80];
	(pc) =	sbr.rel @p1 .LBB2_17-.Ltmp9, $4  }
0x288: {  	v6 =	vadd.f32 v6, v5;
	v2 =	vld [tilespmem:s11+$0xFFFFFFC0]  }
0x289: {  	[tilespmem:s11+$0xFFFFFF30] =	vst v4;
	v7 =	vmul.f32 $8.000000000e+00, v7;
	v4 =	vld [tilespmem:s24+$0xFFFFFF80];
	s24 =	smov.u32 s0  }
0x28a: {  	v5 =	vld [tilespmem:s24+$0xFFFFFE80];
	[tilespmem:s11+$0xFFFFFF70] =	vst v6;
	v8 =	vadd.f32 v11, v9  }
0x28b: {  	s0 =	simm.s32 $0x5200;
	s11 =	sadd.s32 $0x100, s11;
	v6 =	vld [tilespmem:s24+$0xFFFFFF00];
	v7 =	vadd.f32 v12, v7  }
0x28c: {  	[tilespmem:s23+$0xFFFFFFB0] =	vst v8  }
0x28d: {  	v8 =	vld [tilespmem:s24+$0xFFFFFF80];
	_ =	sdelay $0x1  }
0x28e: {  	v3 =	vmul.f32 $8.000000000e+00, v3;
	v0 =	vadd.f32 v4, v0  }
0x28f: {  	v2 =	vmul.f32 $8.000000000e+00, v2;
	[tilespmem:s23+$0x0] =	vst v7;
	v1 =	vadd.f32 v5, v1  }
0x290: {  	v3 =	vadd.f32 v6, v3;
	[tilespmem:s22+$0xFFFFFFC0] =	vst v0  }
0x291: {  	[tilespmem:s23+$0xFFFFFF40] =	vst v1;
	v0 =	vadd.f32 v8, v2  }
0x292: {  	[tilespmem:s23+$0xFFFFFF80] =	vst v3  }
0x293: {  	[tilespmem:s23+$0xFFFFFFC0] =	vst v0  }
0x294: {  	v0 =	vld [tilespmem:s0+$0xC0]  }
0x295: {  	s24 =	sadd.s32 s30, s9;
	v1 =	vld [tilespmem:s0+$0x40]  }
0x296: {  	v2 =	vld [tilespmem:s24+$0x41C0]  }
0x297: {  	v3 =	vld [tilespmem:s0+$0x0]  }
0x298: {  	v4 =	vld [tilespmem:s0+$0x80]  }
0x299: {  	v5 =	vld [tilespmem:s24+$0x4040];
	v0 =	vmul.f32 $8.000000000e+00, v0  }
0x29a: {  	v6 =	vld [tilespmem:s24+$0x40C0]  }
0x29b: {  	v7 =	vld [tilespmem:s24+$0x4140];
	v0 =	vadd.f32 v2, v0  }
0x29c: {  	v3 =	vmul.f32 $8.000000000e+00, v3;
	v2 =	vld [tilespmem:s0+$0xD0]  }
0x29d: {  	v8 =	vld [tilespmem:s0+$0x10];
	[tilespmem:s0+$0xC0] =	vst v0  }
0x29e: {  	v3 =	vadd.f32 v5, v3;
	v0 =	vmul.f32 $8.000000000e+00, v1;
	v1 =	vld [tilespmem:s24+$0x41D0]  }
0x29f: {  	v9 =	vld [tilespmem:s0+$0x30]  }
0x2a0: {  	v4 =	vmul.f32 $8.000000000e+00, v4;
	v5 =	vld [tilespmem:s0+$0x50];
	[tilespmem:s0+$0x0] =	vst v3;
	v0 =	vadd.f32 v6, v0  }
0x2a1: {  	v3 =	vld [tilespmem:s24+$0x4050];
	v2 =	vmul.f32 $8.000000000e+00, v2  }
0x2a2: {  	v4 =	vadd.f32 v7, v4;
	v6 =	vld [tilespmem:s0+$0x90];
	[tilespmem:s0+$0x40] =	vst v0  }
0x2a3: {  	v0 =	vld [tilespmem:s24+$0x40D0];
	v1 =	vadd.f32 v1, v2  }
0x2a4: {  	[tilespmem:s0+$0x80] =	vst v4;
	v4 =	vld [tilespmem:s0+$0xE0]  }
0x2a5: {  	v2 =	vmul.f32 $8.000000000e+00, v8;
	v8 =	vld [tilespmem:s24+$0x4150];
	[tilespmem:s0+$0xD0] =	vst v1  }
0x2a6: {  	v1 =	vmul.f32 $8.000000000e+00, v5;
	v5 =	vld [tilespmem:s24+$0x41E0]  }
0x2a7: {  	v7 =	vld [tilespmem:s0+$0x20];
	v2 =	vadd.f32 v3, v2  }
0x2a8: {  	v6 =	vmul.f32 $8.000000000e+00, v6;
	v3 =	vld [tilespmem:s0+$0x60];
	v0 =	vadd.f32 v0, v1  }
0x2a9: {  	v1 =	vld [tilespmem:s0+$0xA0];
	[tilespmem:s0+$0x10] =	vst v2;
	v2 =	vmul.f32 $8.000000000e+00, v4  }
0x2aa: {  	v4 =	vld [tilespmem:s24+$0x4060];
	[tilespmem:s0+$0x50] =	vst v0;
	v0 =	vadd.f32 v8, v6  }
0x2ab: {  	v6 =	vld [tilespmem:s24+$0x40E0];
	v2 =	vadd.f32 v5, v2  }
0x2ac: {  	[tilespmem:s0+$0x90] =	vst v0;
	v0 =	vld [tilespmem:s0+$0xF0]  }
0x2ad: {  	v5 =	vmul.f32 $8.000000000e+00, v7;
	v7 =	vld [tilespmem:s24+$0x4160];
	[tilespmem:s0+$0xE0] =	vst v2  }
0x2ae: {  	p2 =	por $0x1, $0x1;
	v3 =	vmul.f32 $8.000000000e+00, v3;
	v8 =	vld [tilespmem:s24+$0x41F0]  }
.Ltmp10:
0x2af: {  	v4 =	vadd.f32 v4, v5;
	(pc) =	sbr.rel @!p2 .LBB2_19-.Ltmp10, $4  }
0x2b0: {  	v2 =	vld [tilespmem:s0+$0x70];
	v3 =	vadd.f32 v6, v3  }
0x2b1: {  	v6 =	vmul.f32 $8.000000000e+00, v1;
	v1 =	vld [tilespmem:s0+$0xB0];
	[tilespmem:s0+$0x20] =	vst v4;
	v0 =	vmul.f32 $8.000000000e+00, v0  }
0x2b2: {  	v5 =	vld [tilespmem:s24+$0x4070];
	[tilespmem:s0+$0x60] =	vst v3  }
0x2b3: {  	s20 =	simm.s32 $0x5300;
	p1 =	por $0x0, $0x0;
	v3 =	vmul.f32 $8.000000000e+00, v9;
	v7 =	vadd.f32 v7, v6;
	v4 =	vld [tilespmem:s24+$0x40F0];
	v6 =	vadd.f32 v8, v0  }
0x2b4: {  	v0 =	vld [tilespmem:s20+$0xC0];
	s23 =	sadd.s32 $0x200, s9  }
0x2b5: {  	v8 =	vld [tilespmem:s20+$0x40];
	s22 =	sadd.s32 s30, s23  }
0x2b6: {  	v9 =	vld [tilespmem:s22+$0x41C0]  }
0x2b7: {  	v10 =	vld [tilespmem:s20+$0x0]  }
0x2b8: {  	v11 =	vld [tilespmem:s20+$0x80]  }
0x2b9: {  	v15 =	vld [tilespmem:s20+$0x10];
	v0 =	vmul.f32 $8.000000000e+00, v0  }
0x2ba: {  	v12 =	vld [tilespmem:s22+$0x4040]  }
0x2bb: {  	v13 =	vld [tilespmem:s22+$0x40C0];
	v0 =	vadd.f32 v9, v0  }
0x2bc: {  	v9 =	vld [tilespmem:s20+$0xD0]  }
0x2bd: {  	v14 =	vld [tilespmem:s22+$0x4140];
	v10 =	vmul.f32 $8.000000000e+00, v10;
	[tilespmem:s20+$0xC0] =	vst v0  }
0x2be: {  	v0 =	vmul.f32 $8.000000000e+00, v8;
	v8 =	vld [tilespmem:s22+$0x41D0]  }
0x2bf: {  	v56 =	vld [tilespmem:s20+$0x50];
	v10 =	vadd.f32 v12, v10  }
0x2c0: {  	v57 =	vld [tilespmem:s20+$0x90];
	v11 =	vmul.f32 $8.000000000e+00, v11;
	v0 =	vadd.f32 v13, v0  }
0x2c1: {  	v58 =	vld [tilespmem:s20+$0x20];
	[tilespmem:s20+$0x0] =	vst v10;
	v9 =	vmul.f32 $8.000000000e+00, v9  }
0x2c2: {  	v11 =	vadd.f32 v14, v11;
	v10 =	vld [tilespmem:s22+$0x4050];
	[tilespmem:s20+$0x40] =	vst v0  }
0x2c3: {  	v0 =	vld [tilespmem:s22+$0x40D0];
	v8 =	vadd.f32 v8, v9  }
0x2c4: {  	[tilespmem:s20+$0x80] =	vst v11;
	v11 =	vld [tilespmem:s20+$0xE0]  }
0x2c5: {  	v59 =	vld [tilespmem:s22+$0x4150];
	v9 =	vmul.f32 $8.000000000e+00, v15;
	[tilespmem:s20+$0xD0] =	vst v8  }
0x2c6: {  	v8 =	vmul.f32 $8.000000000e+00, v56;
	v60 =	vld [tilespmem:s22+$0x41E0]  }
0x2c7: {  	v63 =	vld [tilespmem:s20+$0xF0];
	v9 =	vadd.f32 v10, v9  }
0x2c8: {  	v13 =	vmul.f32 $8.000000000e+00, v57;
	v10 =	vld [tilespmem:s20+$0x60];
	v0 =	vadd.f32 v0, v8  }
0x2c9: {  	v11 =	vmul.f32 $8.000000000e+00, v11;
	v8 =	vld [tilespmem:s20+$0xA0];
	[tilespmem:s20+$0x10] =	vst v9  }
0x2ca: {  	v61 =	vld [tilespmem:s22+$0x4060];
	[tilespmem:s20+$0x50] =	vst v0;
	v0 =	vadd.f32 v59, v13  }
0x2cb: {  	[tilespmem:s0+$0xA0] =	vst v7;
	v62 =	vld [tilespmem:s22+$0x40E0];
	v11 =	vadd.f32 v60, v11  }
0x2cc: {  	v9 =	vld [tilespmem:s20+$0x30];
	[tilespmem:s20+$0x90] =	vst v0  }
0x2cd: {  	v7 =	vmul.f32 $8.000000000e+00, v2;
	v14 =	vmul.f32 $8.000000000e+00, v58;
	[tilespmem:s20+$0xE0] =	vst v11;
	v11 =	vld [tilespmem:s22+$0x4160]  }
0x2ce: {  	p2 =	por $0x1, $0x1;
	v3 =	vadd.f32 v5, v3;
	v5 =	vmul.f32 $8.000000000e+00, v10;
	v10 =	vld [tilespmem:s22+$0x41F0]  }
.Ltmp11:
0x2cf: {  	[tilespmem:s0+$0xF0] =	vst v6;
	v2 =	vld [tilespmem:s20+$0x70];
	v4 =	vadd.f32 v4, v7;
	v6 =	vadd.f32 v61, v14;
	(pc) =	sbr.rel @!p2 .LBB2_21-.Ltmp11, $4  }
0x2d0: {  	[tilespmem:s0+$0x30] =	vst v3;
	v0 =	vmul.f32 $8.000000000e+00, v1;
	v1 =	vld [tilespmem:s20+$0xB0];
	v7 =	vmul.f32 $8.000000000e+00, v8;
	v3 =	vadd.f32 v62, v5  }
0x2d1: {  	v8 =	vld [tilespmem:s24+$0x4170];
	[tilespmem:s20+$0x20] =	vst v6;
	v6 =	vmul.f32 $8.000000000e+00, v63  }
0x2d2: {  	v5 =	vld [tilespmem:s22+$0x4070];
	[tilespmem:s20+$0x60] =	vst v3;
	v7 =	vadd.f32 v11, v7  }
0x2d3: {  	s11 =	simm.s32 $0x5400;
	p1 =	por $0x1, $0x1;
	[tilespmem:s0+$0x70] =	vst v4;
	s24 =	simm.s32 $0x44;
	v3 =	vmul.f32 $8.000000000e+00, v9;
	v4 =	vld [tilespmem:s22+$0x40F0];
	v6 =	vadd.f32 v10, v6  }
.LBB2_22:
0x2d4: {  	v9 =	vld [tilespmem:s11+$0xC0];
	s24 =	sadd.s32 $0x4, s24;
	v2 =	vmul.f32 $8.000000000e+00, v2;
	[tilespmem:s20+$0xA0] =	vst v7;
	s23 =	sadd.s32 $0x200, s23  }
0x2d5: {  	s14 =	sadd.s32 s30, s23;
	v7 =	vld [tilespmem:s11+$0x40];
	p2 =	slt.u32 s24, $0x7C;
	v1 =	vmul.f32 $8.000000000e+00, v1;
	[tilespmem:s20+$0xF0] =	vst v6  }
0x2d6: {  	v6 =	vld [tilespmem:s14+$0x41C0];
	v8 =	vadd.f32 v8, v0  }
0x2d7: {  	v10 =	vld [tilespmem:s11+$0x80];
	v3 =	vadd.f32 v5, v3;
	v0 =	vmov v1  }
0x2d8: {  	v1 =	vld [tilespmem:s11+$0x0];
	v2 =	vadd.f32 v4, v2;
	[tilespmem:s0+$0xB0] =	vst v8;
	s0 =	smov.u32 s20;
	s20 =	smov.u32 s11  }
0x2d9: {  	v4 =	vld [tilespmem:s14+$0x4040];
	v5 =	vmul.f32 $8.000000000e+00, v9;
	[tilespmem:s0+$0x30] =	vst v3  }
0x2da: {  	v3 =	vmul.f32 $8.000000000e+00, v7;
	v7 =	vld [tilespmem:s14+$0x40C0];
	[tilespmem:s0+$0x70] =	vst v2  }
0x2db: {  	v2 =	vld [tilespmem:s14+$0x4140];
	v5 =	vadd.f32 v6, v5  }
0x2dc: {  	v6 =	vmul.f32 $8.000000000e+00, v10;
	v8 =	vld [tilespmem:s11+$0xD0]  }
0x2dd: {  	v1 =	vmul.f32 $8.000000000e+00, v1;
	v9 =	vld [tilespmem:s11+$0x10];
	[tilespmem:s11+$0xC0] =	vst v5  }
0x2de: {  	v5 =	vld [tilespmem:s14+$0x41D0]  }
0x2df: {  	v1 =	vadd.f32 v4, v1;
	v3 =	vadd.f32 v7, v3;
	v4 =	vld [tilespmem:s11+$0x50]  }
0x2e0: {  	v2 =	vadd.f32 v2, v6;
	v6 =	vld [tilespmem:s11+$0x90]  }
0x2e1: {  	[tilespmem:s11+$0x0] =	vst v1;
	v1 =	vld [tilespmem:s11+$0x20];
	v7 =	vmul.f32 $8.000000000e+00, v8  }
0x2e2: {  	v8 =	vmul.f32 $8.000000000e+00, v9;
	v9 =	vld [tilespmem:s14+$0x4050];
	[tilespmem:s11+$0x40] =	vst v3  }
0x2e3: {  	v3 =	vld [tilespmem:s14+$0x40D0];
	[tilespmem:s11+$0x80] =	vst v2;
	v2 =	vadd.f32 v5, v7  }
0x2e4: {  	v4 =	vmul.f32 $8.000000000e+00, v4;
	v5 =	vld [tilespmem:s11+$0xE0]  }
0x2e5: {  	v6 =	vmul.f32 $8.000000000e+00, v6;
	v7 =	vld [tilespmem:s14+$0x4150];
	[tilespmem:s11+$0xD0] =	vst v2  }
0x2e6: {  	v1 =	vmul.f32 $8.000000000e+00, v1;
	v2 =	vld [tilespmem:s14+$0x41E0]  }
0x2e7: {  	v8 =	vadd.f32 v9, v8;
	v9 =	vld [tilespmem:s11+$0x60]  }
0x2e8: {  	v3 =	vadd.f32 v3, v4;
	v4 =	vld [tilespmem:s11+$0xA0]  }
0x2e9: {  	[tilespmem:s11+$0x10] =	vst v8;
	v8 =	vld [tilespmem:s11+$0x30];
	v5 =	vmul.f32 $8.000000000e+00, v5  }
0x2ea: {  	v10 =	vld [tilespmem:s14+$0x4060];
	[tilespmem:s11+$0x50] =	vst v3;
	v3 =	vadd.f32 v7, v6  }
0x2eb: {  	v6 =	vld [tilespmem:s14+$0x40E0];
	v2 =	vadd.f32 v2, v5  }
0x2ec: {  	v5 =	vmul.f32 $8.000000000e+00, v9;
	[tilespmem:s11+$0x90] =	vst v3;
	v7 =	vld [tilespmem:s11+$0xF0]  }
0x2ed: {  	v4 =	vmul.f32 $8.000000000e+00, v4;
	v9 =	vld [tilespmem:s14+$0x4160];
	[tilespmem:s11+$0xE0] =	vst v2  }
0x2ee: {  	v3 =	vmul.f32 $8.000000000e+00, v8;
	v11 =	vld [tilespmem:s14+$0x41F0]  }
.Ltmp12:
0x2ef: {  	v8 =	vadd.f32 v10, v1;
	v2 =	vld [tilespmem:s11+$0x70];
	(pc) =	sbr.rel @p2 .LBB2_22-.Ltmp12, $4  }
0x2f0: {  	v6 =	vadd.f32 v6, v5;
	v1 =	vld [tilespmem:s11+$0xB0]  }
0x2f1: {  	[tilespmem:s11+$0x20] =	vst v8;
	v10 =	vmul.f32 $8.000000000e+00, v7;
	v8 =	vld [tilespmem:s22+$0x4170];
	s22 =	smov.u32 s14  }
0x2f2: {  	v5 =	vld [tilespmem:s22+$0x4070];
	[tilespmem:s11+$0x60] =	vst v6;
	v7 =	vadd.f32 v9, v4  }
0x2f3: {  	s11 =	sadd.s32 $0x100, s11;
	v4 =	vld [tilespmem:s22+$0x40F0];
	v6 =	vadd.f32 v11, v10  }
0x2f4: {  	s24 =	smov.u32 s22  }
.LBB2_24:
0x2f5: {  	[tilespmem:s20+$0xA0] =	vst v7  }
0x2f6: {  	v7 =	vld [tilespmem:s24+$0x4170];
	_ =	sdelay $0x1  }
0x2f7: {  	v2 =	vmul.f32 $8.000000000e+00, v2;
	v0 =	vadd.f32 @p1 v8, v0  }
0x2f8: {  	v1 =	vmul.f32 $8.000000000e+00, v1;
	[tilespmem:s20+$0xF0] =	vst v6;
	v3 =	vadd.f32 v5, v3  }
0x2f9: {  	s15 =	sshll.u32 s1, $0xD;
	v2 =	vadd.f32 v4, v2;
	[tilespmem:s0+$0xB0] =	vst @p1 v0  }
0x2fa: {  	s0 =	sadd.s32 s12, s15;
	[tilespmem:s20+$0x30] =	vst v3;
	v0 =	vadd.f32 v7, v1  }
0x2fb: {  	s0 =	sshrl.u32 s0, $0x3;
	[tilespmem:s20+$0x70] =	vst v2  }
0x2fc: {  	s11 =	simm.s32 $0x4200;
	s22 =	sadd.s32 s2, s0;
	[tilespmem:s20+$0xB0] =	vst v0  }
0x2fd: {  	[hbm4b:s22+s28] =	stream.strided.scatter [tilespmem:s11], [sflag:$0x3], $0x1000, s29, s28, $0x38;
	[tilespmem:$0xD400] =	vst v63  }
0x2fe: {  	s23 =	simm.s32 $0x5200;
	s0 =	sadd.s32 s0, s13  }
0x2ff: {  	[hbm4b:s0+s28] =	stream.strided.scatter [tilespmem:s23], [sflag:$0x3], $0x1000, s29, s28, $0x38;
	[tilespmem:$0xD400] =	vst v63  }
0x300: {  	s0 =	sadd.s32 @!p0 s8, s16;
	_ =	swait.ge [sflag:s26], $0x2000  }
0x301: {  	s1 =	simm.s32 @!p0 $0x0;
	s0 =	sshrl.u32 @!p0 s0, $0x3;
	[sflag:s26] =	ssyncset.done $0x0  }
0x302: {  	s8 =	simm.s32 @!p0 $0x180;
	s0 =	sadd.s32 @!p0 s4, s0;
	[sflag:s26] =	ssyncadd.s32 $0xFFFFE000  }
0x303: {  	[tilespmem:s8], [sflag:$0x1] =	stream.linear.gather @!p0 [hbm4b:s0+s1], $0x80, $0x38;
	[tilespmem:$0xD400] =	vst v63  }
0x304: {  	s0 =	simm.s32 @!p0 $0x3  }
0x305: {  	_ =	swait.ge @!p0 [sflag:s0], $0x1000  }
0x306: {  	[sflag:s0] =	ssyncset.done @!p0 $0x0  }
0x307: {  	[sflag:s0] =	ssyncadd.s32 @!p0 $0xFFFFF000  }
0x308: {  	_ =	swait.ge @!p0 [sflag:s0], $0x1000  }
0x309: {  	s24 =	sshll.u32 s3, $0x7;
	[sflag:s0] =	ssyncset.done @!p0 $0x0  }
0x30a: {  	s25 =	smulhi.u32 $0x51EB851F, s24;
	[sflag:s0] =	ssyncadd.s32 @!p0 $0xFFFFF000;
	s0 =	simm.s32 @!p0 $0x1  }
0x30b: {  	s14 =	simm.s32 @!p0 $0x4200;
	_ =	swait.ge @!p0 [sflag:s0], $0x80  }
0x30c: {  	s11 =	simm.s32 @!p0 $0x100;
	s8 =	sshrl.u32 s25, $0x6;
	[sflag:s0] =	ssyncset.done @!p0 $0x0  }
0x30d: {  	s1 =	simm.s32 $0x62F0;
	[sflag:s0] =	ssyncadd.s32 @!p0 $0xFFFFFF80;
	s0 =	simm.s32 @!p0 $0x80  }
0x30e: {  	[tilespmem:s14], [sflag:$0x2] =	stream.indirect.gather @!p0 [hbm4b:s5+s0], $0x40, s11, s0, $0xb8;
	[tilespmem:$0xD400] =	vst v63  }
0x30f: {  	s8 =	smul.u32 $0xC8, s8;
	v0 =	vld [tilespmem:s1+$0xFFFFFFD0]  }
0x310: {  	v1 =	vld [tilespmem:s1+$0xFFFFFF50]  }
0x311: {  	s30 =	ssub.s32 s24, s8;
	v3 =	vld [tilespmem:s1+$0xFFFFFF10]  }
0x312: {  	s0 =	sshll.u32 s30, $0x8;
	v4 =	vld [tilespmem:s1+$0xFFFFFF90]  }
0x313: {  	s8 =	simm.s32 $0x63F0;
	s31 =	sshrl.u32 s0, $0x2;
	v8 =	vld [tilespmem:s1+$0xFFFFFF20]  }
0x314: {  	v10 =	vld [tilespmem:s8+$0xFFFFFF50];
	s22 =	sadd.s32 $0x8300, s31  }
0x315: {  	v2 =	vld [tilespmem:s22+$0x80]  }
0x316: {  	v5 =	vld [tilespmem:s22+$0xFFFFFF00]  }
0x317: {  	v6 =	vld [tilespmem:s22+$0xFFFFFF80]  }
0x318: {  	v12 =	vld [tilespmem:s8+$0xFFFFFF10];
	v0 =	vmul.f32 $8.000000000e+00, v0  }
0x319: {  	v13 =	vld [tilespmem:s8+$0xFFFFFF90]  }
0x31a: {  	v7 =	vld [tilespmem:s22+$0x0];
	v3 =	vmul.f32 $8.000000000e+00, v3;
	v1 =	vmul.f32 $8.000000000e+00, v1;
	v0 =	vadd.f32 v2, v0  }
0x31b: {  	v2 =	vld [tilespmem:s1+$0xFFFFFFE0]  }
0x31c: {  	v3 =	vadd.f32 v5, v3;
	v1 =	vadd.f32 v6, v1;
	v5 =	vld [tilespmem:s1+$0xFFFFFF60];
	[tilespmem:s1+$0xFFFFFFD0] =	vst v0  }
0x31d: {  	v4 =	vmul.f32 $8.000000000e+00, v4;
	v0 =	vld [tilespmem:s22+$0x90]  }
0x31e: {  	v6 =	vld [tilespmem:s1+$0xFFFFFFA0];
	[tilespmem:s1+$0xFFFFFF50] =	vst v1  }
0x31f: {  	[tilespmem:s1+$0xFFFFFF10] =	vst v3;
	v1 =	vadd.f32 v7, v4;
	v4 =	vld [tilespmem:s22+$0xFFFFFF90]  }
0x320: {  	v3 =	vld [tilespmem:s22+$0xFFFFFF10];
	v2 =	vmul.f32 $8.000000000e+00, v2  }
0x321: {  	v17 =	vld [tilespmem:s8+$0xFFFFFF20];
	[tilespmem:s1+$0xFFFFFF90] =	vst v1  }
0x322: {  	v5 =	vmul.f32 $8.000000000e+00, v5;
	v0 =	vadd.f32 v0, v2;
	v2 =	vmul.f32 $8.000000000e+00, v8;
	v8 =	vld [tilespmem:s22+$0x10]  }
0x323: {  	v54 =	vld [tilespmem:s8+$0xFFFFFF60]  }
0x324: {  	v55 =	vld [tilespmem:s8+$0xFFFFFFA0];
	v4 =	vadd.f32 v4, v5  }
0x325: {  	v5 =	vmul.f32 $8.000000000e+00, v6;
	v2 =	vadd.f32 v3, v2;
	v3 =	vld [tilespmem:s1+$0xFFFFFF70]  }
0x326: {  	v56 =	vld [tilespmem:s8+$0xFFFFFF30];
	[tilespmem:s1+$0xFFFFFF60] =	vst v4  }
0x327: {  	v4 =	vadd.f32 v8, v5;
	v5 =	vld [tilespmem:s22+$0xFFFFFFA0]  }
0x328: {  	v57 =	vld [tilespmem:s8+$0xFFFFFFF0];
	s20 =	sadd.s32 $0x200, s22  }
0x329: {  	v14 =	vld [tilespmem:s20+$0xFFFFFF00]  }
0x32a: {  	v16 =	vld [tilespmem:s20+$0x0];
	v3 =	vmul.f32 $8.000000000e+00, v3  }
0x32b: {  	v60 =	vld [tilespmem:s8+$0xFFFFFF70]  }
0x32c: {  	v11 =	vld [tilespmem:s20+$0x80];
	v12 =	vmul.f32 $8.000000000e+00, v12;
	v3 =	vadd.f32 v5, v3  }
0x32d: {  	v15 =	vld [tilespmem:s20+$0xFFFFFF80];
	v13 =	vmul.f32 $8.000000000e+00, v13  }
0x32e: {  	v12 =	vadd.f32 v14, v12;
	[tilespmem:s1+$0xFFFFFF70] =	vst v3;
	v3 =	vld [tilespmem:s8+$0xFFFFFFD0]  }
0x32f: {  	v13 =	vadd.f32 v16, v13;
	v7 =	vld [tilespmem:s1+$0xFFFFFF30]  }
0x330: {  	[tilespmem:s8+$0xFFFFFF10] =	vst v12;
	v1 =	vld [tilespmem:s1+$0xFFFFFFF0]  }
0x331: {  	[tilespmem:s8+$0xFFFFFF90] =	vst v13;
	v12 =	vld [tilespmem:s20+$0xFFFFFF10]  }
0x332: {  	v58 =	vld [tilespmem:s20+$0x10]  }
0x333: {  	v6 =	vld [tilespmem:s1+$0xFFFFFFB0];
	[tilespmem:s1+$0xFFFFFFE0] =	vst v0;
	v3 =	vmul.f32 $8.000000000e+00, v3  }
0x334: {  	v0 =	vld [tilespmem:s22+$0xA0];
	[tilespmem:s1+$0xFFFFFF20] =	vst v2  }
0x335: {  	v2 =	vld [tilespmem:s22+$0xFFFFFF20];
	v3 =	vadd.f32 v11, v3  }
0x336: {  	v11 =	vld [tilespmem:s8+$0xFFFFFFE0]  }
0x337: {  	v1 =	vmul.f32 $8.000000000e+00, v1;
	v8 =	vld [tilespmem:s1+$0xFFFFFF40];
	[tilespmem:s8+$0xFFFFFFD0] =	vst v3  }
0x338: {  	v3 =	vmul.f32 $8.000000000e+00, v10;
	v10 =	vld [tilespmem:s20+$0x90]  }
0x339: {  	[tilespmem:s1+$0xFFFFFFA0] =	vst v4;
	v4 =	vld [tilespmem:s1+$0x0];
	v0 =	vadd.f32 v0, v1;
	v1 =	vmul.f32 $8.000000000e+00, v7  }
0x33a: {  	v7 =	vld [tilespmem:s22+$0x20];
	v3 =	vadd.f32 v15, v3  }
0x33b: {  	v1 =	vadd.f32 v2, v1;
	v2 =	vld [tilespmem:s1+$0xFFFFFF80];
	v11 =	vmul.f32 $8.000000000e+00, v11  }
0x33c: {  	v5 =	vld [tilespmem:s1+$0xFFFFFFC0];
	[tilespmem:s8+$0xFFFFFF50] =	vst v3  }
0x33d: {  	[tilespmem:s1+$0xFFFFFFF0] =	vst v0;
	v3 =	vld [tilespmem:s20+$0xFFFFFF90];
	v10 =	vadd.f32 v10, v11  }
0x33e: {  	v0 =	vld [tilespmem:s22+$0xB0];
	[tilespmem:s1+$0xFFFFFF30] =	vst v1  }
0x33f: {  	v1 =	vld [tilespmem:s22+$0xFFFFFF30];
	v11 =	vmul.f32 $8.000000000e+00, v17;
	[tilespmem:s8+$0xFFFFFFE0] =	vst v10  }
0x340: {  	v10 =	vmul.f32 $8.000000000e+00, v54;
	v59 =	vld [tilespmem:s20+$0xA0]  }
0x341: {  	v9 =	vld [tilespmem:s22+$0xFFFFFFB0];
	v11 =	vadd.f32 v12, v11  }
0x342: {  	v15 =	vmul.f32 $8.000000000e+00, v55;
	v3 =	vadd.f32 v3, v10;
	v10 =	vld [tilespmem:s8+$0xFFFFFFB0]  }
0x343: {  	v13 =	vmul.f32 $8.000000000e+00, v57;
	[tilespmem:s8+$0xFFFFFF20] =	vst v11;
	v11 =	vld [tilespmem:s8+$0xFFFFFF40]  }
0x344: {  	v4 =	vmul.f32 $8.000000000e+00, v4;
	v61 =	vld [tilespmem:s20+$0xFFFFFF20];
	[tilespmem:s8+$0xFFFFFF60] =	vst v3;
	v3 =	vmul.f32 $8.000000000e+00, v6;
	v6 =	vadd.f32 v58, v15  }
0x345: {  	v62 =	vld [tilespmem:s20+$0xFFFFFFA0];
	v13 =	vadd.f32 v59, v13  }
0x346: {  	v0 =	vadd.f32 v0, v4;
	v3 =	vadd.f32 v7, v3;
	v7 =	vmul.f32 $8.000000000e+00, v8;
	[tilespmem:s8+$0xFFFFFFA0] =	vst v6;
	v6 =	vld [tilespmem:s8+$0x0]  }
0x347: {  	v4 =	vmul.f32 $8.000000000e+00, v56;
	v8 =	vld [tilespmem:s20+$0x20];
	[tilespmem:s8+$0xFFFFFFF0] =	vst v13  }
0x348: {  	[tilespmem:s1+$0x0] =	vst v0;
	v0 =	vmul.f32 $8.000000000e+00, v2;
	v1 =	vadd.f32 v1, v7;
	v7 =	vmul.f32 $8.000000000e+00, v60;
	v63 =	vld [tilespmem:s20+$0xB0]  }
0x349: {  	[tilespmem:s1+$0xFFFFFFB0] =	vst v3;
	v4 =	vadd.f32 v61, v4;
	v3 =	vld [tilespmem:s8+$0xFFFFFF80]  }
0x34a: {  	v2 =	vld [tilespmem:s8+$0xFFFFFFC0];
	[tilespmem:s1+$0xFFFFFF40] =	vst v1;
	v1 =	vadd.f32 v62, v7;
	v7 =	vadd.f32 v9, v0;
	v9 =	vmul.f32 $8.000000000e+00, v10  }
0x34b: {  	[tilespmem:s8+$0xFFFFFF30] =	vst v4;
	v4 =	vld [tilespmem:s22+$0x30];
	v10 =	vmul.f32 $8.000000000e+00, v6  }
0x34c: {  	v0 =	vmul.f32 $8.000000000e+00, v5;
	v5 =	vld [tilespmem:s20+$0xFFFFFF30];
	[tilespmem:s8+$0xFFFFFF70] =	vst v1;
	v8 =	vadd.f32 v8, v9  }
0x34d: {  	s11 =	simm.s32 $0x4;
	s14 =	simm.s32 $0x64F0;
	s22 =	smov.u32 s20;
	[tilespmem:s1+$0xFFFFFF80] =	vst v7;
	v1 =	vmul.f32 $8.000000000e+00, v11;
	v6 =	vld [tilespmem:s20+$0xFFFFFFB0];
	v7 =	vadd.f32 v63, v10  }
.LBB2_25:
0x34e: {  	v9 =	vld [tilespmem:s14+$0xFFFFFFD0];
	s11 =	sadd.s32 $0x4, s11;
	v3 =	vmul.f32 $8.000000000e+00, v3;
	[tilespmem:s8+$0xFFFFFFB0] =	vst v8  }
0x34f: {  	s20 =	sadd.s32 $0x200, s20;
	v8 =	vld [tilespmem:s14+$0xFFFFFF50];
	p0 =	slt.u32 s11, $0x3C;
	v2 =	vmul.f32 $8.000000000e+00, v2;
	[tilespmem:s8+$0x0] =	vst v7  }
0x350: {  	v7 =	vld [tilespmem:s20+$0x80];
	v4 =	vadd.f32 v4, v0  }
0x351: {  	v10 =	vld [tilespmem:s14+$0xFFFFFF90];
	v1 =	vadd.f32 v5, v1;
	v0 =	vmov v2  }
0x352: {  	v2 =	vld [tilespmem:s14+$0xFFFFFF10];
	v3 =	vadd.f32 v6, v3;
	[tilespmem:s1+$0xFFFFFFC0] =	vst v4;
	s1 =	smov.u32 s8;
	s8 =	smov.u32 s14  }
0x353: {  	v4 =	vld [tilespmem:s20+$0xFFFFFF00];
	v5 =	vmul.f32 $8.000000000e+00, v9;
	[tilespmem:s1+$0xFFFFFF40] =	vst v1  }
0x354: {  	v1 =	vmul.f32 $8.000000000e+00, v8;
	v6 =	vld [tilespmem:s20+$0xFFFFFF80];
	[tilespmem:s1+$0xFFFFFF80] =	vst v3  }
0x355: {  	v3 =	vld [tilespmem:s20+$0x0];
	v5 =	vadd.f32 v7, v5  }
0x356: {  	v7 =	vmul.f32 $8.000000000e+00, v10;
	v8 =	vld [tilespmem:s14+$0xFFFFFFE0]  }
0x357: {  	v2 =	vmul.f32 $8.000000000e+00, v2;
	v9 =	vld [tilespmem:s14+$0xFFFFFF20];
	[tilespmem:s14+$0xFFFFFFD0] =	vst v5  }
0x358: {  	v5 =	vld [tilespmem:s20+$0x90]  }
0x359: {  	v2 =	vadd.f32 v4, v2;
	v1 =	vadd.f32 v6, v1;
	v4 =	vld [tilespmem:s14+$0xFFFFFF60]  }
0x35a: {  	v3 =	vadd.f32 v3, v7;
	v6 =	vld [tilespmem:s14+$0xFFFFFFA0]  }
0x35b: {  	[tilespmem:s14+$0xFFFFFF10] =	vst v2;
	v2 =	vld [tilespmem:s14+$0xFFFFFF30];
	v7 =	vmul.f32 $8.000000000e+00, v8  }
0x35c: {  	v8 =	vmul.f32 $8.000000000e+00, v9;
	v9 =	vld [tilespmem:s20+$0xFFFFFF10];
	[tilespmem:s14+$0xFFFFFF50] =	vst v1  }
0x35d: {  	v1 =	vld [tilespmem:s20+$0xFFFFFF90];
	[tilespmem:s14+$0xFFFFFF90] =	vst v3;
	v3 =	vadd.f32 v5, v7  }
0x35e: {  	v4 =	vmul.f32 $8.000000000e+00, v4;
	v5 =	vld [tilespmem:s14+$0xFFFFFFF0]  }
0x35f: {  	v6 =	vmul.f32 $8.000000000e+00, v6;
	v7 =	vld [tilespmem:s20+$0x10];
	[tilespmem:s14+$0xFFFFFFE0] =	vst v3  }
0x360: {  	v2 =	vmul.f32 $8.000000000e+00, v2;
	v3 =	vld [tilespmem:s20+$0xA0]  }
0x361: {  	v8 =	vadd.f32 v9, v8;
	v9 =	vld [tilespmem:s14+$0xFFFFFF70]  }
0x362: {  	v1 =	vadd.f32 v1, v4;
	v4 =	vld [tilespmem:s14+$0xFFFFFFB0]  }
0x363: {  	[tilespmem:s14+$0xFFFFFF20] =	vst v8;
	v8 =	vld [tilespmem:s14+$0xFFFFFF40];
	v5 =	vmul.f32 $8.000000000e+00, v5  }
0x364: {  	v10 =	vld [tilespmem:s20+$0xFFFFFF20];
	[tilespmem:s14+$0xFFFFFF60] =	vst v1;
	v1 =	vadd.f32 v7, v6  }
0x365: {  	v6 =	vld [tilespmem:s20+$0xFFFFFFA0];
	v3 =	vadd.f32 v3, v5  }
0x366: {  	v5 =	vmul.f32 $8.000000000e+00, v9;
	[tilespmem:s14+$0xFFFFFFA0] =	vst v1;
	v7 =	vld [tilespmem:s14+$0x0]  }
0x367: {  	v9 =	vmul.f32 $8.000000000e+00, v4;
	v11 =	vld [tilespmem:s20+$0x20];
	[tilespmem:s14+$0xFFFFFFF0] =	vst v3  }
0x368: {  	v1 =	vmul.f32 $8.000000000e+00, v8;
	v12 =	vld [tilespmem:s20+$0xB0]  }
.Ltmp13:
0x369: {  	v4 =	vadd.f32 v10, v2;
	v3 =	vld [tilespmem:s14+$0xFFFFFF80];
	(pc) =	sbr.rel @p0 .LBB2_25-.Ltmp13, $4  }
0x36a: {  	v6 =	vadd.f32 v6, v5;
	v2 =	vld [tilespmem:s14+$0xFFFFFFC0]  }
0x36b: {  	[tilespmem:s14+$0xFFFFFF30] =	vst v4;
	v7 =	vmul.f32 $8.000000000e+00, v7;
	v4 =	vld [tilespmem:s22+$0x30];
	s22 =	smov.u32 s20  }
0x36c: {  	v5 =	vld [tilespmem:s20+$0xFFFFFF30];
	[tilespmem:s14+$0xFFFFFF70] =	vst v6;
	v8 =	vadd.f32 v11, v9  }
0x36d: {  	s14 =	sadd.s32 $0x100, s14;
	v6 =	vld [tilespmem:s20+$0xFFFFFFB0];
	v7 =	vadd.f32 v12, v7  }
0x36e: {  	[tilespmem:s8+$0xFFFFFFB0] =	vst v8  }
0x36f: {  	v8 =	vld [tilespmem:s22+$0x30];
	_ =	sdelay $0x1  }
0x370: {  	v3 =	vmul.f32 $8.000000000e+00, v3;
	v0 =	vadd.f32 v4, v0  }
0x371: {  	v2 =	vmul.f32 $8.000000000e+00, v2;
	[tilespmem:s8+$0x0] =	vst v7;
	v1 =	vadd.f32 v5, v1  }
0x372: {  	v3 =	vadd.f32 v6, v3;
	[tilespmem:s1+$0xFFFFFFC0] =	vst v0  }
0x373: {  	[tilespmem:s8+$0xFFFFFF40] =	vst v1;
	v0 =	vadd.f32 v8, v2  }
0x374: {  	s0 =	sshra.s32 s0, $0x2;
	[tilespmem:s8+$0xFFFFFF80] =	vst v3  }
0x375: {  	s20 =	sadd.s32 $0x8340, s0;
	s0 =	simm.s32 $0x7200;
	[tilespmem:s8+$0xFFFFFFC0] =	vst v0  }
0x376: {  	v0 =	vld [tilespmem:s0+$0xC0]  }
0x377: {  	v1 =	vld [tilespmem:s0+$0x40]  }
0x378: {  	v2 =	vld [tilespmem:s20+$0x80]  }
0x379: {  	v3 =	vld [tilespmem:s0+$0x0]  }
0x37a: {  	v4 =	vld [tilespmem:s0+$0x80]  }
0x37b: {  	v5 =	vld [tilespmem:s20+$0xFFFFFF00]  }
0x37c: {  	v6 =	vld [tilespmem:s20+$0xFFFFFF80]  }
0x37d: {  	v7 =	vld [tilespmem:s20+$0x0]  }
0x37e: {  	s1 =	simm.s32 $0x7300;
	v8 =	vld [tilespmem:s0+$0x10]  }
0x37f: {  	s8 =	sadd.s32 $0x200, s20;
	v10 =	vld [tilespmem:s1+$0x40];
	v0 =	vmul.f32 $8.000000000e+00, v0  }
0x380: {  	v11 =	vld [tilespmem:s8+$0x80]  }
0x381: {  	v12 =	vld [tilespmem:s1+$0x0];
	v3 =	vmul.f32 $8.000000000e+00, v3;
	v1 =	vmul.f32 $8.000000000e+00, v1;
	v0 =	vadd.f32 v2, v0  }
0x382: {  	v2 =	vld [tilespmem:s0+$0xD0]  }
0x383: {  	v3 =	vadd.f32 v5, v3;
	v1 =	vadd.f32 v6, v1;
	v5 =	vld [tilespmem:s0+$0x50];
	[tilespmem:s0+$0xC0] =	vst v0  }
0x384: {  	v4 =	vmul.f32 $8.000000000e+00, v4;
	v0 =	vld [tilespmem:s20+$0x90]  }
0x385: {  	v6 =	vld [tilespmem:s0+$0x90];
	[tilespmem:s0+$0x40] =	vst v1  }
0x386: {  	[tilespmem:s0+$0x0] =	vst v3;
	v1 =	vadd.f32 v7, v4;
	v4 =	vld [tilespmem:s20+$0xFFFFFF90]  }
0x387: {  	v3 =	vld [tilespmem:s20+$0xFFFFFF10];
	v2 =	vmul.f32 $8.000000000e+00, v2  }
0x388: {  	v13 =	vld [tilespmem:s1+$0x80];
	[tilespmem:s0+$0x80] =	vst v1  }
0x389: {  	v5 =	vmul.f32 $8.000000000e+00, v5;
	v0 =	vadd.f32 v0, v2;
	v2 =	vmul.f32 $8.000000000e+00, v8;
	v8 =	vld [tilespmem:s20+$0x10]  }
0x38a: {  	v14 =	vld [tilespmem:s8+$0xFFFFFF00]  }
0x38b: {  	v15 =	vld [tilespmem:s8+$0xFFFFFF80];
	v4 =	vadd.f32 v4, v5  }
0x38c: {  	v5 =	vmul.f32 $8.000000000e+00, v6;
	v2 =	vadd.f32 v3, v2;
	v3 =	vld [tilespmem:s0+$0x60]  }
0x38d: {  	v16 =	vld [tilespmem:s8+$0x0];
	[tilespmem:s0+$0x50] =	vst v4  }
0x38e: {  	v4 =	vadd.f32 v8, v5;
	v5 =	vld [tilespmem:s20+$0xFFFFFFA0]  }
0x38f: {  	v17 =	vld [tilespmem:s1+$0x10]  }
0x390: {  	v54 =	vld [tilespmem:s1+$0x50]  }
0x391: {  	v55 =	vld [tilespmem:s1+$0x90];
	v3 =	vmul.f32 $8.000000000e+00, v3  }
0x392: {  	v56 =	vld [tilespmem:s1+$0x20];
	v12 =	vmul.f32 $8.000000000e+00, v12  }
0x393: {  	v57 =	vld [tilespmem:s1+$0xE0];
	v13 =	vmul.f32 $8.000000000e+00, v13;
	v3 =	vadd.f32 v5, v3  }
0x394: {  	v60 =	vld [tilespmem:s1+$0x60];
	v12 =	vadd.f32 v14, v12  }
0x395: {  	v13 =	vadd.f32 v16, v13;
	[tilespmem:s0+$0x60] =	vst v3;
	v3 =	vld [tilespmem:s1+$0xC0]  }
0x396: {  	v7 =	vld [tilespmem:s0+$0x20];
	[tilespmem:s1+$0x0] =	vst v12  }
0x397: {  	[tilespmem:s1+$0x80] =	vst v13;
	v12 =	vld [tilespmem:s8+$0xFFFFFF10]  }
0x398: {  	v58 =	vld [tilespmem:s8+$0x10]  }
0x399: {  	v1 =	vld [tilespmem:s0+$0xE0]  }
0x39a: {  	v6 =	vld [tilespmem:s0+$0xA0];
	[tilespmem:s0+$0xD0] =	vst v0;
	v3 =	vmul.f32 $8.000000000e+00, v3  }
0x39b: {  	v0 =	vld [tilespmem:s20+$0xA0];
	[tilespmem:s0+$0x10] =	vst v2  }
0x39c: {  	v2 =	vld [tilespmem:s20+$0xFFFFFF20];
	v3 =	vadd.f32 v11, v3  }
0x39d: {  	v11 =	vld [tilespmem:s1+$0xD0]  }
0x39e: {  	v1 =	vmul.f32 $8.000000000e+00, v1;
	v8 =	vld [tilespmem:s0+$0x30];
	[tilespmem:s1+$0xC0] =	vst v3  }
0x39f: {  	v3 =	vmul.f32 $8.000000000e+00, v10;
	v10 =	vld [tilespmem:s8+$0x90]  }
0x3a0: {  	[tilespmem:s0+$0x90] =	vst v4;
	v4 =	vld [tilespmem:s0+$0xF0];
	v0 =	vadd.f32 v0, v1;
	v1 =	vmul.f32 $8.000000000e+00, v7  }
0x3a1: {  	v7 =	vld [tilespmem:s20+$0x20];
	v3 =	vadd.f32 v15, v3  }
0x3a2: {  	v1 =	vadd.f32 v2, v1;
	v2 =	vld [tilespmem:s0+$0x70];
	v11 =	vmul.f32 $8.000000000e+00, v11  }
0x3a3: {  	v5 =	vld [tilespmem:s0+$0xB0];
	[tilespmem:s1+$0x40] =	vst v3  }
0x3a4: {  	[tilespmem:s0+$0xE0] =	vst v0;
	v3 =	vld [tilespmem:s8+$0xFFFFFF90];
	v10 =	vadd.f32 v10, v11  }
0x3a5: {  	v0 =	vld [tilespmem:s20+$0xB0];
	[tilespmem:s0+$0x20] =	vst v1  }
0x3a6: {  	v1 =	vld [tilespmem:s20+$0xFFFFFF30];
	v11 =	vmul.f32 $8.000000000e+00, v17;
	[tilespmem:s1+$0xD0] =	vst v10  }
0x3a7: {  	v10 =	vmul.f32 $8.000000000e+00, v54;
	v59 =	vld [tilespmem:s8+$0xA0]  }
0x3a8: {  	v9 =	vld [tilespmem:s20+$0xFFFFFFB0];
	v11 =	vadd.f32 v12, v11  }
0x3a9: {  	v15 =	vmul.f32 $8.000000000e+00, v55;
	v3 =	vadd.f32 v3, v10;
	v10 =	vld [tilespmem:s1+$0xA0]  }
0x3aa: {  	v13 =	vmul.f32 $8.000000000e+00, v57;
	[tilespmem:s1+$0x10] =	vst v11;
	v11 =	vld [tilespmem:s1+$0x30]  }
0x3ab: {  	v4 =	vmul.f32 $8.000000000e+00, v4;
	v61 =	vld [tilespmem:s8+$0xFFFFFF20];
	[tilespmem:s1+$0x50] =	vst v3;
	v3 =	vmul.f32 $8.000000000e+00, v6;
	v6 =	vadd.f32 v58, v15  }
0x3ac: {  	v62 =	vld [tilespmem:s8+$0xFFFFFFA0];
	v13 =	vadd.f32 v59, v13  }
0x3ad: {  	v0 =	vadd.f32 v0, v4;
	v3 =	vadd.f32 v7, v3;
	v7 =	vmul.f32 $8.000000000e+00, v8;
	[tilespmem:s1+$0x90] =	vst v6;
	v6 =	vld [tilespmem:s1+$0xF0]  }
0x3ae: {  	v4 =	vmul.f32 $8.000000000e+00, v56;
	v8 =	vld [tilespmem:s8+$0x20];
	[tilespmem:s1+$0xE0] =	vst v13  }
0x3af: {  	[tilespmem:s0+$0xF0] =	vst v0;
	v0 =	vmul.f32 $8.000000000e+00, v2;
	v1 =	vadd.f32 v1, v7;
	v7 =	vmul.f32 $8.000000000e+00, v60;
	v63 =	vld [tilespmem:s8+$0xB0]  }
0x3b0: {  	[tilespmem:s0+$0xA0] =	vst v3;
	v4 =	vadd.f32 v61, v4;
	v3 =	vld [tilespmem:s1+$0x70]  }
0x3b1: {  	v2 =	vld [tilespmem:s1+$0xB0];
	[tilespmem:s0+$0x30] =	vst v1;
	v1 =	vadd.f32 v62, v7;
	v7 =	vadd.f32 v9, v0;
	v9 =	vmul.f32 $8.000000000e+00, v10  }
0x3b2: {  	[tilespmem:s1+$0x20] =	vst v4;
	v4 =	vld [tilespmem:s20+$0x30];
	v10 =	vmul.f32 $8.000000000e+00, v6  }
0x3b3: {  	v0 =	vmul.f32 $8.000000000e+00, v5;
	v5 =	vld [tilespmem:s8+$0xFFFFFF30];
	[tilespmem:s1+$0x60] =	vst v1;
	v8 =	vadd.f32 v8, v9  }
0x3b4: {  	s11 =	simm.s32 $0x44;
	s14 =	simm.s32 $0x7400;
	s20 =	smov.u32 s8;
	[tilespmem:s0+$0x70] =	vst v7;
	v1 =	vmul.f32 $8.000000000e+00, v11;
	v6 =	vld [tilespmem:s8+$0xFFFFFFB0];
	v7 =	vadd.f32 v63, v10  }
.LBB2_27:
0x3b5: {  	v9 =	vld [tilespmem:s14+$0xC0];
	s11 =	sadd.s32 $0x4, s11;
	v3 =	vmul.f32 $8.000000000e+00, v3;
	[tilespmem:s1+$0xA0] =	vst v8  }
0x3b6: {  	s8 =	sadd.s32 $0x200, s8;
	v8 =	vld [tilespmem:s14+$0x40];
	p0 =	slt.u32 s11, $0x7C;
	v2 =	vmul.f32 $8.000000000e+00, v2;
	[tilespmem:s1+$0xF0] =	vst v7  }
0x3b7: {  	v7 =	vld [tilespmem:s8+$0x80];
	v4 =	vadd.f32 v4, v0  }
0x3b8: {  	v10 =	vld [tilespmem:s14+$0x80];
	v1 =	vadd.f32 v5, v1;
	v0 =	vmov v2  }
0x3b9: {  	v2 =	vld [tilespmem:s14+$0x0];
	v3 =	vadd.f32 v6, v3;
	[tilespmem:s0+$0xB0] =	vst v4;
	s0 =	smov.u32 s1;
	s1 =	smov.u32 s14  }
0x3ba: {  	v4 =	vld [tilespmem:s8+$0xFFFFFF00];
	v5 =	vmul.f32 $8.000000000e+00, v9;
	[tilespmem:s0+$0x30] =	vst v1  }
0x3bb: {  	v1 =	vmul.f32 $8.000000000e+00, v8;
	v6 =	vld [tilespmem:s8+$0xFFFFFF80];
	[tilespmem:s0+$0x70] =	vst v3  }
0x3bc: {  	v3 =	vld [tilespmem:s8+$0x0];
	v5 =	vadd.f32 v7, v5  }
0x3bd: {  	v7 =	vmul.f32 $8.000000000e+00, v10;
	v8 =	vld [tilespmem:s14+$0xD0]  }
0x3be: {  	v2 =	vmul.f32 $8.000000000e+00, v2;
	v9 =	vld [tilespmem:s14+$0x10];
	[tilespmem:s14+$0xC0] =	vst v5  }
0x3bf: {  	v5 =	vld [tilespmem:s8+$0x90]  }
0x3c0: {  	v2 =	vadd.f32 v4, v2;
	v1 =	vadd.f32 v6, v1;
	v4 =	vld [tilespmem:s14+$0x50]  }
0x3c1: {  	v3 =	vadd.f32 v3, v7;
	v6 =	vld [tilespmem:s14+$0x90]  }
0x3c2: {  	[tilespmem:s14+$0x0] =	vst v2;
	v2 =	vld [tilespmem:s14+$0x20];
	v7 =	vmul.f32 $8.000000000e+00, v8  }
0x3c3: {  	v8 =	vmul.f32 $8.000000000e+00, v9;
	v9 =	vld [tilespmem:s8+$0xFFFFFF10];
	[tilespmem:s14+$0x40] =	vst v1  }
0x3c4: {  	v1 =	vld [tilespmem:s8+$0xFFFFFF90];
	[tilespmem:s14+$0x80] =	vst v3;
	v3 =	vadd.f32 v5, v7  }
0x3c5: {  	v4 =	vmul.f32 $8.000000000e+00, v4;
	v5 =	vld [tilespmem:s14+$0xE0]  }
0x3c6: {  	v6 =	vmul.f32 $8.000000000e+00, v6;
	v7 =	vld [tilespmem:s8+$0x10];
	[tilespmem:s14+$0xD0] =	vst v3  }
0x3c7: {  	v2 =	vmul.f32 $8.000000000e+00, v2;
	v3 =	vld [tilespmem:s8+$0xA0]  }
0x3c8: {  	v8 =	vadd.f32 v9, v8;
	v9 =	vld [tilespmem:s14+$0x60]  }
0x3c9: {  	v1 =	vadd.f32 v1, v4;
	v4 =	vld [tilespmem:s14+$0xA0]  }
0x3ca: {  	[tilespmem:s14+$0x10] =	vst v8;
	v8 =	vld [tilespmem:s14+$0x30];
	v5 =	vmul.f32 $8.000000000e+00, v5  }
0x3cb: {  	v10 =	vld [tilespmem:s8+$0xFFFFFF20];
	[tilespmem:s14+$0x50] =	vst v1;
	v1 =	vadd.f32 v7, v6  }
0x3cc: {  	v6 =	vld [tilespmem:s8+$0xFFFFFFA0];
	v3 =	vadd.f32 v3, v5  }
0x3cd: {  	v5 =	vmul.f32 $8.000000000e+00, v9;
	[tilespmem:s14+$0x90] =	vst v1;
	v7 =	vld [tilespmem:s14+$0xF0]  }
0x3ce: {  	v9 =	vmul.f32 $8.000000000e+00, v4;
	v11 =	vld [tilespmem:s8+$0x20];
	[tilespmem:s14+$0xE0] =	vst v3  }
0x3cf: {  	v1 =	vmul.f32 $8.000000000e+00, v8;
	v12 =	vld [tilespmem:s8+$0xB0]  }
.Ltmp14:
0x3d0: {  	v4 =	vadd.f32 v10, v2;
	v3 =	vld [tilespmem:s14+$0x70];
	(pc) =	sbr.rel @p0 .LBB2_27-.Ltmp14, $4  }
0x3d1: {  	v6 =	vadd.f32 v6, v5;
	v2 =	vld [tilespmem:s14+$0xB0]  }
0x3d2: {  	[tilespmem:s14+$0x20] =	vst v4;
	v7 =	vmul.f32 $8.000000000e+00, v7;
	v4 =	vld [tilespmem:s20+$0x30];
	s20 =	smov.u32 s8  }
0x3d3: {  	v5 =	vld [tilespmem:s8+$0xFFFFFF30];
	[tilespmem:s14+$0x60] =	vst v6;
	v8 =	vadd.f32 v11, v9  }
0x3d4: {  	s14 =	sadd.s32 $0x100, s14;
	v6 =	vld [tilespmem:s8+$0xFFFFFFB0];
	v7 =	vadd.f32 v12, v7  }
0x3d5: {  	[tilespmem:s1+$0xA0] =	vst v8  }
0x3d6: {  	v8 =	vld [tilespmem:s20+$0x30];
	_ =	sdelay $0x1  }
0x3d7: {  	v3 =	vmul.f32 $8.000000000e+00, v3;
	v0 =	vadd.f32 v4, v0  }
0x3d8: {  	s24 =	sshll.u32 s3, $0xD;
	v2 =	vmul.f32 $8.000000000e+00, v2;
	[tilespmem:s1+$0xF0] =	vst v7;
	v1 =	vadd.f32 v5, v1  }
0x3d9: {  	s30 =	simm.s32 $0x6200;
	s31 =	simm.s32 $0x7200;
	s18 =	sadd.s32 $0x1, s18;
	v3 =	vadd.f32 v6, v3;
	[tilespmem:s0+$0xB0] =	vst v0  }
0x3da: {  	s6 =	sadd.s32 $0x200, s6;
	p0 =	sne.s32 s18, $0x32;
	s0 =	sadd.s32 s12, s24;
	[tilespmem:s1+$0x30] =	vst v1;
	v63 =	vadd.f32 v8, v2  }
.Ltmp15:
0x3db: {  	s17 =	sadd.s32 $0x8000, s17;
	s0 =	sshrl.u32 s0, $0x3;
	[tilespmem:s1+$0x70] =	vst v3;
	(pc) =	sbr.rel @p0 .LBB2_2-.Ltmp15, $4  }
.Ltmp16:
0x3dc: {  	s9 =	sadd.s32 $0x8000, s9;
	s25 =	sadd.s32 s2, s0;
	[tilespmem:s1+$0xB0] =	vst v63;
	(pc) =	sbr.rel @!p0 .LBB2_29-.Ltmp16, $4  }
0x3dd: {  	[hbm4b:s25+s28] =	stream.strided.scatter [tilespmem:s30], [sflag:$0x3], $0x1000, s29, s28, $0x38;
	[tilespmem:$0xD400] =	vst v63  }
0x3de: {  	s10 =	sadd.s32 $0x200, s10;
	s7 =	sadd.s32 $0x8000, s7;
	s0 =	sadd.s32 s0, s13  }
0x3df: {  	[hbm4b:s0+s28] =	stream.strided.scatter [tilespmem:s31], [sflag:$0x3], $0x1000, s29, s28, $0x38;
	[tilespmem:$0xD400] =	vst v63  }
0x3e0: {  	_ = 	snop  }
.LBB2_11:
.Ltmp17:
0x3e1: {  	(pc) =	sbr.rel .LBB2_16-.Ltmp17, $2  }
0x3e2: {  	_ =	sdelay $0x2  }
0x3e3: {  	s22 =	simm.s32 $0x32F0  }
.LBB2_19:
.Ltmp18:
0x3e4: {  	(pc) =	sbr.rel .LBB2_24-.Ltmp18, $2  }
0x3e5: {  	_ =	sdelay $0x2  }
0x3e6: {  	s20 =	simm.s32 $0x5200  }
.LBB2_13:
.Ltmp19:
0x3e7: {  	(pc) =	sbr.rel .LBB2_16-.Ltmp19, $2  }
0x3e8: {  	_ =	sdelay $0x2  }
0x3e9: {  	s25 =	smov.u32 s23  }
.LBB2_21:
.Ltmp20:
0x3ea: {  	(pc) =	sbr.rel .LBB2_24-.Ltmp20, $2  }
0x3eb: {  	_ =	sdelay $0x2  }
0x3ec: {  	s24 =	smov.u32 s22  }
.LBB2_30:
0x3ed: {  	_ =	sfence.sel $0x180000  }
0x3ee: {  	[bflag:$0x0] =	sbarrier.arrive $0xFFFF  }
0x3ef: {  	_ =	strace $0x90000047  }
0x3f0: {  	s0 =	stileid.u32;
	[bflag:$0x2] =	sbarrier.arrive $0xFFFF  }
0x3f1: {  	p0 =	sne.s32 s0, $0x0;
	s0 =	rddreg [dreg:$0x2]  }
0x3f2: {  	s0 =	sadd.s32 @!p0 $0x100000, s0  }
0x3f3: {  	[sflag:s0] =	ssyncadd.tile.s32 @!p0 $0x1;
	_ =	shalt  }
.Lfunc_end2:
_tile_overlayer_lowered:
.L_overlay_start_2:
0x3f4: {  	(tag) =	ssettag $0x2  }
0x3f5: {  	s0 =	rddreg [dreg:$0x0];
	s2 =	stileid.u32  }
0x3f6: {  	s1 =	rddreg [dreg:$0x1];
	p0 =	sne.s32 s2, $0x0  }
0x3f7: {  	s3 =	rddreg [dreg:$0x2];
	[bflag:$0x3] =	sbarrier.arrive $0xFFFF;
	s2 =	simm.s32 @!p0 $0x1C04  }
0x3f8: {  	[timem:s3], [sflag:s2] =	dma.local @!p0 [hbm:s0], s1  }
0x3f9: {  	s0 =	simm.s32 @!p0 $0x4  }
0x3fa: {  	_ =	swait.ge @!p0 [sflag:s0], s1  }
0x3fb: {  	s1 =	ssub.s32 @!p0 $0x0, s1;
	[sflag:s0] =	ssyncset.done @!p0 $0x0  }
0x3fc: {  	[sflag:s0] =	ssyncadd.s32 @!p0 s1  }
0x3fd: {  	[bflag:$0x3] =	sbarrier.arrive $0xFFFF  }
0x3fe: {  	_ =	shalt  }

// kernel: sparse-core-data-format-call.cloned.1.call-start
scs
called_computation_lowered:
.L_overlay_start_0:
0x0: {  	s2 =	sld [smem:$0x3FD9]  }
0x1: {  	s3 =	sld [smem:$0x3FFE];
	_ =	sdelay $0x1  }
0x2: {  	s1 =	srdreg.scid  }
0x3: {  	s0 =	sand.u32 $0x1, s1  }
0x4: {  	s18 =	sshll.u32 s0, $0xA;
	s2 =	sadd.s32 s3, s2  }
0x5: {  	s2 =	sadd.s32 s2, s18  }
0x6: {  	[smem:$0x3FC5] =	sst s2  }
0x7: {  	_ = 	snop  }
0x8: {  	s2 =	sld [smem:$0x3FD0];
	(tm) =	ssettm $0x1  }
0x9: {  	s19 =	sld [smem:$0x3FFB];
	_ =	sdelay $0x3  }
0xa: {  	_ =	strace s19  }
0xb: {  	s3 =	sld [smem:$0x3FFC];
	_ =	sdelay $0x3  }
0xc: {  	_ =	strace s3  }
0xd: {  	s3 =	sld [smem:$0x3FFD];
	_ =	sdelay $0x3  }
0xe: {  	_ =	strace s3  }
0xf: {  	_ =	strace $0x8FFFFFFF  }
0x10: {  	s20 =	sld [smem:$0x3FDB];
	_ =	sdelay $0x1  }
0x11: {  	s4 =	simm.s32 $_scs_section_size  }
0x12: {  	s5 =	simm.s32 $_size__tile_overlayer_lowered;
	s6 =	simm.s32 $_tile_overlayer_lowered  }
0x13: {  	s23 =	simm.s32 $0x1BFF;
	s22 =	sshll.u32 s6, $0x1;
	s3 =	sadd.s32 s4, s20  }
0x14: {  	s7 =	simm.s32 $0x0;
	s21 =	sshll.u32 s5, $0x1;
	s5 =	sadd.s32 s22, s3  }
0x15: {  	[timem:s7], [sflag:s23] =	dma.local [hbm:s5], s21  }
0x16: {  	_ =	swait.ge [sflag:s23], s21  }
0x17: {  	s4 =	ssub.s32 $0x0, s21;
	[sflag:s23] =	ssyncset.done $0x0  }
0x18: {  	[sflag:s23] =	ssyncadd.s32 s4;
	_ =	sdelay $0x1  }
0x19: {  	s24 =	simm.s32 $0x1B8B  }
0x1a: {  	_ =	swait.ge [sflag:s24], $0x1  }
0x1b: {  	[sflag:s24] =	ssyncset.done $0x0  }
0x1c: {  	s26 =	simm.s32 $0x1B8E;
	s25 =	sld [smem:$0x3FFE];
	[sflag:s24] =	ssyncadd.s32 $0xFFFFFFFF  }
0x1d: {  	s27 =	simm.s32 $execute0_lowered;
	[smem:$0x3FD2] =	sst s26  }
0x1e: {  	s5 =	sshll.u32 s27, $0x1;
	_ =	strace $0x80000049;
	[dreg:$0x1] =	wrdreg $0xFFFFFFFF  }
0x1f: {  	s28 =	simm.s32 $_size_execute0_lowered;
	s3 =	sadd.s32 s3, s5;
	[dreg:$0x0] =	wrdreg $0x0  }
0x20: {  	s5 =	sshll.u32 s28, $0x1;
	[dreg:$0x2] =	wrdreg s3  }
0x21: {  	[dreg:$0x3] =	wrdreg s5  }
0x22: {  	[dreg:$0x4] =	wrdreg $0xC0  }
0x23: {  	_ =	task [dreg:s7], $0x5FFFF  }
0x24: {  	[dreg:$0x1] =	wrdreg $0xFFFFFFFF  }
0x25: {  	[dreg:$0x0] =	wrdreg $0x60  }
0x26: {  	[dreg:$0x2] =	wrdreg s25  }
0x27: {  	[dreg:$0x3] =	wrdreg s2  }
0x28: {  	[dreg:$0x4] =	wrdreg $0x9  }
0x29: {  	_ =	task.clear_ibuf [dreg:s7], $0x5FFFF;
	_ =	strace $0x90000049  }
0x2a: {  	s29 =	simm.s32 $0x9;
	_ =	strace $0x8000004B  }
0x2b: {  	_ =	swait.ge [sflag:s29], $0x1  }
0x2c: {  	[sflag:s29] =	ssyncadd.s32 $0xFFFFFFFF  }
0x2d: {  	_ =	strace $0x9000004B  }
0x2e: {  	_ =	sfence  }
0x2f: {  	s30 =	sld [smem:$0x0];
	_ =	sdelay $0x2  }
0x30: {  	s31 =	sshll.u32 s1, $0xD;
	s1 =	sshrl.u32 s1, $0x2  }
0x31: {  	s3 =	sand.u32 $0x4000, s31;
	s1 =	sadd.s32 s1, s30  }
0x32: {  	s0 =	sor.u32 s3, s0;
	s1 =	sshll.u32 s1, $0x11  }
0x33: {  	s0 =	sor.u32 s1, s0  }
0x34: {  	s0 =	sadd.s32 $0x8F2B, s0  }
0x35: {  	[sflag:s0] =	ssyncadd.remote.s32 $0x1  }
0x36: {  	_ =	sfence.sel $0xFFFF  }
0x37: {  	[dreg:$0x0] =	wrdreg $0xFFFFFFFF;
	(pc) =	sbr.abs _section_cstart, $3  }
0x38: {  	[dreg:$0x1] =	wrdreg $0xFFFFFFFF  }
0x39: {  	_ =	task.clear_ibuf [dreg:s7], $0x2FFFF;
	_ =	strace $0x9FFFFFFF  }
0x3a: {  	(tm) =	ssettm $0x7FFFFFFF  }
0x3b: {  	_ =	shalt  }
tec
execute0_lowered:
.L_overlay_start_1:
0x0: {  	(tag) =	ssettag $0x1  }
0x1: {  	s0 =	srdreg.scid  }
0x2: {  	s1 =	sshll.u32 s0, $0x4  }
0x3: {  	s0 =	stileid.u32;
	s1 =	sand.u32 $0x10, s1  }
0x4: {  	s1 =	sor.u32 s0, s1  }
0x5: {  	s6 =	rddreg [dreg:$0x0];
	s4 =	simm.s32 $0x1;
	s2 =	sshll.u32 s1, $0x7  }
0x6: {  	s7 =	simm.s32 $0x2;
	s12 =	simm.s32 $0x0;
	s1 =	ssub.s32 $0x1000, s2  }
0x7: {  	s8 =	simm.s32 $0x8000;
	s13 =	simm.s32 $0x0;
	s3 =	sand.u32 $0xF80, s1  }
0x8: {  	s9 =	simm.s32 $0x0;
	s5 =	sshrl.u32 s1, $0xC;
	p0 =	sne.s32 s3, $0x0  }
.Ltmp0:
0x9: {  	s1 =	rddreg [dreg:$0x2];
	s4 =	simm.s32 @!p0 $0x0;
	(pc) =	sbr.rel .LBB1_1-.Ltmp0, $4  }
0xa: {  	s11 =	simm.s32 $0x0;
	s3 =	rddreg [dreg:$0x1];
	s5 =	sadd.s32 s4, s5  }
0xb: {  	_ =	strace $0x8000004A;
	s4 =	simm.s32 $0x1;
	s5 =	smul.u32 $0xC8, s5  }
0xc: {  	s6 =	sadd.s32 $0xE00, s6;
	s10 =	smov.u32 s2;
	[sflag:s4] =	ssyncpa.u1 $0x0  }
0xd: {  	p0 =	por $0x0, $0x0;
	[sflag:s7] =	ssyncpa.u1 $0x0;
	s7 =	sor.u32 $0x1, s5  }
.LBB1_4:
0xe: {  	s16 =	sshll.u32 s13, $0x3;
	s17 =	sand.u32 $0x78, s13  }
0xf: {  	s30 =	sand.u32 $0x7E00, s13;
	s12 =	sshll.u32 s12, $0xF;
	s16 =	sand.u32 $0xC00, s16  }
0x10: {  	[tilespmem:s15+$0x810 ss:$0x81] =	vst.msk $0xffff, v2;
	s31 =	sand.u32 $0x7, s13;
	s16 =	sor.u32 s17, s16;
	s17 =	sadd.s32 s3, s30  }
0x11: {  	[tilespmem:s15+$0x1020 ss:$0x81] =	vst.msk $0xffff, v0;
	s13 =	sshll.u32 s31, $0x12;
	s12 =	sadd.s32 s12, s17;
	s16 =	sshrl.u32 s16, $0x3  }
0x12: {  	[tilespmem:s15+$0x0 ss:$0x81] =	vst.msk $0xffff, v1;
	s13 =	sor.u32 $0x400, s13;
	s12 =	sadd.s32 s16, s12  }
0x13: {  	[hbm4b:s12+s13] =	stream.strided.scatter [tilespmem:s14], [sflag:$0x2], $0x2000, s8, s13, $0x20;
	[tilespmem:$0x8080] =	vst v63  }
.LBB1_5:
0x14: {  	s14 =	sadd.s32 $0x1, s9  }
0x15: {  	s12 =	sadd.s32 $0x1000, s10;
	s16 =	smov.u32 s10;
	p2 =	sgt.s32 s14, $0xC7  }
0x16: {  	s16 =	smov.u32 @p2 s12  }
0x17: {  	s14 =	simm.s32 @p2 $0x0;
	p2 =	sgt.s32 s16, $0xFFF  }
0x18: {  	s16 =	smov.u32 @p2 s2;
	p2 =	sne.s32 s11, s7  }
.Ltmp1:
0x19: {  	p1 =	slt.u32 s11, $0x2;
	(pc) =	sbr.rel @!p2 .LBB1_6-.Ltmp1, $4  }
0x1a: {  	s15 =	simm.s32 @!p1 $0x2  }
0x1b: {  	s13 =	smov.u32 s10;
	p0 =	por !p0, !p0;
	_ =	swait.ge @!p1 [sflag:s15], $0x2000  }
0x1c: {  	s12 =	smov.u32 s9;
	[sflag:s15] =	ssyncset.done @!p1 $0x0;
	s9 =	smov.u32 s14  }
0x1d: {  	s11 =	sadd.s32 $0x1, s11;
	[sflag:s15] =	ssyncadd.s32 @!p1 $0xFFFFE000;
	s10 =	smov.u32 s16  }
.LBB1_1:
0x1e: {  	p1 =	sge.u32 s11, s5  }
0x1f: {  	s14 =	sand.u32 @!p1 $0x1FFFFFF, s9  }
0x20: {  	s15 =	smulhi.u32 @!p1 $0x147AE15, s14;
	_ =	sdelay $0x1  }
0x21: {  	s15 =	smul.u32 @!p1 $0xC8, s15  }
0x22: {  	s16 =	sxor.u32 @!p1 $0xFFFFFFFF, s11;
	s17 =	smul.u32 @!p1 $0xC80, s10  }
0x23: {  	s31 =	sadd.s32 $0xFFFFFFFF, s11;
	s16 =	sshll.u32 @!p1 s16, $0xD;
	s14 =	ssub.s32 @!p1 s14, s15  }
0x24: {  	s15 =	sand.u32 @!p1 $0x2000, s16;
	s16 =	sadd.s32 @!p1 s6, s17;
	s14 =	sshll.u32 @!p1 s14, $0x4  }
0x25: {  	s17 =	simm.s32 @!p1 $0x6400;
	s14 =	sadd.s32 @!p1 s14, s16;
	s16 =	simm.s32 @!p1 $0x40  }
0x26: {  	[tilespmem:s15], [sflag:$0x1] =	stream.strided.gather @!p1 [hbm4b:s14+s16], $0x2000, s17, s16, $0x38;
	[tilespmem:$0x8080] =	vst v63  }
0x27: {  	p1 =	sge.u32 s31, s5  }
.Ltmp2:
0x28: {  	_ = 	snop;
	(pc) =	sbr.rel @p1 .LBB1_5-.Ltmp2, $1  }
0x29: {  	_ =	sdelay $0x3  }
0x2a: {  	s14 =	simm.s32 $0x1  }
0x2b: {  	_ =	swait.ge [sflag:s4], $0x2000;
	s14 =	simm.s32 @!p0 $0x0  }
0x2c: {  	[sflag:s4] =	ssyncset.done $0x0;
	s15 =	sshll.u32 s14, $0xD  }
0x2d: {  	[sflag:s4] =	ssyncadd.s32 $0xFFFFE000;
	s18 =	sor.u32 $0x20, s15  }
0x2e: {  	s14 =	smul.u32 $0x8100, s14;
	v3 =	vld [tilespmem:s18+$0x10]  }
0x2f: {  	s30 =	sand.u32 $0x1, s11;
	v2 =	vld [tilespmem:s18+$0xFFFFFFF0]  }
0x30: {  	s15 =	smul.u32 $0x8100, s30;
	s14 =	sshrl.u32 s14, $0x2;
	v0 =	vld [tilespmem:s18+$0x0]  }
0x31: {  	v1 =	vld [tilespmem:s18+$0xFFFFFFE0];
	s16 =	sor.u32 $0x4000, s14  }
0x32: {  	s31 =	sshrl.u32 s15, $0x2;
	s15 =	sadd.s32 $0x0, s16  }
0x33: {  	s17 =	simm.s32 $0x4;
	s18 =	sadd.s32 $0x40, s18;
	s14 =	sor.u32 $0x4000, s31;
	[tilespmem:s15+$0x1830 ss:$0x81] =	vst.msk $0xffff, v3  }
.LBB1_3:
0x34: {  	v3 =	vld [tilespmem:s18+$0x10];
	p1 =	sne.s32 s17, $0x1FC;
	[tilespmem:s15+$0x810 ss:$0x81] =	vst.msk $0xffff, v2;
	s19 =	smov.u32 s17;
	s17 =	sadd.s32 $0x4, s17  }
.Ltmp3:
0x35: {  	v2 =	vld [tilespmem:s18+$0xFFFFFFF0];
	[tilespmem:s15+$0x1020 ss:$0x81] =	vst.msk $0xffff, v0;
	(pc) =	sbr.rel @p1 .LBB1_3-.Ltmp3, $4  }
0x36: {  	v0 =	vld [tilespmem:s18+$0x0];
	[tilespmem:s15+$0x0 ss:$0x81] =	vst.msk $0xffff, v1  }
0x37: {  	s15 =	sshra.s32 s19, $0x2;
	v1 =	vld [tilespmem:s18+$0xFFFFFFE0]  }
0x38: {  	s15 =	sadd.s32 s15, s16  }
0x39: {  	s18 =	sadd.s32 $0x40, s18;
	[tilespmem:s15+$0x1830 ss:$0x81] =	vst.msk $0xffff, v3  }
.Ltmp4:
0x3a: {  	_ = 	snop;
	(pc) =	sbr.rel .LBB1_4-.Ltmp4, $1  }
0x3b: {  	_ =	sdelay $0x3  }
.LBB1_6:
0x3c: {  	_ =	sfence.sel $0x180000  }
0x3d: {  	s2 =	simm.s32 $0x1;
	[bflag:$0x0] =	sbarrier.arrive $0xFFFF  }
0x3e: {  	s31 =	simm.s32 $0x2;
	[sflag:s2] =	ssyncpa.u1 $0x1  }
0x3f: {  	[sflag:s31] =	ssyncpa.u1 $0x1  }
0x40: {  	p0 =	sne.s32 s0, $0x0;
	_ =	strace $0x9000004A  }
0x41: {  	s0 =	sadd.s32 @!p0 $0x100000, s1;
	[bflag:$0x2] =	sbarrier.arrive $0xFFFF  }
0x42: {  	[sflag:s0] =	ssyncadd.tile.s32 @!p0 $0x1;
	_ =	shalt  }
.Lfunc_end1:
_tile_overlayer_lowered:
.L_overlay_start_2:
0x43: {  	(tag) =	ssettag $0x2  }
0x44: {  	s0 =	rddreg [dreg:$0x0];
	s2 =	stileid.u32  }
0x45: {  	s1 =	rddreg [dreg:$0x1];
	p0 =	sne.s32 s2, $0x0  }
0x46: {  	s3 =	rddreg [dreg:$0x2];
	[bflag:$0x3] =	sbarrier.arrive $0xFFFF;
	s2 =	simm.s32 @!p0 $0x1C01  }
0x47: {  	[timem:s3], [sflag:s2] =	dma.local @!p0 [hbm:s0], s1  }
0x48: {  	s0 =	simm.s32 @!p0 $0x1  }
0x49: {  	_ =	swait.ge @!p0 [sflag:s0], s1  }
0x4a: {  	s1 =	ssub.s32 @!p0 $0x0, s1;
	[sflag:s0] =	ssyncset.done @!p0 $0x0  }
0x4b: {  	[sflag:s0] =	ssyncadd.s32 @!p0 s1  }
0x4c: {  	[bflag:$0x3] =	sbarrier.arrive $0xFFFF  }
0x4d: {  	_ =	shalt  }

</sc_bundles>
